<compile_context>
chip_gen: v7x
topology: tpu7x:2x2x1
jax: 0.10.2.dev20260603
libtpu: 0.0.44.dev20260713+nightly
codegen_flags: <defaults>
</compile_context>

<pallas_src>
import jax
import jax.numpy as jnp
from jax import lax
from jax.experimental import pallas as pl
from jax.experimental.pallas import tpu as pltpu
from jax.experimental.pallas import tpu_sc as plsc

D = 256
DE = 16
DH = 128
NC = 2
NS = 16
K = 80


def _emb_kernel(ea_ref, we_ref, be_ref, out_ref):
    emb = (
        jnp.dot(ea_ref[...], we_ref[...], preferred_element_type=jnp.float32)
        + be_ref[...]
    )
    out_ref[0] = emb[:, :DH]
    out_ref[1] = emb[:, DH:]


def _mlp_kernel(x_ref, agg_ref, w1_ref, b1_ref, w2_ref, b2_ref, eps_ref, out_ref):
    agg = jnp.concatenate([agg_ref[0], agg_ref[1]], axis=-1)
    h = (1.0 + eps_ref[0]) * x_ref[...] + agg
    h1 = jnp.maximum(
        jnp.dot(h, w1_ref[...], preferred_element_type=jnp.float32) + b1_ref[...], 0.0
    )
    out_ref[...] = (
        jnp.dot(h1, w2_ref[...], preferred_element_type=jnp.float32) + b2_ref[...]
    )


def _sc_body(x2, srcs, dsts, emb2, out, src_v0, src_v1, dst_v0, dst_v1,
             xr0, xr1, em0, em1, agg_sh,
             sin0, sin1, sgat0, sgat1):
    E = srcs.shape[0]
    N = x2.shape[1]
    c = lax.axis_index("c")
    s = lax.axis_index("s")
    ept = E // NS
    chunks = ept // K
    nblocks = N // K
    bper = (nblocks + NS - 1) // NS

    src_v = (src_v0, src_v1)
    dst_v = (dst_v0, dst_v1)
    xr = (xr0, xr1)
    em = (em0, em1)
    sin = (sin0, sin1)
    sgat = (sgat0, sgat1)

    zero16 = jnp.zeros((16,), jnp.float32)

    def zrow(r, _):
        for j in range(DH // 16):
            em0[r, pl.ds(j * 16, 16)] = zero16
        return 0

    lax.fori_loop(0, K, zrow, 0)

    for k in range(bper):
        b = s + k * NS

        @pl.when(b < nblocks)
        def _():
            pltpu.sync_copy(em0, agg_sh.at[pl.ds(b * K, K)])

    plsc.subcore_barrier()

    def issue_in(i, b):
        base = s * ept + i * K
        pltpu.async_copy(srcs.at[pl.ds(base, K)], src_v[b], sin[b])
        pltpu.async_copy(dsts.at[pl.ds(base, K)], dst_v[b], sin[b])
        pltpu.async_copy(emb2.at[c].at[pl.ds(base, K)], em[b], sin[b])

    def wait_in(b):
        pltpu.make_async_copy(srcs.at[pl.ds(0, K)], src_v[b], sin[b]).wait()
        pltpu.make_async_copy(dsts.at[pl.ds(0, K)], dst_v[b], sin[b]).wait()
        pltpu.make_async_copy(emb2.at[c].at[pl.ds(0, K)], em[b], sin[b]).wait()

    def issue_gat(b):
        pltpu.async_copy(x2.at[c].at[src_v[b]], xr[b], sgat[b])

    def wait_gat(b):
        pltpu.make_async_copy(x2.at[c].at[pl.ds(0, K)], xr[b], sgat[b]).wait()

    def scatter(b):
        pltpu.sync_copy(em[b], agg_sh.at[dst_v[b]], add=True)

    def compute(b, r0, r1):
        emb_v = em[b]
        xr_v = xr[b]

        def row(r, _):
            for j in range(DH // 16):
                sl = pl.ds(j * 16, 16)
                emb_v[r, sl] = jnp.maximum(emb_v[r, sl] + xr_v[r, sl], 0.0)
            return 0

        lax.fori_loop(r0, r1, row, 0)

    issue_in(0, 0)
    wait_in(0)
    issue_gat(0)

    def outer(g, _):
        for b in range(2):
            i = 2 * g + b
            issue_in(i + 1, 1 - b)
            wait_gat(b)
            compute(b, 0, K // 2)
            wait_in(1 - b)
            issue_gat(1 - b)
            compute(b, K // 2, K)
            scatter(b)
        return 0

    lax.fori_loop(0, (chunks - 1) // 2, outer, 0)

    wait_gat(0)
    compute(0, 0, K)
    scatter(0)
    plsc.subcore_barrier()

    for k in range(bper):
        b = s + k * NS

        @pl.when(b < nblocks)
        def _():
            pltpu.sync_copy(agg_sh.at[pl.ds(b * K, K)], em0)
            pltpu.sync_copy(em0, out.at[c].at[pl.ds(b * K, K)])


def _sc_gather_scatter(x2, srcs, dsts, emb2):
    N = x2.shape[1]
    mesh = plsc.VectorSubcoreMesh(
        core_axis_name="c", subcore_axis_name="s", num_cores=NC, num_subcores=NS
    )
    return pl.kernel(
        _sc_body,
        out_type=jax.ShapeDtypeStruct((NC, N, DH), jnp.float32),
        mesh=mesh,
        scratch_types=[
            pltpu.VMEM((K,), jnp.int32),
            pltpu.VMEM((K,), jnp.int32),
            pltpu.VMEM((K,), jnp.int32),
            pltpu.VMEM((K,), jnp.int32),
            pltpu.VMEM((K, DH), jnp.float32),
            pltpu.VMEM((K, DH), jnp.float32),
            pltpu.VMEM((K, DH), jnp.float32),
            pltpu.VMEM((K, DH), jnp.float32),
            pltpu.VMEM_SHARED((N, DH), jnp.float32),
            pltpu.SemaphoreType.DMA,
            pltpu.SemaphoreType.DMA,
            pltpu.SemaphoreType.DMA,
            pltpu.SemaphoreType.DMA,
        ],
    )(x2, srcs, dsts, emb2)


def _emb(edge_attr, We, be):
    E = edge_attr.shape[0]
    EBLK = 3200
    return pl.pallas_call(
        _emb_kernel,
        grid=(E // EBLK,),
        in_specs=[
            pl.BlockSpec((EBLK, DE), lambda i: (i, 0)),
            pl.BlockSpec((DE, D), lambda i: (0, 0)),
            pl.BlockSpec((1, D), lambda i: (0, 0)),
        ],
        out_specs=pl.BlockSpec((NC, EBLK, DH), lambda i: (0, i, 0)),
        out_shape=jax.ShapeDtypeStruct((NC, E, DH), jnp.float32),
    )(edge_attr, We, be.reshape(1, D))


def _mlp(x, agg2, W1, b1, W2, b2, eps):
    N = x.shape[0]
    NBLK = 1000
    return pl.pallas_call(
        _mlp_kernel,
        grid=(N // NBLK,),
        in_specs=[
            pl.BlockSpec((NBLK, D), lambda i: (i, 0)),
            pl.BlockSpec((NC, NBLK, DH), lambda i: (0, i, 0)),
            pl.BlockSpec((D, D), lambda i: (0, 0)),
            pl.BlockSpec((1, D), lambda i: (0, 0)),
            pl.BlockSpec((D, D), lambda i: (0, 0)),
            pl.BlockSpec((1, D), lambda i: (0, 0)),
            pl.BlockSpec(memory_space=pltpu.SMEM),
        ],
        out_specs=pl.BlockSpec((NBLK, D), lambda i: (i, 0)),
        out_shape=jax.ShapeDtypeStruct((N, D), jnp.float32),
    )(x, agg2, W1, b1.reshape(1, D), W2, b2.reshape(1, D), eps.reshape(1))


@jax.jit
def kernel(x_user, x_item, edge_index_to, edge_attr_to, edge_index_rev,
           edge_attr_rev, We_to, be_to, W1_to, b1_to, W2_to, b2_to, eps_to,
           We_rev, be_rev, W1_rev, b1_rev, W2_rev, b2_rev, eps_rev):
    x_user2 = jnp.stack([x_user[:, :DH], x_user[:, DH:]])
    x_item2 = jnp.stack([x_item[:, :DH], x_item[:, DH:]])
    ei_to = edge_index_to.astype(jnp.int32)
    ei_rev = edge_index_rev.astype(jnp.int32)

    emb_to = _emb(edge_attr_to, We_to, be_to)
    agg_to = _sc_gather_scatter(x_user2, ei_to[0], ei_to[1], emb_to)
    emb_rev = _emb(edge_attr_rev, We_rev, be_rev)
    agg_rev = _sc_gather_scatter(x_item2, ei_rev[0], ei_rev[1], emb_rev)
    out_item = _mlp(x_user, agg_to, W1_to, b1_to, W2_to, b2_to, eps_to)
    out_user = _mlp(x_item, agg_rev, W1_rev, b1_rev, W2_rev, b2_rev, eps_rev)
    return (out_user, out_item)

# --- scband reference (transcript-rebuilt; emitter-appended) ---
"""Pipeline reference for scband-hetero-gineconv-83056077570936 (READ-ONLY COPY).

The authoritative reference and input builder live on the scoring server;
editing this copy changes nothing except your own understanding.
"""

import jax, jax.numpy as jnp
import numpy as np

N_USER = 10000
N_ITEM = 10000
E = 160000
D = 256
DE = 16


def _gine_conv(x, edge_index, edge_attr, We, be, W1, b1, W2, b2, eps):
    # edge encoder: Linear(edge_dim -> out_channels)
    edge_emb = edge_attr @ We + be
    # GINEConv message: ReLU(x_j + edge_emb), j = src = edge_index[0]
    msg = jax.nn.relu(x[edge_index[0]] + edge_emb)
    # aggregate (sum) over incoming edges at dst = edge_index[1]
    agg = jax.ops.segment_sum(msg, edge_index[1], num_segments=x.shape[0])
    h = (1.0 + eps) * x + agg
    # mlp: Linear -> ReLU -> Linear
    return jax.nn.relu(h @ W1 + b1) @ W2 + b2


def setup_inputs(seed: int = 0):
    key = jax.random.key(seed)
    ks = jax.random.split(key, 22)
    inp = {}
    inp["x_user"] = jax.random.normal(ks[0], (N_USER, D), dtype=jnp.float32)
    inp["x_item"] = jax.random.normal(ks[1], (N_ITEM, D), dtype=jnp.float32)
    inp["edge_index_to"] = jax.random.randint(ks[2], (2, E), 0, N_ITEM, dtype=jnp.int64) if jax.config.read('jax_enable_x64') else jax.random.randint(ks[2], (2, E), 0, N_ITEM)
    inp["edge_attr_to"] = jax.random.normal(ks[3], (E, DE), dtype=jnp.float32)
    inp["edge_index_rev"] = jax.random.randint(ks[4], (2, E), 0, N_USER)
    inp["edge_attr_rev"] = jax.random.normal(ks[5], (E, DE), dtype=jnp.float32)
    s = 1.0 / np.sqrt(D)
    se = 1.0 / np.sqrt(DE)
    # per-edge-type parameters ('to' = user->item, 'rev' = item->user)
    inp["We_to"] = jax.random.uniform(ks[6], (DE, D), minval=-se, maxval=se, dtype=jnp.float32)
    inp["be_to"] = jax.random.uniform(ks[7], (D,), minval=-se, maxval=se, dtype=jnp.float32)
    inp["W1_to"] = jax.random.uniform(ks[8], (D, D), minval=-s, maxval=s, dtype=jnp.float32)
    inp["b1_to"] = jax.random.uniform(ks[9], (D,), minval=-s, maxval=s, dtype=jnp.float32)
    inp["W2_to"] = jax.random.uniform(ks[10], (D, D), minval=-s, maxval=s, dtype=jnp.float32)
    inp["b2_to"] = jax.random.uniform(ks[11], (D,), minval=-s, maxval=s, dtype=jnp.float32)
    inp["eps_to"] = jnp.zeros((), dtype=jnp.float32)
    inp["We_rev"] = jax.random.uniform(ks[12], (DE, D), minval=-se, maxval=se, dtype=jnp.float32)
    inp["be_rev"] = jax.random.uniform(ks[13], (D,), minval=-se, maxval=se, dtype=jnp.float32)
    inp["W1_rev"] = jax.random.uniform(ks[14], (D, D), minval=-s, maxval=s, dtype=jnp.float32)
    inp["b1_rev"] = jax.random.uniform(ks[15], (D,), minval=-s, maxval=s, dtype=jnp.float32)
    inp["W2_rev"] = jax.random.uniform(ks[16], (D, D), minval=-s, maxval=s, dtype=jnp.float32)
    inp["b2_rev"] = jax.random.uniform(ks[17], (D,), minval=-s, maxval=s, dtype=jnp.float32)
    inp["eps_rev"] = jnp.zeros((), dtype=jnp.float32)
    return inp


def reference(x_user, x_item, edge_index_to, edge_attr_to, edge_index_rev, edge_attr_rev, We_to, be_to, W1_to, b1_to, W2_to, b2_to, eps_to, We_rev, be_rev, W1_rev, b1_rev, W2_rev, b2_rev, eps_rev):
    # edge type ('user','to','item'): src_x = x_user, dst = item
    out_item = _gine_conv(x_user, edge_index_to, edge_attr_to, We_to, be_to, W1_to, b1_to, W2_to, b2_to, eps_to)
    # edge type ('item','rev','user'): src_x = x_item, dst = user
    out_user = _gine_conv(x_item, edge_index_rev, edge_attr_rev, We_rev, be_rev, W1_rev, b1_rev, W2_rev, b2_rev, eps_rev)
    # each dst node type receives exactly one contribution; mean of a single-element stack is identity
    return (out_user, out_item)

if __name__ == "__main__":
    import jax
    _d = setup_inputs()
    print(jax.jit(kernel)(*tuple(_d.values())))

</pallas_src>

<mosaic_0001>
#map = affine_map<(d0, d1) -> (0, 0, 0)>
#map1 = affine_map<(d0, d1) -> (0)>
module attributes {stable_mosaic.version = 14 : i64} {
  func.func @_sc_body(%arg0: i32, %arg1: i32, %arg2: memref<2x10000x128xf32, #tpu.memory_space<hbm>>, %arg3: memref<160000xi32, #tpu.memory_space<hbm>>, %arg4: memref<160000xi32, #tpu.memory_space<hbm>>, %arg5: memref<2x160000x128xf32, #tpu.memory_space<hbm>>, %arg6: memref<2x10000x128xf32, #tpu.memory_space<hbm>>, %arg7: memref<80xi32, #tpu.memory_space<vmem>>, %arg8: memref<80xi32, #tpu.memory_space<vmem>>, %arg9: memref<80xi32, #tpu.memory_space<vmem>>, %arg10: memref<80xi32, #tpu.memory_space<vmem>>, %arg11: memref<80x128xf32, #tpu.memory_space<vmem>>, %arg12: memref<80x128xf32, #tpu.memory_space<vmem>>, %arg13: memref<80x128xf32, #tpu.memory_space<vmem>>, %arg14: memref<80x128xf32, #tpu.memory_space<vmem>>, %arg15: memref<10000x128xf32, #tpu.memory_space<vmem_shared>>, %arg16: memref<!tpu.dma_semaphore, #tpu.memory_space<semaphore_mem>>, %arg17: memref<!tpu.dma_semaphore, #tpu.memory_space<semaphore_mem>>, %arg18: memref<!tpu.dma_semaphore, #tpu.memory_space<semaphore_mem>>, %arg19: memref<!tpu.dma_semaphore, #tpu.memory_space<semaphore_mem>>) attributes {dimension_semantics = [#tpu.dimension_semantics<core_parallel>, #tpu.dimension_semantics<subcore_parallel>], iteration_bounds = array<i64: 2, 16>, scalar_prefetch = 0 : i64, scratch_operands = 13 : i64, tpu.core_type = #tpu.core_type<sc_vector_subcore>, window_params = [{transform_indices = #map}, {transform_indices = #map1}, {transform_indices = #map1}, {transform_indices = #map}, {transform_indices = #map}]} {
    %broadcast_in_dim3A = arith.constant 0.000000e+00 : f32
    %broadcast_in_dim3A_0 = vector.broadcast %broadcast_in_dim3A : f32 to vector<16xf32>
    %scan3A = arith.constant 0 : i32
    %scan3A_1 = arith.constant 0 : i32
    %scan3A_2 = arith.constant 80 : i32
    %scan3A_3 = arith.addi %scan3A_1, %scan3A_2 : i32
    %scan3A_4 = arith.constant 1 : i32
    %scan3A_5 = scf.for %scan3A_190 = %scan3A_1 to %scan3A_3 step %scan3A_4 iter_args(%scan3A_191 = %scan3A) -> (i32)  : i32 {
      %swap3A = arith.index_cast %scan3A_190 : i32 to index
      %swap3A_192 = arith.constant 0 : index
      %swap3A_193 = tpu.vector_load %arg13[%swap3A, %swap3A_192] {strides = array<i32>} : memref<80x128xf32, #tpu.memory_space<vmem>>, vector<1x16xf32>,
      %swap3A_194 = vector.shape_cast %swap3A_193 : vector<1x16xf32> to vector<16xf32>
      %swap3A_195 = vector.shape_cast %broadcast_in_dim3A_0 : vector<16xf32> to vector<1x16xf32>
      tpu.vector_store %arg13[%swap3A, %swap3A_192], %swap3A_195 {strides = array<i32>} : memref<80x128xf32, #tpu.memory_space<vmem>>, vector<1x16xf32>,
      %swap3A_196 = arith.index_cast %scan3A_190 : i32 to index
      %swap3A_197 = arith.constant 16 : index
      %swap3A_198 = tpu.vector_load %arg13[%swap3A_196, %swap3A_197] {strides = array<i32>} : memref<80x128xf32, #tpu.memory_space<vmem>>, vector<1x16xf32>,
      %swap3A_199 = vector.shape_cast %swap3A_198 : vector<1x16xf32> to vector<16xf32>
      %swap3A_200 = vector.shape_cast %broadcast_in_dim3A_0 : vector<16xf32> to vector<1x16xf32>
      tpu.vector_store %arg13[%swap3A_196, %swap3A_197], %swap3A_200 {strides = array<i32>} : memref<80x128xf32, #tpu.memory_space<vmem>>, vector<1x16xf32>,
      %swap3A_201 = arith.index_cast %scan3A_190 : i32 to index
      %swap3A_202 = arith.constant 32 : index
      %swap3A_203 = tpu.vector_load %arg13[%swap3A_201, %swap3A_202] {strides = array<i32>} : memref<80x128xf32, #tpu.memory_space<vmem>>, vector<1x16xf32>,
      %swap3A_204 = vector.shape_cast %swap3A_203 : vector<1x16xf32> to vector<16xf32>
      %swap3A_205 = vector.shape_cast %broadcast_in_dim3A_0 : vector<16xf32> to vector<1x16xf32>
      tpu.vector_store %arg13[%swap3A_201, %swap3A_202], %swap3A_205 {strides = array<i32>} : memref<80x128xf32, #tpu.memory_space<vmem>>, vector<1x16xf32>,
      %swap3A_206 = arith.index_cast %scan3A_190 : i32 to index
      %swap3A_207 = arith.constant 48 : index
      %swap3A_208 = tpu.vector_load %arg13[%swap3A_206, %swap3A_207] {strides = array<i32>} : memref<80x128xf32, #tpu.memory_space<vmem>>, vector<1x16xf32>,
      %swap3A_209 = vector.shape_cast %swap3A_208 : vector<1x16xf32> to vector<16xf32>
      %swap3A_210 = vector.shape_cast %broadcast_in_dim3A_0 : vector<16xf32> to vector<1x16xf32>
      tpu.vector_store %arg13[%swap3A_206, %swap3A_207], %swap3A_210 {strides = array<i32>} : memref<80x128xf32, #tpu.memory_space<vmem>>, vector<1x16xf32>,
      %swap3A_211 = arith.index_cast %scan3A_190 : i32 to index
      %swap3A_212 = arith.constant 64 : index
      %swap3A_213 = tpu.vector_load %arg13[%swap3A_211, %swap3A_212] {strides = array<i32>} : memref<80x128xf32, #tpu.memory_space<vmem>>, vector<1x16xf32>,
      %swap3A_214 = vector.shape_cast %swap3A_213 : vector<1x16xf32> to vector<16xf32>
      %swap3A_215 = vector.shape_cast %broadcast_in_dim3A_0 : vector<16xf32> to vector<1x16xf32>
      tpu.vector_store %arg13[%swap3A_211, %swap3A_212], %swap3A_215 {strides = array<i32>} : memref<80x128xf32, #tpu.memory_space<vmem>>, vector<1x16xf32>,
      %swap3A_216 = arith.index_cast %scan3A_190 : i32 to index
      %swap3A_217 = arith.constant 80 : index
      %swap3A_218 = tpu.vector_load %arg13[%swap3A_216, %swap3A_217] {strides = array<i32>} : memref<80x128xf32, #tpu.memory_space<vmem>>, vector<1x16xf32>,
      %swap3A_219 = vector.shape_cast %swap3A_218 : vector<1x16xf32> to vector<16xf32>
      %swap3A_220 = vector.shape_cast %broadcast_in_dim3A_0 : vector<16xf32> to vector<1x16xf32>
      tpu.vector_store %arg13[%swap3A_216, %swap3A_217], %swap3A_220 {strides = array<i32>} : memref<80x128xf32, #tpu.memory_space<vmem>>, vector<1x16xf32>,
      %swap3A_221 = arith.index_cast %scan3A_190 : i32 to index
      %swap3A_222 = arith.constant 96 : index
      %swap3A_223 = tpu.vector_load %arg13[%swap3A_221, %swap3A_222] {strides = array<i32>} : memref<80x128xf32, #tpu.memory_space<vmem>>, vector<1x16xf32>,
      %swap3A_224 = vector.shape_cast %swap3A_223 : vector<1x16xf32> to vector<16xf32>
      %swap3A_225 = vector.shape_cast %broadcast_in_dim3A_0 : vector<16xf32> to vector<1x16xf32>
      tpu.vector_store %arg13[%swap3A_221, %swap3A_222], %swap3A_225 {strides = array<i32>} : memref<80x128xf32, #tpu.memory_space<vmem>>, vector<1x16xf32>,
      %swap3A_226 = arith.index_cast %scan3A_190 : i32 to index
      %swap3A_227 = arith.constant 112 : index
      %swap3A_228 = tpu.vector_load %arg13[%swap3A_226, %swap3A_227] {strides = array<i32>} : memref<80x128xf32, #tpu.memory_space<vmem>>, vector<1x16xf32>,
      %swap3A_229 = vector.shape_cast %swap3A_228 : vector<1x16xf32> to vector<16xf32>
      %swap3A_230 = vector.shape_cast %broadcast_in_dim3A_0 : vector<16xf32> to vector<1x16xf32>
      tpu.vector_store %arg13[%swap3A_226, %swap3A_227], %swap3A_230 {strides = array<i32>} : memref<80x128xf32, #tpu.memory_space<vmem>>, vector<1x16xf32>,
      %scan3A_231 = arith.constant 0 : i32
      scf.yield %scan3A_231 : i32
    }
    %scan3A_6 = arith.constant 80 : i32
    %add3A = arith.constant 0 : i32
    %add3A_7 = arith.addi %arg1, %add3A : i32
    %lt3A = arith.constant 125 : i32
    %lt3A_8 = arith.cmpi slt, %add3A_7, %lt3A : i32
    %convert_element_type3A = arith.extui %lt3A_8 : i1 to i32
    %cond3A = arith.constant 0 : i32
    %cond3A_9 = arith.cmpi ne, %convert_element_type3A, %cond3A : i32
    scf.if %cond3A_9 {
      %mul3A_190 = arith.constant 80 : i32
      %mul3A_191 = arith.muli %add3A_7, %mul3A_190 : i32
      "tpu.region"() ({
        %run_scoped3A = tpu.sem_alloc : memref<!tpu.dma_semaphore, #tpu.memory_space<semaphore_mem>>
        %dma_start3A_192 = arith.constant 0 : i32
        %dma_start3A_193 = tpu.memref_slice %arg15[%mul3A_191, %dma_start3A_192] : memref<10000x128xf32, #tpu.memory_space<vmem_shared>> -> memref<80x128xf32, #tpu.memory_space<vmem_shared>>
        %dma_start3A_194 = arith.constant 0 : i32
        %dma_start3A_195 = tpu.memref_slice %arg15[%mul3A_191, %dma_start3A_194] : memref<10000x128xf32, #tpu.memory_space<vmem_shared>> -> memref<80x128xf32, #tpu.memory_space<vmem_shared>>
        tpu.enqueue_dma source(%arg13 : memref<80x128xf32, #tpu.memory_space<vmem>>) target(%dma_start3A_195 : memref<80x128xf32, #tpu.memory_space<vmem_shared>>) target_semaphore(%run_scoped3A : memref<!tpu.dma_semaphore, #tpu.memory_space<semaphore_mem>>)
        %dma_wait3A_196 = arith.constant 0 : i32
        %dma_wait3A_197 = tpu.memref_slice %arg15[%mul3A_191, %dma_wait3A_196] : memref<10000x128xf32, #tpu.memory_space<vmem_shared>> -> memref<80x128xf32, #tpu.memory_space<vmem_shared>>
        %dma_wait3A_198 = arith.constant 0 : i32
        %dma_wait3A_199 = tpu.memref_slice %arg15[%mul3A_191, %dma_wait3A_198] : memref<10000x128xf32, #tpu.memory_space<vmem_shared>> -> memref<80x128xf32, #tpu.memory_space<vmem_shared>>
        tpu.wait_dma2 semaphore(%run_scoped3A : memref<!tpu.dma_semaphore, #tpu.memory_space<semaphore_mem>>) src(%arg13 : memref<80x128xf32, #tpu.memory_space<vmem>>) dst(%dma_wait3A_199 : memref<80x128xf32, #tpu.memory_space<vmem_shared>>)
        tpu.yield
      }) : () -> ()
    } else {
    }
    %add3A_10 = arith.constant 16 : i32
    %add3A_11 = arith.addi %arg1, %add3A_10 : i32
    %lt3A_12 = arith.constant 125 : i32
    %lt3A_13 = arith.cmpi slt, %add3A_11, %lt3A_12 : i32
    %convert_element_type3A_14 = arith.extui %lt3A_13 : i1 to i32
    %cond3A_15 = arith.constant 0 : i32
    %cond3A_16 = arith.cmpi ne, %convert_element_type3A_14, %cond3A_15 : i32
    scf.if %cond3A_16 {
      %mul3A_190 = arith.constant 80 : i32
      %mul3A_191 = arith.muli %add3A_11, %mul3A_190 : i32
      "tpu.region"() ({
        %run_scoped3A = tpu.sem_alloc : memref<!tpu.dma_semaphore, #tpu.memory_space<semaphore_mem>>
        %dma_start3A_192 = arith.constant 0 : i32
        %dma_start3A_193 = tpu.memref_slice %arg15[%mul3A_191, %dma_start3A_192] : memref<10000x128xf32, #tpu.memory_space<vmem_shared>> -> memref<80x128xf32, #tpu.memory_space<vmem_shared>>
        %dma_start3A_194 = arith.constant 0 : i32
        %dma_start3A_195 = tpu.memref_slice %arg15[%mul3A_191, %dma_start3A_194] : memref<10000x128xf32, #tpu.memory_space<vmem_shared>> -> memref<80x128xf32, #tpu.memory_space<vmem_shared>>
        tpu.enqueue_dma source(%arg13 : memref<80x128xf32, #tpu.memory_space<vmem>>) target(%dma_start3A_195 : memref<80x128xf32, #tpu.memory_space<vmem_shared>>) target_semaphore(%run_scoped3A : memref<!tpu.dma_semaphore, #tpu.memory_space<semaphore_mem>>)
        %dma_wait3A_196 = arith.constant 0 : i32
        %dma_wait3A_197 = tpu.memref_slice %arg15[%mul3A_191, %dma_wait3A_196] : memref<10000x128xf32, #tpu.memory_space<vmem_shared>> -> memref<80x128xf32, #tpu.memory_space<vmem_shared>>
        %dma_wait3A_198 = arith.constant 0 : i32
        %dma_wait3A_199 = tpu.memref_slice %arg15[%mul3A_191, %dma_wait3A_198] : memref<10000x128xf32, #tpu.memory_space<vmem_shared>> -> memref<80x128xf32, #tpu.memory_space<vmem_shared>>
        tpu.wait_dma2 semaphore(%run_scoped3A : memref<!tpu.dma_semaphore, #tpu.memory_space<semaphore_mem>>) src(%arg13 : memref<80x128xf32, #tpu.memory_space<vmem>>) dst(%dma_wait3A_199 : memref<80x128xf32, #tpu.memory_space<vmem_shared>>)
        tpu.yield
      }) : () -> ()
    } else {
    }
    %add3A_17 = arith.constant 32 : i32
    %add3A_18 = arith.addi %arg1, %add3A_17 : i32
    %lt3A_19 = arith.constant 125 : i32
    %lt3A_20 = arith.cmpi slt, %add3A_18, %lt3A_19 : i32
    %convert_element_type3A_21 = arith.extui %lt3A_20 : i1 to i32
    %cond3A_22 = arith.constant 0 : i32
    %cond3A_23 = arith.cmpi ne, %convert_element_type3A_21, %cond3A_22 : i32
    scf.if %cond3A_23 {
      %mul3A_190 = arith.constant 80 : i32
      %mul3A_191 = arith.muli %add3A_18, %mul3A_190 : i32
      "tpu.region"() ({
        %run_scoped3A = tpu.sem_alloc : memref<!tpu.dma_semaphore, #tpu.memory_space<semaphore_mem>>
        %dma_start3A_192 = arith.constant 0 : i32
        %dma_start3A_193 = tpu.memref_slice %arg15[%mul3A_191, %dma_start3A_192] : memref<10000x128xf32, #tpu.memory_space<vmem_shared>> -> memref<80x128xf32, #tpu.memory_space<vmem_shared>>
        %dma_start3A_194 = arith.constant 0 : i32
        %dma_start3A_195 = tpu.memref_slice %arg15[%mul3A_191, %dma_start3A_194] : memref<10000x128xf32, #tpu.memory_space<vmem_shared>> -> memref<80x128xf32, #tpu.memory_space<vmem_shared>>
        tpu.enqueue_dma source(%arg13 : memref<80x128xf32, #tpu.memory_space<vmem>>) target(%dma_start3A_195 : memref<80x128xf32, #tpu.memory_space<vmem_shared>>) target_semaphore(%run_scoped3A : memref<!tpu.dma_semaphore, #tpu.memory_space<semaphore_mem>>)
        %dma_wait3A_196 = arith.constant 0 : i32
        %dma_wait3A_197 = tpu.memref_slice %arg15[%mul3A_191, %dma_wait3A_196] : memref<10000x128xf32, #tpu.memory_space<vmem_shared>> -> memref<80x128xf32, #tpu.memory_space<vmem_shared>>
        %dma_wait3A_198 = arith.constant 0 : i32
        %dma_wait3A_199 = tpu.memref_slice %arg15[%mul3A_191, %dma_wait3A_198] : memref<10000x128xf32, #tpu.memory_space<vmem_shared>> -> memref<80x128xf32, #tpu.memory_space<vmem_shared>>
        tpu.wait_dma2 semaphore(%run_scoped3A : memref<!tpu.dma_semaphore, #tpu.memory_space<semaphore_mem>>) src(%arg13 : memref<80x128xf32, #tpu.memory_space<vmem>>) dst(%dma_wait3A_199 : memref<80x128xf32, #tpu.memory_space<vmem_shared>>)
        tpu.yield
      }) : () -> ()
    } else {
    }
    %add3A_24 = arith.constant 48 : i32
    %add3A_25 = arith.addi %arg1, %add3A_24 : i32
    %lt3A_26 = arith.constant 125 : i32
    %lt3A_27 = arith.cmpi slt, %add3A_25, %lt3A_26 : i32
    %convert_element_type3A_28 = arith.extui %lt3A_27 : i1 to i32
    %cond3A_29 = arith.constant 0 : i32
    %cond3A_30 = arith.cmpi ne, %convert_element_type3A_28, %cond3A_29 : i32
    scf.if %cond3A_30 {
      %mul3A_190 = arith.constant 80 : i32
      %mul3A_191 = arith.muli %add3A_25, %mul3A_190 : i32
      "tpu.region"() ({
        %run_scoped3A = tpu.sem_alloc : memref<!tpu.dma_semaphore, #tpu.memory_space<semaphore_mem>>
        %dma_start3A_192 = arith.constant 0 : i32
        %dma_start3A_193 = tpu.memref_slice %arg15[%mul3A_191, %dma_start3A_192] : memref<10000x128xf32, #tpu.memory_space<vmem_shared>> -> memref<80x128xf32, #tpu.memory_space<vmem_shared>>
        %dma_start3A_194 = arith.constant 0 : i32
        %dma_start3A_195 = tpu.memref_slice %arg15[%mul3A_191, %dma_start3A_194] : memref<10000x128xf32, #tpu.memory_space<vmem_shared>> -> memref<80x128xf32, #tpu.memory_space<vmem_shared>>
        tpu.enqueue_dma source(%arg13 : memref<80x128xf32, #tpu.memory_space<vmem>>) target(%dma_start3A_195 : memref<80x128xf32, #tpu.memory_space<vmem_shared>>) target_semaphore(%run_scoped3A : memref<!tpu.dma_semaphore, #tpu.memory_space<semaphore_mem>>)
        %dma_wait3A_196 = arith.constant 0 : i32
        %dma_wait3A_197 = tpu.memref_slice %arg15[%mul3A_191, %dma_wait3A_196] : memref<10000x128xf32, #tpu.memory_space<vmem_shared>> -> memref<80x128xf32, #tpu.memory_space<vmem_shared>>
        %dma_wait3A_198 = arith.constant 0 : i32
        %dma_wait3A_199 = tpu.memref_slice %arg15[%mul3A_191, %dma_wait3A_198] : memref<10000x128xf32, #tpu.memory_space<vmem_shared>> -> memref<80x128xf32, #tpu.memory_space<vmem_shared>>
        tpu.wait_dma2 semaphore(%run_scoped3A : memref<!tpu.dma_semaphore, #tpu.memory_space<semaphore_mem>>) src(%arg13 : memref<80x128xf32, #tpu.memory_space<vmem>>) dst(%dma_wait3A_199 : memref<80x128xf32, #tpu.memory_space<vmem_shared>>)
        tpu.yield
      }) : () -> ()
    } else {
    }
    %add3A_31 = arith.constant 64 : i32
    %add3A_32 = arith.addi %arg1, %add3A_31 : i32
    %lt3A_33 = arith.constant 125 : i32
    %lt3A_34 = arith.cmpi slt, %add3A_32, %lt3A_33 : i32
    %convert_element_type3A_35 = arith.extui %lt3A_34 : i1 to i32
    %cond3A_36 = arith.constant 0 : i32
    %cond3A_37 = arith.cmpi ne, %convert_element_type3A_35, %cond3A_36 : i32
    scf.if %cond3A_37 {
      %mul3A_190 = arith.constant 80 : i32
      %mul3A_191 = arith.muli %add3A_32, %mul3A_190 : i32
      "tpu.region"() ({
        %run_scoped3A = tpu.sem_alloc : memref<!tpu.dma_semaphore, #tpu.memory_space<semaphore_mem>>
        %dma_start3A_192 = arith.constant 0 : i32
        %dma_start3A_193 = tpu.memref_slice %arg15[%mul3A_191, %dma_start3A_192] : memref<10000x128xf32, #tpu.memory_space<vmem_shared>> -> memref<80x128xf32, #tpu.memory_space<vmem_shared>>
        %dma_start3A_194 = arith.constant 0 : i32
        %dma_start3A_195 = tpu.memref_slice %arg15[%mul3A_191, %dma_start3A_194] : memref<10000x128xf32, #tpu.memory_space<vmem_shared>> -> memref<80x128xf32, #tpu.memory_space<vmem_shared>>
        tpu.enqueue_dma source(%arg13 : memref<80x128xf32, #tpu.memory_space<vmem>>) target(%dma_start3A_195 : memref<80x128xf32, #tpu.memory_space<vmem_shared>>) target_semaphore(%run_scoped3A : memref<!tpu.dma_semaphore, #tpu.memory_space<semaphore_mem>>)
        %dma_wait3A_196 = arith.constant 0 : i32
        %dma_wait3A_197 = tpu.memref_slice %arg15[%mul3A_191, %dma_wait3A_196] : memref<10000x128xf32, #tpu.memory_space<vmem_shared>> -> memref<80x128xf32, #tpu.memory_space<vmem_shared>>
        %dma_wait3A_198 = arith.constant 0 : i32
        %dma_wait3A_199 = tpu.memref_slice %arg15[%mul3A_191, %dma_wait3A_198] : memref<10000x128xf32, #tpu.memory_space<vmem_shared>> -> memref<80x128xf32, #tpu.memory_space<vmem_shared>>
        tpu.wait_dma2 semaphore(%run_scoped3A : memref<!tpu.dma_semaphore, #tpu.memory_space<semaphore_mem>>) src(%arg13 : memref<80x128xf32, #tpu.memory_space<vmem>>) dst(%dma_wait3A_199 : memref<80x128xf32, #tpu.memory_space<vmem_shared>>)
        tpu.yield
      }) : () -> ()
    } else {
    }
    %add3A_38 = arith.constant 80 : i32
    %add3A_39 = arith.addi %arg1, %add3A_38 : i32
    %lt3A_40 = arith.constant 125 : i32
    %lt3A_41 = arith.cmpi slt, %add3A_39, %lt3A_40 : i32
    %convert_element_type3A_42 = arith.extui %lt3A_41 : i1 to i32
    %cond3A_43 = arith.constant 0 : i32
    %cond3A_44 = arith.cmpi ne, %convert_element_type3A_42, %cond3A_43 : i32
    scf.if %cond3A_44 {
      %mul3A_190 = arith.constant 80 : i32
      %mul3A_191 = arith.muli %add3A_39, %mul3A_190 : i32
      "tpu.region"() ({
        %run_scoped3A = tpu.sem_alloc : memref<!tpu.dma_semaphore, #tpu.memory_space<semaphore_mem>>
        %dma_start3A_192 = arith.constant 0 : i32
        %dma_start3A_193 = tpu.memref_slice %arg15[%mul3A_191, %dma_start3A_192] : memref<10000x128xf32, #tpu.memory_space<vmem_shared>> -> memref<80x128xf32, #tpu.memory_space<vmem_shared>>
        %dma_start3A_194 = arith.constant 0 : i32
        %dma_start3A_195 = tpu.memref_slice %arg15[%mul3A_191, %dma_start3A_194] : memref<10000x128xf32, #tpu.memory_space<vmem_shared>> -> memref<80x128xf32, #tpu.memory_space<vmem_shared>>
        tpu.enqueue_dma source(%arg13 : memref<80x128xf32, #tpu.memory_space<vmem>>) target(%dma_start3A_195 : memref<80x128xf32, #tpu.memory_space<vmem_shared>>) target_semaphore(%run_scoped3A : memref<!tpu.dma_semaphore, #tpu.memory_space<semaphore_mem>>)
        %dma_wait3A_196 = arith.constant 0 : i32
        %dma_wait3A_197 = tpu.memref_slice %arg15[%mul3A_191, %dma_wait3A_196] : memref<10000x128xf32, #tpu.memory_space<vmem_shared>> -> memref<80x128xf32, #tpu.memory_space<vmem_shared>>
        %dma_wait3A_198 = arith.constant 0 : i32
        %dma_wait3A_199 = tpu.memref_slice %arg15[%mul3A_191, %dma_wait3A_198] : memref<10000x128xf32, #tpu.memory_space<vmem_shared>> -> memref<80x128xf32, #tpu.memory_space<vmem_shared>>
        tpu.wait_dma2 semaphore(%run_scoped3A : memref<!tpu.dma_semaphore, #tpu.memory_space<semaphore_mem>>) src(%arg13 : memref<80x128xf32, #tpu.memory_space<vmem>>) dst(%dma_wait3A_199 : memref<80x128xf32, #tpu.memory_space<vmem_shared>>)
        tpu.yield
      }) : () -> ()
    } else {
    }
    %add3A_45 = arith.constant 96 : i32
    %add3A_46 = arith.addi %arg1, %add3A_45 : i32
    %lt3A_47 = arith.constant 125 : i32
    %lt3A_48 = arith.cmpi slt, %add3A_46, %lt3A_47 : i32
    %convert_element_type3A_49 = arith.extui %lt3A_48 : i1 to i32
    %cond3A_50 = arith.constant 0 : i32
    %cond3A_51 = arith.cmpi ne, %convert_element_type3A_49, %cond3A_50 : i32
    scf.if %cond3A_51 {
      %mul3A_190 = arith.constant 80 : i32
      %mul3A_191 = arith.muli %add3A_46, %mul3A_190 : i32
      "tpu.region"() ({
        %run_scoped3A = tpu.sem_alloc : memref<!tpu.dma_semaphore, #tpu.memory_space<semaphore_mem>>
        %dma_start3A_192 = arith.constant 0 : i32
        %dma_start3A_193 = tpu.memref_slice %arg15[%mul3A_191, %dma_start3A_192] : memref<10000x128xf32, #tpu.memory_space<vmem_shared>> -> memref<80x128xf32, #tpu.memory_space<vmem_shared>>
        %dma_start3A_194 = arith.constant 0 : i32
        %dma_start3A_195 = tpu.memref_slice %arg15[%mul3A_191, %dma_start3A_194] : memref<10000x128xf32, #tpu.memory_space<vmem_shared>> -> memref<80x128xf32, #tpu.memory_space<vmem_shared>>
        tpu.enqueue_dma source(%arg13 : memref<80x128xf32, #tpu.memory_space<vmem>>) target(%dma_start3A_195 : memref<80x128xf32, #tpu.memory_space<vmem_shared>>) target_semaphore(%run_scoped3A : memref<!tpu.dma_semaphore, #tpu.memory_space<semaphore_mem>>)
        %dma_wait3A_196 = arith.constant 0 : i32
        %dma_wait3A_197 = tpu.memref_slice %arg15[%mul3A_191, %dma_wait3A_196] : memref<10000x128xf32, #tpu.memory_space<vmem_shared>> -> memref<80x128xf32, #tpu.memory_space<vmem_shared>>
        %dma_wait3A_198 = arith.constant 0 : i32
        %dma_wait3A_199 = tpu.memref_slice %arg15[%mul3A_191, %dma_wait3A_198] : memref<10000x128xf32, #tpu.memory_space<vmem_shared>> -> memref<80x128xf32, #tpu.memory_space<vmem_shared>>
        tpu.wait_dma2 semaphore(%run_scoped3A : memref<!tpu.dma_semaphore, #tpu.memory_space<semaphore_mem>>) src(%arg13 : memref<80x128xf32, #tpu.memory_space<vmem>>) dst(%dma_wait3A_199 : memref<80x128xf32, #tpu.memory_space<vmem_shared>>)
        tpu.yield
      }) : () -> ()
    } else {
    }
    %add3A_52 = arith.constant 112 : i32
    %add3A_53 = arith.addi %arg1, %add3A_52 : i32
    %lt3A_54 = arith.constant 125 : i32
    %lt3A_55 = arith.cmpi slt, %add3A_53, %lt3A_54 : i32
    %convert_element_type3A_56 = arith.extui %lt3A_55 : i1 to i32
    %cond3A_57 = arith.constant 0 : i32
    %cond3A_58 = arith.cmpi ne, %convert_element_type3A_56, %cond3A_57 : i32
    scf.if %cond3A_58 {
      %mul3A_190 = arith.constant 80 : i32
      %mul3A_191 = arith.muli %add3A_53, %mul3A_190 : i32
      "tpu.region"() ({
        %run_scoped3A = tpu.sem_alloc : memref<!tpu.dma_semaphore, #tpu.memory_space<semaphore_mem>>
        %dma_start3A_192 = arith.constant 0 : i32
        %dma_start3A_193 = tpu.memref_slice %arg15[%mul3A_191, %dma_start3A_192] : memref<10000x128xf32, #tpu.memory_space<vmem_shared>> -> memref<80x128xf32, #tpu.memory_space<vmem_shared>>
        %dma_start3A_194 = arith.constant 0 : i32
        %dma_start3A_195 = tpu.memref_slice %arg15[%mul3A_191, %dma_start3A_194] : memref<10000x128xf32, #tpu.memory_space<vmem_shared>> -> memref<80x128xf32, #tpu.memory_space<vmem_shared>>
        tpu.enqueue_dma source(%arg13 : memref<80x128xf32, #tpu.memory_space<vmem>>) target(%dma_start3A_195 : memref<80x128xf32, #tpu.memory_space<vmem_shared>>) target_semaphore(%run_scoped3A : memref<!tpu.dma_semaphore, #tpu.memory_space<semaphore_mem>>)
        %dma_wait3A_196 = arith.constant 0 : i32
        %dma_wait3A_197 = tpu.memref_slice %arg15[%mul3A_191, %dma_wait3A_196] : memref<10000x128xf32, #tpu.memory_space<vmem_shared>> -> memref<80x128xf32, #tpu.memory_space<vmem_shared>>
        %dma_wait3A_198 = arith.constant 0 : i32
        %dma_wait3A_199 = tpu.memref_slice %arg15[%mul3A_191, %dma_wait3A_198] : memref<10000x128xf32, #tpu.memory_space<vmem_shared>> -> memref<80x128xf32, #tpu.memory_space<vmem_shared>>
        tpu.wait_dma2 semaphore(%run_scoped3A : memref<!tpu.dma_semaphore, #tpu.memory_space<semaphore_mem>>) src(%arg13 : memref<80x128xf32, #tpu.memory_space<vmem>>) dst(%dma_wait3A_199 : memref<80x128xf32, #tpu.memory_space<vmem_shared>>)
        tpu.yield
      }) : () -> ()
    } else {
    }
    %barrier3A = arith.constant 0 : index
    tpu.barrier barrier_id(%barrier3A)
    %mul3A = arith.constant 10000 : i32
    %mul3A_59 = arith.muli %arg1, %mul3A : i32
    %add3A_60 = arith.constant 0 : i32
    %add3A_61 = arith.addi %mul3A_59, %add3A_60 : i32
    %dma_start3A = tpu.memref_slice %arg3[%add3A_61] : memref<160000xi32, #tpu.memory_space<hbm>> -> memref<80xi32, #tpu.memory_space<hbm>>
    %dma_start3A_62 = tpu.memref_slice %arg3[%add3A_61] : memref<160000xi32, #tpu.memory_space<hbm>> -> memref<80xi32, #tpu.memory_space<hbm>>
    tpu.enqueue_dma source(%dma_start3A_62 : memref<80xi32, #tpu.memory_space<hbm>>) target(%arg7 : memref<80xi32, #tpu.memory_space<vmem>>) target_semaphore(%arg16 : memref<!tpu.dma_semaphore, #tpu.memory_space<semaphore_mem>>)
    %dma_start3A_63 = tpu.memref_slice %arg4[%add3A_61] : memref<160000xi32, #tpu.memory_space<hbm>> -> memref<80xi32, #tpu.memory_space<hbm>>
    %dma_start3A_64 = tpu.memref_slice %arg4[%add3A_61] : memref<160000xi32, #tpu.memory_space<hbm>> -> memref<80xi32, #tpu.memory_space<hbm>>
    tpu.enqueue_dma source(%dma_start3A_64 : memref<80xi32, #tpu.memory_space<hbm>>) target(%arg9 : memref<80xi32, #tpu.memory_space<vmem>>) target_semaphore(%arg16 : memref<!tpu.dma_semaphore, #tpu.memory_space<semaphore_mem>>)
    %dma_start3A_65 = arith.constant 0 : i32
    %dma_start3A_66 = arith.constant 0 : i32
    %dma_start3A_67 = tpu.memref_slice %arg5[%arg0, %dma_start3A_65, %dma_start3A_66] : memref<2x160000x128xf32, #tpu.memory_space<hbm>> -> memref<1x160000x128xf32, #tpu.memory_space<hbm>>
    %dma_start3A_68 = tpu.memref_squeeze %dma_start3A_67 : memref<1x160000x128xf32, #tpu.memory_space<hbm>> -> memref<160000x128xf32, #tpu.memory_space<hbm>>
    %dma_start3A_69 = arith.constant 0 : i32
    %dma_start3A_70 = tpu.memref_slice %dma_start3A_68[%add3A_61, %dma_start3A_69] : memref<160000x128xf32, #tpu.memory_space<hbm>> -> memref<80x128xf32, #tpu.memory_space<hbm>>
    %dma_start3A_71 = arith.constant 0 : i32
    %dma_start3A_72 = arith.constant 0 : i32
    %dma_start3A_73 = tpu.memref_slice %arg5[%arg0, %dma_start3A_71, %dma_start3A_72] : memref<2x160000x128xf32, #tpu.memory_space<hbm>> -> memref<1x160000x128xf32, #tpu.memory_space<hbm>>
    %dma_start3A_74 = tpu.memref_squeeze %dma_start3A_73 : memref<1x160000x128xf32, #tpu.memory_space<hbm>> -> memref<160000x128xf32, #tpu.memory_space<hbm>>
    %dma_start3A_75 = arith.constant 0 : i32
    %dma_start3A_76 = tpu.memref_slice %dma_start3A_74[%add3A_61, %dma_start3A_75] : memref<160000x128xf32, #tpu.memory_space<hbm>> -> memref<80x128xf32, #tpu.memory_space<hbm>>
    tpu.enqueue_dma source(%dma_start3A_76 : memref<80x128xf32, #tpu.memory_space<hbm>>) target(%arg13 : memref<80x128xf32, #tpu.memory_space<vmem>>) target_semaphore(%arg16 : memref<!tpu.dma_semaphore, #tpu.memory_space<semaphore_mem>>)
    %dma_wait3A = arith.constant 0 : i32
    %dma_wait3A_77 = tpu.memref_slice %arg3[%dma_wait3A] : memref<160000xi32, #tpu.memory_space<hbm>> -> memref<80xi32, #tpu.memory_space<hbm>>
    %dma_wait3A_78 = arith.constant 0 : i32
    %dma_wait3A_79 = tpu.memref_slice %arg3[%dma_wait3A_78] : memref<160000xi32, #tpu.memory_space<hbm>> -> memref<80xi32, #tpu.memory_space<hbm>>
    tpu.wait_dma2 semaphore(%arg16 : memref<!tpu.dma_semaphore, #tpu.memory_space<semaphore_mem>>) src(%dma_wait3A_79 : memref<80xi32, #tpu.memory_space<hbm>>) dst(%arg7 : memref<80xi32, #tpu.memory_space<vmem>>)
    %dma_wait3A_80 = arith.constant 0 : i32
    %dma_wait3A_81 = tpu.memref_slice %arg4[%dma_wait3A_80] : memref<160000xi32, #tpu.memory_space<hbm>> -> memref<80xi32, #tpu.memory_space<hbm>>
    %dma_wait3A_82 = arith.constant 0 : i32
    %dma_wait3A_83 = tpu.memref_slice %arg4[%dma_wait3A_82] : memref<160000xi32, #tpu.memory_space<hbm>> -> memref<80xi32, #tpu.memory_space<hbm>>
    tpu.wait_dma2 semaphore(%arg16 : memref<!tpu.dma_semaphore, #tpu.memory_space<semaphore_mem>>) src(%dma_wait3A_83 : memref<80xi32, #tpu.memory_space<hbm>>) dst(%arg9 : memref<80xi32, #tpu.memory_space<vmem>>)
    %dma_wait3A_84 = arith.constant 0 : i32
    %dma_wait3A_85 = arith.constant 0 : i32
    %dma_wait3A_86 = tpu.memref_slice %arg5[%arg0, %dma_wait3A_84, %dma_wait3A_85] : memref<2x160000x128xf32, #tpu.memory_space<hbm>> -> memref<1x160000x128xf32, #tpu.memory_space<hbm>>
    %dma_wait3A_87 = tpu.memref_squeeze %dma_wait3A_86 : memref<1x160000x128xf32, #tpu.memory_space<hbm>> -> memref<160000x128xf32, #tpu.memory_space<hbm>>
    %dma_wait3A_88 = arith.constant 0 : i32
    %dma_wait3A_89 = arith.constant 0 : i32
    %dma_wait3A_90 = tpu.memref_slice %dma_wait3A_87[%dma_wait3A_88, %dma_wait3A_89] : memref<160000x128xf32, #tpu.memory_space<hbm>> -> memref<80x128xf32, #tpu.memory_space<hbm>>
    %dma_wait3A_91 = arith.constant 0 : i32
    %dma_wait3A_92 = arith.constant 0 : i32
    %dma_wait3A_93 = tpu.memref_slice %arg5[%arg0, %dma_wait3A_91, %dma_wait3A_92] : memref<2x160000x128xf32, #tpu.memory_space<hbm>> -> memref<1x160000x128xf32, #tpu.memory_space<hbm>>
    %dma_wait3A_94 = tpu.memref_squeeze %dma_wait3A_93 : memref<1x160000x128xf32, #tpu.memory_space<hbm>> -> memref<160000x128xf32, #tpu.memory_space<hbm>>
    %dma_wait3A_95 = arith.constant 0 : i32
    %dma_wait3A_96 = arith.constant 0 : i32
    %dma_wait3A_97 = tpu.memref_slice %dma_wait3A_94[%dma_wait3A_95, %dma_wait3A_96] : memref<160000x128xf32, #tpu.memory_space<hbm>> -> memref<80x128xf32, #tpu.memory_space<hbm>>
    tpu.wait_dma2 semaphore(%arg16 : memref<!tpu.dma_semaphore, #tpu.memory_space<semaphore_mem>>) src(%dma_wait3A_97 : memref<80x128xf32, #tpu.memory_space<hbm>>) dst(%arg13 : memref<80x128xf32, #tpu.memory_space<vmem>>)
    %dma_start3A_98 = arith.constant 0 : i32
    %dma_start3A_99 = arith.constant 0 : i32
    %dma_start3A_100 = tpu.memref_slice %arg2[%arg0, %dma_start3A_98, %dma_start3A_99] : memref<2x10000x128xf32, #tpu.memory_space<hbm>> -> memref<1x10000x128xf32, #tpu.memory_space<hbm>>
    %dma_start3A_101 = tpu.memref_squeeze %dma_start3A_100 : memref<1x10000x128xf32, #tpu.memory_space<hbm>> -> memref<10000x128xf32, #tpu.memory_space<hbm>>
    %dma_start3A_102 = arith.constant 0 : i32
    %dma_start3A_103 = arith.constant 0 : i32
    %dma_start3A_104 = tpu.memref_slice %dma_start3A_101[%dma_start3A_102, %dma_start3A_103] : memref<10000x128xf32, #tpu.memory_space<hbm>> -> memref<10000x128xf32, #tpu.memory_space<hbm>>
    tpu.enqueue_indirect_dma source(%dma_start3A_104 : memref<10000x128xf32, #tpu.memory_space<hbm>>) target(%arg11 : memref<80x128xf32, #tpu.memory_space<vmem>>) offsets(%arg7 : memref<80xi32, #tpu.memory_space<vmem>>) semaphore(%arg18 : memref<!tpu.dma_semaphore, #tpu.memory_space<semaphore_mem>>)
    %scan3A_105 = arith.constant 0 : i32
    %scan3A_106 = arith.constant 0 : i32
    %scan3A_107 = arith.constant 62 : i32
    %scan3A_108 = arith.addi %scan3A_106, %scan3A_107 : i32
    %scan3A_109 = arith.constant 1 : i32
    %scan3A_110 = scf.for %scan3A_190 = %scan3A_106 to %scan3A_108 step %scan3A_109 iter_args(%scan3A_191 = %scan3A_105) -> (i32)  : i32 {
      %mul3A_192 = arith.constant 2 : i32
      %mul3A_193 = arith.muli %mul3A_192, %scan3A_190 : i32
      %add3A_194 = arith.constant 0 : i32
      %add3A_195 = arith.addi %mul3A_193, %add3A_194 : i32
      %add3A_196 = arith.constant 1 : i32
      %add3A_197 = arith.addi %add3A_195, %add3A_196 : i32
      %mul3A_198 = arith.constant 10000 : i32
      %mul3A_199 = arith.muli %arg1, %mul3A_198 : i32
      %mul3A_200 = arith.constant 80 : i32
      %mul3A_201 = arith.muli %add3A_197, %mul3A_200 : i32
      %add3A_202 = arith.addi %mul3A_199, %mul3A_201 : i32
      %dma_start3A_203 = tpu.memref_slice %arg3[%add3A_202] : memref<160000xi32, #tpu.memory_space<hbm>> -> memref<80xi32, #tpu.memory_space<hbm>>
      %dma_start3A_204 = tpu.memref_slice %arg3[%add3A_202] : memref<160000xi32, #tpu.memory_space<hbm>> -> memref<80xi32, #tpu.memory_space<hbm>>
      tpu.enqueue_dma source(%dma_start3A_204 : memref<80xi32, #tpu.memory_space<hbm>>) target(%arg8 : memref<80xi32, #tpu.memory_space<vmem>>) target_semaphore(%arg17 : memref<!tpu.dma_semaphore, #tpu.memory_space<semaphore_mem>>)
      %dma_start3A_205 = tpu.memref_slice %arg4[%add3A_202] : memref<160000xi32, #tpu.memory_space<hbm>> -> memref<80xi32, #tpu.memory_space<hbm>>
      %dma_start3A_206 = tpu.memref_slice %arg4[%add3A_202] : memref<160000xi32, #tpu.memory_space<hbm>> -> memref<80xi32, #tpu.memory_space<hbm>>
      tpu.enqueue_dma source(%dma_start3A_206 : memref<80xi32, #tpu.memory_space<hbm>>) target(%arg10 : memref<80xi32, #tpu.memory_space<vmem>>) target_semaphore(%arg17 : memref<!tpu.dma_semaphore, #tpu.memory_space<semaphore_mem>>)
      %dma_start3A_207 = arith.constant 0 : i32
      %dma_start3A_208 = arith.constant 0 : i32
      %dma_start3A_209 = tpu.memref_slice %arg5[%arg0, %dma_start3A_207, %dma_start3A_208] : memref<2x160000x128xf32, #tpu.memory_space<hbm>> -> memref<1x160000x128xf32, #tpu.memory_space<hbm>>
      %dma_start3A_210 = tpu.memref_squeeze %dma_start3A_209 : memref<1x160000x128xf32, #tpu.memory_space<hbm>> -> memref<160000x128xf32, #tpu.memory_space<hbm>>
      %dma_start3A_211 = arith.constant 0 : i32
      %dma_start3A_212 = tpu.memref_slice %dma_start3A_210[%add3A_202, %dma_start3A_211] : memref<160000x128xf32, #tpu.memory_space<hbm>> -> memref<80x128xf32, #tpu.memory_space<hbm>>
      %dma_start3A_213 = arith.constant 0 : i32
      %dma_start3A_214 = arith.constant 0 : i32
      %dma_start3A_215 = tpu.memref_slice %arg5[%arg0, %dma_start3A_213, %dma_start3A_214] : memref<2x160000x128xf32, #tpu.memory_space<hbm>> -> memref<1x160000x128xf32, #tpu.memory_space<hbm>>
      %dma_start3A_216 = tpu.memref_squeeze %dma_start3A_215 : memref<1x160000x128xf32, #tpu.memory_space<hbm>> -> memref<160000x128xf32, #tpu.memory_space<hbm>>
      %dma_start3A_217 = arith.constant 0 : i32
      %dma_start3A_218 = tpu.memref_slice %dma_start3A_216[%add3A_202, %dma_start3A_217] : memref<160000x128xf32, #tpu.memory_space<hbm>> -> memref<80x128xf32, #tpu.memory_space<hbm>>
      tpu.enqueue_dma source(%dma_start3A_218 : memref<80x128xf32, #tpu.memory_space<hbm>>) target(%arg14 : memref<80x128xf32, #tpu.memory_space<vmem>>) target_semaphore(%arg17 : memref<!tpu.dma_semaphore, #tpu.memory_space<semaphore_mem>>)
      %dma_wait3A_219 = arith.constant 0 : i32
      %dma_wait3A_220 = arith.constant 0 : i32
      %dma_wait3A_221 = tpu.memref_slice %arg2[%arg0, %dma_wait3A_219, %dma_wait3A_220] : memref<2x10000x128xf32, #tpu.memory_space<hbm>> -> memref<1x10000x128xf32, #tpu.memory_space<hbm>>
      %dma_wait3A_222 = tpu.memref_squeeze %dma_wait3A_221 : memref<1x10000x128xf32, #tpu.memory_space<hbm>> -> memref<10000x128xf32, #tpu.memory_space<hbm>>
      %dma_wait3A_223 = arith.constant 0 : i32
      %dma_wait3A_224 = arith.constant 0 : i32
      %dma_wait3A_225 = tpu.memref_slice %dma_wait3A_222[%dma_wait3A_223, %dma_wait3A_224] : memref<10000x128xf32, #tpu.memory_space<hbm>> -> memref<80x128xf32, #tpu.memory_space<hbm>>
      %dma_wait3A_226 = arith.constant 0 : i32
      %dma_wait3A_227 = arith.constant 0 : i32
      %dma_wait3A_228 = tpu.memref_slice %arg2[%arg0, %dma_wait3A_226, %dma_wait3A_227] : memref<2x10000x128xf32, #tpu.memory_space<hbm>> -> memref<1x10000x128xf32, #tpu.memory_space<hbm>>
      %dma_wait3A_229 = tpu.memref_squeeze %dma_wait3A_228 : memref<1x10000x128xf32, #tpu.memory_space<hbm>> -> memref<10000x128xf32, #tpu.memory_space<hbm>>
      %dma_wait3A_230 = arith.constant 0 : i32
      %dma_wait3A_231 = arith.constant 0 : i32
      %dma_wait3A_232 = tpu.memref_slice %dma_wait3A_229[%dma_wait3A_230, %dma_wait3A_231] : memref<10000x128xf32, #tpu.memory_space<hbm>> -> memref<80x128xf32, #tpu.memory_space<hbm>>
      tpu.wait_dma2 semaphore(%arg18 : memref<!tpu.dma_semaphore, #tpu.memory_space<semaphore_mem>>) src(%dma_wait3A_232 : memref<80x128xf32, #tpu.memory_space<hbm>>) dst(%arg11 : memref<80x128xf32, #tpu.memory_space<vmem>>)
      %scan3A_233 = arith.constant 0 : i32
      %scan3A_234 = arith.constant 0 : i32
      %scan3A_235 = arith.constant 40 : i32
      %scan3A_236 = arith.addi %scan3A_234, %scan3A_235 : i32
      %scan3A_237 = arith.constant 1 : i32
      %scan3A_238 = scf.for %scan3A_361 = %scan3A_234 to %scan3A_236 step %scan3A_237 iter_args(%scan3A_362 = %scan3A_233) -> (i32)  : i32 {
        %get3A = arith.index_cast %scan3A_361 : i32 to index
        %get3A_363 = arith.constant 0 : index
        %get3A_364 = tpu.vector_load %arg13[%get3A, %get3A_363] {strides = array<i32>} : memref<80x128xf32, #tpu.memory_space<vmem>>, vector<1x16xf32>,
        %get3A_365 = vector.shape_cast %get3A_364 : vector<1x16xf32> to vector<16xf32>
        %get3A_366 = arith.index_cast %scan3A_361 : i32 to index
        %get3A_367 = arith.constant 0 : index
        %get3A_368 = tpu.vector_load %arg11[%get3A_366, %get3A_367] {strides = array<i32>} : memref<80x128xf32, #tpu.memory_space<vmem>>, vector<1x16xf32>,
        %get3A_369 = vector.shape_cast %get3A_368 : vector<1x16xf32> to vector<16xf32>
        %add3A_370 = arith.addf %get3A_365, %get3A_369 : vector<16xf32>
        %max3A = arith.constant 0.000000e+00 : f32
        %max3A_371 = vector.broadcast %max3A : f32 to vector<16xf32>
        %max3A_372 = arith.maximumf %add3A_370, %max3A_371 : vector<16xf32>
        %swap3A = arith.index_cast %scan3A_361 : i32 to index
        %swap3A_373 = arith.constant 0 : index
        %swap3A_374 = tpu.vector_load %arg13[%swap3A, %swap3A_373] {strides = array<i32>} : memref<80x128xf32, #tpu.memory_space<vmem>>, vector<1x16xf32>,
        %swap3A_375 = vector.shape_cast %swap3A_374 : vector<1x16xf32> to vector<16xf32>
        %swap3A_376 = vector.shape_cast %max3A_372 : vector<16xf32> to vector<1x16xf32>
        tpu.vector_store %arg13[%swap3A, %swap3A_373], %swap3A_376 {strides = array<i32>} : memref<80x128xf32, #tpu.memory_space<vmem>>, vector<1x16xf32>,
        %get3A_377 = arith.index_cast %scan3A_361 : i32 to index
        %get3A_378 = arith.constant 16 : index
        %get3A_379 = tpu.vector_load %arg13[%get3A_377, %get3A_378] {strides = array<i32>} : memref<80x128xf32, #tpu.memory_space<vmem>>, vector<1x16xf32>,
        %get3A_380 = vector.shape_cast %get3A_379 : vector<1x16xf32> to vector<16xf32>
        %get3A_381 = arith.index_cast %scan3A_361 : i32 to index
        %get3A_382 = arith.constant 16 : index
        %get3A_383 = tpu.vector_load %arg11[%get3A_381, %get3A_382] {strides = array<i32>} : memref<80x128xf32, #tpu.memory_space<vmem>>, vector<1x16xf32>,
        %get3A_384 = vector.shape_cast %get3A_383 : vector<1x16xf32> to vector<16xf32>
        %add3A_385 = arith.addf %get3A_380, %get3A_384 : vector<16xf32>
        %max3A_386 = arith.constant 0.000000e+00 : f32
        %max3A_387 = vector.broadcast %max3A_386 : f32 to vector<16xf32>
        %max3A_388 = arith.maximumf %add3A_385, %max3A_387 : vector<16xf32>
        %swap3A_389 = arith.index_cast %scan3A_361 : i32 to index
        %swap3A_390 = arith.constant 16 : index
        %swap3A_391 = tpu.vector_load %arg13[%swap3A_389, %swap3A_390] {strides = array<i32>} : memref<80x128xf32, #tpu.memory_space<vmem>>, vector<1x16xf32>,
        %swap3A_392 = vector.shape_cast %swap3A_391 : vector<1x16xf32> to vector<16xf32>
        %swap3A_393 = vector.shape_cast %max3A_388 : vector<16xf32> to vector<1x16xf32>
        tpu.vector_store %arg13[%swap3A_389, %swap3A_390], %swap3A_393 {strides = array<i32>} : memref<80x128xf32, #tpu.memory_space<vmem>>, vector<1x16xf32>,
        %get3A_394 = arith.index_cast %scan3A_361 : i32 to index
        %get3A_395 = arith.constant 32 : index
        %get3A_396 = tpu.vector_load %arg13[%get3A_394, %get3A_395] {strides = array<i32>} : memref<80x128xf32, #tpu.memory_space<vmem>>, vector<1x16xf32>,
        %get3A_397 = vector.shape_cast %get3A_396 : vector<1x16xf32> to vector<16xf32>
        %get3A_398 = arith.index_cast %scan3A_361 : i32 to index
        %get3A_399 = arith.constant 32 : index
        %get3A_400 = tpu.vector_load %arg11[%get3A_398, %get3A_399] {strides = array<i32>} : memref<80x128xf32, #tpu.memory_space<vmem>>, vector<1x16xf32>,
        %get3A_401 = vector.shape_cast %get3A_400 : vector<1x16xf32> to vector<16xf32>
        %add3A_402 = arith.addf %get3A_397, %get3A_401 : vector<16xf32>
        %max3A_403 = arith.constant 0.000000e+00 : f32
        %max3A_404 = vector.broadcast %max3A_403 : f32 to vector<16xf32>
        %max3A_405 = arith.maximumf %add3A_402, %max3A_404 : vector<16xf32>
        %swap3A_406 = arith.index_cast %scan3A_361 : i32 to index
        %swap3A_407 = arith.constant 32 : index
        %swap3A_408 = tpu.vector_load %arg13[%swap3A_406, %swap3A_407] {strides = array<i32>} : memref<80x128xf32, #tpu.memory_space<vmem>>, vector<1x16xf32>,
        %swap3A_409 = vector.shape_cast %swap3A_408 : vector<1x16xf32> to vector<16xf32>
        %swap3A_410 = vector.shape_cast %max3A_405 : vector<16xf32> to vector<1x16xf32>
        tpu.vector_store %arg13[%swap3A_406, %swap3A_407], %swap3A_410 {strides = array<i32>} : memref<80x128xf32, #tpu.memory_space<vmem>>, vector<1x16xf32>,
        %get3A_411 = arith.index_cast %scan3A_361 : i32 to index
        %get3A_412 = arith.constant 48 : index
        %get3A_413 = tpu.vector_load %arg13[%get3A_411, %get3A_412] {strides = array<i32>} : memref<80x128xf32, #tpu.memory_space<vmem>>, vector<1x16xf32>,
        %get3A_414 = vector.shape_cast %get3A_413 : vector<1x16xf32> to vector<16xf32>
        %get3A_415 = arith.index_cast %scan3A_361 : i32 to index
        %get3A_416 = arith.constant 48 : index
        %get3A_417 = tpu.vector_load %arg11[%get3A_415, %get3A_416] {strides = array<i32>} : memref<80x128xf32, #tpu.memory_space<vmem>>, vector<1x16xf32>,
        %get3A_418 = vector.shape_cast %get3A_417 : vector<1x16xf32> to vector<16xf32>
        %add3A_419 = arith.addf %get3A_414, %get3A_418 : vector<16xf32>
        %max3A_420 = arith.constant 0.000000e+00 : f32
        %max3A_421 = vector.broadcast %max3A_420 : f32 to vector<16xf32>
        %max3A_422 = arith.maximumf %add3A_419, %max3A_421 : vector<16xf32>
        %swap3A_423 = arith.index_cast %scan3A_361 : i32 to index
        %swap3A_424 = arith.constant 48 : index
        %swap3A_425 = tpu.vector_load %arg13[%swap3A_423, %swap3A_424] {strides = array<i32>} : memref<80x128xf32, #tpu.memory_space<vmem>>, vector<1x16xf32>,
        %swap3A_426 = vector.shape_cast %swap3A_425 : vector<1x16xf32> to vector<16xf32>
        %swap3A_427 = vector.shape_cast %max3A_422 : vector<16xf32> to vector<1x16xf32>
        tpu.vector_store %arg13[%swap3A_423, %swap3A_424], %swap3A_427 {strides = array<i32>} : memref<80x128xf32, #tpu.memory_space<vmem>>, vector<1x16xf32>,
        %get3A_428 = arith.index_cast %scan3A_361 : i32 to index
        %get3A_429 = arith.constant 64 : index
        %get3A_430 = tpu.vector_load %arg13[%get3A_428, %get3A_429] {strides = array<i32>} : memref<80x128xf32, #tpu.memory_space<vmem>>, vector<1x16xf32>,
        %get3A_431 = vector.shape_cast %get3A_430 : vector<1x16xf32> to vector<16xf32>
        %get3A_432 = arith.index_cast %scan3A_361 : i32 to index
        %get3A_433 = arith.constant 64 : index
        %get3A_434 = tpu.vector_load %arg11[%get3A_432, %get3A_433] {strides = array<i32>} : memref<80x128xf32, #tpu.memory_space<vmem>>, vector<1x16xf32>,
        %get3A_435 = vector.shape_cast %get3A_434 : vector<1x16xf32> to vector<16xf32>
        %add3A_436 = arith.addf %get3A_431, %get3A_435 : vector<16xf32>
        %max3A_437 = arith.constant 0.000000e+00 : f32
        %max3A_438 = vector.broadcast %max3A_437 : f32 to vector<16xf32>
        %max3A_439 = arith.maximumf %add3A_436, %max3A_438 : vector<16xf32>
        %swap3A_440 = arith.index_cast %scan3A_361 : i32 to index
        %swap3A_441 = arith.constant 64 : index
        %swap3A_442 = tpu.vector_load %arg13[%swap3A_440, %swap3A_441] {strides = array<i32>} : memref<80x128xf32, #tpu.memory_space<vmem>>, vector<1x16xf32>,
        %swap3A_443 = vector.shape_cast %swap3A_442 : vector<1x16xf32> to vector<16xf32>
        %swap3A_444 = vector.shape_cast %max3A_439 : vector<16xf32> to vector<1x16xf32>
        tpu.vector_store %arg13[%swap3A_440, %swap3A_441], %swap3A_444 {strides = array<i32>} : memref<80x128xf32, #tpu.memory_space<vmem>>, vector<1x16xf32>,
        %get3A_445 = arith.index_cast %scan3A_361 : i32 to index
        %get3A_446 = arith.constant 80 : index
        %get3A_447 = tpu.vector_load %arg13[%get3A_445, %get3A_446] {strides = array<i32>} : memref<80x128xf32, #tpu.memory_space<vmem>>, vector<1x16xf32>,
        %get3A_448 = vector.shape_cast %get3A_447 : vector<1x16xf32> to vector<16xf32>
        %get3A_449 = arith.index_cast %scan3A_361 : i32 to index
        %get3A_450 = arith.constant 80 : index
        %get3A_451 = tpu.vector_load %arg11[%get3A_449, %get3A_450] {strides = array<i32>} : memref<80x128xf32, #tpu.memory_space<vmem>>, vector<1x16xf32>,
        %get3A_452 = vector.shape_cast %get3A_451 : vector<1x16xf32> to vector<16xf32>
        %add3A_453 = arith.addf %get3A_448, %get3A_452 : vector<16xf32>
        %max3A_454 = arith.constant 0.000000e+00 : f32
        %max3A_455 = vector.broadcast %max3A_454 : f32 to vector<16xf32>
        %max3A_456 = arith.maximumf %add3A_453, %max3A_455 : vector<16xf32>
        %swap3A_457 = arith.index_cast %scan3A_361 : i32 to index
        %swap3A_458 = arith.constant 80 : index
        %swap3A_459 = tpu.vector_load %arg13[%swap3A_457, %swap3A_458] {strides = array<i32>} : memref<80x128xf32, #tpu.memory_space<vmem>>, vector<1x16xf32>,
        %swap3A_460 = vector.shape_cast %swap3A_459 : vector<1x16xf32> to vector<16xf32>
        %swap3A_461 = vector.shape_cast %max3A_456 : vector<16xf32> to vector<1x16xf32>
        tpu.vector_store %arg13[%swap3A_457, %swap3A_458], %swap3A_461 {strides = array<i32>} : memref<80x128xf32, #tpu.memory_space<vmem>>, vector<1x16xf32>,
        %get3A_462 = arith.index_cast %scan3A_361 : i32 to index
        %get3A_463 = arith.constant 96 : index
        %get3A_464 = tpu.vector_load %arg13[%get3A_462, %get3A_463] {strides = array<i32>} : memref<80x128xf32, #tpu.memory_space<vmem>>, vector<1x16xf32>,
        %get3A_465 = vector.shape_cast %get3A_464 : vector<1x16xf32> to vector<16xf32>
        %get3A_466 = arith.index_cast %scan3A_361 : i32 to index
        %get3A_467 = arith.constant 96 : index
        %get3A_468 = tpu.vector_load %arg11[%get3A_466, %get3A_467] {strides = array<i32>} : memref<80x128xf32, #tpu.memory_space<vmem>>, vector<1x16xf32>,
        %get3A_469 = vector.shape_cast %get3A_468 : vector<1x16xf32> to vector<16xf32>
        %add3A_470 = arith.addf %get3A_465, %get3A_469 : vector<16xf32>
        %max3A_471 = arith.constant 0.000000e+00 : f32
        %max3A_472 = vector.broadcast %max3A_471 : f32 to vector<16xf32>
        %max3A_473 = arith.maximumf %add3A_470, %max3A_472 : vector<16xf32>
        %swap3A_474 = arith.index_cast %scan3A_361 : i32 to index
        %swap3A_475 = arith.constant 96 : index
        %swap3A_476 = tpu.vector_load %arg13[%swap3A_474, %swap3A_475] {strides = array<i32>} : memref<80x128xf32, #tpu.memory_space<vmem>>, vector<1x16xf32>,
        %swap3A_477 = vector.shape_cast %swap3A_476 : vector<1x16xf32> to vector<16xf32>
        %swap3A_478 = vector.shape_cast %max3A_473 : vector<16xf32> to vector<1x16xf32>
        tpu.vector_store %arg13[%swap3A_474, %swap3A_475], %swap3A_478 {strides = array<i32>} : memref<80x128xf32, #tpu.memory_space<vmem>>, vector<1x16xf32>,
        %get3A_479 = arith.index_cast %scan3A_361 : i32 to index
        %get3A_480 = arith.constant 112 : index
        %get3A_481 = tpu.vector_load %arg13[%get3A_479, %get3A_480] {strides = array<i32>} : memref<80x128xf32, #tpu.memory_space<vmem>>, vector<1x16xf32>,
        %get3A_482 = vector.shape_cast %get3A_481 : vector<1x16xf32> to vector<16xf32>
        %get3A_483 = arith.index_cast %scan3A_361 : i32 to index
        %get3A_484 = arith.constant 112 : index
        %get3A_485 = tpu.vector_load %arg11[%get3A_483, %get3A_484] {strides = array<i32>} : memref<80x128xf32, #tpu.memory_space<vmem>>, vector<1x16xf32>,
        %get3A_486 = vector.shape_cast %get3A_485 : vector<1x16xf32> to vector<16xf32>
        %add3A_487 = arith.addf %get3A_482, %get3A_486 : vector<16xf32>
        %max3A_488 = arith.constant 0.000000e+00 : f32
        %max3A_489 = vector.broadcast %max3A_488 : f32 to vector<16xf32>
        %max3A_490 = arith.maximumf %add3A_487, %max3A_489 : vector<16xf32>
        %swap3A_491 = arith.index_cast %scan3A_361 : i32 to index
        %swap3A_492 = arith.constant 112 : index
        %swap3A_493 = tpu.vector_load %arg13[%swap3A_491, %swap3A_492] {strides = array<i32>} : memref<80x128xf32, #tpu.memory_space<vmem>>, vector<1x16xf32>,
        %swap3A_494 = vector.shape_cast %swap3A_493 : vector<1x16xf32> to vector<16xf32>
        %swap3A_495 = vector.shape_cast %max3A_490 : vector<16xf32> to vector<1x16xf32>
        tpu.vector_store %arg13[%swap3A_491, %swap3A_492], %swap3A_495 {strides = array<i32>} : memref<80x128xf32, #tpu.memory_space<vmem>>, vector<1x16xf32>,
        %scan3A_496 = arith.constant 0 : i32
        scf.yield %scan3A_496 : i32
      }
      %scan3A_239 = arith.constant 40 : i32
      %dma_wait3A_240 = arith.constant 0 : i32
      %dma_wait3A_241 = tpu.memref_slice %arg3[%dma_wait3A_240] : memref<160000xi32, #tpu.memory_space<hbm>> -> memref<80xi32, #tpu.memory_space<hbm>>
      %dma_wait3A_242 = arith.constant 0 : i32
      %dma_wait3A_243 = tpu.memref_slice %arg3[%dma_wait3A_242] : memref<160000xi32, #tpu.memory_space<hbm>> -> memref<80xi32, #tpu.memory_space<hbm>>
      tpu.wait_dma2 semaphore(%arg17 : memref<!tpu.dma_semaphore, #tpu.memory_space<semaphore_mem>>) src(%dma_wait3A_243 : memref<80xi32, #tpu.memory_space<hbm>>) dst(%arg8 : memref<80xi32, #tpu.memory_space<vmem>>)
      %dma_wait3A_244 = arith.constant 0 : i32
      %dma_wait3A_245 = tpu.memref_slice %arg4[%dma_wait3A_244] : memref<160000xi32, #tpu.memory_space<hbm>> -> memref<80xi32, #tpu.memory_space<hbm>>
      %dma_wait3A_246 = arith.constant 0 : i32
      %dma_wait3A_247 = tpu.memref_slice %arg4[%dma_wait3A_246] : memref<160000xi32, #tpu.memory_space<hbm>> -> memref<80xi32, #tpu.memory_space<hbm>>
      tpu.wait_dma2 semaphore(%arg17 : memref<!tpu.dma_semaphore, #tpu.memory_space<semaphore_mem>>) src(%dma_wait3A_247 : memref<80xi32, #tpu.memory_space<hbm>>) dst(%arg10 : memref<80xi32, #tpu.memory_space<vmem>>)
      %dma_wait3A_248 = arith.constant 0 : i32
      %dma_wait3A_249 = arith.constant 0 : i32
      %dma_wait3A_250 = tpu.memref_slice %arg5[%arg0, %dma_wait3A_248, %dma_wait3A_249] : memref<2x160000x128xf32, #tpu.memory_space<hbm>> -> memref<1x160000x128xf32, #tpu.memory_space<hbm>>
      %dma_wait3A_251 = tpu.memref_squeeze %dma_wait3A_250 : memref<1x160000x128xf32, #tpu.memory_space<hbm>> -> memref<160000x128xf32, #tpu.memory_space<hbm>>
      %dma_wait3A_252 = arith.constant 0 : i32
      %dma_wait3A_253 = arith.constant 0 : i32
      %dma_wait3A_254 = tpu.memref_slice %dma_wait3A_251[%dma_wait3A_252, %dma_wait3A_253] : memref<160000x128xf32, #tpu.memory_space<hbm>> -> memref<80x128xf32, #tpu.memory_space<hbm>>
      %dma_wait3A_255 = arith.constant 0 : i32
      %dma_wait3A_256 = arith.constant 0 : i32
      %dma_wait3A_257 = tpu.memref_slice %arg5[%arg0, %dma_wait3A_255, %dma_wait3A_256] : memref<2x160000x128xf32, #tpu.memory_space<hbm>> -> memref<1x160000x128xf32, #tpu.memory_space<hbm>>
      %dma_wait3A_258 = tpu.memref_squeeze %dma_wait3A_257 : memref<1x160000x128xf32, #tpu.memory_space<hbm>> -> memref<160000x128xf32, #tpu.memory_space<hbm>>
      %dma_wait3A_259 = arith.constant 0 : i32
      %dma_wait3A_260 = arith.constant 0 : i32
      %dma_wait3A_261 = tpu.memref_slice %dma_wait3A_258[%dma_wait3A_259, %dma_wait3A_260] : memref<160000x128xf32, #tpu.memory_space<hbm>> -> memref<80x128xf32, #tpu.memory_space<hbm>>
      tpu.wait_dma2 semaphore(%arg17 : memref<!tpu.dma_semaphore, #tpu.memory_space<semaphore_mem>>) src(%dma_wait3A_261 : memref<80x128xf32, #tpu.memory_space<hbm>>) dst(%arg14 : memref<80x128xf32, #tpu.memory_space<vmem>>)
      %dma_start3A_262 = arith.constant 0 : i32
      %dma_start3A_263 = arith.constant 0 : i32
      %dma_start3A_264 = tpu.memref_slice %arg2[%arg0, %dma_start3A_262, %dma_start3A_263] : memref<2x10000x128xf32, #tpu.memory_space<hbm>> -> memref<1x10000x128xf32, #tpu.memory_space<hbm>>
      %dma_start3A_265 = tpu.memref_squeeze %dma_start3A_264 : memref<1x10000x128xf32, #tpu.memory_space<hbm>> -> memref<10000x128xf32, #tpu.memory_space<hbm>>
      %dma_start3A_266 = arith.constant 0 : i32
      %dma_start3A_267 = arith.constant 0 : i32
      %dma_start3A_268 = tpu.memref_slice %dma_start3A_265[%dma_start3A_266, %dma_start3A_267] : memref<10000x128xf32, #tpu.memory_space<hbm>> -> memref<10000x128xf32, #tpu.memory_space<hbm>>
      tpu.enqueue_indirect_dma source(%dma_start3A_268 : memref<10000x128xf32, #tpu.memory_space<hbm>>) target(%arg12 : memref<80x128xf32, #tpu.memory_space<vmem>>) offsets(%arg8 : memref<80xi32, #tpu.memory_space<vmem>>) semaphore(%arg19 : memref<!tpu.dma_semaphore, #tpu.memory_space<semaphore_mem>>)
      %scan3A_269 = arith.constant 0 : i32
      %scan3A_270 = arith.constant 40 : i32
      %scan3A_271 = arith.constant 40 : i32
      %scan3A_272 = arith.addi %scan3A_270, %scan3A_271 : i32
      %scan3A_273 = arith.constant 1 : i32
      %scan3A_274 = scf.for %scan3A_361 = %scan3A_270 to %scan3A_272 step %scan3A_273 iter_args(%scan3A_362 = %scan3A_269) -> (i32)  : i32 {
        %get3A = arith.index_cast %scan3A_361 : i32 to index
        %get3A_363 = arith.constant 0 : index
        %get3A_364 = tpu.vector_load %arg13[%get3A, %get3A_363] {strides = array<i32>} : memref<80x128xf32, #tpu.memory_space<vmem>>, vector<1x16xf32>,
        %get3A_365 = vector.shape_cast %get3A_364 : vector<1x16xf32> to vector<16xf32>
        %get3A_366 = arith.index_cast %scan3A_361 : i32 to index
        %get3A_367 = arith.constant 0 : index
        %get3A_368 = tpu.vector_load %arg11[%get3A_366, %get3A_367] {strides = array<i32>} : memref<80x128xf32, #tpu.memory_space<vmem>>, vector<1x16xf32>,
        %get3A_369 = vector.shape_cast %get3A_368 : vector<1x16xf32> to vector<16xf32>
        %add3A_370 = arith.addf %get3A_365, %get3A_369 : vector<16xf32>
        %max3A = arith.constant 0.000000e+00 : f32
        %max3A_371 = vector.broadcast %max3A : f32 to vector<16xf32>
        %max3A_372 = arith.maximumf %add3A_370, %max3A_371 : vector<16xf32>
        %swap3A = arith.index_cast %scan3A_361 : i32 to index
        %swap3A_373 = arith.constant 0 : index
        %swap3A_374 = tpu.vector_load %arg13[%swap3A, %swap3A_373] {strides = array<i32>} : memref<80x128xf32, #tpu.memory_space<vmem>>, vector<1x16xf32>,
        %swap3A_375 = vector.shape_cast %swap3A_374 : vector<1x16xf32> to vector<16xf32>
        %swap3A_376 = vector.shape_cast %max3A_372 : vector<16xf32> to vector<1x16xf32>
        tpu.vector_store %arg13[%swap3A, %swap3A_373], %swap3A_376 {strides = array<i32>} : memref<80x128xf32, #tpu.memory_space<vmem>>, vector<1x16xf32>,
        %get3A_377 = arith.index_cast %scan3A_361 : i32 to index
        %get3A_378 = arith.constant 16 : index
        %get3A_379 = tpu.vector_load %arg13[%get3A_377, %get3A_378] {strides = array<i32>} : memref<80x128xf32, #tpu.memory_space<vmem>>, vector<1x16xf32>,
        %get3A_380 = vector.shape_cast %get3A_379 : vector<1x16xf32> to vector<16xf32>
        %get3A_381 = arith.index_cast %scan3A_361 : i32 to index
        %get3A_382 = arith.constant 16 : index
        %get3A_383 = tpu.vector_load %arg11[%get3A_381, %get3A_382] {strides = array<i32>} : memref<80x128xf32, #tpu.memory_space<vmem>>, vector<1x16xf32>,
        %get3A_384 = vector.shape_cast %get3A_383 : vector<1x16xf32> to vector<16xf32>
        %add3A_385 = arith.addf %get3A_380, %get3A_384 : vector<16xf32>
        %max3A_386 = arith.constant 0.000000e+00 : f32
        %max3A_387 = vector.broadcast %max3A_386 : f32 to vector<16xf32>
        %max3A_388 = arith.maximumf %add3A_385, %max3A_387 : vector<16xf32>
        %swap3A_389 = arith.index_cast %scan3A_361 : i32 to index
        %swap3A_390 = arith.constant 16 : index
        %swap3A_391 = tpu.vector_load %arg13[%swap3A_389, %swap3A_390] {strides = array<i32>} : memref<80x128xf32, #tpu.memory_space<vmem>>, vector<1x16xf32>,
        %swap3A_392 = vector.shape_cast %swap3A_391 : vector<1x16xf32> to vector<16xf32>
        %swap3A_393 = vector.shape_cast %max3A_388 : vector<16xf32> to vector<1x16xf32>
        tpu.vector_store %arg13[%swap3A_389, %swap3A_390], %swap3A_393 {strides = array<i32>} : memref<80x128xf32, #tpu.memory_space<vmem>>, vector<1x16xf32>,
        %get3A_394 = arith.index_cast %scan3A_361 : i32 to index
        %get3A_395 = arith.constant 32 : index
        %get3A_396 = tpu.vector_load %arg13[%get3A_394, %get3A_395] {strides = array<i32>} : memref<80x128xf32, #tpu.memory_space<vmem>>, vector<1x16xf32>,
        %get3A_397 = vector.shape_cast %get3A_396 : vector<1x16xf32> to vector<16xf32>
        %get3A_398 = arith.index_cast %scan3A_361 : i32 to index
        %get3A_399 = arith.constant 32 : index
        %get3A_400 = tpu.vector_load %arg11[%get3A_398, %get3A_399] {strides = array<i32>} : memref<80x128xf32, #tpu.memory_space<vmem>>, vector<1x16xf32>,
        %get3A_401 = vector.shape_cast %get3A_400 : vector<1x16xf32> to vector<16xf32>
        %add3A_402 = arith.addf %get3A_397, %get3A_401 : vector<16xf32>
        %max3A_403 = arith.constant 0.000000e+00 : f32
        %max3A_404 = vector.broadcast %max3A_403 : f32 to vector<16xf32>
        %max3A_405 = arith.maximumf %add3A_402, %max3A_404 : vector<16xf32>
        %swap3A_406 = arith.index_cast %scan3A_361 : i32 to index
        %swap3A_407 = arith.constant 32 : index
        %swap3A_408 = tpu.vector_load %arg13[%swap3A_406, %swap3A_407] {strides = array<i32>} : memref<80x128xf32, #tpu.memory_space<vmem>>, vector<1x16xf32>,
        %swap3A_409 = vector.shape_cast %swap3A_408 : vector<1x16xf32> to vector<16xf32>
        %swap3A_410 = vector.shape_cast %max3A_405 : vector<16xf32> to vector<1x16xf32>
        tpu.vector_store %arg13[%swap3A_406, %swap3A_407], %swap3A_410 {strides = array<i32>} : memref<80x128xf32, #tpu.memory_space<vmem>>, vector<1x16xf32>,
        %get3A_411 = arith.index_cast %scan3A_361 : i32 to index
        %get3A_412 = arith.constant 48 : index
        %get3A_413 = tpu.vector_load %arg13[%get3A_411, %get3A_412] {strides = array<i32>} : memref<80x128xf32, #tpu.memory_space<vmem>>, vector<1x16xf32>,
        %get3A_414 = vector.shape_cast %get3A_413 : vector<1x16xf32> to vector<16xf32>
        %get3A_415 = arith.index_cast %scan3A_361 : i32 to index
        %get3A_416 = arith.constant 48 : index
        %get3A_417 = tpu.vector_load %arg11[%get3A_415, %get3A_416] {strides = array<i32>} : memref<80x128xf32, #tpu.memory_space<vmem>>, vector<1x16xf32>,
        %get3A_418 = vector.shape_cast %get3A_417 : vector<1x16xf32> to vector<16xf32>
        %add3A_419 = arith.addf %get3A_414, %get3A_418 : vector<16xf32>
        %max3A_420 = arith.constant 0.000000e+00 : f32
        %max3A_421 = vector.broadcast %max3A_420 : f32 to vector<16xf32>
        %max3A_422 = arith.maximumf %add3A_419, %max3A_421 : vector<16xf32>
        %swap3A_423 = arith.index_cast %scan3A_361 : i32 to index
        %swap3A_424 = arith.constant 48 : index
        %swap3A_425 = tpu.vector_load %arg13[%swap3A_423, %swap3A_424] {strides = array<i32>} : memref<80x128xf32, #tpu.memory_space<vmem>>, vector<1x16xf32>,
        %swap3A_426 = vector.shape_cast %swap3A_425 : vector<1x16xf32> to vector<16xf32>
        %swap3A_427 = vector.shape_cast %max3A_422 : vector<16xf32> to vector<1x16xf32>
        tpu.vector_store %arg13[%swap3A_423, %swap3A_424], %swap3A_427 {strides = array<i32>} : memref<80x128xf32, #tpu.memory_space<vmem>>, vector<1x16xf32>,
        %get3A_428 = arith.index_cast %scan3A_361 : i32 to index
        %get3A_429 = arith.constant 64 : index
        %get3A_430 = tpu.vector_load %arg13[%get3A_428, %get3A_429] {strides = array<i32>} : memref<80x128xf32, #tpu.memory_space<vmem>>, vector<1x16xf32>,
        %get3A_431 = vector.shape_cast %get3A_430 : vector<1x16xf32> to vector<16xf32>
        %get3A_432 = arith.index_cast %scan3A_361 : i32 to index
        %get3A_433 = arith.constant 64 : index
        %get3A_434 = tpu.vector_load %arg11[%get3A_432, %get3A_433] {strides = array<i32>} : memref<80x128xf32, #tpu.memory_space<vmem>>, vector<1x16xf32>,
        %get3A_435 = vector.shape_cast %get3A_434 : vector<1x16xf32> to vector<16xf32>
        %add3A_436 = arith.addf %get3A_431, %get3A_435 : vector<16xf32>
        %max3A_437 = arith.constant 0.000000e+00 : f32
        %max3A_438 = vector.broadcast %max3A_437 : f32 to vector<16xf32>
        %max3A_439 = arith.maximumf %add3A_436, %max3A_438 : vector<16xf32>
        %swap3A_440 = arith.index_cast %scan3A_361 : i32 to index
        %swap3A_441 = arith.constant 64 : index
        %swap3A_442 = tpu.vector_load %arg13[%swap3A_440, %swap3A_441] {strides = array<i32>} : memref<80x128xf32, #tpu.memory_space<vmem>>, vector<1x16xf32>,
        %swap3A_443 = vector.shape_cast %swap3A_442 : vector<1x16xf32> to vector<16xf32>
        %swap3A_444 = vector.shape_cast %max3A_439 : vector<16xf32> to vector<1x16xf32>
        tpu.vector_store %arg13[%swap3A_440, %swap3A_441], %swap3A_444 {strides = array<i32>} : memref<80x128xf32, #tpu.memory_space<vmem>>, vector<1x16xf32>,
        %get3A_445 = arith.index_cast %scan3A_361 : i32 to index
        %get3A_446 = arith.constant 80 : index
        %get3A_447 = tpu.vector_load %arg13[%get3A_445, %get3A_446] {strides = array<i32>} : memref<80x128xf32, #tpu.memory_space<vmem>>, vector<1x16xf32>,
        %get3A_448 = vector.shape_cast %get3A_447 : vector<1x16xf32> to vector<16xf32>
        %get3A_449 = arith.index_cast %scan3A_361 : i32 to index
        %get3A_450 = arith.constant 80 : index
        %get3A_451 = tpu.vector_load %arg11[%get3A_449, %get3A_450] {strides = array<i32>} : memref<80x128xf32, #tpu.memory_space<vmem>>, vector<1x16xf32>,
        %get3A_452 = vector.shape_cast %get3A_451 : vector<1x16xf32> to vector<16xf32>
        %add3A_453 = arith.addf %get3A_448, %get3A_452 : vector<16xf32>
        %max3A_454 = arith.constant 0.000000e+00 : f32
        %max3A_455 = vector.broadcast %max3A_454 : f32 to vector<16xf32>
        %max3A_456 = arith.maximumf %add3A_453, %max3A_455 : vector<16xf32>
        %swap3A_457 = arith.index_cast %scan3A_361 : i32 to index
        %swap3A_458 = arith.constant 80 : index
        %swap3A_459 = tpu.vector_load %arg13[%swap3A_457, %swap3A_458] {strides = array<i32>} : memref<80x128xf32, #tpu.memory_space<vmem>>, vector<1x16xf32>,
        %swap3A_460 = vector.shape_cast %swap3A_459 : vector<1x16xf32> to vector<16xf32>
        %swap3A_461 = vector.shape_cast %max3A_456 : vector<16xf32> to vector<1x16xf32>
        tpu.vector_store %arg13[%swap3A_457, %swap3A_458], %swap3A_461 {strides = array<i32>} : memref<80x128xf32, #tpu.memory_space<vmem>>, vector<1x16xf32>,
        %get3A_462 = arith.index_cast %scan3A_361 : i32 to index
        %get3A_463 = arith.constant 96 : index
        %get3A_464 = tpu.vector_load %arg13[%get3A_462, %get3A_463] {strides = array<i32>} : memref<80x128xf32, #tpu.memory_space<vmem>>, vector<1x16xf32>,
        %get3A_465 = vector.shape_cast %get3A_464 : vector<1x16xf32> to vector<16xf32>
        %get3A_466 = arith.index_cast %scan3A_361 : i32 to index
        %get3A_467 = arith.constant 96 : index
        %get3A_468 = tpu.vector_load %arg11[%get3A_466, %get3A_467] {strides = array<i32>} : memref<80x128xf32, #tpu.memory_space<vmem>>, vector<1x16xf32>,
        %get3A_469 = vector.shape_cast %get3A_468 : vector<1x16xf32> to vector<16xf32>
        %add3A_470 = arith.addf %get3A_465, %get3A_469 : vector<16xf32>
        %max3A_471 = arith.constant 0.000000e+00 : f32
        %max3A_472 = vector.broadcast %max3A_471 : f32 to vector<16xf32>
        %max3A_473 = arith.maximumf %add3A_470, %max3A_472 : vector<16xf32>
        %swap3A_474 = arith.index_cast %scan3A_361 : i32 to index
        %swap3A_475 = arith.constant 96 : index
        %swap3A_476 = tpu.vector_load %arg13[%swap3A_474, %swap3A_475] {strides = array<i32>} : memref<80x128xf32, #tpu.memory_space<vmem>>, vector<1x16xf32>,
        %swap3A_477 = vector.shape_cast %swap3A_476 : vector<1x16xf32> to vector<16xf32>
        %swap3A_478 = vector.shape_cast %max3A_473 : vector<16xf32> to vector<1x16xf32>
        tpu.vector_store %arg13[%swap3A_474, %swap3A_475], %swap3A_478 {strides = array<i32>} : memref<80x128xf32, #tpu.memory_space<vmem>>, vector<1x16xf32>,
        %get3A_479 = arith.index_cast %scan3A_361 : i32 to index
        %get3A_480 = arith.constant 112 : index
        %get3A_481 = tpu.vector_load %arg13[%get3A_479, %get3A_480] {strides = array<i32>} : memref<80x128xf32, #tpu.memory_space<vmem>>, vector<1x16xf32>,
        %get3A_482 = vector.shape_cast %get3A_481 : vector<1x16xf32> to vector<16xf32>
        %get3A_483 = arith.index_cast %scan3A_361 : i32 to index
        %get3A_484 = arith.constant 112 : index
        %get3A_485 = tpu.vector_load %arg11[%get3A_483, %get3A_484] {strides = array<i32>} : memref<80x128xf32, #tpu.memory_space<vmem>>, vector<1x16xf32>,
        %get3A_486 = vector.shape_cast %get3A_485 : vector<1x16xf32> to vector<16xf32>
        %add3A_487 = arith.addf %get3A_482, %get3A_486 : vector<16xf32>
        %max3A_488 = arith.constant 0.000000e+00 : f32
        %max3A_489 = vector.broadcast %max3A_488 : f32 to vector<16xf32>
        %max3A_490 = arith.maximumf %add3A_487, %max3A_489 : vector<16xf32>
        %swap3A_491 = arith.index_cast %scan3A_361 : i32 to index
        %swap3A_492 = arith.constant 112 : index
        %swap3A_493 = tpu.vector_load %arg13[%swap3A_491, %swap3A_492] {strides = array<i32>} : memref<80x128xf32, #tpu.memory_space<vmem>>, vector<1x16xf32>,
        %swap3A_494 = vector.shape_cast %swap3A_493 : vector<1x16xf32> to vector<16xf32>
        %swap3A_495 = vector.shape_cast %max3A_490 : vector<16xf32> to vector<1x16xf32>
        tpu.vector_store %arg13[%swap3A_491, %swap3A_492], %swap3A_495 {strides = array<i32>} : memref<80x128xf32, #tpu.memory_space<vmem>>, vector<1x16xf32>,
        %scan3A_496 = arith.constant 0 : i32
        scf.yield %scan3A_496 : i32
      }
      %scan3A_275 = arith.constant 40 : i32
      "tpu.region"() ({
        %run_scoped3A = tpu.sem_alloc : memref<!tpu.dma_semaphore, #tpu.memory_space<semaphore_mem>>
        %dma_start3A_361 = arith.constant 0 : i32
        %dma_start3A_362 = arith.constant 0 : i32
        %dma_start3A_363 = tpu.memref_slice %arg15[%dma_start3A_361, %dma_start3A_362] : memref<10000x128xf32, #tpu.memory_space<vmem_shared>> -> memref<10000x128xf32, #tpu.memory_space<vmem_shared>>
        tpu.enqueue_indirect_dma source(%arg13 : memref<80x128xf32, #tpu.memory_space<vmem>>) target(%dma_start3A_363 : memref<10000x128xf32, #tpu.memory_space<vmem_shared>>) offsets(%arg9 : memref<80xi32, #tpu.memory_space<vmem>>) semaphore(%run_scoped3A : memref<!tpu.dma_semaphore, #tpu.memory_space<semaphore_mem>>) {add = true}
        %dma_wait3A_364 = arith.constant 0 : i32
        %dma_wait3A_365 = arith.constant 0 : i32
        %dma_wait3A_366 = tpu.memref_slice %arg15[%dma_wait3A_364, %dma_wait3A_365] : memref<10000x128xf32, #tpu.memory_space<vmem_shared>> -> memref<10000x128xf32, #tpu.memory_space<vmem_shared>>
        tpu.wait_indirect_dma semaphore(%run_scoped3A : memref<!tpu.dma_semaphore, #tpu.memory_space<semaphore_mem>>) src(%arg13 : memref<80x128xf32, #tpu.memory_space<vmem>>) dst(%dma_wait3A_366 : memref<10000x128xf32, #tpu.memory_space<vmem_shared>>)
        tpu.yield
      }) : () -> ()
      %mul3A_276 = arith.constant 2 : i32
      %mul3A_277 = arith.muli %mul3A_276, %scan3A_190 : i32
      %add3A_278 = arith.constant 1 : i32
      %add3A_279 = arith.addi %mul3A_277, %add3A_278 : i32
      %add3A_280 = arith.constant 1 : i32
      %add3A_281 = arith.addi %add3A_279, %add3A_280 : i32
      %mul3A_282 = arith.constant 10000 : i32
      %mul3A_283 = arith.muli %arg1, %mul3A_282 : i32
      %mul3A_284 = arith.constant 80 : i32
      %mul3A_285 = arith.muli %add3A_281, %mul3A_284 : i32
      %add3A_286 = arith.addi %mul3A_283, %mul3A_285 : i32
      %dma_start3A_287 = tpu.memref_slice %arg3[%add3A_286] : memref<160000xi32, #tpu.memory_space<hbm>> -> memref<80xi32, #tpu.memory_space<hbm>>
      %dma_start3A_288 = tpu.memref_slice %arg3[%add3A_286] : memref<160000xi32, #tpu.memory_space<hbm>> -> memref<80xi32, #tpu.memory_space<hbm>>
      tpu.enqueue_dma source(%dma_start3A_288 : memref<80xi32, #tpu.memory_space<hbm>>) target(%arg7 : memref<80xi32, #tpu.memory_space<vmem>>) target_semaphore(%arg16 : memref<!tpu.dma_semaphore, #tpu.memory_space<semaphore_mem>>)
      %dma_start3A_289 = tpu.memref_slice %arg4[%add3A_286] : memref<160000xi32, #tpu.memory_space<hbm>> -> memref<80xi32, #tpu.memory_space<hbm>>
      %dma_start3A_290 = tpu.memref_slice %arg4[%add3A_286] : memref<160000xi32, #tpu.memory_space<hbm>> -> memref<80xi32, #tpu.memory_space<hbm>>
      tpu.enqueue_dma source(%dma_start3A_290 : memref<80xi32, #tpu.memory_space<hbm>>) target(%arg9 : memref<80xi32, #tpu.memory_space<vmem>>) target_semaphore(%arg16 : memref<!tpu.dma_semaphore, #tpu.memory_space<semaphore_mem>>)
      %dma_start3A_291 = arith.constant 0 : i32
      %dma_start3A_292 = arith.constant 0 : i32
      %dma_start3A_293 = tpu.memref_slice %arg5[%arg0, %dma_start3A_291, %dma_start3A_292] : memref<2x160000x128xf32, #tpu.memory_space<hbm>> -> memref<1x160000x128xf32, #tpu.memory_space<hbm>>
      %dma_start3A_294 = tpu.memref_squeeze %dma_start3A_293 : memref<1x160000x128xf32, #tpu.memory_space<hbm>> -> memref<160000x128xf32, #tpu.memory_space<hbm>>
      %dma_start3A_295 = arith.constant 0 : i32
      %dma_start3A_296 = tpu.memref_slice %dma_start3A_294[%add3A_286, %dma_start3A_295] : memref<160000x128xf32, #tpu.memory_space<hbm>> -> memref<80x128xf32, #tpu.memory_space<hbm>>
      %dma_start3A_297 = arith.constant 0 : i32
      %dma_start3A_298 = arith.constant 0 : i32
      %dma_start3A_299 = tpu.memref_slice %arg5[%arg0, %dma_start3A_297, %dma_start3A_298] : memref<2x160000x128xf32, #tpu.memory_space<hbm>> -> memref<1x160000x128xf32, #tpu.memory_space<hbm>>
      %dma_start3A_300 = tpu.memref_squeeze %dma_start3A_299 : memref<1x160000x128xf32, #tpu.memory_space<hbm>> -> memref<160000x128xf32, #tpu.memory_space<hbm>>
      %dma_start3A_301 = arith.constant 0 : i32
      %dma_start3A_302 = tpu.memref_slice %dma_start3A_300[%add3A_286, %dma_start3A_301] : memref<160000x128xf32, #tpu.memory_space<hbm>> -> memref<80x128xf32, #tpu.memory_space<hbm>>
      tpu.enqueue_dma source(%dma_start3A_302 : memref<80x128xf32, #tpu.memory_space<hbm>>) target(%arg13 : memref<80x128xf32, #tpu.memory_space<vmem>>) target_semaphore(%arg16 : memref<!tpu.dma_semaphore, #tpu.memory_space<semaphore_mem>>)
      %dma_wait3A_303 = arith.constant 0 : i32
      %dma_wait3A_304 = arith.constant 0 : i32
      %dma_wait3A_305 = tpu.memref_slice %arg2[%arg0, %dma_wait3A_303, %dma_wait3A_304] : memref<2x10000x128xf32, #tpu.memory_space<hbm>> -> memref<1x10000x128xf32, #tpu.memory_space<hbm>>
      %dma_wait3A_306 = tpu.memref_squeeze %dma_wait3A_305 : memref<1x10000x128xf32, #tpu.memory_space<hbm>> -> memref<10000x128xf32, #tpu.memory_space<hbm>>
      %dma_wait3A_307 = arith.constant 0 : i32
      %dma_wait3A_308 = arith.constant 0 : i32
      %dma_wait3A_309 = tpu.memref_slice %dma_wait3A_306[%dma_wait3A_307, %dma_wait3A_308] : memref<10000x128xf32, #tpu.memory_space<hbm>> -> memref<80x128xf32, #tpu.memory_space<hbm>>
      %dma_wait3A_310 = arith.constant 0 : i32
      %dma_wait3A_311 = arith.constant 0 : i32
      %dma_wait3A_312 = tpu.memref_slice %arg2[%arg0, %dma_wait3A_310, %dma_wait3A_311] : memref<2x10000x128xf32, #tpu.memory_space<hbm>> -> memref<1x10000x128xf32, #tpu.memory_space<hbm>>
      %dma_wait3A_313 = tpu.memref_squeeze %dma_wait3A_312 : memref<1x10000x128xf32, #tpu.memory_space<hbm>> -> memref<10000x128xf32, #tpu.memory_space<hbm>>
      %dma_wait3A_314 = arith.constant 0 : i32
      %dma_wait3A_315 = arith.constant 0 : i32
      %dma_wait3A_316 = tpu.memref_slice %dma_wait3A_313[%dma_wait3A_314, %dma_wait3A_315] : memref<10000x128xf32, #tpu.memory_space<hbm>> -> memref<80x128xf32, #tpu.memory_space<hbm>>
      tpu.wait_dma2 semaphore(%arg19 : memref<!tpu.dma_semaphore, #tpu.memory_space<semaphore_mem>>) src(%dma_wait3A_316 : memref<80x128xf32, #tpu.memory_space<hbm>>) dst(%arg12 : memref<80x128xf32, #tpu.memory_space<vmem>>)
      %scan3A_317 = arith.constant 0 : i32
      %scan3A_318 = arith.constant 0 : i32
      %scan3A_319 = arith.constant 40 : i32
      %scan3A_320 = arith.addi %scan3A_318, %scan3A_319 : i32
      %scan3A_321 = arith.constant 1 : i32
      %scan3A_322 = scf.for %scan3A_361 = %scan3A_318 to %scan3A_320 step %scan3A_321 iter_args(%scan3A_362 = %scan3A_317) -> (i32)  : i32 {
        %get3A = arith.index_cast %scan3A_361 : i32 to index
        %get3A_363 = arith.constant 0 : index
        %get3A_364 = tpu.vector_load %arg14[%get3A, %get3A_363] {strides = array<i32>} : memref<80x128xf32, #tpu.memory_space<vmem>>, vector<1x16xf32>,
        %get3A_365 = vector.shape_cast %get3A_364 : vector<1x16xf32> to vector<16xf32>
        %get3A_366 = arith.index_cast %scan3A_361 : i32 to index
        %get3A_367 = arith.constant 0 : index
        %get3A_368 = tpu.vector_load %arg12[%get3A_366, %get3A_367] {strides = array<i32>} : memref<80x128xf32, #tpu.memory_space<vmem>>, vector<1x16xf32>,
        %get3A_369 = vector.shape_cast %get3A_368 : vector<1x16xf32> to vector<16xf32>
        %add3A_370 = arith.addf %get3A_365, %get3A_369 : vector<16xf32>
        %max3A = arith.constant 0.000000e+00 : f32
        %max3A_371 = vector.broadcast %max3A : f32 to vector<16xf32>
        %max3A_372 = arith.maximumf %add3A_370, %max3A_371 : vector<16xf32>
        %swap3A = arith.index_cast %scan3A_361 : i32 to index
        %swap3A_373 = arith.constant 0 : index
        %swap3A_374 = tpu.vector_load %arg14[%swap3A, %swap3A_373] {strides = array<i32>} : memref<80x128xf32, #tpu.memory_space<vmem>>, vector<1x16xf32>,
        %swap3A_375 = vector.shape_cast %swap3A_374 : vector<1x16xf32> to vector<16xf32>
        %swap3A_376 = vector.shape_cast %max3A_372 : vector<16xf32> to vector<1x16xf32>
        tpu.vector_store %arg14[%swap3A, %swap3A_373], %swap3A_376 {strides = array<i32>} : memref<80x128xf32, #tpu.memory_space<vmem>>, vector<1x16xf32>,
        %get3A_377 = arith.index_cast %scan3A_361 : i32 to index
        %get3A_378 = arith.constant 16 : index
        %get3A_379 = tpu.vector_load %arg14[%get3A_377, %get3A_378] {strides = array<i32>} : memref<80x128xf32, #tpu.memory_space<vmem>>, vector<1x16xf32>,
        %get3A_380 = vector.shape_cast %get3A_379 : vector<1x16xf32> to vector<16xf32>
        %get3A_381 = arith.index_cast %scan3A_361 : i32 to index
        %get3A_382 = arith.constant 16 : index
        %get3A_383 = tpu.vector_load %arg12[%get3A_381, %get3A_382] {strides = array<i32>} : memref<80x128xf32, #tpu.memory_space<vmem>>, vector<1x16xf32>,
        %get3A_384 = vector.shape_cast %get3A_383 : vector<1x16xf32> to vector<16xf32>
        %add3A_385 = arith.addf %get3A_380, %get3A_384 : vector<16xf32>
        %max3A_386 = arith.constant 0.000000e+00 : f32
        %max3A_387 = vector.broadcast %max3A_386 : f32 to vector<16xf32>
        %max3A_388 = arith.maximumf %add3A_385, %max3A_387 : vector<16xf32>
        %swap3A_389 = arith.index_cast %scan3A_361 : i32 to index
        %swap3A_390 = arith.constant 16 : index
        %swap3A_391 = tpu.vector_load %arg14[%swap3A_389, %swap3A_390] {strides = array<i32>} : memref<80x128xf32, #tpu.memory_space<vmem>>, vector<1x16xf32>,
        %swap3A_392 = vector.shape_cast %swap3A_391 : vector<1x16xf32> to vector<16xf32>
        %swap3A_393 = vector.shape_cast %max3A_388 : vector<16xf32> to vector<1x16xf32>
        tpu.vector_store %arg14[%swap3A_389, %swap3A_390], %swap3A_393 {strides = array<i32>} : memref<80x128xf32, #tpu.memory_space<vmem>>, vector<1x16xf32>,
        %get3A_394 = arith.index_cast %scan3A_361 : i32 to index
        %get3A_395 = arith.constant 32 : index
        %get3A_396 = tpu.vector_load %arg14[%get3A_394, %get3A_395] {strides = array<i32>} : memref<80x128xf32, #tpu.memory_space<vmem>>, vector<1x16xf32>,
        %get3A_397 = vector.shape_cast %get3A_396 : vector<1x16xf32> to vector<16xf32>
        %get3A_398 = arith.index_cast %scan3A_361 : i32 to index
        %get3A_399 = arith.constant 32 : index
        %get3A_400 = tpu.vector_load %arg12[%get3A_398, %get3A_399] {strides = array<i32>} : memref<80x128xf32, #tpu.memory_space<vmem>>, vector<1x16xf32>,
        %get3A_401 = vector.shape_cast %get3A_400 : vector<1x16xf32> to vector<16xf32>
        %add3A_402 = arith.addf %get3A_397, %get3A_401 : vector<16xf32>
        %max3A_403 = arith.constant 0.000000e+00 : f32
        %max3A_404 = vector.broadcast %max3A_403 : f32 to vector<16xf32>
        %max3A_405 = arith.maximumf %add3A_402, %max3A_404 : vector<16xf32>
        %swap3A_406 = arith.index_cast %scan3A_361 : i32 to index
        %swap3A_407 = arith.constant 32 : index
        %swap3A_408 = tpu.vector_load %arg14[%swap3A_406, %swap3A_407] {strides = array<i32>} : memref<80x128xf32, #tpu.memory_space<vmem>>, vector<1x16xf32>,
        %swap3A_409 = vector.shape_cast %swap3A_408 : vector<1x16xf32> to vector<16xf32>
        %swap3A_410 = vector.shape_cast %max3A_405 : vector<16xf32> to vector<1x16xf32>
        tpu.vector_store %arg14[%swap3A_406, %swap3A_407], %swap3A_410 {strides = array<i32>} : memref<80x128xf32, #tpu.memory_space<vmem>>, vector<1x16xf32>,
        %get3A_411 = arith.index_cast %scan3A_361 : i32 to index
        %get3A_412 = arith.constant 48 : index
        %get3A_413 = tpu.vector_load %arg14[%get3A_411, %get3A_412] {strides = array<i32>} : memref<80x128xf32, #tpu.memory_space<vmem>>, vector<1x16xf32>,
        %get3A_414 = vector.shape_cast %get3A_413 : vector<1x16xf32> to vector<16xf32>
        %get3A_415 = arith.index_cast %scan3A_361 : i32 to index
        %get3A_416 = arith.constant 48 : index
        %get3A_417 = tpu.vector_load %arg12[%get3A_415, %get3A_416] {strides = array<i32>} : memref<80x128xf32, #tpu.memory_space<vmem>>, vector<1x16xf32>,
        %get3A_418 = vector.shape_cast %get3A_417 : vector<1x16xf32> to vector<16xf32>
        %add3A_419 = arith.addf %get3A_414, %get3A_418 : vector<16xf32>
        %max3A_420 = arith.constant 0.000000e+00 : f32
        %max3A_421 = vector.broadcast %max3A_420 : f32 to vector<16xf32>
        %max3A_422 = arith.maximumf %add3A_419, %max3A_421 : vector<16xf32>
        %swap3A_423 = arith.index_cast %scan3A_361 : i32 to index
        %swap3A_424 = arith.constant 48 : index
        %swap3A_425 = tpu.vector_load %arg14[%swap3A_423, %swap3A_424] {strides = array<i32>} : memref<80x128xf32, #tpu.memory_space<vmem>>, vector<1x16xf32>,
        %swap3A_426 = vector.shape_cast %swap3A_425 : vector<1x16xf32> to vector<16xf32>
        %swap3A_427 = vector.shape_cast %max3A_422 : vector<16xf32> to vector<1x16xf32>
        tpu.vector_store %arg14[%swap3A_423, %swap3A_424], %swap3A_427 {strides = array<i32>} : memref<80x128xf32, #tpu.memory_space<vmem>>, vector<1x16xf32>,
        %get3A_428 = arith.index_cast %scan3A_361 : i32 to index
        %get3A_429 = arith.constant 64 : index
        %get3A_430 = tpu.vector_load %arg14[%get3A_428, %get3A_429] {strides = array<i32>} : memref<80x128xf32, #tpu.memory_space<vmem>>, vector<1x16xf32>,
        %get3A_431 = vector.shape_cast %get3A_430 : vector<1x16xf32> to vector<16xf32>
        %get3A_432 = arith.index_cast %scan3A_361 : i32 to index
        %get3A_433 = arith.constant 64 : index
        %get3A_434 = tpu.vector_load %arg12[%get3A_432, %get3A_433] {strides = array<i32>} : memref<80x128xf32, #tpu.memory_space<vmem>>, vector<1x16xf32>,
        %get3A_435 = vector.shape_cast %get3A_434 : vector<1x16xf32> to vector<16xf32>
        %add3A_436 = arith.addf %get3A_431, %get3A_435 : vector<16xf32>
        %max3A_437 = arith.constant 0.000000e+00 : f32
        %max3A_438 = vector.broadcast %max3A_437 : f32 to vector<16xf32>
        %max3A_439 = arith.maximumf %add3A_436, %max3A_438 : vector<16xf32>
        %swap3A_440 = arith.index_cast %scan3A_361 : i32 to index
        %swap3A_441 = arith.constant 64 : index
        %swap3A_442 = tpu.vector_load %arg14[%swap3A_440, %swap3A_441] {strides = array<i32>} : memref<80x128xf32, #tpu.memory_space<vmem>>, vector<1x16xf32>,
        %swap3A_443 = vector.shape_cast %swap3A_442 : vector<1x16xf32> to vector<16xf32>
        %swap3A_444 = vector.shape_cast %max3A_439 : vector<16xf32> to vector<1x16xf32>
        tpu.vector_store %arg14[%swap3A_440, %swap3A_441], %swap3A_444 {strides = array<i32>} : memref<80x128xf32, #tpu.memory_space<vmem>>, vector<1x16xf32>,
        %get3A_445 = arith.index_cast %scan3A_361 : i32 to index
        %get3A_446 = arith.constant 80 : index
        %get3A_447 = tpu.vector_load %arg14[%get3A_445, %get3A_446] {strides = array<i32>} : memref<80x128xf32, #tpu.memory_space<vmem>>, vector<1x16xf32>,
        %get3A_448 = vector.shape_cast %get3A_447 : vector<1x16xf32> to vector<16xf32>
        %get3A_449 = arith.index_cast %scan3A_361 : i32 to index
        %get3A_450 = arith.constant 80 : index
        %get3A_451 = tpu.vector_load %arg12[%get3A_449, %get3A_450] {strides = array<i32>} : memref<80x128xf32, #tpu.memory_space<vmem>>, vector<1x16xf32>,
        %get3A_452 = vector.shape_cast %get3A_451 : vector<1x16xf32> to vector<16xf32>
        %add3A_453 = arith.addf %get3A_448, %get3A_452 : vector<16xf32>
        %max3A_454 = arith.constant 0.000000e+00 : f32
        %max3A_455 = vector.broadcast %max3A_454 : f32 to vector<16xf32>
        %max3A_456 = arith.maximumf %add3A_453, %max3A_455 : vector<16xf32>
        %swap3A_457 = arith.index_cast %scan3A_361 : i32 to index
        %swap3A_458 = arith.constant 80 : index
        %swap3A_459 = tpu.vector_load %arg14[%swap3A_457, %swap3A_458] {strides = array<i32>} : memref<80x128xf32, #tpu.memory_space<vmem>>, vector<1x16xf32>,
        %swap3A_460 = vector.shape_cast %swap3A_459 : vector<1x16xf32> to vector<16xf32>
        %swap3A_461 = vector.shape_cast %max3A_456 : vector<16xf32> to vector<1x16xf32>
        tpu.vector_store %arg14[%swap3A_457, %swap3A_458], %swap3A_461 {strides = array<i32>} : memref<80x128xf32, #tpu.memory_space<vmem>>, vector<1x16xf32>,
        %get3A_462 = arith.index_cast %scan3A_361 : i32 to index
        %get3A_463 = arith.constant 96 : index
        %get3A_464 = tpu.vector_load %arg14[%get3A_462, %get3A_463] {strides = array<i32>} : memref<80x128xf32, #tpu.memory_space<vmem>>, vector<1x16xf32>,
        %get3A_465 = vector.shape_cast %get3A_464 : vector<1x16xf32> to vector<16xf32>
        %get3A_466 = arith.index_cast %scan3A_361 : i32 to index
        %get3A_467 = arith.constant 96 : index
        %get3A_468 = tpu.vector_load %arg12[%get3A_466, %get3A_467] {strides = array<i32>} : memref<80x128xf32, #tpu.memory_space<vmem>>, vector<1x16xf32>,
        %get3A_469 = vector.shape_cast %get3A_468 : vector<1x16xf32> to vector<16xf32>
        %add3A_470 = arith.addf %get3A_465, %get3A_469 : vector<16xf32>
        %max3A_471 = arith.constant 0.000000e+00 : f32
        %max3A_472 = vector.broadcast %max3A_471 : f32 to vector<16xf32>
        %max3A_473 = arith.maximumf %add3A_470, %max3A_472 : vector<16xf32>
        %swap3A_474 = arith.index_cast %scan3A_361 : i32 to index
        %swap3A_475 = arith.constant 96 : index
        %swap3A_476 = tpu.vector_load %arg14[%swap3A_474, %swap3A_475] {strides = array<i32>} : memref<80x128xf32, #tpu.memory_space<vmem>>, vector<1x16xf32>,
        %swap3A_477 = vector.shape_cast %swap3A_476 : vector<1x16xf32> to vector<16xf32>
        %swap3A_478 = vector.shape_cast %max3A_473 : vector<16xf32> to vector<1x16xf32>
        tpu.vector_store %arg14[%swap3A_474, %swap3A_475], %swap3A_478 {strides = array<i32>} : memref<80x128xf32, #tpu.memory_space<vmem>>, vector<1x16xf32>,
        %get3A_479 = arith.index_cast %scan3A_361 : i32 to index
        %get3A_480 = arith.constant 112 : index
        %get3A_481 = tpu.vector_load %arg14[%get3A_479, %get3A_480] {strides = array<i32>} : memref<80x128xf32, #tpu.memory_space<vmem>>, vector<1x16xf32>,
        %get3A_482 = vector.shape_cast %get3A_481 : vector<1x16xf32> to vector<16xf32>
        %get3A_483 = arith.index_cast %scan3A_361 : i32 to index
        %get3A_484 = arith.constant 112 : index
        %get3A_485 = tpu.vector_load %arg12[%get3A_483, %get3A_484] {strides = array<i32>} : memref<80x128xf32, #tpu.memory_space<vmem>>, vector<1x16xf32>,
        %get3A_486 = vector.shape_cast %get3A_485 : vector<1x16xf32> to vector<16xf32>
        %add3A_487 = arith.addf %get3A_482, %get3A_486 : vector<16xf32>
        %max3A_488 = arith.constant 0.000000e+00 : f32
        %max3A_489 = vector.broadcast %max3A_488 : f32 to vector<16xf32>
        %max3A_490 = arith.maximumf %add3A_487, %max3A_489 : vector<16xf32>
        %swap3A_491 = arith.index_cast %scan3A_361 : i32 to index
        %swap3A_492 = arith.constant 112 : index
        %swap3A_493 = tpu.vector_load %arg14[%swap3A_491, %swap3A_492] {strides = array<i32>} : memref<80x128xf32, #tpu.memory_space<vmem>>, vector<1x16xf32>,
        %swap3A_494 = vector.shape_cast %swap3A_493 : vector<1x16xf32> to vector<16xf32>
        %swap3A_495 = vector.shape_cast %max3A_490 : vector<16xf32> to vector<1x16xf32>
        tpu.vector_store %arg14[%swap3A_491, %swap3A_492], %swap3A_495 {strides = array<i32>} : memref<80x128xf32, #tpu.memory_space<vmem>>, vector<1x16xf32>,
        %scan3A_496 = arith.constant 0 : i32
        scf.yield %scan3A_496 : i32
      }
      %scan3A_323 = arith.constant 40 : i32
      %dma_wait3A_324 = arith.constant 0 : i32
      %dma_wait3A_325 = tpu.memref_slice %arg3[%dma_wait3A_324] : memref<160000xi32, #tpu.memory_space<hbm>> -> memref<80xi32, #tpu.memory_space<hbm>>
      %dma_wait3A_326 = arith.constant 0 : i32
      %dma_wait3A_327 = tpu.memref_slice %arg3[%dma_wait3A_326] : memref<160000xi32, #tpu.memory_space<hbm>> -> memref<80xi32, #tpu.memory_space<hbm>>
      tpu.wait_dma2 semaphore(%arg16 : memref<!tpu.dma_semaphore, #tpu.memory_space<semaphore_mem>>) src(%dma_wait3A_327 : memref<80xi32, #tpu.memory_space<hbm>>) dst(%arg7 : memref<80xi32, #tpu.memory_space<vmem>>)
      %dma_wait3A_328 = arith.constant 0 : i32
      %dma_wait3A_329 = tpu.memref_slice %arg4[%dma_wait3A_328] : memref<160000xi32, #tpu.memory_space<hbm>> -> memref<80xi32, #tpu.memory_space<hbm>>
      %dma_wait3A_330 = arith.constant 0 : i32
      %dma_wait3A_331 = tpu.memref_slice %arg4[%dma_wait3A_330] : memref<160000xi32, #tpu.memory_space<hbm>> -> memref<80xi32, #tpu.memory_space<hbm>>
      tpu.wait_dma2 semaphore(%arg16 : memref<!tpu.dma_semaphore, #tpu.memory_space<semaphore_mem>>) src(%dma_wait3A_331 : memref<80xi32, #tpu.memory_space<hbm>>) dst(%arg9 : memref<80xi32, #tpu.memory_space<vmem>>)
      %dma_wait3A_332 = arith.constant 0 : i32
      %dma_wait3A_333 = arith.constant 0 : i32
      %dma_wait3A_334 = tpu.memref_slice %arg5[%arg0, %dma_wait3A_332, %dma_wait3A_333] : memref<2x160000x128xf32, #tpu.memory_space<hbm>> -> memref<1x160000x128xf32, #tpu.memory_space<hbm>>
      %dma_wait3A_335 = tpu.memref_squeeze %dma_wait3A_334 : memref<1x160000x128xf32, #tpu.memory_space<hbm>> -> memref<160000x128xf32, #tpu.memory_space<hbm>>
      %dma_wait3A_336 = arith.constant 0 : i32
      %dma_wait3A_337 = arith.constant 0 : i32
      %dma_wait3A_338 = tpu.memref_slice %dma_wait3A_335[%dma_wait3A_336, %dma_wait3A_337] : memref<160000x128xf32, #tpu.memory_space<hbm>> -> memref<80x128xf32, #tpu.memory_space<hbm>>
      %dma_wait3A_339 = arith.constant 0 : i32
      %dma_wait3A_340 = arith.constant 0 : i32
      %dma_wait3A_341 = tpu.memref_slice %arg5[%arg0, %dma_wait3A_339, %dma_wait3A_340] : memref<2x160000x128xf32, #tpu.memory_space<hbm>> -> memref<1x160000x128xf32, #tpu.memory_space<hbm>>
      %dma_wait3A_342 = tpu.memref_squeeze %dma_wait3A_341 : memref<1x160000x128xf32, #tpu.memory_space<hbm>> -> memref<160000x128xf32, #tpu.memory_space<hbm>>
      %dma_wait3A_343 = arith.constant 0 : i32
      %dma_wait3A_344 = arith.constant 0 : i32
      %dma_wait3A_345 = tpu.memref_slice %dma_wait3A_342[%dma_wait3A_343, %dma_wait3A_344] : memref<160000x128xf32, #tpu.memory_space<hbm>> -> memref<80x128xf32, #tpu.memory_space<hbm>>
      tpu.wait_dma2 semaphore(%arg16 : memref<!tpu.dma_semaphore, #tpu.memory_space<semaphore_mem>>) src(%dma_wait3A_345 : memref<80x128xf32, #tpu.memory_space<hbm>>) dst(%arg13 : memref<80x128xf32, #tpu.memory_space<vmem>>)
      %dma_start3A_346 = arith.constant 0 : i32
      %dma_start3A_347 = arith.constant 0 : i32
      %dma_start3A_348 = tpu.memref_slice %arg2[%arg0, %dma_start3A_346, %dma_start3A_347] : memref<2x10000x128xf32, #tpu.memory_space<hbm>> -> memref<1x10000x128xf32, #tpu.memory_space<hbm>>
      %dma_start3A_349 = tpu.memref_squeeze %dma_start3A_348 : memref<1x10000x128xf32, #tpu.memory_space<hbm>> -> memref<10000x128xf32, #tpu.memory_space<hbm>>
      %dma_start3A_350 = arith.constant 0 : i32
      %dma_start3A_351 = arith.constant 0 : i32
      %dma_start3A_352 = tpu.memref_slice %dma_start3A_349[%dma_start3A_350, %dma_start3A_351] : memref<10000x128xf32, #tpu.memory_space<hbm>> -> memref<10000x128xf32, #tpu.memory_space<hbm>>
      tpu.enqueue_indirect_dma source(%dma_start3A_352 : memref<10000x128xf32, #tpu.memory_space<hbm>>) target(%arg11 : memref<80x128xf32, #tpu.memory_space<vmem>>) offsets(%arg7 : memref<80xi32, #tpu.memory_space<vmem>>) semaphore(%arg18 : memref<!tpu.dma_semaphore, #tpu.memory_space<semaphore_mem>>)
      %scan3A_353 = arith.constant 0 : i32
      %scan3A_354 = arith.constant 40 : i32
      %scan3A_355 = arith.constant 40 : i32
      %scan3A_356 = arith.addi %scan3A_354, %scan3A_355 : i32
      %scan3A_357 = arith.constant 1 : i32
      %scan3A_358 = scf.for %scan3A_361 = %scan3A_354 to %scan3A_356 step %scan3A_357 iter_args(%scan3A_362 = %scan3A_353) -> (i32)  : i32 {
        %get3A = arith.index_cast %scan3A_361 : i32 to index
        %get3A_363 = arith.constant 0 : index
        %get3A_364 = tpu.vector_load %arg14[%get3A, %get3A_363] {strides = array<i32>} : memref<80x128xf32, #tpu.memory_space<vmem>>, vector<1x16xf32>,
        %get3A_365 = vector.shape_cast %get3A_364 : vector<1x16xf32> to vector<16xf32>
        %get3A_366 = arith.index_cast %scan3A_361 : i32 to index
        %get3A_367 = arith.constant 0 : index
        %get3A_368 = tpu.vector_load %arg12[%get3A_366, %get3A_367] {strides = array<i32>} : memref<80x128xf32, #tpu.memory_space<vmem>>, vector<1x16xf32>,
        %get3A_369 = vector.shape_cast %get3A_368 : vector<1x16xf32> to vector<16xf32>
        %add3A_370 = arith.addf %get3A_365, %get3A_369 : vector<16xf32>
        %max3A = arith.constant 0.000000e+00 : f32
        %max3A_371 = vector.broadcast %max3A : f32 to vector<16xf32>
        %max3A_372 = arith.maximumf %add3A_370, %max3A_371 : vector<16xf32>
        %swap3A = arith.index_cast %scan3A_361 : i32 to index
        %swap3A_373 = arith.constant 0 : index
        %swap3A_374 = tpu.vector_load %arg14[%swap3A, %swap3A_373] {strides = array<i32>} : memref<80x128xf32, #tpu.memory_space<vmem>>, vector<1x16xf32>,
        %swap3A_375 = vector.shape_cast %swap3A_374 : vector<1x16xf32> to vector<16xf32>
        %swap3A_376 = vector.shape_cast %max3A_372 : vector<16xf32> to vector<1x16xf32>
        tpu.vector_store %arg14[%swap3A, %swap3A_373], %swap3A_376 {strides = array<i32>} : memref<80x128xf32, #tpu.memory_space<vmem>>, vector<1x16xf32>,
        %get3A_377 = arith.index_cast %scan3A_361 : i32 to index
        %get3A_378 = arith.constant 16 : index
        %get3A_379 = tpu.vector_load %arg14[%get3A_377, %get3A_378] {strides = array<i32>} : memref<80x128xf32, #tpu.memory_space<vmem>>, vector<1x16xf32>,
        %get3A_380 = vector.shape_cast %get3A_379 : vector<1x16xf32> to vector<16xf32>
        %get3A_381 = arith.index_cast %scan3A_361 : i32 to index
        %get3A_382 = arith.constant 16 : index
        %get3A_383 = tpu.vector_load %arg12[%get3A_381, %get3A_382] {strides = array<i32>} : memref<80x128xf32, #tpu.memory_space<vmem>>, vector<1x16xf32>,
        %get3A_384 = vector.shape_cast %get3A_383 : vector<1x16xf32> to vector<16xf32>
        %add3A_385 = arith.addf %get3A_380, %get3A_384 : vector<16xf32>
        %max3A_386 = arith.constant 0.000000e+00 : f32
        %max3A_387 = vector.broadcast %max3A_386 : f32 to vector<16xf32>
        %max3A_388 = arith.maximumf %add3A_385, %max3A_387 : vector<16xf32>
        %swap3A_389 = arith.index_cast %scan3A_361 : i32 to index
        %swap3A_390 = arith.constant 16 : index
        %swap3A_391 = tpu.vector_load %arg14[%swap3A_389, %swap3A_390] {strides = array<i32>} : memref<80x128xf32, #tpu.memory_space<vmem>>, vector<1x16xf32>,
        %swap3A_392 = vector.shape_cast %swap3A_391 : vector<1x16xf32> to vector<16xf32>
        %swap3A_393 = vector.shape_cast %max3A_388 : vector<16xf32> to vector<1x16xf32>
        tpu.vector_store %arg14[%swap3A_389, %swap3A_390], %swap3A_393 {strides = array<i32>} : memref<80x128xf32, #tpu.memory_space<vmem>>, vector<1x16xf32>,
        %get3A_394 = arith.index_cast %scan3A_361 : i32 to index
        %get3A_395 = arith.constant 32 : index
        %get3A_396 = tpu.vector_load %arg14[%get3A_394, %get3A_395] {strides = array<i32>} : memref<80x128xf32, #tpu.memory_space<vmem>>, vector<1x16xf32>,
        %get3A_397 = vector.shape_cast %get3A_396 : vector<1x16xf32> to vector<16xf32>
        %get3A_398 = arith.index_cast %scan3A_361 : i32 to index
        %get3A_399 = arith.constant 32 : index
        %get3A_400 = tpu.vector_load %arg12[%get3A_398, %get3A_399] {strides = array<i32>} : memref<80x128xf32, #tpu.memory_space<vmem>>, vector<1x16xf32>,
        %get3A_401 = vector.shape_cast %get3A_400 : vector<1x16xf32> to vector<16xf32>
        %add3A_402 = arith.addf %get3A_397, %get3A_401 : vector<16xf32>
        %max3A_403 = arith.constant 0.000000e+00 : f32
        %max3A_404 = vector.broadcast %max3A_403 : f32 to vector<16xf32>
        %max3A_405 = arith.maximumf %add3A_402, %max3A_404 : vector<16xf32>
        %swap3A_406 = arith.index_cast %scan3A_361 : i32 to index
        %swap3A_407 = arith.constant 32 : index
        %swap3A_408 = tpu.vector_load %arg14[%swap3A_406, %swap3A_407] {strides = array<i32>} : memref<80x128xf32, #tpu.memory_space<vmem>>, vector<1x16xf32>,
        %swap3A_409 = vector.shape_cast %swap3A_408 : vector<1x16xf32> to vector<16xf32>
        %swap3A_410 = vector.shape_cast %max3A_405 : vector<16xf32> to vector<1x16xf32>
        tpu.vector_store %arg14[%swap3A_406, %swap3A_407], %swap3A_410 {strides = array<i32>} : memref<80x128xf32, #tpu.memory_space<vmem>>, vector<1x16xf32>,
        %get3A_411 = arith.index_cast %scan3A_361 : i32 to index
        %get3A_412 = arith.constant 48 : index
        %get3A_413 = tpu.vector_load %arg14[%get3A_411, %get3A_412] {strides = array<i32>} : memref<80x128xf32, #tpu.memory_space<vmem>>, vector<1x16xf32>,
        %get3A_414 = vector.shape_cast %get3A_413 : vector<1x16xf32> to vector<16xf32>
        %get3A_415 = arith.index_cast %scan3A_361 : i32 to index
        %get3A_416 = arith.constant 48 : index
        %get3A_417 = tpu.vector_load %arg12[%get3A_415, %get3A_416] {strides = array<i32>} : memref<80x128xf32, #tpu.memory_space<vmem>>, vector<1x16xf32>,
        %get3A_418 = vector.shape_cast %get3A_417 : vector<1x16xf32> to vector<16xf32>
        %add3A_419 = arith.addf %get3A_414, %get3A_418 : vector<16xf32>
        %max3A_420 = arith.constant 0.000000e+00 : f32
        %max3A_421 = vector.broadcast %max3A_420 : f32 to vector<16xf32>
        %max3A_422 = arith.maximumf %add3A_419, %max3A_421 : vector<16xf32>
        %swap3A_423 = arith.index_cast %scan3A_361 : i32 to index
        %swap3A_424 = arith.constant 48 : index
        %swap3A_425 = tpu.vector_load %arg14[%swap3A_423, %swap3A_424] {strides = array<i32>} : memref<80x128xf32, #tpu.memory_space<vmem>>, vector<1x16xf32>,
        %swap3A_426 = vector.shape_cast %swap3A_425 : vector<1x16xf32> to vector<16xf32>
        %swap3A_427 = vector.shape_cast %max3A_422 : vector<16xf32> to vector<1x16xf32>
        tpu.vector_store %arg14[%swap3A_423, %swap3A_424], %swap3A_427 {strides = array<i32>} : memref<80x128xf32, #tpu.memory_space<vmem>>, vector<1x16xf32>,
        %get3A_428 = arith.index_cast %scan3A_361 : i32 to index
        %get3A_429 = arith.constant 64 : index
        %get3A_430 = tpu.vector_load %arg14[%get3A_428, %get3A_429] {strides = array<i32>} : memref<80x128xf32, #tpu.memory_space<vmem>>, vector<1x16xf32>,
        %get3A_431 = vector.shape_cast %get3A_430 : vector<1x16xf32> to vector<16xf32>
        %get3A_432 = arith.index_cast %scan3A_361 : i32 to index
        %get3A_433 = arith.constant 64 : index
        %get3A_434 = tpu.vector_load %arg12[%get3A_432, %get3A_433] {strides = array<i32>} : memref<80x128xf32, #tpu.memory_space<vmem>>, vector<1x16xf32>,
        %get3A_435 = vector.shape_cast %get3A_434 : vector<1x16xf32> to vector<16xf32>
        %add3A_436 = arith.addf %get3A_431, %get3A_435 : vector<16xf32>
        %max3A_437 = arith.constant 0.000000e+00 : f32
        %max3A_438 = vector.broadcast %max3A_437 : f32 to vector<16xf32>
        %max3A_439 = arith.maximumf %add3A_436, %max3A_438 : vector<16xf32>
        %swap3A_440 = arith.index_cast %scan3A_361 : i32 to index
        %swap3A_441 = arith.constant 64 : index
        %swap3A_442 = tpu.vector_load %arg14[%swap3A_440, %swap3A_441] {strides = array<i32>} : memref<80x128xf32, #tpu.memory_space<vmem>>, vector<1x16xf32>,
        %swap3A_443 = vector.shape_cast %swap3A_442 : vector<1x16xf32> to vector<16xf32>
        %swap3A_444 = vector.shape_cast %max3A_439 : vector<16xf32> to vector<1x16xf32>
        tpu.vector_store %arg14[%swap3A_440, %swap3A_441], %swap3A_444 {strides = array<i32>} : memref<80x128xf32, #tpu.memory_space<vmem>>, vector<1x16xf32>,
        %get3A_445 = arith.index_cast %scan3A_361 : i32 to index
        %get3A_446 = arith.constant 80 : index
        %get3A_447 = tpu.vector_load %arg14[%get3A_445, %get3A_446] {strides = array<i32>} : memref<80x128xf32, #tpu.memory_space<vmem>>, vector<1x16xf32>,
        %get3A_448 = vector.shape_cast %get3A_447 : vector<1x16xf32> to vector<16xf32>
        %get3A_449 = arith.index_cast %scan3A_361 : i32 to index
        %get3A_450 = arith.constant 80 : index
        %get3A_451 = tpu.vector_load %arg12[%get3A_449, %get3A_450] {strides = array<i32>} : memref<80x128xf32, #tpu.memory_space<vmem>>, vector<1x16xf32>,
        %get3A_452 = vector.shape_cast %get3A_451 : vector<1x16xf32> to vector<16xf32>
        %add3A_453 = arith.addf %get3A_448, %get3A_452 : vector<16xf32>
        %max3A_454 = arith.constant 0.000000e+00 : f32
        %max3A_455 = vector.broadcast %max3A_454 : f32 to vector<16xf32>
        %max3A_456 = arith.maximumf %add3A_453, %max3A_455 : vector<16xf32>
        %swap3A_457 = arith.index_cast %scan3A_361 : i32 to index
        %swap3A_458 = arith.constant 80 : index
        %swap3A_459 = tpu.vector_load %arg14[%swap3A_457, %swap3A_458] {strides = array<i32>} : memref<80x128xf32, #tpu.memory_space<vmem>>, vector<1x16xf32>,
        %swap3A_460 = vector.shape_cast %swap3A_459 : vector<1x16xf32> to vector<16xf32>
        %swap3A_461 = vector.shape_cast %max3A_456 : vector<16xf32> to vector<1x16xf32>
        tpu.vector_store %arg14[%swap3A_457, %swap3A_458], %swap3A_461 {strides = array<i32>} : memref<80x128xf32, #tpu.memory_space<vmem>>, vector<1x16xf32>,
        %get3A_462 = arith.index_cast %scan3A_361 : i32 to index
        %get3A_463 = arith.constant 96 : index
        %get3A_464 = tpu.vector_load %arg14[%get3A_462, %get3A_463] {strides = array<i32>} : memref<80x128xf32, #tpu.memory_space<vmem>>, vector<1x16xf32>,
        %get3A_465 = vector.shape_cast %get3A_464 : vector<1x16xf32> to vector<16xf32>
        %get3A_466 = arith.index_cast %scan3A_361 : i32 to index
        %get3A_467 = arith.constant 96 : index
        %get3A_468 = tpu.vector_load %arg12[%get3A_466, %get3A_467] {strides = array<i32>} : memref<80x128xf32, #tpu.memory_space<vmem>>, vector<1x16xf32>,
        %get3A_469 = vector.shape_cast %get3A_468 : vector<1x16xf32> to vector<16xf32>
        %add3A_470 = arith.addf %get3A_465, %get3A_469 : vector<16xf32>
        %max3A_471 = arith.constant 0.000000e+00 : f32
        %max3A_472 = vector.broadcast %max3A_471 : f32 to vector<16xf32>
        %max3A_473 = arith.maximumf %add3A_470, %max3A_472 : vector<16xf32>
        %swap3A_474 = arith.index_cast %scan3A_361 : i32 to index
        %swap3A_475 = arith.constant 96 : index
        %swap3A_476 = tpu.vector_load %arg14[%swap3A_474, %swap3A_475] {strides = array<i32>} : memref<80x128xf32, #tpu.memory_space<vmem>>, vector<1x16xf32>,
        %swap3A_477 = vector.shape_cast %swap3A_476 : vector<1x16xf32> to vector<16xf32>
        %swap3A_478 = vector.shape_cast %max3A_473 : vector<16xf32> to vector<1x16xf32>
        tpu.vector_store %arg14[%swap3A_474, %swap3A_475], %swap3A_478 {strides = array<i32>} : memref<80x128xf32, #tpu.memory_space<vmem>>, vector<1x16xf32>,
        %get3A_479 = arith.index_cast %scan3A_361 : i32 to index
        %get3A_480 = arith.constant 112 : index
        %get3A_481 = tpu.vector_load %arg14[%get3A_479, %get3A_480] {strides = array<i32>} : memref<80x128xf32, #tpu.memory_space<vmem>>, vector<1x16xf32>,
        %get3A_482 = vector.shape_cast %get3A_481 : vector<1x16xf32> to vector<16xf32>
        %get3A_483 = arith.index_cast %scan3A_361 : i32 to index
        %get3A_484 = arith.constant 112 : index
        %get3A_485 = tpu.vector_load %arg12[%get3A_483, %get3A_484] {strides = array<i32>} : memref<80x128xf32, #tpu.memory_space<vmem>>, vector<1x16xf32>,
        %get3A_486 = vector.shape_cast %get3A_485 : vector<1x16xf32> to vector<16xf32>
        %add3A_487 = arith.addf %get3A_482, %get3A_486 : vector<16xf32>
        %max3A_488 = arith.constant 0.000000e+00 : f32
        %max3A_489 = vector.broadcast %max3A_488 : f32 to vector<16xf32>
        %max3A_490 = arith.maximumf %add3A_487, %max3A_489 : vector<16xf32>
        %swap3A_491 = arith.index_cast %scan3A_361 : i32 to index
        %swap3A_492 = arith.constant 112 : index
        %swap3A_493 = tpu.vector_load %arg14[%swap3A_491, %swap3A_492] {strides = array<i32>} : memref<80x128xf32, #tpu.memory_space<vmem>>, vector<1x16xf32>,
        %swap3A_494 = vector.shape_cast %swap3A_493 : vector<1x16xf32> to vector<16xf32>
        %swap3A_495 = vector.shape_cast %max3A_490 : vector<16xf32> to vector<1x16xf32>
        tpu.vector_store %arg14[%swap3A_491, %swap3A_492], %swap3A_495 {strides = array<i32>} : memref<80x128xf32, #tpu.memory_space<vmem>>, vector<1x16xf32>,
        %scan3A_496 = arith.constant 0 : i32
        scf.yield %scan3A_496 : i32
      }
      %scan3A_359 = arith.constant 40 : i32
      "tpu.region"() ({
        %run_scoped3A = tpu.sem_alloc : memref<!tpu.dma_semaphore, #tpu.memory_space<semaphore_mem>>
        %dma_start3A_361 = arith.constant 0 : i32
        %dma_start3A_362 = arith.constant 0 : i32
        %dma_start3A_363 = tpu.memref_slice %arg15[%dma_start3A_361, %dma_start3A_362] : memref<10000x128xf32, #tpu.memory_space<vmem_shared>> -> memref<10000x128xf32, #tpu.memory_space<vmem_shared>>
        tpu.enqueue_indirect_dma source(%arg14 : memref<80x128xf32, #tpu.memory_space<vmem>>) target(%dma_start3A_363 : memref<10000x128xf32, #tpu.memory_space<vmem_shared>>) offsets(%arg10 : memref<80xi32, #tpu.memory_space<vmem>>) semaphore(%run_scoped3A : memref<!tpu.dma_semaphore, #tpu.memory_space<semaphore_mem>>) {add = true}
        %dma_wait3A_364 = arith.constant 0 : i32
        %dma_wait3A_365 = arith.constant 0 : i32
        %dma_wait3A_366 = tpu.memref_slice %arg15[%dma_wait3A_364, %dma_wait3A_365] : memref<10000x128xf32, #tpu.memory_space<vmem_shared>> -> memref<10000x128xf32, #tpu.memory_space<vmem_shared>>
        tpu.wait_indirect_dma semaphore(%run_scoped3A : memref<!tpu.dma_semaphore, #tpu.memory_space<semaphore_mem>>) src(%arg14 : memref<80x128xf32, #tpu.memory_space<vmem>>) dst(%dma_wait3A_366 : memref<10000x128xf32, #tpu.memory_space<vmem_shared>>)
        tpu.yield
      }) : () -> ()
      %scan3A_360 = arith.constant 0 : i32
      scf.yield %scan3A_360 : i32
    }
    %scan3A_111 = arith.constant 62 : i32
    %dma_wait3A_112 = arith.constant 0 : i32
    %dma_wait3A_113 = arith.constant 0 : i32
    %dma_wait3A_114 = tpu.memref_slice %arg2[%arg0, %dma_wait3A_112, %dma_wait3A_113] : memref<2x10000x128xf32, #tpu.memory_space<hbm>> -> memref<1x10000x128xf32, #tpu.memory_space<hbm>>
    %dma_wait3A_115 = tpu.memref_squeeze %dma_wait3A_114 : memref<1x10000x128xf32, #tpu.memory_space<hbm>> -> memref<10000x128xf32, #tpu.memory_space<hbm>>
    %dma_wait3A_116 = arith.constant 0 : i32
    %dma_wait3A_117 = arith.constant 0 : i32
    %dma_wait3A_118 = tpu.memref_slice %dma_wait3A_115[%dma_wait3A_116, %dma_wait3A_117] : memref<10000x128xf32, #tpu.memory_space<hbm>> -> memref<80x128xf32, #tpu.memory_space<hbm>>
    %dma_wait3A_119 = arith.constant 0 : i32
    %dma_wait3A_120 = arith.constant 0 : i32
    %dma_wait3A_121 = tpu.memref_slice %arg2[%arg0, %dma_wait3A_119, %dma_wait3A_120] : memref<2x10000x128xf32, #tpu.memory_space<hbm>> -> memref<1x10000x128xf32, #tpu.memory_space<hbm>>
    %dma_wait3A_122 = tpu.memref_squeeze %dma_wait3A_121 : memref<1x10000x128xf32, #tpu.memory_space<hbm>> -> memref<10000x128xf32, #tpu.memory_space<hbm>>
    %dma_wait3A_123 = arith.constant 0 : i32
    %dma_wait3A_124 = arith.constant 0 : i32
    %dma_wait3A_125 = tpu.memref_slice %dma_wait3A_122[%dma_wait3A_123, %dma_wait3A_124] : memref<10000x128xf32, #tpu.memory_space<hbm>> -> memref<80x128xf32, #tpu.memory_space<hbm>>
    tpu.wait_dma2 semaphore(%arg18 : memref<!tpu.dma_semaphore, #tpu.memory_space<semaphore_mem>>) src(%dma_wait3A_125 : memref<80x128xf32, #tpu.memory_space<hbm>>) dst(%arg11 : memref<80x128xf32, #tpu.memory_space<vmem>>)
    %scan3A_126 = arith.constant 0 : i32
    %scan3A_127 = arith.constant 0 : i32
    %scan3A_128 = arith.constant 80 : i32
    %scan3A_129 = arith.addi %scan3A_127, %scan3A_128 : i32
    %scan3A_130 = arith.constant 1 : i32
    %scan3A_131 = scf.for %scan3A_190 = %scan3A_127 to %scan3A_129 step %scan3A_130 iter_args(%scan3A_191 = %scan3A_126) -> (i32)  : i32 {
      %get3A = arith.index_cast %scan3A_190 : i32 to index
      %get3A_192 = arith.constant 0 : index
      %get3A_193 = tpu.vector_load %arg13[%get3A, %get3A_192] {strides = array<i32>} : memref<80x128xf32, #tpu.memory_space<vmem>>, vector<1x16xf32>,
      %get3A_194 = vector.shape_cast %get3A_193 : vector<1x16xf32> to vector<16xf32>
      %get3A_195 = arith.index_cast %scan3A_190 : i32 to index
      %get3A_196 = arith.constant 0 : index
      %get3A_197 = tpu.vector_load %arg11[%get3A_195, %get3A_196] {strides = array<i32>} : memref<80x128xf32, #tpu.memory_space<vmem>>, vector<1x16xf32>,
      %get3A_198 = vector.shape_cast %get3A_197 : vector<1x16xf32> to vector<16xf32>
      %add3A_199 = arith.addf %get3A_194, %get3A_198 : vector<16xf32>
      %max3A = arith.constant 0.000000e+00 : f32
      %max3A_200 = vector.broadcast %max3A : f32 to vector<16xf32>
      %max3A_201 = arith.maximumf %add3A_199, %max3A_200 : vector<16xf32>
      %swap3A = arith.index_cast %scan3A_190 : i32 to index
      %swap3A_202 = arith.constant 0 : index
      %swap3A_203 = tpu.vector_load %arg13[%swap3A, %swap3A_202] {strides = array<i32>} : memref<80x128xf32, #tpu.memory_space<vmem>>, vector<1x16xf32>,
      %swap3A_204 = vector.shape_cast %swap3A_203 : vector<1x16xf32> to vector<16xf32>
      %swap3A_205 = vector.shape_cast %max3A_201 : vector<16xf32> to vector<1x16xf32>
      tpu.vector_store %arg13[%swap3A, %swap3A_202], %swap3A_205 {strides = array<i32>} : memref<80x128xf32, #tpu.memory_space<vmem>>, vector<1x16xf32>,
      %get3A_206 = arith.index_cast %scan3A_190 : i32 to index
      %get3A_207 = arith.constant 16 : index
      %get3A_208 = tpu.vector_load %arg13[%get3A_206, %get3A_207] {strides = array<i32>} : memref<80x128xf32, #tpu.memory_space<vmem>>, vector<1x16xf32>,
      %get3A_209 = vector.shape_cast %get3A_208 : vector<1x16xf32> to vector<16xf32>
      %get3A_210 = arith.index_cast %scan3A_190 : i32 to index
      %get3A_211 = arith.constant 16 : index
      %get3A_212 = tpu.vector_load %arg11[%get3A_210, %get3A_211] {strides = array<i32>} : memref<80x128xf32, #tpu.memory_space<vmem>>, vector<1x16xf32>,
      %get3A_213 = vector.shape_cast %get3A_212 : vector<1x16xf32> to vector<16xf32>
      %add3A_214 = arith.addf %get3A_209, %get3A_213 : vector<16xf32>
      %max3A_215 = arith.constant 0.000000e+00 : f32
      %max3A_216 = vector.broadcast %max3A_215 : f32 to vector<16xf32>
      %max3A_217 = arith.maximumf %add3A_214, %max3A_216 : vector<16xf32>
      %swap3A_218 = arith.index_cast %scan3A_190 : i32 to index
      %swap3A_219 = arith.constant 16 : index
      %swap3A_220 = tpu.vector_load %arg13[%swap3A_218, %swap3A_219] {strides = array<i32>} : memref<80x128xf32, #tpu.memory_space<vmem>>, vector<1x16xf32>,
      %swap3A_221 = vector.shape_cast %swap3A_220 : vector<1x16xf32> to vector<16xf32>
      %swap3A_222 = vector.shape_cast %max3A_217 : vector<16xf32> to vector<1x16xf32>
      tpu.vector_store %arg13[%swap3A_218, %swap3A_219], %swap3A_222 {strides = array<i32>} : memref<80x128xf32, #tpu.memory_space<vmem>>, vector<1x16xf32>,
      %get3A_223 = arith.index_cast %scan3A_190 : i32 to index
      %get3A_224 = arith.constant 32 : index
      %get3A_225 = tpu.vector_load %arg13[%get3A_223, %get3A_224] {strides = array<i32>} : memref<80x128xf32, #tpu.memory_space<vmem>>, vector<1x16xf32>,
      %get3A_226 = vector.shape_cast %get3A_225 : vector<1x16xf32> to vector<16xf32>
      %get3A_227 = arith.index_cast %scan3A_190 : i32 to index
      %get3A_228 = arith.constant 32 : index
      %get3A_229 = tpu.vector_load %arg11[%get3A_227, %get3A_228] {strides = array<i32>} : memref<80x128xf32, #tpu.memory_space<vmem>>, vector<1x16xf32>,
      %get3A_230 = vector.shape_cast %get3A_229 : vector<1x16xf32> to vector<16xf32>
      %add3A_231 = arith.addf %get3A_226, %get3A_230 : vector<16xf32>
      %max3A_232 = arith.constant 0.000000e+00 : f32
      %max3A_233 = vector.broadcast %max3A_232 : f32 to vector<16xf32>
      %max3A_234 = arith.maximumf %add3A_231, %max3A_233 : vector<16xf32>
      %swap3A_235 = arith.index_cast %scan3A_190 : i32 to index
      %swap3A_236 = arith.constant 32 : index
      %swap3A_237 = tpu.vector_load %arg13[%swap3A_235, %swap3A_236] {strides = array<i32>} : memref<80x128xf32, #tpu.memory_space<vmem>>, vector<1x16xf32>,
      %swap3A_238 = vector.shape_cast %swap3A_237 : vector<1x16xf32> to vector<16xf32>
      %swap3A_239 = vector.shape_cast %max3A_234 : vector<16xf32> to vector<1x16xf32>
      tpu.vector_store %arg13[%swap3A_235, %swap3A_236], %swap3A_239 {strides = array<i32>} : memref<80x128xf32, #tpu.memory_space<vmem>>, vector<1x16xf32>,
      %get3A_240 = arith.index_cast %scan3A_190 : i32 to index
      %get3A_241 = arith.constant 48 : index
      %get3A_242 = tpu.vector_load %arg13[%get3A_240, %get3A_241] {strides = array<i32>} : memref<80x128xf32, #tpu.memory_space<vmem>>, vector<1x16xf32>,
      %get3A_243 = vector.shape_cast %get3A_242 : vector<1x16xf32> to vector<16xf32>
      %get3A_244 = arith.index_cast %scan3A_190 : i32 to index
      %get3A_245 = arith.constant 48 : index
      %get3A_246 = tpu.vector_load %arg11[%get3A_244, %get3A_245] {strides = array<i32>} : memref<80x128xf32, #tpu.memory_space<vmem>>, vector<1x16xf32>,
      %get3A_247 = vector.shape_cast %get3A_246 : vector<1x16xf32> to vector<16xf32>
      %add3A_248 = arith.addf %get3A_243, %get3A_247 : vector<16xf32>
      %max3A_249 = arith.constant 0.000000e+00 : f32
      %max3A_250 = vector.broadcast %max3A_249 : f32 to vector<16xf32>
      %max3A_251 = arith.maximumf %add3A_248, %max3A_250 : vector<16xf32>
      %swap3A_252 = arith.index_cast %scan3A_190 : i32 to index
      %swap3A_253 = arith.constant 48 : index
      %swap3A_254 = tpu.vector_load %arg13[%swap3A_252, %swap3A_253] {strides = array<i32>} : memref<80x128xf32, #tpu.memory_space<vmem>>, vector<1x16xf32>,
      %swap3A_255 = vector.shape_cast %swap3A_254 : vector<1x16xf32> to vector<16xf32>
      %swap3A_256 = vector.shape_cast %max3A_251 : vector<16xf32> to vector<1x16xf32>
      tpu.vector_store %arg13[%swap3A_252, %swap3A_253], %swap3A_256 {strides = array<i32>} : memref<80x128xf32, #tpu.memory_space<vmem>>, vector<1x16xf32>,
      %get3A_257 = arith.index_cast %scan3A_190 : i32 to index
      %get3A_258 = arith.constant 64 : index
      %get3A_259 = tpu.vector_load %arg13[%get3A_257, %get3A_258] {strides = array<i32>} : memref<80x128xf32, #tpu.memory_space<vmem>>, vector<1x16xf32>,
      %get3A_260 = vector.shape_cast %get3A_259 : vector<1x16xf32> to vector<16xf32>
      %get3A_261 = arith.index_cast %scan3A_190 : i32 to index
      %get3A_262 = arith.constant 64 : index
      %get3A_263 = tpu.vector_load %arg11[%get3A_261, %get3A_262] {strides = array<i32>} : memref<80x128xf32, #tpu.memory_space<vmem>>, vector<1x16xf32>,
      %get3A_264 = vector.shape_cast %get3A_263 : vector<1x16xf32> to vector<16xf32>
      %add3A_265 = arith.addf %get3A_260, %get3A_264 : vector<16xf32>
      %max3A_266 = arith.constant 0.000000e+00 : f32
      %max3A_267 = vector.broadcast %max3A_266 : f32 to vector<16xf32>
      %max3A_268 = arith.maximumf %add3A_265, %max3A_267 : vector<16xf32>
      %swap3A_269 = arith.index_cast %scan3A_190 : i32 to index
      %swap3A_270 = arith.constant 64 : index
      %swap3A_271 = tpu.vector_load %arg13[%swap3A_269, %swap3A_270] {strides = array<i32>} : memref<80x128xf32, #tpu.memory_space<vmem>>, vector<1x16xf32>,
      %swap3A_272 = vector.shape_cast %swap3A_271 : vector<1x16xf32> to vector<16xf32>
      %swap3A_273 = vector.shape_cast %max3A_268 : vector<16xf32> to vector<1x16xf32>
      tpu.vector_store %arg13[%swap3A_269, %swap3A_270], %swap3A_273 {strides = array<i32>} : memref<80x128xf32, #tpu.memory_space<vmem>>, vector<1x16xf32>,
      %get3A_274 = arith.index_cast %scan3A_190 : i32 to index
      %get3A_275 = arith.constant 80 : index
      %get3A_276 = tpu.vector_load %arg13[%get3A_274, %get3A_275] {strides = array<i32>} : memref<80x128xf32, #tpu.memory_space<vmem>>, vector<1x16xf32>,
      %get3A_277 = vector.shape_cast %get3A_276 : vector<1x16xf32> to vector<16xf32>
      %get3A_278 = arith.index_cast %scan3A_190 : i32 to index
      %get3A_279 = arith.constant 80 : index
      %get3A_280 = tpu.vector_load %arg11[%get3A_278, %get3A_279] {strides = array<i32>} : memref<80x128xf32, #tpu.memory_space<vmem>>, vector<1x16xf32>,
      %get3A_281 = vector.shape_cast %get3A_280 : vector<1x16xf32> to vector<16xf32>
      %add3A_282 = arith.addf %get3A_277, %get3A_281 : vector<16xf32>
      %max3A_283 = arith.constant 0.000000e+00 : f32
      %max3A_284 = vector.broadcast %max3A_283 : f32 to vector<16xf32>
      %max3A_285 = arith.maximumf %add3A_282, %max3A_284 : vector<16xf32>
      %swap3A_286 = arith.index_cast %scan3A_190 : i32 to index
      %swap3A_287 = arith.constant 80 : index
      %swap3A_288 = tpu.vector_load %arg13[%swap3A_286, %swap3A_287] {strides = array<i32>} : memref<80x128xf32, #tpu.memory_space<vmem>>, vector<1x16xf32>,
      %swap3A_289 = vector.shape_cast %swap3A_288 : vector<1x16xf32> to vector<16xf32>
      %swap3A_290 = vector.shape_cast %max3A_285 : vector<16xf32> to vector<1x16xf32>
      tpu.vector_store %arg13[%swap3A_286, %swap3A_287], %swap3A_290 {strides = array<i32>} : memref<80x128xf32, #tpu.memory_space<vmem>>, vector<1x16xf32>,
      %get3A_291 = arith.index_cast %scan3A_190 : i32 to index
      %get3A_292 = arith.constant 96 : index
      %get3A_293 = tpu.vector_load %arg13[%get3A_291, %get3A_292] {strides = array<i32>} : memref<80x128xf32, #tpu.memory_space<vmem>>, vector<1x16xf32>,
      %get3A_294 = vector.shape_cast %get3A_293 : vector<1x16xf32> to vector<16xf32>
      %get3A_295 = arith.index_cast %scan3A_190 : i32 to index
      %get3A_296 = arith.constant 96 : index
      %get3A_297 = tpu.vector_load %arg11[%get3A_295, %get3A_296] {strides = array<i32>} : memref<80x128xf32, #tpu.memory_space<vmem>>, vector<1x16xf32>,
      %get3A_298 = vector.shape_cast %get3A_297 : vector<1x16xf32> to vector<16xf32>
      %add3A_299 = arith.addf %get3A_294, %get3A_298 : vector<16xf32>
      %max3A_300 = arith.constant 0.000000e+00 : f32
      %max3A_301 = vector.broadcast %max3A_300 : f32 to vector<16xf32>
      %max3A_302 = arith.maximumf %add3A_299, %max3A_301 : vector<16xf32>
      %swap3A_303 = arith.index_cast %scan3A_190 : i32 to index
      %swap3A_304 = arith.constant 96 : index
      %swap3A_305 = tpu.vector_load %arg13[%swap3A_303, %swap3A_304] {strides = array<i32>} : memref<80x128xf32, #tpu.memory_space<vmem>>, vector<1x16xf32>,
      %swap3A_306 = vector.shape_cast %swap3A_305 : vector<1x16xf32> to vector<16xf32>
      %swap3A_307 = vector.shape_cast %max3A_302 : vector<16xf32> to vector<1x16xf32>
      tpu.vector_store %arg13[%swap3A_303, %swap3A_304], %swap3A_307 {strides = array<i32>} : memref<80x128xf32, #tpu.memory_space<vmem>>, vector<1x16xf32>,
      %get3A_308 = arith.index_cast %scan3A_190 : i32 to index
      %get3A_309 = arith.constant 112 : index
      %get3A_310 = tpu.vector_load %arg13[%get3A_308, %get3A_309] {strides = array<i32>} : memref<80x128xf32, #tpu.memory_space<vmem>>, vector<1x16xf32>,
      %get3A_311 = vector.shape_cast %get3A_310 : vector<1x16xf32> to vector<16xf32>
      %get3A_312 = arith.index_cast %scan3A_190 : i32 to index
      %get3A_313 = arith.constant 112 : index
      %get3A_314 = tpu.vector_load %arg11[%get3A_312, %get3A_313] {strides = array<i32>} : memref<80x128xf32, #tpu.memory_space<vmem>>, vector<1x16xf32>,
      %get3A_315 = vector.shape_cast %get3A_314 : vector<1x16xf32> to vector<16xf32>
      %add3A_316 = arith.addf %get3A_311, %get3A_315 : vector<16xf32>
      %max3A_317 = arith.constant 0.000000e+00 : f32
      %max3A_318 = vector.broadcast %max3A_317 : f32 to vector<16xf32>
      %max3A_319 = arith.maximumf %add3A_316, %max3A_318 : vector<16xf32>
      %swap3A_320 = arith.index_cast %scan3A_190 : i32 to index
      %swap3A_321 = arith.constant 112 : index
      %swap3A_322 = tpu.vector_load %arg13[%swap3A_320, %swap3A_321] {strides = array<i32>} : memref<80x128xf32, #tpu.memory_space<vmem>>, vector<1x16xf32>,
      %swap3A_323 = vector.shape_cast %swap3A_322 : vector<1x16xf32> to vector<16xf32>
      %swap3A_324 = vector.shape_cast %max3A_319 : vector<16xf32> to vector<1x16xf32>
      tpu.vector_store %arg13[%swap3A_320, %swap3A_321], %swap3A_324 {strides = array<i32>} : memref<80x128xf32, #tpu.memory_space<vmem>>, vector<1x16xf32>,
      %scan3A_325 = arith.constant 0 : i32
      scf.yield %scan3A_325 : i32
    }
    %scan3A_132 = arith.constant 80 : i32
    "tpu.region"() ({
      %run_scoped3A = tpu.sem_alloc : memref<!tpu.dma_semaphore, #tpu.memory_space<semaphore_mem>>
      %dma_start3A_190 = arith.constant 0 : i32
      %dma_start3A_191 = arith.constant 0 : i32
      %dma_start3A_192 = tpu.memref_slice %arg15[%dma_start3A_190, %dma_start3A_191] : memref<10000x128xf32, #tpu.memory_space<vmem_shared>> -> memref<10000x128xf32, #tpu.memory_space<vmem_shared>>
      tpu.enqueue_indirect_dma source(%arg13 : memref<80x128xf32, #tpu.memory_space<vmem>>) target(%dma_start3A_192 : memref<10000x128xf32, #tpu.memory_space<vmem_shared>>) offsets(%arg9 : memref<80xi32, #tpu.memory_space<vmem>>) semaphore(%run_scoped3A : memref<!tpu.dma_semaphore, #tpu.memory_space<semaphore_mem>>) {add = true}
      %dma_wait3A_193 = arith.constant 0 : i32
      %dma_wait3A_194 = arith.constant 0 : i32
      %dma_wait3A_195 = tpu.memref_slice %arg15[%dma_wait3A_193, %dma_wait3A_194] : memref<10000x128xf32, #tpu.memory_space<vmem_shared>> -> memref<10000x128xf32, #tpu.memory_space<vmem_shared>>
      tpu.wait_indirect_dma semaphore(%run_scoped3A : memref<!tpu.dma_semaphore, #tpu.memory_space<semaphore_mem>>) src(%arg13 : memref<80x128xf32, #tpu.memory_space<vmem>>) dst(%dma_wait3A_195 : memref<10000x128xf32, #tpu.memory_space<vmem_shared>>)
      tpu.yield
    }) : () -> ()
    %barrier3A_133 = arith.constant 0 : index
    tpu.barrier barrier_id(%barrier3A_133)
    %add3A_134 = arith.constant 0 : i32
    %add3A_135 = arith.addi %arg1, %add3A_134 : i32
    %lt3A_136 = arith.constant 125 : i32
    %lt3A_137 = arith.cmpi slt, %add3A_135, %lt3A_136 : i32
    %convert_element_type3A_138 = arith.extui %lt3A_137 : i1 to i32
    %cond3A_139 = arith.constant 0 : i32
    %cond3A_140 = arith.cmpi ne, %convert_element_type3A_138, %cond3A_139 : i32
    scf.if %cond3A_140 {
      %mul3A_190 = arith.constant 80 : i32
      %mul3A_191 = arith.muli %add3A_135, %mul3A_190 : i32
      "tpu.region"() ({
        %run_scoped3A = tpu.sem_alloc : memref<!tpu.dma_semaphore, #tpu.memory_space<semaphore_mem>>
        %dma_start3A_194 = arith.constant 0 : i32
        %dma_start3A_195 = tpu.memref_slice %arg15[%mul3A_191, %dma_start3A_194] : memref<10000x128xf32, #tpu.memory_space<vmem_shared>> -> memref<80x128xf32, #tpu.memory_space<vmem_shared>>
        %dma_start3A_196 = arith.constant 0 : i32
        %dma_start3A_197 = tpu.memref_slice %arg15[%mul3A_191, %dma_start3A_196] : memref<10000x128xf32, #tpu.memory_space<vmem_shared>> -> memref<80x128xf32, #tpu.memory_space<vmem_shared>>
        tpu.enqueue_dma source(%dma_start3A_197 : memref<80x128xf32, #tpu.memory_space<vmem_shared>>) target(%arg13 : memref<80x128xf32, #tpu.memory_space<vmem>>) target_semaphore(%run_scoped3A : memref<!tpu.dma_semaphore, #tpu.memory_space<semaphore_mem>>)
        %dma_wait3A_198 = arith.constant 0 : i32
        %dma_wait3A_199 = tpu.memref_slice %arg15[%mul3A_191, %dma_wait3A_198] : memref<10000x128xf32, #tpu.memory_space<vmem_shared>> -> memref<80x128xf32, #tpu.memory_space<vmem_shared>>
        %dma_wait3A_200 = arith.constant 0 : i32
        %dma_wait3A_201 = tpu.memref_slice %arg15[%mul3A_191, %dma_wait3A_200] : memref<10000x128xf32, #tpu.memory_space<vmem_shared>> -> memref<80x128xf32, #tpu.memory_space<vmem_shared>>
        tpu.wait_dma2 semaphore(%run_scoped3A : memref<!tpu.dma_semaphore, #tpu.memory_space<semaphore_mem>>) src(%dma_wait3A_201 : memref<80x128xf32, #tpu.memory_space<vmem_shared>>) dst(%arg13 : memref<80x128xf32, #tpu.memory_space<vmem>>)
        tpu.yield
      }) : () -> ()
      %mul3A_192 = arith.constant 80 : i32
      %mul3A_193 = arith.muli %add3A_135, %mul3A_192 : i32
      "tpu.region"() ({
        %run_scoped3A = tpu.sem_alloc : memref<!tpu.dma_semaphore, #tpu.memory_space<semaphore_mem>>
        %dma_start3A_194 = arith.constant 0 : i32
        %dma_start3A_195 = arith.constant 0 : i32
        %dma_start3A_196 = tpu.memref_slice %arg6[%arg0, %dma_start3A_194, %dma_start3A_195] : memref<2x10000x128xf32, #tpu.memory_space<hbm>> -> memref<1x10000x128xf32, #tpu.memory_space<hbm>>
        %dma_start3A_197 = tpu.memref_squeeze %dma_start3A_196 : memref<1x10000x128xf32, #tpu.memory_space<hbm>> -> memref<10000x128xf32, #tpu.memory_space<hbm>>
        %dma_start3A_198 = arith.constant 0 : i32
        %dma_start3A_199 = tpu.memref_slice %dma_start3A_197[%mul3A_193, %dma_start3A_198] : memref<10000x128xf32, #tpu.memory_space<hbm>> -> memref<80x128xf32, #tpu.memory_space<hbm>>
        %dma_start3A_200 = arith.constant 0 : i32
        %dma_start3A_201 = arith.constant 0 : i32
        %dma_start3A_202 = tpu.memref_slice %arg6[%arg0, %dma_start3A_200, %dma_start3A_201] : memref<2x10000x128xf32, #tpu.memory_space<hbm>> -> memref<1x10000x128xf32, #tpu.memory_space<hbm>>
        %dma_start3A_203 = tpu.memref_squeeze %dma_start3A_202 : memref<1x10000x128xf32, #tpu.memory_space<hbm>> -> memref<10000x128xf32, #tpu.memory_space<hbm>>
        %dma_start3A_204 = arith.constant 0 : i32
        %dma_start3A_205 = tpu.memref_slice %dma_start3A_203[%mul3A_193, %dma_start3A_204] : memref<10000x128xf32, #tpu.memory_space<hbm>> -> memref<80x128xf32, #tpu.memory_space<hbm>>
        tpu.enqueue_dma source(%arg13 : memref<80x128xf32, #tpu.memory_space<vmem>>) target(%dma_start3A_205 : memref<80x128xf32, #tpu.memory_space<hbm>>) target_semaphore(%run_scoped3A : memref<!tpu.dma_semaphore, #tpu.memory_space<semaphore_mem>>)
        %dma_wait3A_206 = arith.constant 0 : i32
        %dma_wait3A_207 = arith.constant 0 : i32
        %dma_wait3A_208 = tpu.memref_slice %arg6[%arg0, %dma_wait3A_206, %dma_wait3A_207] : memref<2x10000x128xf32, #tpu.memory_space<hbm>> -> memref<1x10000x128xf32, #tpu.memory_space<hbm>>
        %dma_wait3A_209 = tpu.memref_squeeze %dma_wait3A_208 : memref<1x10000x128xf32, #tpu.memory_space<hbm>> -> memref<10000x128xf32, #tpu.memory_space<hbm>>
        %dma_wait3A_210 = arith.constant 0 : i32
        %dma_wait3A_211 = tpu.memref_slice %dma_wait3A_209[%mul3A_193, %dma_wait3A_210] : memref<10000x128xf32, #tpu.memory_space<hbm>> -> memref<80x128xf32, #tpu.memory_space<hbm>>
        %dma_wait3A_212 = arith.constant 0 : i32
        %dma_wait3A_213 = arith.constant 0 : i32
        %dma_wait3A_214 = tpu.memref_slice %arg6[%arg0, %dma_wait3A_212, %dma_wait3A_213] : memref<2x10000x128xf32, #tpu.memory_space<hbm>> -> memref<1x10000x128xf32, #tpu.memory_space<hbm>>
        %dma_wait3A_215 = tpu.memref_squeeze %dma_wait3A_214 : memref<1x10000x128xf32, #tpu.memory_space<hbm>> -> memref<10000x128xf32, #tpu.memory_space<hbm>>
        %dma_wait3A_216 = arith.constant 0 : i32
        %dma_wait3A_217 = tpu.memref_slice %dma_wait3A_215[%mul3A_193, %dma_wait3A_216] : memref<10000x128xf32, #tpu.memory_space<hbm>> -> memref<80x128xf32, #tpu.memory_space<hbm>>
        tpu.wait_dma2 semaphore(%run_scoped3A : memref<!tpu.dma_semaphore, #tpu.memory_space<semaphore_mem>>) src(%arg13 : memref<80x128xf32, #tpu.memory_space<vmem>>) dst(%dma_wait3A_217 : memref<80x128xf32, #tpu.memory_space<hbm>>)
        tpu.yield
      }) : () -> ()
    } else {
    }
    %add3A_141 = arith.constant 16 : i32
    %add3A_142 = arith.addi %arg1, %add3A_141 : i32
    %lt3A_143 = arith.constant 125 : i32
    %lt3A_144 = arith.cmpi slt, %add3A_142, %lt3A_143 : i32
    %convert_element_type3A_145 = arith.extui %lt3A_144 : i1 to i32
    %cond3A_146 = arith.constant 0 : i32
    %cond3A_147 = arith.cmpi ne, %convert_element_type3A_145, %cond3A_146 : i32
    scf.if %cond3A_147 {
      %mul3A_190 = arith.constant 80 : i32
      %mul3A_191 = arith.muli %add3A_142, %mul3A_190 : i32
      "tpu.region"() ({
        %run_scoped3A = tpu.sem_alloc : memref<!tpu.dma_semaphore, #tpu.memory_space<semaphore_mem>>
        %dma_start3A_194 = arith.constant 0 : i32
        %dma_start3A_195 = tpu.memref_slice %arg15[%mul3A_191, %dma_start3A_194] : memref<10000x128xf32, #tpu.memory_space<vmem_shared>> -> memref<80x128xf32, #tpu.memory_space<vmem_shared>>
        %dma_start3A_196 = arith.constant 0 : i32
        %dma_start3A_197 = tpu.memref_slice %arg15[%mul3A_191, %dma_start3A_196] : memref<10000x128xf32, #tpu.memory_space<vmem_shared>> -> memref<80x128xf32, #tpu.memory_space<vmem_shared>>
        tpu.enqueue_dma source(%dma_start3A_197 : memref<80x128xf32, #tpu.memory_space<vmem_shared>>) target(%arg13 : memref<80x128xf32, #tpu.memory_space<vmem>>) target_semaphore(%run_scoped3A : memref<!tpu.dma_semaphore, #tpu.memory_space<semaphore_mem>>)
        %dma_wait3A_198 = arith.constant 0 : i32
        %dma_wait3A_199 = tpu.memref_slice %arg15[%mul3A_191, %dma_wait3A_198] : memref<10000x128xf32, #tpu.memory_space<vmem_shared>> -> memref<80x128xf32, #tpu.memory_space<vmem_shared>>
        %dma_wait3A_200 = arith.constant 0 : i32
        %dma_wait3A_201 = tpu.memref_slice %arg15[%mul3A_191, %dma_wait3A_200] : memref<10000x128xf32, #tpu.memory_space<vmem_shared>> -> memref<80x128xf32, #tpu.memory_space<vmem_shared>>
        tpu.wait_dma2 semaphore(%run_scoped3A : memref<!tpu.dma_semaphore, #tpu.memory_space<semaphore_mem>>) src(%dma_wait3A_201 : memref<80x128xf32, #tpu.memory_space<vmem_shared>>) dst(%arg13 : memref<80x128xf32, #tpu.memory_space<vmem>>)
        tpu.yield
      }) : () -> ()
      %mul3A_192 = arith.constant 80 : i32
      %mul3A_193 = arith.muli %add3A_142, %mul3A_192 : i32
      "tpu.region"() ({
        %run_scoped3A = tpu.sem_alloc : memref<!tpu.dma_semaphore, #tpu.memory_space<semaphore_mem>>
        %dma_start3A_194 = arith.constant 0 : i32
        %dma_start3A_195 = arith.constant 0 : i32
        %dma_start3A_196 = tpu.memref_slice %arg6[%arg0, %dma_start3A_194, %dma_start3A_195] : memref<2x10000x128xf32, #tpu.memory_space<hbm>> -> memref<1x10000x128xf32, #tpu.memory_space<hbm>>
        %dma_start3A_197 = tpu.memref_squeeze %dma_start3A_196 : memref<1x10000x128xf32, #tpu.memory_space<hbm>> -> memref<10000x128xf32, #tpu.memory_space<hbm>>
        %dma_start3A_198 = arith.constant 0 : i32
        %dma_start3A_199 = tpu.memref_slice %dma_start3A_197[%mul3A_193, %dma_start3A_198] : memref<10000x128xf32, #tpu.memory_space<hbm>> -> memref<80x128xf32, #tpu.memory_space<hbm>>
        %dma_start3A_200 = arith.constant 0 : i32
        %dma_start3A_201 = arith.constant 0 : i32
        %dma_start3A_202 = tpu.memref_slice %arg6[%arg0, %dma_start3A_200, %dma_start3A_201] : memref<2x10000x128xf32, #tpu.memory_space<hbm>> -> memref<1x10000x128xf32, #tpu.memory_space<hbm>>
        %dma_start3A_203 = tpu.memref_squeeze %dma_start3A_202 : memref<1x10000x128xf32, #tpu.memory_space<hbm>> -> memref<10000x128xf32, #tpu.memory_space<hbm>>
        %dma_start3A_204 = arith.constant 0 : i32
        %dma_start3A_205 = tpu.memref_slice %dma_start3A_203[%mul3A_193, %dma_start3A_204] : memref<10000x128xf32, #tpu.memory_space<hbm>> -> memref<80x128xf32, #tpu.memory_space<hbm>>
        tpu.enqueue_dma source(%arg13 : memref<80x128xf32, #tpu.memory_space<vmem>>) target(%dma_start3A_205 : memref<80x128xf32, #tpu.memory_space<hbm>>) target_semaphore(%run_scoped3A : memref<!tpu.dma_semaphore, #tpu.memory_space<semaphore_mem>>)
        %dma_wait3A_206 = arith.constant 0 : i32
        %dma_wait3A_207 = arith.constant 0 : i32
        %dma_wait3A_208 = tpu.memref_slice %arg6[%arg0, %dma_wait3A_206, %dma_wait3A_207] : memref<2x10000x128xf32, #tpu.memory_space<hbm>> -> memref<1x10000x128xf32, #tpu.memory_space<hbm>>
        %dma_wait3A_209 = tpu.memref_squeeze %dma_wait3A_208 : memref<1x10000x128xf32, #tpu.memory_space<hbm>> -> memref<10000x128xf32, #tpu.memory_space<hbm>>
        %dma_wait3A_210 = arith.constant 0 : i32
        %dma_wait3A_211 = tpu.memref_slice %dma_wait3A_209[%mul3A_193, %dma_wait3A_210] : memref<10000x128xf32, #tpu.memory_space<hbm>> -> memref<80x128xf32, #tpu.memory_space<hbm>>
        %dma_wait3A_212 = arith.constant 0 : i32
        %dma_wait3A_213 = arith.constant 0 : i32
        %dma_wait3A_214 = tpu.memref_slice %arg6[%arg0, %dma_wait3A_212, %dma_wait3A_213] : memref<2x10000x128xf32, #tpu.memory_space<hbm>> -> memref<1x10000x128xf32, #tpu.memory_space<hbm>>
        %dma_wait3A_215 = tpu.memref_squeeze %dma_wait3A_214 : memref<1x10000x128xf32, #tpu.memory_space<hbm>> -> memref<10000x128xf32, #tpu.memory_space<hbm>>
        %dma_wait3A_216 = arith.constant 0 : i32
        %dma_wait3A_217 = tpu.memref_slice %dma_wait3A_215[%mul3A_193, %dma_wait3A_216] : memref<10000x128xf32, #tpu.memory_space<hbm>> -> memref<80x128xf32, #tpu.memory_space<hbm>>
        tpu.wait_dma2 semaphore(%run_scoped3A : memref<!tpu.dma_semaphore, #tpu.memory_space<semaphore_mem>>) src(%arg13 : memref<80x128xf32, #tpu.memory_space<vmem>>) dst(%dma_wait3A_217 : memref<80x128xf32, #tpu.memory_space<hbm>>)
        tpu.yield
      }) : () -> ()
    } else {
    }
    %add3A_148 = arith.constant 32 : i32
    %add3A_149 = arith.addi %arg1, %add3A_148 : i32
    %lt3A_150 = arith.constant 125 : i32
    %lt3A_151 = arith.cmpi slt, %add3A_149, %lt3A_150 : i32
    %convert_element_type3A_152 = arith.extui %lt3A_151 : i1 to i32
    %cond3A_153 = arith.constant 0 : i32
    %cond3A_154 = arith.cmpi ne, %convert_element_type3A_152, %cond3A_153 : i32
    scf.if %cond3A_154 {
      %mul3A_190 = arith.constant 80 : i32
      %mul3A_191 = arith.muli %add3A_149, %mul3A_190 : i32
      "tpu.region"() ({
        %run_scoped3A = tpu.sem_alloc : memref<!tpu.dma_semaphore, #tpu.memory_space<semaphore_mem>>
        %dma_start3A_194 = arith.constant 0 : i32
        %dma_start3A_195 = tpu.memref_slice %arg15[%mul3A_191, %dma_start3A_194] : memref<10000x128xf32, #tpu.memory_space<vmem_shared>> -> memref<80x128xf32, #tpu.memory_space<vmem_shared>>
        %dma_start3A_196 = arith.constant 0 : i32
        %dma_start3A_197 = tpu.memref_slice %arg15[%mul3A_191, %dma_start3A_196] : memref<10000x128xf32, #tpu.memory_space<vmem_shared>> -> memref<80x128xf32, #tpu.memory_space<vmem_shared>>
        tpu.enqueue_dma source(%dma_start3A_197 : memref<80x128xf32, #tpu.memory_space<vmem_shared>>) target(%arg13 : memref<80x128xf32, #tpu.memory_space<vmem>>) target_semaphore(%run_scoped3A : memref<!tpu.dma_semaphore, #tpu.memory_space<semaphore_mem>>)
        %dma_wait3A_198 = arith.constant 0 : i32
        %dma_wait3A_199 = tpu.memref_slice %arg15[%mul3A_191, %dma_wait3A_198] : memref<10000x128xf32, #tpu.memory_space<vmem_shared>> -> memref<80x128xf32, #tpu.memory_space<vmem_shared>>
        %dma_wait3A_200 = arith.constant 0 : i32
        %dma_wait3A_201 = tpu.memref_slice %arg15[%mul3A_191, %dma_wait3A_200] : memref<10000x128xf32, #tpu.memory_space<vmem_shared>> -> memref<80x128xf32, #tpu.memory_space<vmem_shared>>
        tpu.wait_dma2 semaphore(%run_scoped3A : memref<!tpu.dma_semaphore, #tpu.memory_space<semaphore_mem>>) src(%dma_wait3A_201 : memref<80x128xf32, #tpu.memory_space<vmem_shared>>) dst(%arg13 : memref<80x128xf32, #tpu.memory_space<vmem>>)
        tpu.yield
      }) : () -> ()
      %mul3A_192 = arith.constant 80 : i32
      %mul3A_193 = arith.muli %add3A_149, %mul3A_192 : i32
      "tpu.region"() ({
        %run_scoped3A = tpu.sem_alloc : memref<!tpu.dma_semaphore, #tpu.memory_space<semaphore_mem>>
        %dma_start3A_194 = arith.constant 0 : i32
        %dma_start3A_195 = arith.constant 0 : i32
        %dma_start3A_196 = tpu.memref_slice %arg6[%arg0, %dma_start3A_194, %dma_start3A_195] : memref<2x10000x128xf32, #tpu.memory_space<hbm>> -> memref<1x10000x128xf32, #tpu.memory_space<hbm>>
        %dma_start3A_197 = tpu.memref_squeeze %dma_start3A_196 : memref<1x10000x128xf32, #tpu.memory_space<hbm>> -> memref<10000x128xf32, #tpu.memory_space<hbm>>
        %dma_start3A_198 = arith.constant 0 : i32
        %dma_start3A_199 = tpu.memref_slice %dma_start3A_197[%mul3A_193, %dma_start3A_198] : memref<10000x128xf32, #tpu.memory_space<hbm>> -> memref<80x128xf32, #tpu.memory_space<hbm>>
        %dma_start3A_200 = arith.constant 0 : i32
        %dma_start3A_201 = arith.constant 0 : i32
        %dma_start3A_202 = tpu.memref_slice %arg6[%arg0, %dma_start3A_200, %dma_start3A_201] : memref<2x10000x128xf32, #tpu.memory_space<hbm>> -> memref<1x10000x128xf32, #tpu.memory_space<hbm>>
        %dma_start3A_203 = tpu.memref_squeeze %dma_start3A_202 : memref<1x10000x128xf32, #tpu.memory_space<hbm>> -> memref<10000x128xf32, #tpu.memory_space<hbm>>
        %dma_start3A_204 = arith.constant 0 : i32
        %dma_start3A_205 = tpu.memref_slice %dma_start3A_203[%mul3A_193, %dma_start3A_204] : memref<10000x128xf32, #tpu.memory_space<hbm>> -> memref<80x128xf32, #tpu.memory_space<hbm>>
        tpu.enqueue_dma source(%arg13 : memref<80x128xf32, #tpu.memory_space<vmem>>) target(%dma_start3A_205 : memref<80x128xf32, #tpu.memory_space<hbm>>) target_semaphore(%run_scoped3A : memref<!tpu.dma_semaphore, #tpu.memory_space<semaphore_mem>>)
        %dma_wait3A_206 = arith.constant 0 : i32
        %dma_wait3A_207 = arith.constant 0 : i32
        %dma_wait3A_208 = tpu.memref_slice %arg6[%arg0, %dma_wait3A_206, %dma_wait3A_207] : memref<2x10000x128xf32, #tpu.memory_space<hbm>> -> memref<1x10000x128xf32, #tpu.memory_space<hbm>>
        %dma_wait3A_209 = tpu.memref_squeeze %dma_wait3A_208 : memref<1x10000x128xf32, #tpu.memory_space<hbm>> -> memref<10000x128xf32, #tpu.memory_space<hbm>>
        %dma_wait3A_210 = arith.constant 0 : i32
        %dma_wait3A_211 = tpu.memref_slice %dma_wait3A_209[%mul3A_193, %dma_wait3A_210] : memref<10000x128xf32, #tpu.memory_space<hbm>> -> memref<80x128xf32, #tpu.memory_space<hbm>>
        %dma_wait3A_212 = arith.constant 0 : i32
        %dma_wait3A_213 = arith.constant 0 : i32
        %dma_wait3A_214 = tpu.memref_slice %arg6[%arg0, %dma_wait3A_212, %dma_wait3A_213] : memref<2x10000x128xf32, #tpu.memory_space<hbm>> -> memref<1x10000x128xf32, #tpu.memory_space<hbm>>
        %dma_wait3A_215 = tpu.memref_squeeze %dma_wait3A_214 : memref<1x10000x128xf32, #tpu.memory_space<hbm>> -> memref<10000x128xf32, #tpu.memory_space<hbm>>
        %dma_wait3A_216 = arith.constant 0 : i32
        %dma_wait3A_217 = tpu.memref_slice %dma_wait3A_215[%mul3A_193, %dma_wait3A_216] : memref<10000x128xf32, #tpu.memory_space<hbm>> -> memref<80x128xf32, #tpu.memory_space<hbm>>
        tpu.wait_dma2 semaphore(%run_scoped3A : memref<!tpu.dma_semaphore, #tpu.memory_space<semaphore_mem>>) src(%arg13 : memref<80x128xf32, #tpu.memory_space<vmem>>) dst(%dma_wait3A_217 : memref<80x128xf32, #tpu.memory_space<hbm>>)
        tpu.yield
      }) : () -> ()
    } else {
    }
    %add3A_155 = arith.constant 48 : i32
    %add3A_156 = arith.addi %arg1, %add3A_155 : i32
    %lt3A_157 = arith.constant 125 : i32
    %lt3A_158 = arith.cmpi slt, %add3A_156, %lt3A_157 : i32
    %convert_element_type3A_159 = arith.extui %lt3A_158 : i1 to i32
    %cond3A_160 = arith.constant 0 : i32
    %cond3A_161 = arith.cmpi ne, %convert_element_type3A_159, %cond3A_160 : i32
    scf.if %cond3A_161 {
      %mul3A_190 = arith.constant 80 : i32
      %mul3A_191 = arith.muli %add3A_156, %mul3A_190 : i32
      "tpu.region"() ({
        %run_scoped3A = tpu.sem_alloc : memref<!tpu.dma_semaphore, #tpu.memory_space<semaphore_mem>>
        %dma_start3A_194 = arith.constant 0 : i32
        %dma_start3A_195 = tpu.memref_slice %arg15[%mul3A_191, %dma_start3A_194] : memref<10000x128xf32, #tpu.memory_space<vmem_shared>> -> memref<80x128xf32, #tpu.memory_space<vmem_shared>>
        %dma_start3A_196 = arith.constant 0 : i32
        %dma_start3A_197 = tpu.memref_slice %arg15[%mul3A_191, %dma_start3A_196] : memref<10000x128xf32, #tpu.memory_space<vmem_shared>> -> memref<80x128xf32, #tpu.memory_space<vmem_shared>>
        tpu.enqueue_dma source(%dma_start3A_197 : memref<80x128xf32, #tpu.memory_space<vmem_shared>>) target(%arg13 : memref<80x128xf32, #tpu.memory_space<vmem>>) target_semaphore(%run_scoped3A : memref<!tpu.dma_semaphore, #tpu.memory_space<semaphore_mem>>)
        %dma_wait3A_198 = arith.constant 0 : i32
        %dma_wait3A_199 = tpu.memref_slice %arg15[%mul3A_191, %dma_wait3A_198] : memref<10000x128xf32, #tpu.memory_space<vmem_shared>> -> memref<80x128xf32, #tpu.memory_space<vmem_shared>>
        %dma_wait3A_200 = arith.constant 0 : i32
        %dma_wait3A_201 = tpu.memref_slice %arg15[%mul3A_191, %dma_wait3A_200] : memref<10000x128xf32, #tpu.memory_space<vmem_shared>> -> memref<80x128xf32, #tpu.memory_space<vmem_shared>>
        tpu.wait_dma2 semaphore(%run_scoped3A : memref<!tpu.dma_semaphore, #tpu.memory_space<semaphore_mem>>) src(%dma_wait3A_201 : memref<80x128xf32, #tpu.memory_space<vmem_shared>>) dst(%arg13 : memref<80x128xf32, #tpu.memory_space<vmem>>)
        tpu.yield
      }) : () -> ()
      %mul3A_192 = arith.constant 80 : i32
      %mul3A_193 = arith.muli %add3A_156, %mul3A_192 : i32
      "tpu.region"() ({
        %run_scoped3A = tpu.sem_alloc : memref<!tpu.dma_semaphore, #tpu.memory_space<semaphore_mem>>
        %dma_start3A_194 = arith.constant 0 : i32
        %dma_start3A_195 = arith.constant 0 : i32
        %dma_start3A_196 = tpu.memref_slice %arg6[%arg0, %dma_start3A_194, %dma_start3A_195] : memref<2x10000x128xf32, #tpu.memory_space<hbm>> -> memref<1x10000x128xf32, #tpu.memory_space<hbm>>
        %dma_start3A_197 = tpu.memref_squeeze %dma_start3A_196 : memref<1x10000x128xf32, #tpu.memory_space<hbm>> -> memref<10000x128xf32, #tpu.memory_space<hbm>>
        %dma_start3A_198 = arith.constant 0 : i32
        %dma_start3A_199 = tpu.memref_slice %dma_start3A_197[%mul3A_193, %dma_start3A_198] : memref<10000x128xf32, #tpu.memory_space<hbm>> -> memref<80x128xf32, #tpu.memory_space<hbm>>
        %dma_start3A_200 = arith.constant 0 : i32
        %dma_start3A_201 = arith.constant 0 : i32
        %dma_start3A_202 = tpu.memref_slice %arg6[%arg0, %dma_start3A_200, %dma_start3A_201] : memref<2x10000x128xf32, #tpu.memory_space<hbm>> -> memref<1x10000x128xf32, #tpu.memory_space<hbm>>
        %dma_start3A_203 = tpu.memref_squeeze %dma_start3A_202 : memref<1x10000x128xf32, #tpu.memory_space<hbm>> -> memref<10000x128xf32, #tpu.memory_space<hbm>>
        %dma_start3A_204 = arith.constant 0 : i32
        %dma_start3A_205 = tpu.memref_slice %dma_start3A_203[%mul3A_193, %dma_start3A_204] : memref<10000x128xf32, #tpu.memory_space<hbm>> -> memref<80x128xf32, #tpu.memory_space<hbm>>
        tpu.enqueue_dma source(%arg13 : memref<80x128xf32, #tpu.memory_space<vmem>>) target(%dma_start3A_205 : memref<80x128xf32, #tpu.memory_space<hbm>>) target_semaphore(%run_scoped3A : memref<!tpu.dma_semaphore, #tpu.memory_space<semaphore_mem>>)
        %dma_wait3A_206 = arith.constant 0 : i32
        %dma_wait3A_207 = arith.constant 0 : i32
        %dma_wait3A_208 = tpu.memref_slice %arg6[%arg0, %dma_wait3A_206, %dma_wait3A_207] : memref<2x10000x128xf32, #tpu.memory_space<hbm>> -> memref<1x10000x128xf32, #tpu.memory_space<hbm>>
        %dma_wait3A_209 = tpu.memref_squeeze %dma_wait3A_208 : memref<1x10000x128xf32, #tpu.memory_space<hbm>> -> memref<10000x128xf32, #tpu.memory_space<hbm>>
        %dma_wait3A_210 = arith.constant 0 : i32
        %dma_wait3A_211 = tpu.memref_slice %dma_wait3A_209[%mul3A_193, %dma_wait3A_210] : memref<10000x128xf32, #tpu.memory_space<hbm>> -> memref<80x128xf32, #tpu.memory_space<hbm>>
        %dma_wait3A_212 = arith.constant 0 : i32
        %dma_wait3A_213 = arith.constant 0 : i32
        %dma_wait3A_214 = tpu.memref_slice %arg6[%arg0, %dma_wait3A_212, %dma_wait3A_213] : memref<2x10000x128xf32, #tpu.memory_space<hbm>> -> memref<1x10000x128xf32, #tpu.memory_space<hbm>>
        %dma_wait3A_215 = tpu.memref_squeeze %dma_wait3A_214 : memref<1x10000x128xf32, #tpu.memory_space<hbm>> -> memref<10000x128xf32, #tpu.memory_space<hbm>>
        %dma_wait3A_216 = arith.constant 0 : i32
        %dma_wait3A_217 = tpu.memref_slice %dma_wait3A_215[%mul3A_193, %dma_wait3A_216] : memref<10000x128xf32, #tpu.memory_space<hbm>> -> memref<80x128xf32, #tpu.memory_space<hbm>>
        tpu.wait_dma2 semaphore(%run_scoped3A : memref<!tpu.dma_semaphore, #tpu.memory_space<semaphore_mem>>) src(%arg13 : memref<80x128xf32, #tpu.memory_space<vmem>>) dst(%dma_wait3A_217 : memref<80x128xf32, #tpu.memory_space<hbm>>)
        tpu.yield
      }) : () -> ()
    } else {
    }
    %add3A_162 = arith.constant 64 : i32
    %add3A_163 = arith.addi %arg1, %add3A_162 : i32
    %lt3A_164 = arith.constant 125 : i32
    %lt3A_165 = arith.cmpi slt, %add3A_163, %lt3A_164 : i32
    %convert_element_type3A_166 = arith.extui %lt3A_165 : i1 to i32
    %cond3A_167 = arith.constant 0 : i32
    %cond3A_168 = arith.cmpi ne, %convert_element_type3A_166, %cond3A_167 : i32
    scf.if %cond3A_168 {
      %mul3A_190 = arith.constant 80 : i32
      %mul3A_191 = arith.muli %add3A_163, %mul3A_190 : i32
      "tpu.region"() ({
        %run_scoped3A = tpu.sem_alloc : memref<!tpu.dma_semaphore, #tpu.memory_space<semaphore_mem>>
        %dma_start3A_194 = arith.constant 0 : i32
        %dma_start3A_195 = tpu.memref_slice %arg15[%mul3A_191, %dma_start3A_194] : memref<10000x128xf32, #tpu.memory_space<vmem_shared>> -> memref<80x128xf32, #tpu.memory_space<vmem_shared>>
        %dma_start3A_196 = arith.constant 0 : i32
        %dma_start3A_197 = tpu.memref_slice %arg15[%mul3A_191, %dma_start3A_196] : memref<10000x128xf32, #tpu.memory_space<vmem_shared>> -> memref<80x128xf32, #tpu.memory_space<vmem_shared>>
        tpu.enqueue_dma source(%dma_start3A_197 : memref<80x128xf32, #tpu.memory_space<vmem_shared>>) target(%arg13 : memref<80x128xf32, #tpu.memory_space<vmem>>) target_semaphore(%run_scoped3A : memref<!tpu.dma_semaphore, #tpu.memory_space<semaphore_mem>>)
        %dma_wait3A_198 = arith.constant 0 : i32
        %dma_wait3A_199 = tpu.memref_slice %arg15[%mul3A_191, %dma_wait3A_198] : memref<10000x128xf32, #tpu.memory_space<vmem_shared>> -> memref<80x128xf32, #tpu.memory_space<vmem_shared>>
        %dma_wait3A_200 = arith.constant 0 : i32
        %dma_wait3A_201 = tpu.memref_slice %arg15[%mul3A_191, %dma_wait3A_200] : memref<10000x128xf32, #tpu.memory_space<vmem_shared>> -> memref<80x128xf32, #tpu.memory_space<vmem_shared>>
        tpu.wait_dma2 semaphore(%run_scoped3A : memref<!tpu.dma_semaphore, #tpu.memory_space<semaphore_mem>>) src(%dma_wait3A_201 : memref<80x128xf32, #tpu.memory_space<vmem_shared>>) dst(%arg13 : memref<80x128xf32, #tpu.memory_space<vmem>>)
        tpu.yield
      }) : () -> ()
      %mul3A_192 = arith.constant 80 : i32
      %mul3A_193 = arith.muli %add3A_163, %mul3A_192 : i32
      "tpu.region"() ({
        %run_scoped3A = tpu.sem_alloc : memref<!tpu.dma_semaphore, #tpu.memory_space<semaphore_mem>>
        %dma_start3A_194 = arith.constant 0 : i32
        %dma_start3A_195 = arith.constant 0 : i32
        %dma_start3A_196 = tpu.memref_slice %arg6[%arg0, %dma_start3A_194, %dma_start3A_195] : memref<2x10000x128xf32, #tpu.memory_space<hbm>> -> memref<1x10000x128xf32, #tpu.memory_space<hbm>>
        %dma_start3A_197 = tpu.memref_squeeze %dma_start3A_196 : memref<1x10000x128xf32, #tpu.memory_space<hbm>> -> memref<10000x128xf32, #tpu.memory_space<hbm>>
        %dma_start3A_198 = arith.constant 0 : i32
        %dma_start3A_199 = tpu.memref_slice %dma_start3A_197[%mul3A_193, %dma_start3A_198] : memref<10000x128xf32, #tpu.memory_space<hbm>> -> memref<80x128xf32, #tpu.memory_space<hbm>>
        %dma_start3A_200 = arith.constant 0 : i32
        %dma_start3A_201 = arith.constant 0 : i32
        %dma_start3A_202 = tpu.memref_slice %arg6[%arg0, %dma_start3A_200, %dma_start3A_201] : memref<2x10000x128xf32, #tpu.memory_space<hbm>> -> memref<1x10000x128xf32, #tpu.memory_space<hbm>>
        %dma_start3A_203 = tpu.memref_squeeze %dma_start3A_202 : memref<1x10000x128xf32, #tpu.memory_space<hbm>> -> memref<10000x128xf32, #tpu.memory_space<hbm>>
        %dma_start3A_204 = arith.constant 0 : i32
        %dma_start3A_205 = tpu.memref_slice %dma_start3A_203[%mul3A_193, %dma_start3A_204] : memref<10000x128xf32, #tpu.memory_space<hbm>> -> memref<80x128xf32, #tpu.memory_space<hbm>>
        tpu.enqueue_dma source(%arg13 : memref<80x128xf32, #tpu.memory_space<vmem>>) target(%dma_start3A_205 : memref<80x128xf32, #tpu.memory_space<hbm>>) target_semaphore(%run_scoped3A : memref<!tpu.dma_semaphore, #tpu.memory_space<semaphore_mem>>)
        %dma_wait3A_206 = arith.constant 0 : i32
        %dma_wait3A_207 = arith.constant 0 : i32
        %dma_wait3A_208 = tpu.memref_slice %arg6[%arg0, %dma_wait3A_206, %dma_wait3A_207] : memref<2x10000x128xf32, #tpu.memory_space<hbm>> -> memref<1x10000x128xf32, #tpu.memory_space<hbm>>
        %dma_wait3A_209 = tpu.memref_squeeze %dma_wait3A_208 : memref<1x10000x128xf32, #tpu.memory_space<hbm>> -> memref<10000x128xf32, #tpu.memory_space<hbm>>
        %dma_wait3A_210 = arith.constant 0 : i32
        %dma_wait3A_211 = tpu.memref_slice %dma_wait3A_209[%mul3A_193, %dma_wait3A_210] : memref<10000x128xf32, #tpu.memory_space<hbm>> -> memref<80x128xf32, #tpu.memory_space<hbm>>
        %dma_wait3A_212 = arith.constant 0 : i32
        %dma_wait3A_213 = arith.constant 0 : i32
        %dma_wait3A_214 = tpu.memref_slice %arg6[%arg0, %dma_wait3A_212, %dma_wait3A_213] : memref<2x10000x128xf32, #tpu.memory_space<hbm>> -> memref<1x10000x128xf32, #tpu.memory_space<hbm>>
        %dma_wait3A_215 = tpu.memref_squeeze %dma_wait3A_214 : memref<1x10000x128xf32, #tpu.memory_space<hbm>> -> memref<10000x128xf32, #tpu.memory_space<hbm>>
        %dma_wait3A_216 = arith.constant 0 : i32
        %dma_wait3A_217 = tpu.memref_slice %dma_wait3A_215[%mul3A_193, %dma_wait3A_216] : memref<10000x128xf32, #tpu.memory_space<hbm>> -> memref<80x128xf32, #tpu.memory_space<hbm>>
        tpu.wait_dma2 semaphore(%run_scoped3A : memref<!tpu.dma_semaphore, #tpu.memory_space<semaphore_mem>>) src(%arg13 : memref<80x128xf32, #tpu.memory_space<vmem>>) dst(%dma_wait3A_217 : memref<80x128xf32, #tpu.memory_space<hbm>>)
        tpu.yield
      }) : () -> ()
    } else {
    }
    %add3A_169 = arith.constant 80 : i32
    %add3A_170 = arith.addi %arg1, %add3A_169 : i32
    %lt3A_171 = arith.constant 125 : i32
    %lt3A_172 = arith.cmpi slt, %add3A_170, %lt3A_171 : i32
    %convert_element_type3A_173 = arith.extui %lt3A_172 : i1 to i32
    %cond3A_174 = arith.constant 0 : i32
    %cond3A_175 = arith.cmpi ne, %convert_element_type3A_173, %cond3A_174 : i32
    scf.if %cond3A_175 {
      %mul3A_190 = arith.constant 80 : i32
      %mul3A_191 = arith.muli %add3A_170, %mul3A_190 : i32
      "tpu.region"() ({
        %run_scoped3A = tpu.sem_alloc : memref<!tpu.dma_semaphore, #tpu.memory_space<semaphore_mem>>
        %dma_start3A_194 = arith.constant 0 : i32
        %dma_start3A_195 = tpu.memref_slice %arg15[%mul3A_191, %dma_start3A_194] : memref<10000x128xf32, #tpu.memory_space<vmem_shared>> -> memref<80x128xf32, #tpu.memory_space<vmem_shared>>
        %dma_start3A_196 = arith.constant 0 : i32
        %dma_start3A_197 = tpu.memref_slice %arg15[%mul3A_191, %dma_start3A_196] : memref<10000x128xf32, #tpu.memory_space<vmem_shared>> -> memref<80x128xf32, #tpu.memory_space<vmem_shared>>
        tpu.enqueue_dma source(%dma_start3A_197 : memref<80x128xf32, #tpu.memory_space<vmem_shared>>) target(%arg13 : memref<80x128xf32, #tpu.memory_space<vmem>>) target_semaphore(%run_scoped3A : memref<!tpu.dma_semaphore, #tpu.memory_space<semaphore_mem>>)
        %dma_wait3A_198 = arith.constant 0 : i32
        %dma_wait3A_199 = tpu.memref_slice %arg15[%mul3A_191, %dma_wait3A_198] : memref<10000x128xf32, #tpu.memory_space<vmem_shared>> -> memref<80x128xf32, #tpu.memory_space<vmem_shared>>
        %dma_wait3A_200 = arith.constant 0 : i32
        %dma_wait3A_201 = tpu.memref_slice %arg15[%mul3A_191, %dma_wait3A_200] : memref<10000x128xf32, #tpu.memory_space<vmem_shared>> -> memref<80x128xf32, #tpu.memory_space<vmem_shared>>
        tpu.wait_dma2 semaphore(%run_scoped3A : memref<!tpu.dma_semaphore, #tpu.memory_space<semaphore_mem>>) src(%dma_wait3A_201 : memref<80x128xf32, #tpu.memory_space<vmem_shared>>) dst(%arg13 : memref<80x128xf32, #tpu.memory_space<vmem>>)
        tpu.yield
      }) : () -> ()
      %mul3A_192 = arith.constant 80 : i32
      %mul3A_193 = arith.muli %add3A_170, %mul3A_192 : i32
      "tpu.region"() ({
        %run_scoped3A = tpu.sem_alloc : memref<!tpu.dma_semaphore, #tpu.memory_space<semaphore_mem>>
        %dma_start3A_194 = arith.constant 0 : i32
        %dma_start3A_195 = arith.constant 0 : i32
        %dma_start3A_196 = tpu.memref_slice %arg6[%arg0, %dma_start3A_194, %dma_start3A_195] : memref<2x10000x128xf32, #tpu.memory_space<hbm>> -> memref<1x10000x128xf32, #tpu.memory_space<hbm>>
        %dma_start3A_197 = tpu.memref_squeeze %dma_start3A_196 : memref<1x10000x128xf32, #tpu.memory_space<hbm>> -> memref<10000x128xf32, #tpu.memory_space<hbm>>
        %dma_start3A_198 = arith.constant 0 : i32
        %dma_start3A_199 = tpu.memref_slice %dma_start3A_197[%mul3A_193, %dma_start3A_198] : memref<10000x128xf32, #tpu.memory_space<hbm>> -> memref<80x128xf32, #tpu.memory_space<hbm>>
        %dma_start3A_200 = arith.constant 0 : i32
        %dma_start3A_201 = arith.constant 0 : i32
        %dma_start3A_202 = tpu.memref_slice %arg6[%arg0, %dma_start3A_200, %dma_start3A_201] : memref<2x10000x128xf32, #tpu.memory_space<hbm>> -> memref<1x10000x128xf32, #tpu.memory_space<hbm>>
        %dma_start3A_203 = tpu.memref_squeeze %dma_start3A_202 : memref<1x10000x128xf32, #tpu.memory_space<hbm>> -> memref<10000x128xf32, #tpu.memory_space<hbm>>
        %dma_start3A_204 = arith.constant 0 : i32
        %dma_start3A_205 = tpu.memref_slice %dma_start3A_203[%mul3A_193, %dma_start3A_204] : memref<10000x128xf32, #tpu.memory_space<hbm>> -> memref<80x128xf32, #tpu.memory_space<hbm>>
        tpu.enqueue_dma source(%arg13 : memref<80x128xf32, #tpu.memory_space<vmem>>) target(%dma_start3A_205 : memref<80x128xf32, #tpu.memory_space<hbm>>) target_semaphore(%run_scoped3A : memref<!tpu.dma_semaphore, #tpu.memory_space<semaphore_mem>>)
        %dma_wait3A_206 = arith.constant 0 : i32
        %dma_wait3A_207 = arith.constant 0 : i32
        %dma_wait3A_208 = tpu.memref_slice %arg6[%arg0, %dma_wait3A_206, %dma_wait3A_207] : memref<2x10000x128xf32, #tpu.memory_space<hbm>> -> memref<1x10000x128xf32, #tpu.memory_space<hbm>>
        %dma_wait3A_209 = tpu.memref_squeeze %dma_wait3A_208 : memref<1x10000x128xf32, #tpu.memory_space<hbm>> -> memref<10000x128xf32, #tpu.memory_space<hbm>>
        %dma_wait3A_210 = arith.constant 0 : i32
        %dma_wait3A_211 = tpu.memref_slice %dma_wait3A_209[%mul3A_193, %dma_wait3A_210] : memref<10000x128xf32, #tpu.memory_space<hbm>> -> memref<80x128xf32, #tpu.memory_space<hbm>>
        %dma_wait3A_212 = arith.constant 0 : i32
        %dma_wait3A_213 = arith.constant 0 : i32
        %dma_wait3A_214 = tpu.memref_slice %arg6[%arg0, %dma_wait3A_212, %dma_wait3A_213] : memref<2x10000x128xf32, #tpu.memory_space<hbm>> -> memref<1x10000x128xf32, #tpu.memory_space<hbm>>
        %dma_wait3A_215 = tpu.memref_squeeze %dma_wait3A_214 : memref<1x10000x128xf32, #tpu.memory_space<hbm>> -> memref<10000x128xf32, #tpu.memory_space<hbm>>
        %dma_wait3A_216 = arith.constant 0 : i32
        %dma_wait3A_217 = tpu.memref_slice %dma_wait3A_215[%mul3A_193, %dma_wait3A_216] : memref<10000x128xf32, #tpu.memory_space<hbm>> -> memref<80x128xf32, #tpu.memory_space<hbm>>
        tpu.wait_dma2 semaphore(%run_scoped3A : memref<!tpu.dma_semaphore, #tpu.memory_space<semaphore_mem>>) src(%arg13 : memref<80x128xf32, #tpu.memory_space<vmem>>) dst(%dma_wait3A_217 : memref<80x128xf32, #tpu.memory_space<hbm>>)
        tpu.yield
      }) : () -> ()
    } else {
    }
    %add3A_176 = arith.constant 96 : i32
    %add3A_177 = arith.addi %arg1, %add3A_176 : i32
    %lt3A_178 = arith.constant 125 : i32
    %lt3A_179 = arith.cmpi slt, %add3A_177, %lt3A_178 : i32
    %convert_element_type3A_180 = arith.extui %lt3A_179 : i1 to i32
    %cond3A_181 = arith.constant 0 : i32
    %cond3A_182 = arith.cmpi ne, %convert_element_type3A_180, %cond3A_181 : i32
    scf.if %cond3A_182 {
      %mul3A_190 = arith.constant 80 : i32
      %mul3A_191 = arith.muli %add3A_177, %mul3A_190 : i32
      "tpu.region"() ({
        %run_scoped3A = tpu.sem_alloc : memref<!tpu.dma_semaphore, #tpu.memory_space<semaphore_mem>>
        %dma_start3A_194 = arith.constant 0 : i32
        %dma_start3A_195 = tpu.memref_slice %arg15[%mul3A_191, %dma_start3A_194] : memref<10000x128xf32, #tpu.memory_space<vmem_shared>> -> memref<80x128xf32, #tpu.memory_space<vmem_shared>>
        %dma_start3A_196 = arith.constant 0 : i32
        %dma_start3A_197 = tpu.memref_slice %arg15[%mul3A_191, %dma_start3A_196] : memref<10000x128xf32, #tpu.memory_space<vmem_shared>> -> memref<80x128xf32, #tpu.memory_space<vmem_shared>>
        tpu.enqueue_dma source(%dma_start3A_197 : memref<80x128xf32, #tpu.memory_space<vmem_shared>>) target(%arg13 : memref<80x128xf32, #tpu.memory_space<vmem>>) target_semaphore(%run_scoped3A : memref<!tpu.dma_semaphore, #tpu.memory_space<semaphore_mem>>)
        %dma_wait3A_198 = arith.constant 0 : i32
        %dma_wait3A_199 = tpu.memref_slice %arg15[%mul3A_191, %dma_wait3A_198] : memref<10000x128xf32, #tpu.memory_space<vmem_shared>> -> memref<80x128xf32, #tpu.memory_space<vmem_shared>>
        %dma_wait3A_200 = arith.constant 0 : i32
        %dma_wait3A_201 = tpu.memref_slice %arg15[%mul3A_191, %dma_wait3A_200] : memref<10000x128xf32, #tpu.memory_space<vmem_shared>> -> memref<80x128xf32, #tpu.memory_space<vmem_shared>>
        tpu.wait_dma2 semaphore(%run_scoped3A : memref<!tpu.dma_semaphore, #tpu.memory_space<semaphore_mem>>) src(%dma_wait3A_201 : memref<80x128xf32, #tpu.memory_space<vmem_shared>>) dst(%arg13 : memref<80x128xf32, #tpu.memory_space<vmem>>)
        tpu.yield
      }) : () -> ()
      %mul3A_192 = arith.constant 80 : i32
      %mul3A_193 = arith.muli %add3A_177, %mul3A_192 : i32
      "tpu.region"() ({
        %run_scoped3A = tpu.sem_alloc : memref<!tpu.dma_semaphore, #tpu.memory_space<semaphore_mem>>
        %dma_start3A_194 = arith.constant 0 : i32
        %dma_start3A_195 = arith.constant 0 : i32
        %dma_start3A_196 = tpu.memref_slice %arg6[%arg0, %dma_start3A_194, %dma_start3A_195] : memref<2x10000x128xf32, #tpu.memory_space<hbm>> -> memref<1x10000x128xf32, #tpu.memory_space<hbm>>
        %dma_start3A_197 = tpu.memref_squeeze %dma_start3A_196 : memref<1x10000x128xf32, #tpu.memory_space<hbm>> -> memref<10000x128xf32, #tpu.memory_space<hbm>>
        %dma_start3A_198 = arith.constant 0 : i32
        %dma_start3A_199 = tpu.memref_slice %dma_start3A_197[%mul3A_193, %dma_start3A_198] : memref<10000x128xf32, #tpu.memory_space<hbm>> -> memref<80x128xf32, #tpu.memory_space<hbm>>
        %dma_start3A_200 = arith.constant 0 : i32
        %dma_start3A_201 = arith.constant 0 : i32
        %dma_start3A_202 = tpu.memref_slice %arg6[%arg0, %dma_start3A_200, %dma_start3A_201] : memref<2x10000x128xf32, #tpu.memory_space<hbm>> -> memref<1x10000x128xf32, #tpu.memory_space<hbm>>
        %dma_start3A_203 = tpu.memref_squeeze %dma_start3A_202 : memref<1x10000x128xf32, #tpu.memory_space<hbm>> -> memref<10000x128xf32, #tpu.memory_space<hbm>>
        %dma_start3A_204 = arith.constant 0 : i32
        %dma_start3A_205 = tpu.memref_slice %dma_start3A_203[%mul3A_193, %dma_start3A_204] : memref<10000x128xf32, #tpu.memory_space<hbm>> -> memref<80x128xf32, #tpu.memory_space<hbm>>
        tpu.enqueue_dma source(%arg13 : memref<80x128xf32, #tpu.memory_space<vmem>>) target(%dma_start3A_205 : memref<80x128xf32, #tpu.memory_space<hbm>>) target_semaphore(%run_scoped3A : memref<!tpu.dma_semaphore, #tpu.memory_space<semaphore_mem>>)
        %dma_wait3A_206 = arith.constant 0 : i32
        %dma_wait3A_207 = arith.constant 0 : i32
        %dma_wait3A_208 = tpu.memref_slice %arg6[%arg0, %dma_wait3A_206, %dma_wait3A_207] : memref<2x10000x128xf32, #tpu.memory_space<hbm>> -> memref<1x10000x128xf32, #tpu.memory_space<hbm>>
        %dma_wait3A_209 = tpu.memref_squeeze %dma_wait3A_208 : memref<1x10000x128xf32, #tpu.memory_space<hbm>> -> memref<10000x128xf32, #tpu.memory_space<hbm>>
        %dma_wait3A_210 = arith.constant 0 : i32
        %dma_wait3A_211 = tpu.memref_slice %dma_wait3A_209[%mul3A_193, %dma_wait3A_210] : memref<10000x128xf32, #tpu.memory_space<hbm>> -> memref<80x128xf32, #tpu.memory_space<hbm>>
        %dma_wait3A_212 = arith.constant 0 : i32
        %dma_wait3A_213 = arith.constant 0 : i32
        %dma_wait3A_214 = tpu.memref_slice %arg6[%arg0, %dma_wait3A_212, %dma_wait3A_213] : memref<2x10000x128xf32, #tpu.memory_space<hbm>> -> memref<1x10000x128xf32, #tpu.memory_space<hbm>>
        %dma_wait3A_215 = tpu.memref_squeeze %dma_wait3A_214 : memref<1x10000x128xf32, #tpu.memory_space<hbm>> -> memref<10000x128xf32, #tpu.memory_space<hbm>>
        %dma_wait3A_216 = arith.constant 0 : i32
        %dma_wait3A_217 = tpu.memref_slice %dma_wait3A_215[%mul3A_193, %dma_wait3A_216] : memref<10000x128xf32, #tpu.memory_space<hbm>> -> memref<80x128xf32, #tpu.memory_space<hbm>>
        tpu.wait_dma2 semaphore(%run_scoped3A : memref<!tpu.dma_semaphore, #tpu.memory_space<semaphore_mem>>) src(%arg13 : memref<80x128xf32, #tpu.memory_space<vmem>>) dst(%dma_wait3A_217 : memref<80x128xf32, #tpu.memory_space<hbm>>)
        tpu.yield
      }) : () -> ()
    } else {
    }
    %add3A_183 = arith.constant 112 : i32
    %add3A_184 = arith.addi %arg1, %add3A_183 : i32
    %lt3A_185 = arith.constant 125 : i32
    %lt3A_186 = arith.cmpi slt, %add3A_184, %lt3A_185 : i32
    %convert_element_type3A_187 = arith.extui %lt3A_186 : i1 to i32
    %cond3A_188 = arith.constant 0 : i32
    %cond3A_189 = arith.cmpi ne, %convert_element_type3A_187, %cond3A_188 : i32
    scf.if %cond3A_189 {
      %mul3A_190 = arith.constant 80 : i32
      %mul3A_191 = arith.muli %add3A_184, %mul3A_190 : i32
      "tpu.region"() ({
        %run_scoped3A = tpu.sem_alloc : memref<!tpu.dma_semaphore, #tpu.memory_space<semaphore_mem>>
        %dma_start3A_194 = arith.constant 0 : i32
        %dma_start3A_195 = tpu.memref_slice %arg15[%mul3A_191, %dma_start3A_194] : memref<10000x128xf32, #tpu.memory_space<vmem_shared>> -> memref<80x128xf32, #tpu.memory_space<vmem_shared>>
        %dma_start3A_196 = arith.constant 0 : i32
        %dma_start3A_197 = tpu.memref_slice %arg15[%mul3A_191, %dma_start3A_196] : memref<10000x128xf32, #tpu.memory_space<vmem_shared>> -> memref<80x128xf32, #tpu.memory_space<vmem_shared>>
        tpu.enqueue_dma source(%dma_start3A_197 : memref<80x128xf32, #tpu.memory_space<vmem_shared>>) target(%arg13 : memref<80x128xf32, #tpu.memory_space<vmem>>) target_semaphore(%run_scoped3A : memref<!tpu.dma_semaphore, #tpu.memory_space<semaphore_mem>>)
        %dma_wait3A_198 = arith.constant 0 : i32
        %dma_wait3A_199 = tpu.memref_slice %arg15[%mul3A_191, %dma_wait3A_198] : memref<10000x128xf32, #tpu.memory_space<vmem_shared>> -> memref<80x128xf32, #tpu.memory_space<vmem_shared>>
        %dma_wait3A_200 = arith.constant 0 : i32
        %dma_wait3A_201 = tpu.memref_slice %arg15[%mul3A_191, %dma_wait3A_200] : memref<10000x128xf32, #tpu.memory_space<vmem_shared>> -> memref<80x128xf32, #tpu.memory_space<vmem_shared>>
        tpu.wait_dma2 semaphore(%run_scoped3A : memref<!tpu.dma_semaphore, #tpu.memory_space<semaphore_mem>>) src(%dma_wait3A_201 : memref<80x128xf32, #tpu.memory_space<vmem_shared>>) dst(%arg13 : memref<80x128xf32, #tpu.memory_space<vmem>>)
        tpu.yield
      }) : () -> ()
      %mul3A_192 = arith.constant 80 : i32
      %mul3A_193 = arith.muli %add3A_184, %mul3A_192 : i32
      "tpu.region"() ({
        %run_scoped3A = tpu.sem_alloc : memref<!tpu.dma_semaphore, #tpu.memory_space<semaphore_mem>>
        %dma_start3A_194 = arith.constant 0 : i32
        %dma_start3A_195 = arith.constant 0 : i32
        %dma_start3A_196 = tpu.memref_slice %arg6[%arg0, %dma_start3A_194, %dma_start3A_195] : memref<2x10000x128xf32, #tpu.memory_space<hbm>> -> memref<1x10000x128xf32, #tpu.memory_space<hbm>>
        %dma_start3A_197 = tpu.memref_squeeze %dma_start3A_196 : memref<1x10000x128xf32, #tpu.memory_space<hbm>> -> memref<10000x128xf32, #tpu.memory_space<hbm>>
        %dma_start3A_198 = arith.constant 0 : i32
        %dma_start3A_199 = tpu.memref_slice %dma_start3A_197[%mul3A_193, %dma_start3A_198] : memref<10000x128xf32, #tpu.memory_space<hbm>> -> memref<80x128xf32, #tpu.memory_space<hbm>>
        %dma_start3A_200 = arith.constant 0 : i32
        %dma_start3A_201 = arith.constant 0 : i32
        %dma_start3A_202 = tpu.memref_slice %arg6[%arg0, %dma_start3A_200, %dma_start3A_201] : memref<2x10000x128xf32, #tpu.memory_space<hbm>> -> memref<1x10000x128xf32, #tpu.memory_space<hbm>>
        %dma_start3A_203 = tpu.memref_squeeze %dma_start3A_202 : memref<1x10000x128xf32, #tpu.memory_space<hbm>> -> memref<10000x128xf32, #tpu.memory_space<hbm>>
        %dma_start3A_204 = arith.constant 0 : i32
        %dma_start3A_205 = tpu.memref_slice %dma_start3A_203[%mul3A_193, %dma_start3A_204] : memref<10000x128xf32, #tpu.memory_space<hbm>> -> memref<80x128xf32, #tpu.memory_space<hbm>>
        tpu.enqueue_dma source(%arg13 : memref<80x128xf32, #tpu.memory_space<vmem>>) target(%dma_start3A_205 : memref<80x128xf32, #tpu.memory_space<hbm>>) target_semaphore(%run_scoped3A : memref<!tpu.dma_semaphore, #tpu.memory_space<semaphore_mem>>)
        %dma_wait3A_206 = arith.constant 0 : i32
        %dma_wait3A_207 = arith.constant 0 : i32
        %dma_wait3A_208 = tpu.memref_slice %arg6[%arg0, %dma_wait3A_206, %dma_wait3A_207] : memref<2x10000x128xf32, #tpu.memory_space<hbm>> -> memref<1x10000x128xf32, #tpu.memory_space<hbm>>
        %dma_wait3A_209 = tpu.memref_squeeze %dma_wait3A_208 : memref<1x10000x128xf32, #tpu.memory_space<hbm>> -> memref<10000x128xf32, #tpu.memory_space<hbm>>
        %dma_wait3A_210 = arith.constant 0 : i32
        %dma_wait3A_211 = tpu.memref_slice %dma_wait3A_209[%mul3A_193, %dma_wait3A_210] : memref<10000x128xf32, #tpu.memory_space<hbm>> -> memref<80x128xf32, #tpu.memory_space<hbm>>
        %dma_wait3A_212 = arith.constant 0 : i32
        %dma_wait3A_213 = arith.constant 0 : i32
        %dma_wait3A_214 = tpu.memref_slice %arg6[%arg0, %dma_wait3A_212, %dma_wait3A_213] : memref<2x10000x128xf32, #tpu.memory_space<hbm>> -> memref<1x10000x128xf32, #tpu.memory_space<hbm>>
        %dma_wait3A_215 = tpu.memref_squeeze %dma_wait3A_214 : memref<1x10000x128xf32, #tpu.memory_space<hbm>> -> memref<10000x128xf32, #tpu.memory_space<hbm>>
        %dma_wait3A_216 = arith.constant 0 : i32
        %dma_wait3A_217 = tpu.memref_slice %dma_wait3A_215[%mul3A_193, %dma_wait3A_216] : memref<10000x128xf32, #tpu.memory_space<hbm>> -> memref<80x128xf32, #tpu.memory_space<hbm>>
        tpu.wait_dma2 semaphore(%run_scoped3A : memref<!tpu.dma_semaphore, #tpu.memory_space<semaphore_mem>>) src(%arg13 : memref<80x128xf32, #tpu.memory_space<vmem>>) dst(%dma_wait3A_217 : memref<80x128xf32, #tpu.memory_space<hbm>>)
        tpu.yield
      }) : () -> ()
    } else {
    }
    return
  }
}

#map = affine_map<(d0, d1) -> (0, 0, 0)>
#map1 = affine_map<(d0, d1) -> (0)>
module attributes {stable_mosaic.version = 14 : i64} {
  func.func @_sc_body(%arg0: i32, %arg1: i32, %arg2: memref<2x10000x128xf32, #tpu.memory_space<hbm>>, %arg3: memref<160000xi32, #tpu.memory_space<hbm>>, %arg4: memref<160000xi32, #tpu.memory_space<hbm>>, %arg5: memref<2x160000x128xf32, #tpu.memory_space<hbm>>, %arg6: memref<2x10000x128xf32, #tpu.memory_space<hbm>>, %arg7: memref<80xi32, #tpu.memory_space<vmem>>, %arg8: memref<80xi32, #tpu.memory_space<vmem>>, %arg9: memref<80xi32, #tpu.memory_space<vmem>>, %arg10: memref<80xi32, #tpu.memory_space<vmem>>, %arg11: memref<80x128xf32, #tpu.memory_space<vmem>>, %arg12: memref<80x128xf32, #tpu.memory_space<vmem>>, %arg13: memref<80x128xf32, #tpu.memory_space<vmem>>, %arg14: memref<80x128xf32, #tpu.memory_space<vmem>>, %arg15: memref<10000x128xf32, #tpu.memory_space<vmem_shared>>, %arg16: memref<!tpu.dma_semaphore, #tpu.memory_space<semaphore_mem>>, %arg17: memref<!tpu.dma_semaphore, #tpu.memory_space<semaphore_mem>>, %arg18: memref<!tpu.dma_semaphore, #tpu.memory_space<semaphore_mem>>, %arg19: memref<!tpu.dma_semaphore, #tpu.memory_space<semaphore_mem>>) attributes {dimension_semantics = [#tpu.dimension_semantics<core_parallel>, #tpu.dimension_semantics<subcore_parallel>], iteration_bounds = array<i64: 2, 16>, scalar_prefetch = 0 : i64, scratch_operands = 13 : i64, tpu.core_type = #tpu.core_type<sc_vector_subcore>, window_params = [{transform_indices = #map}, {transform_indices = #map1}, {transform_indices = #map1}, {transform_indices = #map}, {transform_indices = #map}]} {
    %broadcast_in_dim3A = arith.constant 0.000000e+00 : f32
    %broadcast_in_dim3A_0 = vector.broadcast %broadcast_in_dim3A : f32 to vector<16xf32>
    %scan3A = arith.constant 0 : i32
    %scan3A_1 = arith.constant 0 : i32
    %scan3A_2 = arith.constant 80 : i32
    %scan3A_3 = arith.addi %scan3A_1, %scan3A_2 : i32
    %scan3A_4 = arith.constant 1 : i32
    %scan3A_5 = scf.for %scan3A_190 = %scan3A_1 to %scan3A_3 step %scan3A_4 iter_args(%scan3A_191 = %scan3A) -> (i32)  : i32 {
      %swap3A = arith.index_cast %scan3A_190 : i32 to index
      %swap3A_192 = arith.constant 0 : index
      %swap3A_193 = tpu.vector_load %arg13[%swap3A, %swap3A_192] {strides = array<i32>} : memref<80x128xf32, #tpu.memory_space<vmem>>, vector<1x16xf32>,
      %swap3A_194 = vector.shape_cast %swap3A_193 : vector<1x16xf32> to vector<16xf32>
      %swap3A_195 = vector.shape_cast %broadcast_in_dim3A_0 : vector<16xf32> to vector<1x16xf32>
      tpu.vector_store %arg13[%swap3A, %swap3A_192], %swap3A_195 {strides = array<i32>} : memref<80x128xf32, #tpu.memory_space<vmem>>, vector<1x16xf32>,
      %swap3A_196 = arith.index_cast %scan3A_190 : i32 to index
      %swap3A_197 = arith.constant 16 : index
      %swap3A_198 = tpu.vector_load %arg13[%swap3A_196, %swap3A_197] {strides = array<i32>} : memref<80x128xf32, #tpu.memory_space<vmem>>, vector<1x16xf32>,
      %swap3A_199 = vector.shape_cast %swap3A_198 : vector<1x16xf32> to vector<16xf32>
      %swap3A_200 = vector.shape_cast %broadcast_in_dim3A_0 : vector<16xf32> to vector<1x16xf32>
      tpu.vector_store %arg13[%swap3A_196, %swap3A_197], %swap3A_200 {strides = array<i32>} : memref<80x128xf32, #tpu.memory_space<vmem>>, vector<1x16xf32>,
      %swap3A_201 = arith.index_cast %scan3A_190 : i32 to index
      %swap3A_202 = arith.constant 32 : index
      %swap3A_203 = tpu.vector_load %arg13[%swap3A_201, %swap3A_202] {strides = array<i32>} : memref<80x128xf32, #tpu.memory_space<vmem>>, vector<1x16xf32>,
      %swap3A_204 = vector.shape_cast %swap3A_203 : vector<1x16xf32> to vector<16xf32>
      %swap3A_205 = vector.shape_cast %broadcast_in_dim3A_0 : vector<16xf32> to vector<1x16xf32>
      tpu.vector_store %arg13[%swap3A_201, %swap3A_202], %swap3A_205 {strides = array<i32>} : memref<80x128xf32, #tpu.memory_space<vmem>>, vector<1x16xf32>,
      %swap3A_206 = arith.index_cast %scan3A_190 : i32 to index
      %swap3A_207 = arith.constant 48 : index
      %swap3A_208 = tpu.vector_load %arg13[%swap3A_206, %swap3A_207] {strides = array<i32>} : memref<80x128xf32, #tpu.memory_space<vmem>>, vector<1x16xf32>,
      %swap3A_209 = vector.shape_cast %swap3A_208 : vector<1x16xf32> to vector<16xf32>
      %swap3A_210 = vector.shape_cast %broadcast_in_dim3A_0 : vector<16xf32> to vector<1x16xf32>
      tpu.vector_store %arg13[%swap3A_206, %swap3A_207], %swap3A_210 {strides = array<i32>} : memref<80x128xf32, #tpu.memory_space<vmem>>, vector<1x16xf32>,
      %swap3A_211 = arith.index_cast %scan3A_190 : i32 to index
      %swap3A_212 = arith.constant 64 : index
      %swap3A_213 = tpu.vector_load %arg13[%swap3A_211, %swap3A_212] {strides = array<i32>} : memref<80x128xf32, #tpu.memory_space<vmem>>, vector<1x16xf32>,
      %swap3A_214 = vector.shape_cast %swap3A_213 : vector<1x16xf32> to vector<16xf32>
      %swap3A_215 = vector.shape_cast %broadcast_in_dim3A_0 : vector<16xf32> to vector<1x16xf32>
      tpu.vector_store %arg13[%swap3A_211, %swap3A_212], %swap3A_215 {strides = array<i32>} : memref<80x128xf32, #tpu.memory_space<vmem>>, vector<1x16xf32>,
      %swap3A_216 = arith.index_cast %scan3A_190 : i32 to index
      %swap3A_217 = arith.constant 80 : index
      %swap3A_218 = tpu.vector_load %arg13[%swap3A_216, %swap3A_217] {strides = array<i32>} : memref<80x128xf32, #tpu.memory_space<vmem>>, vector<1x16xf32>,
      %swap3A_219 = vector.shape_cast %swap3A_218 : vector<1x16xf32> to vector<16xf32>
      %swap3A_220 = vector.shape_cast %broadcast_in_dim3A_0 : vector<16xf32> to vector<1x16xf32>
      tpu.vector_store %arg13[%swap3A_216, %swap3A_217], %swap3A_220 {strides = array<i32>} : memref<80x128xf32, #tpu.memory_space<vmem>>, vector<1x16xf32>,
      %swap3A_221 = arith.index_cast %scan3A_190 : i32 to index
      %swap3A_222 = arith.constant 96 : index
      %swap3A_223 = tpu.vector_load %arg13[%swap3A_221, %swap3A_222] {strides = array<i32>} : memref<80x128xf32, #tpu.memory_space<vmem>>, vector<1x16xf32>,
      %swap3A_224 = vector.shape_cast %swap3A_223 : vector<1x16xf32> to vector<16xf32>
      %swap3A_225 = vector.shape_cast %broadcast_in_dim3A_0 : vector<16xf32> to vector<1x16xf32>
      tpu.vector_store %arg13[%swap3A_221, %swap3A_222], %swap3A_225 {strides = array<i32>} : memref<80x128xf32, #tpu.memory_space<vmem>>, vector<1x16xf32>,
      %swap3A_226 = arith.index_cast %scan3A_190 : i32 to index
      %swap3A_227 = arith.constant 112 : index
      %swap3A_228 = tpu.vector_load %arg13[%swap3A_226, %swap3A_227] {strides = array<i32>} : memref<80x128xf32, #tpu.memory_space<vmem>>, vector<1x16xf32>,
      %swap3A_229 = vector.shape_cast %swap3A_228 : vector<1x16xf32> to vector<16xf32>
      %swap3A_230 = vector.shape_cast %broadcast_in_dim3A_0 : vector<16xf32> to vector<1x16xf32>
      tpu.vector_store %arg13[%swap3A_226, %swap3A_227], %swap3A_230 {strides = array<i32>} : memref<80x128xf32, #tpu.memory_space<vmem>>, vector<1x16xf32>,
      %scan3A_231 = arith.constant 0 : i32
      scf.yield %scan3A_231 : i32
    }
    %scan3A_6 = arith.constant 80 : i32
    %add3A = arith.constant 0 : i32
    %add3A_7 = arith.addi %arg1, %add3A : i32
    %lt3A = arith.constant 125 : i32
    %lt3A_8 = arith.cmpi slt, %add3A_7, %lt3A : i32
    %convert_element_type3A = arith.extui %lt3A_8 : i1 to i32
    %cond3A = arith.constant 0 : i32
    %cond3A_9 = arith.cmpi ne, %convert_element_type3A, %cond3A : i32
    scf.if %cond3A_9 {
      %mul3A_190 = arith.constant 80 : i32
      %mul3A_191 = arith.muli %add3A_7, %mul3A_190 : i32
      "tpu.region"() ({
        %run_scoped3A = tpu.sem_alloc : memref<!tpu.dma_semaphore, #tpu.memory_space<semaphore_mem>>
        %dma_start3A_192 = arith.constant 0 : i32
        %dma_start3A_193 = tpu.memref_slice %arg15[%mul3A_191, %dma_start3A_192] : memref<10000x128xf32, #tpu.memory_space<vmem_shared>> -> memref<80x128xf32, #tpu.memory_space<vmem_shared>>
        %dma_start3A_194 = arith.constant 0 : i32
        %dma_start3A_195 = tpu.memref_slice %arg15[%mul3A_191, %dma_start3A_194] : memref<10000x128xf32, #tpu.memory_space<vmem_shared>> -> memref<80x128xf32, #tpu.memory_space<vmem_shared>>
        tpu.enqueue_dma source(%arg13 : memref<80x128xf32, #tpu.memory_space<vmem>>) target(%dma_start3A_195 : memref<80x128xf32, #tpu.memory_space<vmem_shared>>) target_semaphore(%run_scoped3A : memref<!tpu.dma_semaphore, #tpu.memory_space<semaphore_mem>>)
        %dma_wait3A_196 = arith.constant 0 : i32
        %dma_wait3A_197 = tpu.memref_slice %arg15[%mul3A_191, %dma_wait3A_196] : memref<10000x128xf32, #tpu.memory_space<vmem_shared>> -> memref<80x128xf32, #tpu.memory_space<vmem_shared>>
        %dma_wait3A_198 = arith.constant 0 : i32
        %dma_wait3A_199 = tpu.memref_slice %arg15[%mul3A_191, %dma_wait3A_198] : memref<10000x128xf32, #tpu.memory_space<vmem_shared>> -> memref<80x128xf32, #tpu.memory_space<vmem_shared>>
        tpu.wait_dma2 semaphore(%run_scoped3A : memref<!tpu.dma_semaphore, #tpu.memory_space<semaphore_mem>>) src(%arg13 : memref<80x128xf32, #tpu.memory_space<vmem>>) dst(%dma_wait3A_199 : memref<80x128xf32, #tpu.memory_space<vmem_shared>>)
        tpu.yield
      }) : () -> ()
    } else {
    }
    %add3A_10 = arith.constant 16 : i32
    %add3A_11 = arith.addi %arg1, %add3A_10 : i32
    %lt3A_12 = arith.constant 125 : i32
    %lt3A_13 = arith.cmpi slt, %add3A_11, %lt3A_12 : i32
    %convert_element_type3A_14 = arith.extui %lt3A_13 : i1 to i32
    %cond3A_15 = arith.constant 0 : i32
    %cond3A_16 = arith.cmpi ne, %convert_element_type3A_14, %cond3A_15 : i32
    scf.if %cond3A_16 {
      %mul3A_190 = arith.constant 80 : i32
      %mul3A_191 = arith.muli %add3A_11, %mul3A_190 : i32
      "tpu.region"() ({
        %run_scoped3A = tpu.sem_alloc : memref<!tpu.dma_semaphore, #tpu.memory_space<semaphore_mem>>
        %dma_start3A_192 = arith.constant 0 : i32
        %dma_start3A_193 = tpu.memref_slice %arg15[%mul3A_191, %dma_start3A_192] : memref<10000x128xf32, #tpu.memory_space<vmem_shared>> -> memref<80x128xf32, #tpu.memory_space<vmem_shared>>
        %dma_start3A_194 = arith.constant 0 : i32
        %dma_start3A_195 = tpu.memref_slice %arg15[%mul3A_191, %dma_start3A_194] : memref<10000x128xf32, #tpu.memory_space<vmem_shared>> -> memref<80x128xf32, #tpu.memory_space<vmem_shared>>
        tpu.enqueue_dma source(%arg13 : memref<80x128xf32, #tpu.memory_space<vmem>>) target(%dma_start3A_195 : memref<80x128xf32, #tpu.memory_space<vmem_shared>>) target_semaphore(%run_scoped3A : memref<!tpu.dma_semaphore, #tpu.memory_space<semaphore_mem>>)
        %dma_wait3A_196 = arith.constant 0 : i32
        %dma_wait3A_197 = tpu.memref_slice %arg15[%mul3A_191, %dma_wait3A_196] : memref<10000x128xf32, #tpu.memory_space<vmem_shared>> -> memref<80x128xf32, #tpu.memory_space<vmem_shared>>
        %dma_wait3A_198 = arith.constant 0 : i32
        %dma_wait3A_199 = tpu.memref_slice %arg15[%mul3A_191, %dma_wait3A_198] : memref<10000x128xf32, #tpu.memory_space<vmem_shared>> -> memref<80x128xf32, #tpu.memory_space<vmem_shared>>
        tpu.wait_dma2 semaphore(%run_scoped3A : memref<!tpu.dma_semaphore, #tpu.memory_space<semaphore_mem>>) src(%arg13 : memref<80x128xf32, #tpu.memory_space<vmem>>) dst(%dma_wait3A_199 : memref<80x128xf32, #tpu.memory_space<vmem_shared>>)
        tpu.yield
      }) : () -> ()
    } else {
    }
    %add3A_17 = arith.constant 32 : i32
    %add3A_18 = arith.addi %arg1, %add3A_17 : i32
    %lt3A_19 = arith.constant 125 : i32
    %lt3A_20 = arith.cmpi slt, %add3A_18, %lt3A_19 : i32
    %convert_element_type3A_21 = arith.extui %lt3A_20 : i1 to i32
    %cond3A_22 = arith.constant 0 : i32
    %cond3A_23 = arith.cmpi ne, %convert_element_type3A_21, %cond3A_22 : i32
    scf.if %cond3A_23 {
      %mul3A_190 = arith.constant 80 : i32
      %mul3A_191 = arith.muli %add3A_18, %mul3A_190 : i32
      "tpu.region"() ({
        %run_scoped3A = tpu.sem_alloc : memref<!tpu.dma_semaphore, #tpu.memory_space<semaphore_mem>>
        %dma_start3A_192 = arith.constant 0 : i32
        %dma_start3A_193 = tpu.memref_slice %arg15[%mul3A_191, %dma_start3A_192] : memref<10000x128xf32, #tpu.memory_space<vmem_shared>> -> memref<80x128xf32, #tpu.memory_space<vmem_shared>>
        %dma_start3A_194 = arith.constant 0 : i32
        %dma_start3A_195 = tpu.memref_slice %arg15[%mul3A_191, %dma_start3A_194] : memref<10000x128xf32, #tpu.memory_space<vmem_shared>> -> memref<80x128xf32, #tpu.memory_space<vmem_shared>>
        tpu.enqueue_dma source(%arg13 : memref<80x128xf32, #tpu.memory_space<vmem>>) target(%dma_start3A_195 : memref<80x128xf32, #tpu.memory_space<vmem_shared>>) target_semaphore(%run_scoped3A : memref<!tpu.dma_semaphore, #tpu.memory_space<semaphore_mem>>)
        %dma_wait3A_196 = arith.constant 0 : i32
        %dma_wait3A_197 = tpu.memref_slice %arg15[%mul3A_191, %dma_wait3A_196] : memref<10000x128xf32, #tpu.memory_space<vmem_shared>> -> memref<80x128xf32, #tpu.memory_space<vmem_shared>>
        %dma_wait3A_198 = arith.constant 0 : i32
        %dma_wait3A_199 = tpu.memref_slice %arg15[%mul3A_191, %dma_wait3A_198] : memref<10000x128xf32, #tpu.memory_space<vmem_shared>> -> memref<80x128xf32, #tpu.memory_space<vmem_shared>>
        tpu.wait_dma2 semaphore(%run_scoped3A : memref<!tpu.dma_semaphore, #tpu.memory_space<semaphore_mem>>) src(%arg13 : memref<80x128xf32, #tpu.memory_space<vmem>>) dst(%dma_wait3A_199 : memref<80x128xf32, #tpu.memory_space<vmem_shared>>)
        tpu.yield
      }) : () -> ()
    } else {
    }
    %add3A_24 = arith.constant 48 : i32
    %add3A_25 = arith.addi %arg1, %add3A_24 : i32
    %lt3A_26 = arith.constant 125 : i32
    %lt3A_27 = arith.cmpi slt, %add3A_25, %lt3A_26 : i32
    %convert_element_type3A_28 = arith.extui %lt3A_27 : i1 to i32
    %cond3A_29 = arith.constant 0 : i32
    %cond3A_30 = arith.cmpi ne, %convert_element_type3A_28, %cond3A_29 : i32
    scf.if %cond3A_30 {
      %mul3A_190 = arith.constant 80 : i32
      %mul3A_191 = arith.muli %add3A_25, %mul3A_190 : i32
      "tpu.region"() ({
        %run_scoped3A = tpu.sem_alloc : memref<!tpu.dma_semaphore, #tpu.memory_space<semaphore_mem>>
        %dma_start3A_192 = arith.constant 0 : i32
        %dma_start3A_193 = tpu.memref_slice %arg15[%mul3A_191, %dma_start3A_192] : memref<10000x128xf32, #tpu.memory_space<vmem_shared>> -> memref<80x128xf32, #tpu.memory_space<vmem_shared>>
        %dma_start3A_194 = arith.constant 0 : i32
        %dma_start3A_195 = tpu.memref_slice %arg15[%mul3A_191, %dma_start3A_194] : memref<10000x128xf32, #tpu.memory_space<vmem_shared>> -> memref<80x128xf32, #tpu.memory_space<vmem_shared>>
        tpu.enqueue_dma source(%arg13 : memref<80x128xf32, #tpu.memory_space<vmem>>) target(%dma_start3A_195 : memref<80x128xf32, #tpu.memory_space<vmem_shared>>) target_semaphore(%run_scoped3A : memref<!tpu.dma_semaphore, #tpu.memory_space<semaphore_mem>>)
        %dma_wait3A_196 = arith.constant 0 : i32
        %dma_wait3A_197 = tpu.memref_slice %arg15[%mul3A_191, %dma_wait3A_196] : memref<10000x128xf32, #tpu.memory_space<vmem_shared>> -> memref<80x128xf32, #tpu.memory_space<vmem_shared>>
        %dma_wait3A_198 = arith.constant 0 : i32
        %dma_wait3A_199 = tpu.memref_slice %arg15[%mul3A_191, %dma_wait3A_198] : memref<10000x128xf32, #tpu.memory_space<vmem_shared>> -> memref<80x128xf32, #tpu.memory_space<vmem_shared>>
        tpu.wait_dma2 semaphore(%run_scoped3A : memref<!tpu.dma_semaphore, #tpu.memory_space<semaphore_mem>>) src(%arg13 : memref<80x128xf32, #tpu.memory_space<vmem>>) dst(%dma_wait3A_199 : memref<80x128xf32, #tpu.memory_space<vmem_shared>>)
        tpu.yield
      }) : () -> ()
    } else {
    }
    %add3A_31 = arith.constant 64 : i32
    %add3A_32 = arith.addi %arg1, %add3A_31 : i32
    %lt3A_33 = arith.constant 125 : i32
    %lt3A_34 = arith.cmpi slt, %add3A_32, %lt3A_33 : i32
    %convert_element_type3A_35 = arith.extui %lt3A_34 : i1 to i32
    %cond3A_36 = arith.constant 0 : i32
    %cond3A_37 = arith.cmpi ne, %convert_element_type3A_35, %cond3A_36 : i32
    scf.if %cond3A_37 {
      %mul3A_190 = arith.constant 80 : i32
      %mul3A_191 = arith.muli %add3A_32, %mul3A_190 : i32
      "tpu.region"() ({
        %run_scoped3A = tpu.sem_alloc : memref<!tpu.dma_semaphore, #tpu.memory_space<semaphore_mem>>
        %dma_start3A_192 = arith.constant 0 : i32
        %dma_start3A_193 = tpu.memref_slice %arg15[%mul3A_191, %dma_start3A_192] : memref<10000x128xf32, #tpu.memory_space<vmem_shared>> -> memref<80x128xf32, #tpu.memory_space<vmem_shared>>
        %dma_start3A_194 = arith.constant 0 : i32
        %dma_start3A_195 = tpu.memref_slice %arg15[%mul3A_191, %dma_start3A_194] : memref<10000x128xf32, #tpu.memory_space<vmem_shared>> -> memref<80x128xf32, #tpu.memory_space<vmem_shared>>
        tpu.enqueue_dma source(%arg13 : memref<80x128xf32, #tpu.memory_space<vmem>>) target(%dma_start3A_195 : memref<80x128xf32, #tpu.memory_space<vmem_shared>>) target_semaphore(%run_scoped3A : memref<!tpu.dma_semaphore, #tpu.memory_space<semaphore_mem>>)
        %dma_wait3A_196 = arith.constant 0 : i32
        %dma_wait3A_197 = tpu.memref_slice %arg15[%mul3A_191, %dma_wait3A_196] : memref<10000x128xf32, #tpu.memory_space<vmem_shared>> -> memref<80x128xf32, #tpu.memory_space<vmem_shared>>
        %dma_wait3A_198 = arith.constant 0 : i32
        %dma_wait3A_199 = tpu.memref_slice %arg15[%mul3A_191, %dma_wait3A_198] : memref<10000x128xf32, #tpu.memory_space<vmem_shared>> -> memref<80x128xf32, #tpu.memory_space<vmem_shared>>
        tpu.wait_dma2 semaphore(%run_scoped3A : memref<!tpu.dma_semaphore, #tpu.memory_space<semaphore_mem>>) src(%arg13 : memref<80x128xf32, #tpu.memory_space<vmem>>) dst(%dma_wait3A_199 : memref<80x128xf32, #tpu.memory_space<vmem_shared>>)
        tpu.yield
      }) : () -> ()
    } else {
    }
    %add3A_38 = arith.constant 80 : i32
    %add3A_39 = arith.addi %arg1, %add3A_38 : i32
    %lt3A_40 = arith.constant 125 : i32
    %lt3A_41 = arith.cmpi slt, %add3A_39, %lt3A_40 : i32
    %convert_element_type3A_42 = arith.extui %lt3A_41 : i1 to i32
    %cond3A_43 = arith.constant 0 : i32
    %cond3A_44 = arith.cmpi ne, %convert_element_type3A_42, %cond3A_43 : i32
    scf.if %cond3A_44 {
      %mul3A_190 = arith.constant 80 : i32
      %mul3A_191 = arith.muli %add3A_39, %mul3A_190 : i32
      "tpu.region"() ({
        %run_scoped3A = tpu.sem_alloc : memref<!tpu.dma_semaphore, #tpu.memory_space<semaphore_mem>>
        %dma_start3A_192 = arith.constant 0 : i32
        %dma_start3A_193 = tpu.memref_slice %arg15[%mul3A_191, %dma_start3A_192] : memref<10000x128xf32, #tpu.memory_space<vmem_shared>> -> memref<80x128xf32, #tpu.memory_space<vmem_shared>>
        %dma_start3A_194 = arith.constant 0 : i32
        %dma_start3A_195 = tpu.memref_slice %arg15[%mul3A_191, %dma_start3A_194] : memref<10000x128xf32, #tpu.memory_space<vmem_shared>> -> memref<80x128xf32, #tpu.memory_space<vmem_shared>>
        tpu.enqueue_dma source(%arg13 : memref<80x128xf32, #tpu.memory_space<vmem>>) target(%dma_start3A_195 : memref<80x128xf32, #tpu.memory_space<vmem_shared>>) target_semaphore(%run_scoped3A : memref<!tpu.dma_semaphore, #tpu.memory_space<semaphore_mem>>)
        %dma_wait3A_196 = arith.constant 0 : i32
        %dma_wait3A_197 = tpu.memref_slice %arg15[%mul3A_191, %dma_wait3A_196] : memref<10000x128xf32, #tpu.memory_space<vmem_shared>> -> memref<80x128xf32, #tpu.memory_space<vmem_shared>>
        %dma_wait3A_198 = arith.constant 0 : i32
        %dma_wait3A_199 = tpu.memref_slice %arg15[%mul3A_191, %dma_wait3A_198] : memref<10000x128xf32, #tpu.memory_space<vmem_shared>> -> memref<80x128xf32, #tpu.memory_space<vmem_shared>>
        tpu.wait_dma2 semaphore(%run_scoped3A : memref<!tpu.dma_semaphore, #tpu.memory_space<semaphore_mem>>) src(%arg13 : memref<80x128xf32, #tpu.memory_space<vmem>>) dst(%dma_wait3A_199 : memref<80x128xf32, #tpu.memory_space<vmem_shared>>)
        tpu.yield
      }) : () -> ()
    } else {
    }
    %add3A_45 = arith.constant 96 : i32
    %add3A_46 = arith.addi %arg1, %add3A_45 : i32
    %lt3A_47 = arith.constant 125 : i32
    %lt3A_48 = arith.cmpi slt, %add3A_46, %lt3A_47 : i32
    %convert_element_type3A_49 = arith.extui %lt3A_48 : i1 to i32
    %cond3A_50 = arith.constant 0 : i32
    %cond3A_51 = arith.cmpi ne, %convert_element_type3A_49, %cond3A_50 : i32
    scf.if %cond3A_51 {
      %mul3A_190 = arith.constant 80 : i32
      %mul3A_191 = arith.muli %add3A_46, %mul3A_190 : i32
      "tpu.region"() ({
        %run_scoped3A = tpu.sem_alloc : memref<!tpu.dma_semaphore, #tpu.memory_space<semaphore_mem>>
        %dma_start3A_192 = arith.constant 0 : i32
        %dma_start3A_193 = tpu.memref_slice %arg15[%mul3A_191, %dma_start3A_192] : memref<10000x128xf32, #tpu.memory_space<vmem_shared>> -> memref<80x128xf32, #tpu.memory_space<vmem_shared>>
        %dma_start3A_194 = arith.constant 0 : i32
        %dma_start3A_195 = tpu.memref_slice %arg15[%mul3A_191, %dma_start3A_194] : memref<10000x128xf32, #tpu.memory_space<vmem_shared>> -> memref<80x128xf32, #tpu.memory_space<vmem_shared>>
        tpu.enqueue_dma source(%arg13 : memref<80x128xf32, #tpu.memory_space<vmem>>) target(%dma_start3A_195 : memref<80x128xf32, #tpu.memory_space<vmem_shared>>) target_semaphore(%run_scoped3A : memref<!tpu.dma_semaphore, #tpu.memory_space<semaphore_mem>>)
        %dma_wait3A_196 = arith.constant 0 : i32
        %dma_wait3A_197 = tpu.memref_slice %arg15[%mul3A_191, %dma_wait3A_196] : memref<10000x128xf32, #tpu.memory_space<vmem_shared>> -> memref<80x128xf32, #tpu.memory_space<vmem_shared>>
        %dma_wait3A_198 = arith.constant 0 : i32
        %dma_wait3A_199 = tpu.memref_slice %arg15[%mul3A_191, %dma_wait3A_198] : memref<10000x128xf32, #tpu.memory_space<vmem_shared>> -> memref<80x128xf32, #tpu.memory_space<vmem_shared>>
        tpu.wait_dma2 semaphore(%run_scoped3A : memref<!tpu.dma_semaphore, #tpu.memory_space<semaphore_mem>>) src(%arg13 : memref<80x128xf32, #tpu.memory_space<vmem>>) dst(%dma_wait3A_199 : memref<80x128xf32, #tpu.memory_space<vmem_shared>>)
        tpu.yield
      }) : () -> ()
    } else {
    }
    %add3A_52 = arith.constant 112 : i32
    %add3A_53 = arith.addi %arg1, %add3A_52 : i32
    %lt3A_54 = arith.constant 125 : i32
    %lt3A_55 = arith.cmpi slt, %add3A_53, %lt3A_54 : i32
    %convert_element_type3A_56 = arith.extui %lt3A_55 : i1 to i32
    %cond3A_57 = arith.constant 0 : i32
    %cond3A_58 = arith.cmpi ne, %convert_element_type3A_56, %cond3A_57 : i32
    scf.if %cond3A_58 {
      %mul3A_190 = arith.constant 80 : i32
      %mul3A_191 = arith.muli %add3A_53, %mul3A_190 : i32
      "tpu.region"() ({
        %run_scoped3A = tpu.sem_alloc : memref<!tpu.dma_semaphore, #tpu.memory_space<semaphore_mem>>
        %dma_start3A_192 = arith.constant 0 : i32
        %dma_start3A_193 = tpu.memref_slice %arg15[%mul3A_191, %dma_start3A_192] : memref<10000x128xf32, #tpu.memory_space<vmem_shared>> -> memref<80x128xf32, #tpu.memory_space<vmem_shared>>
        %dma_start3A_194 = arith.constant 0 : i32
        %dma_start3A_195 = tpu.memref_slice %arg15[%mul3A_191, %dma_start3A_194] : memref<10000x128xf32, #tpu.memory_space<vmem_shared>> -> memref<80x128xf32, #tpu.memory_space<vmem_shared>>
        tpu.enqueue_dma source(%arg13 : memref<80x128xf32, #tpu.memory_space<vmem>>) target(%dma_start3A_195 : memref<80x128xf32, #tpu.memory_space<vmem_shared>>) target_semaphore(%run_scoped3A : memref<!tpu.dma_semaphore, #tpu.memory_space<semaphore_mem>>)
        %dma_wait3A_196 = arith.constant 0 : i32
        %dma_wait3A_197 = tpu.memref_slice %arg15[%mul3A_191, %dma_wait3A_196] : memref<10000x128xf32, #tpu.memory_space<vmem_shared>> -> memref<80x128xf32, #tpu.memory_space<vmem_shared>>
        %dma_wait3A_198 = arith.constant 0 : i32
        %dma_wait3A_199 = tpu.memref_slice %arg15[%mul3A_191, %dma_wait3A_198] : memref<10000x128xf32, #tpu.memory_space<vmem_shared>> -> memref<80x128xf32, #tpu.memory_space<vmem_shared>>
        tpu.wait_dma2 semaphore(%run_scoped3A : memref<!tpu.dma_semaphore, #tpu.memory_space<semaphore_mem>>) src(%arg13 : memref<80x128xf32, #tpu.memory_space<vmem>>) dst(%dma_wait3A_199 : memref<80x128xf32, #tpu.memory_space<vmem_shared>>)
        tpu.yield
      }) : () -> ()
    } else {
    }
    %barrier3A = arith.constant 0 : index
    tpu.barrier barrier_id(%barrier3A)
    %mul3A = arith.constant 10000 : i32
    %mul3A_59 = arith.muli %arg1, %mul3A : i32
    %add3A_60 = arith.constant 0 : i32
    %add3A_61 = arith.addi %mul3A_59, %add3A_60 : i32
    %dma_start3A = tpu.memref_slice %arg3[%add3A_61] : memref<160000xi32, #tpu.memory_space<hbm>> -> memref<80xi32, #tpu.memory_space<hbm>>
    %dma_start3A_62 = tpu.memref_slice %arg3[%add3A_61] : memref<160000xi32, #tpu.memory_space<hbm>> -> memref<80xi32, #tpu.memory_space<hbm>>
    tpu.enqueue_dma source(%dma_start3A_62 : memref<80xi32, #tpu.memory_space<hbm>>) target(%arg7 : memref<80xi32, #tpu.memory_space<vmem>>) target_semaphore(%arg16 : memref<!tpu.dma_semaphore, #tpu.memory_space<semaphore_mem>>)
    %dma_start3A_63 = tpu.memref_slice %arg4[%add3A_61] : memref<160000xi32, #tpu.memory_space<hbm>> -> memref<80xi32, #tpu.memory_space<hbm>>
    %dma_start3A_64 = tpu.memref_slice %arg4[%add3A_61] : memref<160000xi32, #tpu.memory_space<hbm>> -> memref<80xi32, #tpu.memory_space<hbm>>
    tpu.enqueue_dma source(%dma_start3A_64 : memref<80xi32, #tpu.memory_space<hbm>>) target(%arg9 : memref<80xi32, #tpu.memory_space<vmem>>) target_semaphore(%arg16 : memref<!tpu.dma_semaphore, #tpu.memory_space<semaphore_mem>>)
    %dma_start3A_65 = arith.constant 0 : i32
    %dma_start3A_66 = arith.constant 0 : i32
    %dma_start3A_67 = tpu.memref_slice %arg5[%arg0, %dma_start3A_65, %dma_start3A_66] : memref<2x160000x128xf32, #tpu.memory_space<hbm>> -> memref<1x160000x128xf32, #tpu.memory_space<hbm>>
    %dma_start3A_68 = tpu.memref_squeeze %dma_start3A_67 : memref<1x160000x128xf32, #tpu.memory_space<hbm>> -> memref<160000x128xf32, #tpu.memory_space<hbm>>
    %dma_start3A_69 = arith.constant 0 : i32
    %dma_start3A_70 = tpu.memref_slice %dma_start3A_68[%add3A_61, %dma_start3A_69] : memref<160000x128xf32, #tpu.memory_space<hbm>> -> memref<80x128xf32, #tpu.memory_space<hbm>>
    %dma_start3A_71 = arith.constant 0 : i32
    %dma_start3A_72 = arith.constant 0 : i32
    %dma_start3A_73 = tpu.memref_slice %arg5[%arg0, %dma_start3A_71, %dma_start3A_72] : memref<2x160000x128xf32, #tpu.memory_space<hbm>> -> memref<1x160000x128xf32, #tpu.memory_space<hbm>>
    %dma_start3A_74 = tpu.memref_squeeze %dma_start3A_73 : memref<1x160000x128xf32, #tpu.memory_space<hbm>> -> memref<160000x128xf32, #tpu.memory_space<hbm>>
    %dma_start3A_75 = arith.constant 0 : i32
    %dma_start3A_76 = tpu.memref_slice %dma_start3A_74[%add3A_61, %dma_start3A_75] : memref<160000x128xf32, #tpu.memory_space<hbm>> -> memref<80x128xf32, #tpu.memory_space<hbm>>
    tpu.enqueue_dma source(%dma_start3A_76 : memref<80x128xf32, #tpu.memory_space<hbm>>) target(%arg13 : memref<80x128xf32, #tpu.memory_space<vmem>>) target_semaphore(%arg16 : memref<!tpu.dma_semaphore, #tpu.memory_space<semaphore_mem>>)
    %dma_wait3A = arith.constant 0 : i32
    %dma_wait3A_77 = tpu.memref_slice %arg3[%dma_wait3A] : memref<160000xi32, #tpu.memory_space<hbm>> -> memref<80xi32, #tpu.memory_space<hbm>>
    %dma_wait3A_78 = arith.constant 0 : i32
    %dma_wait3A_79 = tpu.memref_slice %arg3[%dma_wait3A_78] : memref<160000xi32, #tpu.memory_space<hbm>> -> memref<80xi32, #tpu.memory_space<hbm>>
    tpu.wait_dma2 semaphore(%arg16 : memref<!tpu.dma_semaphore, #tpu.memory_space<semaphore_mem>>) src(%dma_wait3A_79 : memref<80xi32, #tpu.memory_space<hbm>>) dst(%arg7 : memref<80xi32, #tpu.memory_space<vmem>>)
    %dma_wait3A_80 = arith.constant 0 : i32
    %dma_wait3A_81 = tpu.memref_slice %arg4[%dma_wait3A_80] : memref<160000xi32, #tpu.memory_space<hbm>> -> memref<80xi32, #tpu.memory_space<hbm>>
    %dma_wait3A_82 = arith.constant 0 : i32
    %dma_wait3A_83 = tpu.memref_slice %arg4[%dma_wait3A_82] : memref<160000xi32, #tpu.memory_space<hbm>> -> memref<80xi32, #tpu.memory_space<hbm>>
    tpu.wait_dma2 semaphore(%arg16 : memref<!tpu.dma_semaphore, #tpu.memory_space<semaphore_mem>>) src(%dma_wait3A_83 : memref<80xi32, #tpu.memory_space<hbm>>) dst(%arg9 : memref<80xi32, #tpu.memory_space<vmem>>)
    %dma_wait3A_84 = arith.constant 0 : i32
    %dma_wait3A_85 = arith.constant 0 : i32
    %dma_wait3A_86 = tpu.memref_slice %arg5[%arg0, %dma_wait3A_84, %dma_wait3A_85] : memref<2x160000x128xf32, #tpu.memory_space<hbm>> -> memref<1x160000x128xf32, #tpu.memory_space<hbm>>
    %dma_wait3A_87 = tpu.memref_squeeze %dma_wait3A_86 : memref<1x160000x128xf32, #tpu.memory_space<hbm>> -> memref<160000x128xf32, #tpu.memory_space<hbm>>
    %dma_wait3A_88 = arith.constant 0 : i32
    %dma_wait3A_89 = arith.constant 0 : i32
    %dma_wait3A_90 = tpu.memref_slice %dma_wait3A_87[%dma_wait3A_88, %dma_wait3A_89] : memref<160000x128xf32, #tpu.memory_space<hbm>> -> memref<80x128xf32, #tpu.memory_space<hbm>>
    %dma_wait3A_91 = arith.constant 0 : i32
    %dma_wait3A_92 = arith.constant 0 : i32
    %dma_wait3A_93 = tpu.memref_slice %arg5[%arg0, %dma_wait3A_91, %dma_wait3A_92] : memref<2x160000x128xf32, #tpu.memory_space<hbm>> -> memref<1x160000x128xf32, #tpu.memory_space<hbm>>
    %dma_wait3A_94 = tpu.memref_squeeze %dma_wait3A_93 : memref<1x160000x128xf32, #tpu.memory_space<hbm>> -> memref<160000x128xf32, #tpu.memory_space<hbm>>
    %dma_wait3A_95 = arith.constant 0 : i32
    %dma_wait3A_96 = arith.constant 0 : i32
    %dma_wait3A_97 = tpu.memref_slice %dma_wait3A_94[%dma_wait3A_95, %dma_wait3A_96] : memref<160000x128xf32, #tpu.memory_space<hbm>> -> memref<80x128xf32, #tpu.memory_space<hbm>>
    tpu.wait_dma2 semaphore(%arg16 : memref<!tpu.dma_semaphore, #tpu.memory_space<semaphore_mem>>) src(%dma_wait3A_97 : memref<80x128xf32, #tpu.memory_space<hbm>>) dst(%arg13 : memref<80x128xf32, #tpu.memory_space<vmem>>)
    %dma_start3A_98 = arith.constant 0 : i32
    %dma_start3A_99 = arith.constant 0 : i32
    %dma_start3A_100 = tpu.memref_slice %arg2[%arg0, %dma_start3A_98, %dma_start3A_99] : memref<2x10000x128xf32, #tpu.memory_space<hbm>> -> memref<1x10000x128xf32, #tpu.memory_space<hbm>>
    %dma_start3A_101 = tpu.memref_squeeze %dma_start3A_100 : memref<1x10000x128xf32, #tpu.memory_space<hbm>> -> memref<10000x128xf32, #tpu.memory_space<hbm>>
    %dma_start3A_102 = arith.constant 0 : i32
    %dma_start3A_103 = arith.constant 0 : i32
    %dma_start3A_104 = tpu.memref_slice %dma_start3A_101[%dma_start3A_102, %dma_start3A_103] : memref<10000x128xf32, #tpu.memory_space<hbm>> -> memref<10000x128xf32, #tpu.memory_space<hbm>>
    tpu.enqueue_indirect_dma source(%dma_start3A_104 : memref<10000x128xf32, #tpu.memory_space<hbm>>) target(%arg11 : memref<80x128xf32, #tpu.memory_space<vmem>>) offsets(%arg7 : memref<80xi32, #tpu.memory_space<vmem>>) semaphore(%arg18 : memref<!tpu.dma_semaphore, #tpu.memory_space<semaphore_mem>>)
    %scan3A_105 = arith.constant 0 : i32
    %scan3A_106 = arith.constant 0 : i32
    %scan3A_107 = arith.constant 62 : i32
    %scan3A_108 = arith.addi %scan3A_106, %scan3A_107 : i32
    %scan3A_109 = arith.constant 1 : i32
    %scan3A_110 = scf.for %scan3A_190 = %scan3A_106 to %scan3A_108 step %scan3A_109 iter_args(%scan3A_191 = %scan3A_105) -> (i32)  : i32 {
      %mul3A_192 = arith.constant 2 : i32
      %mul3A_193 = arith.muli %mul3A_192, %scan3A_190 : i32
      %add3A_194 = arith.constant 0 : i32
      %add3A_195 = arith.addi %mul3A_193, %add3A_194 : i32
      %add3A_196 = arith.constant 1 : i32
      %add3A_197 = arith.addi %add3A_195, %add3A_196 : i32
      %mul3A_198 = arith.constant 10000 : i32
      %mul3A_199 = arith.muli %arg1, %mul3A_198 : i32
      %mul3A_200 = arith.constant 80 : i32
      %mul3A_201 = arith.muli %add3A_197, %mul3A_200 : i32
      %add3A_202 = arith.addi %mul3A_199, %mul3A_201 : i32
      %dma_start3A_203 = tpu.memref_slice %arg3[%add3A_202] : memref<160000xi32, #tpu.memory_space<hbm>> -> memref<80xi32, #tpu.memory_space<hbm>>
      %dma_start3A_204 = tpu.memref_slice %arg3[%add3A_202] : memref<160000xi32, #tpu.memory_space<hbm>> -> memref<80xi32, #tpu.memory_space<hbm>>
      tpu.enqueue_dma source(%dma_start3A_204 : memref<80xi32, #tpu.memory_space<hbm>>) target(%arg8 : memref<80xi32, #tpu.memory_space<vmem>>) target_semaphore(%arg17 : memref<!tpu.dma_semaphore, #tpu.memory_space<semaphore_mem>>)
      %dma_start3A_205 = tpu.memref_slice %arg4[%add3A_202] : memref<160000xi32, #tpu.memory_space<hbm>> -> memref<80xi32, #tpu.memory_space<hbm>>
      %dma_start3A_206 = tpu.memref_slice %arg4[%add3A_202] : memref<160000xi32, #tpu.memory_space<hbm>> -> memref<80xi32, #tpu.memory_space<hbm>>
      tpu.enqueue_dma source(%dma_start3A_206 : memref<80xi32, #tpu.memory_space<hbm>>) target(%arg10 : memref<80xi32, #tpu.memory_space<vmem>>) target_semaphore(%arg17 : memref<!tpu.dma_semaphore, #tpu.memory_space<semaphore_mem>>)
      %dma_start3A_207 = arith.constant 0 : i32
      %dma_start3A_208 = arith.constant 0 : i32
      %dma_start3A_209 = tpu.memref_slice %arg5[%arg0, %dma_start3A_207, %dma_start3A_208] : memref<2x160000x128xf32, #tpu.memory_space<hbm>> -> memref<1x160000x128xf32, #tpu.memory_space<hbm>>
      %dma_start3A_210 = tpu.memref_squeeze %dma_start3A_209 : memref<1x160000x128xf32, #tpu.memory_space<hbm>> -> memref<160000x128xf32, #tpu.memory_space<hbm>>
      %dma_start3A_211 = arith.constant 0 : i32
      %dma_start3A_212 = tpu.memref_slice %dma_start3A_210[%add3A_202, %dma_start3A_211] : memref<160000x128xf32, #tpu.memory_space<hbm>> -> memref<80x128xf32, #tpu.memory_space<hbm>>
      %dma_start3A_213 = arith.constant 0 : i32
      %dma_start3A_214 = arith.constant 0 : i32
      %dma_start3A_215 = tpu.memref_slice %arg5[%arg0, %dma_start3A_213, %dma_start3A_214] : memref<2x160000x128xf32, #tpu.memory_space<hbm>> -> memref<1x160000x128xf32, #tpu.memory_space<hbm>>
      %dma_start3A_216 = tpu.memref_squeeze %dma_start3A_215 : memref<1x160000x128xf32, #tpu.memory_space<hbm>> -> memref<160000x128xf32, #tpu.memory_space<hbm>>
      %dma_start3A_217 = arith.constant 0 : i32
      %dma_start3A_218 = tpu.memref_slice %dma_start3A_216[%add3A_202, %dma_start3A_217] : memref<160000x128xf32, #tpu.memory_space<hbm>> -> memref<80x128xf32, #tpu.memory_space<hbm>>
      tpu.enqueue_dma source(%dma_start3A_218 : memref<80x128xf32, #tpu.memory_space<hbm>>) target(%arg14 : memref<80x128xf32, #tpu.memory_space<vmem>>) target_semaphore(%arg17 : memref<!tpu.dma_semaphore, #tpu.memory_space<semaphore_mem>>)
      %dma_wait3A_219 = arith.constant 0 : i32
      %dma_wait3A_220 = arith.constant 0 : i32
      %dma_wait3A_221 = tpu.memref_slice %arg2[%arg0, %dma_wait3A_219, %dma_wait3A_220] : memref<2x10000x128xf32, #tpu.memory_space<hbm>> -> memref<1x10000x128xf32, #tpu.memory_space<hbm>>
      %dma_wait3A_222 = tpu.memref_squeeze %dma_wait3A_221 : memref<1x10000x128xf32, #tpu.memory_space<hbm>> -> memref<10000x128xf32, #tpu.memory_space<hbm>>
      %dma_wait3A_223 = arith.constant 0 : i32
      %dma_wait3A_224 = arith.constant 0 : i32
      %dma_wait3A_225 = tpu.memref_slice %dma_wait3A_222[%dma_wait3A_223, %dma_wait3A_224] : memref<10000x128xf32, #tpu.memory_space<hbm>> -> memref<80x128xf32, #tpu.memory_space<hbm>>
      %dma_wait3A_226 = arith.constant 0 : i32
      %dma_wait3A_227 = arith.constant 0 : i32
      %dma_wait3A_228 = tpu.memref_slice %arg2[%arg0, %dma_wait3A_226, %dma_wait3A_227] : memref<2x10000x128xf32, #tpu.memory_space<hbm>> -> memref<1x10000x128xf32, #tpu.memory_space<hbm>>
      %dma_wait3A_229 = tpu.memref_squeeze %dma_wait3A_228 : memref<1x10000x128xf32, #tpu.memory_space<hbm>> -> memref<10000x128xf32, #tpu.memory_space<hbm>>
      %dma_wait3A_230 = arith.constant 0 : i32
      %dma_wait3A_231 = arith.constant 0 : i32
      %dma_wait3A_232 = tpu.memref_slice %dma_wait3A_229[%dma_wait3A_230, %dma_wait3A_231] : memref<10000x128xf32, #tpu.memory_space<hbm>> -> memref<80x128xf32, #tpu.memory_space<hbm>>
      tpu.wait_dma2 semaphore(%arg18 : memref<!tpu.dma_semaphore, #tpu.memory_space<semaphore_mem>>) src(%dma_wait3A_232 : memref<80x128xf32, #tpu.memory_space<hbm>>) dst(%arg11 : memref<80x128xf32, #tpu.memory_space<vmem>>)
      %scan3A_233 = arith.constant 0 : i32
      %scan3A_234 = arith.constant 0 : i32
      %scan3A_235 = arith.constant 40 : i32
      %scan3A_236 = arith.addi %scan3A_234, %scan3A_235 : i32
      %scan3A_237 = arith.constant 1 : i32
      %scan3A_238 = scf.for %scan3A_361 = %scan3A_234 to %scan3A_236 step %scan3A_237 iter_args(%scan3A_362 = %scan3A_233) -> (i32)  : i32 {
        %get3A = arith.index_cast %scan3A_361 : i32 to index
        %get3A_363 = arith.constant 0 : index
        %get3A_364 = tpu.vector_load %arg13[%get3A, %get3A_363] {strides = array<i32>} : memref<80x128xf32, #tpu.memory_space<vmem>>, vector<1x16xf32>,
        %get3A_365 = vector.shape_cast %get3A_364 : vector<1x16xf32> to vector<16xf32>
        %get3A_366 = arith.index_cast %scan3A_361 : i32 to index
        %get3A_367 = arith.constant 0 : index
        %get3A_368 = tpu.vector_load %arg11[%get3A_366, %get3A_367] {strides = array<i32>} : memref<80x128xf32, #tpu.memory_space<vmem>>, vector<1x16xf32>,
        %get3A_369 = vector.shape_cast %get3A_368 : vector<1x16xf32> to vector<16xf32>
        %add3A_370 = arith.addf %get3A_365, %get3A_369 : vector<16xf32>
        %max3A = arith.constant 0.000000e+00 : f32
        %max3A_371 = vector.broadcast %max3A : f32 to vector<16xf32>
        %max3A_372 = arith.maximumf %add3A_370, %max3A_371 : vector<16xf32>
        %swap3A = arith.index_cast %scan3A_361 : i32 to index
        %swap3A_373 = arith.constant 0 : index
        %swap3A_374 = tpu.vector_load %arg13[%swap3A, %swap3A_373] {strides = array<i32>} : memref<80x128xf32, #tpu.memory_space<vmem>>, vector<1x16xf32>,
        %swap3A_375 = vector.shape_cast %swap3A_374 : vector<1x16xf32> to vector<16xf32>
        %swap3A_376 = vector.shape_cast %max3A_372 : vector<16xf32> to vector<1x16xf32>
        tpu.vector_store %arg13[%swap3A, %swap3A_373], %swap3A_376 {strides = array<i32>} : memref<80x128xf32, #tpu.memory_space<vmem>>, vector<1x16xf32>,
        %get3A_377 = arith.index_cast %scan3A_361 : i32 to index
        %get3A_378 = arith.constant 16 : index
        %get3A_379 = tpu.vector_load %arg13[%get3A_377, %get3A_378] {strides = array<i32>} : memref<80x128xf32, #tpu.memory_space<vmem>>, vector<1x16xf32>,
        %get3A_380 = vector.shape_cast %get3A_379 : vector<1x16xf32> to vector<16xf32>
        %get3A_381 = arith.index_cast %scan3A_361 : i32 to index
        %get3A_382 = arith.constant 16 : index
        %get3A_383 = tpu.vector_load %arg11[%get3A_381, %get3A_382] {strides = array<i32>} : memref<80x128xf32, #tpu.memory_space<vmem>>, vector<1x16xf32>,
        %get3A_384 = vector.shape_cast %get3A_383 : vector<1x16xf32> to vector<16xf32>
        %add3A_385 = arith.addf %get3A_380, %get3A_384 : vector<16xf32>
        %max3A_386 = arith.constant 0.000000e+00 : f32
        %max3A_387 = vector.broadcast %max3A_386 : f32 to vector<16xf32>
        %max3A_388 = arith.maximumf %add3A_385, %max3A_387 : vector<16xf32>
        %swap3A_389 = arith.index_cast %scan3A_361 : i32 to index
        %swap3A_390 = arith.constant 16 : index
        %swap3A_391 = tpu.vector_load %arg13[%swap3A_389, %swap3A_390] {strides = array<i32>} : memref<80x128xf32, #tpu.memory_space<vmem>>, vector<1x16xf32>,
        %swap3A_392 = vector.shape_cast %swap3A_391 : vector<1x16xf32> to vector<16xf32>
        %swap3A_393 = vector.shape_cast %max3A_388 : vector<16xf32> to vector<1x16xf32>
        tpu.vector_store %arg13[%swap3A_389, %swap3A_390], %swap3A_393 {strides = array<i32>} : memref<80x128xf32, #tpu.memory_space<vmem>>, vector<1x16xf32>,
        %get3A_394 = arith.index_cast %scan3A_361 : i32 to index
        %get3A_395 = arith.constant 32 : index
        %get3A_396 = tpu.vector_load %arg13[%get3A_394, %get3A_395] {strides = array<i32>} : memref<80x128xf32, #tpu.memory_space<vmem>>, vector<1x16xf32>,
        %get3A_397 = vector.shape_cast %get3A_396 : vector<1x16xf32> to vector<16xf32>
        %get3A_398 = arith.index_cast %scan3A_361 : i32 to index
        %get3A_399 = arith.constant 32 : index
        %get3A_400 = tpu.vector_load %arg11[%get3A_398, %get3A_399] {strides = array<i32>} : memref<80x128xf32, #tpu.memory_space<vmem>>, vector<1x16xf32>,
        %get3A_401 = vector.shape_cast %get3A_400 : vector<1x16xf32> to vector<16xf32>
        %add3A_402 = arith.addf %get3A_397, %get3A_401 : vector<16xf32>
        %max3A_403 = arith.constant 0.000000e+00 : f32
        %max3A_404 = vector.broadcast %max3A_403 : f32 to vector<16xf32>
        %max3A_405 = arith.maximumf %add3A_402, %max3A_404 : vector<16xf32>
        %swap3A_406 = arith.index_cast %scan3A_361 : i32 to index
        %swap3A_407 = arith.constant 32 : index
        %swap3A_408 = tpu.vector_load %arg13[%swap3A_406, %swap3A_407] {strides = array<i32>} : memref<80x128xf32, #tpu.memory_space<vmem>>, vector<1x16xf32>,
        %swap3A_409 = vector.shape_cast %swap3A_408 : vector<1x16xf32> to vector<16xf32>
        %swap3A_410 = vector.shape_cast %max3A_405 : vector<16xf32> to vector<1x16xf32>
        tpu.vector_store %arg13[%swap3A_406, %swap3A_407], %swap3A_410 {strides = array<i32>} : memref<80x128xf32, #tpu.memory_space<vmem>>, vector<1x16xf32>,
        %get3A_411 = arith.index_cast %scan3A_361 : i32 to index
        %get3A_412 = arith.constant 48 : index
        %get3A_413 = tpu.vector_load %arg13[%get3A_411, %get3A_412] {strides = array<i32>} : memref<80x128xf32, #tpu.memory_space<vmem>>, vector<1x16xf32>,
        %get3A_414 = vector.shape_cast %get3A_413 : vector<1x16xf32> to vector<16xf32>
        %get3A_415 = arith.index_cast %scan3A_361 : i32 to index
        %get3A_416 = arith.constant 48 : index
        %get3A_417 = tpu.vector_load %arg11[%get3A_415, %get3A_416] {strides = array<i32>} : memref<80x128xf32, #tpu.memory_space<vmem>>, vector<1x16xf32>,
        %get3A_418 = vector.shape_cast %get3A_417 : vector<1x16xf32> to vector<16xf32>
        %add3A_419 = arith.addf %get3A_414, %get3A_418 : vector<16xf32>
        %max3A_420 = arith.constant 0.000000e+00 : f32
        %max3A_421 = vector.broadcast %max3A_420 : f32 to vector<16xf32>
        %max3A_422 = arith.maximumf %add3A_419, %max3A_421 : vector<16xf32>
        %swap3A_423 = arith.index_cast %scan3A_361 : i32 to index
        %swap3A_424 = arith.constant 48 : index
        %swap3A_425 = tpu.vector_load %arg13[%swap3A_423, %swap3A_424] {strides = array<i32>} : memref<80x128xf32, #tpu.memory_space<vmem>>, vector<1x16xf32>,
        %swap3A_426 = vector.shape_cast %swap3A_425 : vector<1x16xf32> to vector<16xf32>
        %swap3A_427 = vector.shape_cast %max3A_422 : vector<16xf32> to vector<1x16xf32>
        tpu.vector_store %arg13[%swap3A_423, %swap3A_424], %swap3A_427 {strides = array<i32>} : memref<80x128xf32, #tpu.memory_space<vmem>>, vector<1x16xf32>,
        %get3A_428 = arith.index_cast %scan3A_361 : i32 to index
        %get3A_429 = arith.constant 64 : index
        %get3A_430 = tpu.vector_load %arg13[%get3A_428, %get3A_429] {strides = array<i32>} : memref<80x128xf32, #tpu.memory_space<vmem>>, vector<1x16xf32>,
        %get3A_431 = vector.shape_cast %get3A_430 : vector<1x16xf32> to vector<16xf32>
        %get3A_432 = arith.index_cast %scan3A_361 : i32 to index
        %get3A_433 = arith.constant 64 : index
        %get3A_434 = tpu.vector_load %arg11[%get3A_432, %get3A_433] {strides = array<i32>} : memref<80x128xf32, #tpu.memory_space<vmem>>, vector<1x16xf32>,
        %get3A_435 = vector.shape_cast %get3A_434 : vector<1x16xf32> to vector<16xf32>
        %add3A_436 = arith.addf %get3A_431, %get3A_435 : vector<16xf32>
        %max3A_437 = arith.constant 0.000000e+00 : f32
        %max3A_438 = vector.broadcast %max3A_437 : f32 to vector<16xf32>
        %max3A_439 = arith.maximumf %add3A_436, %max3A_438 : vector<16xf32>
        %swap3A_440 = arith.index_cast %scan3A_361 : i32 to index
        %swap3A_441 = arith.constant 64 : index
        %swap3A_442 = tpu.vector_load %arg13[%swap3A_440, %swap3A_441] {strides = array<i32>} : memref<80x128xf32, #tpu.memory_space<vmem>>, vector<1x16xf32>,
        %swap3A_443 = vector.shape_cast %swap3A_442 : vector<1x16xf32> to vector<16xf32>
        %swap3A_444 = vector.shape_cast %max3A_439 : vector<16xf32> to vector<1x16xf32>
        tpu.vector_store %arg13[%swap3A_440, %swap3A_441], %swap3A_444 {strides = array<i32>} : memref<80x128xf32, #tpu.memory_space<vmem>>, vector<1x16xf32>,
        %get3A_445 = arith.index_cast %scan3A_361 : i32 to index
        %get3A_446 = arith.constant 80 : index
        %get3A_447 = tpu.vector_load %arg13[%get3A_445, %get3A_446] {strides = array<i32>} : memref<80x128xf32, #tpu.memory_space<vmem>>, vector<1x16xf32>,
        %get3A_448 = vector.shape_cast %get3A_447 : vector<1x16xf32> to vector<16xf32>
        %get3A_449 = arith.index_cast %scan3A_361 : i32 to index
        %get3A_450 = arith.constant 80 : index
        %get3A_451 = tpu.vector_load %arg11[%get3A_449, %get3A_450] {strides = array<i32>} : memref<80x128xf32, #tpu.memory_space<vmem>>, vector<1x16xf32>,
        %get3A_452 = vector.shape_cast %get3A_451 : vector<1x16xf32> to vector<16xf32>
        %add3A_453 = arith.addf %get3A_448, %get3A_452 : vector<16xf32>
        %max3A_454 = arith.constant 0.000000e+00 : f32
        %max3A_455 = vector.broadcast %max3A_454 : f32 to vector<16xf32>
        %max3A_456 = arith.maximumf %add3A_453, %max3A_455 : vector<16xf32>
        %swap3A_457 = arith.index_cast %scan3A_361 : i32 to index
        %swap3A_458 = arith.constant 80 : index
        %swap3A_459 = tpu.vector_load %arg13[%swap3A_457, %swap3A_458] {strides = array<i32>} : memref<80x128xf32, #tpu.memory_space<vmem>>, vector<1x16xf32>,
        %swap3A_460 = vector.shape_cast %swap3A_459 : vector<1x16xf32> to vector<16xf32>
        %swap3A_461 = vector.shape_cast %max3A_456 : vector<16xf32> to vector<1x16xf32>
        tpu.vector_store %arg13[%swap3A_457, %swap3A_458], %swap3A_461 {strides = array<i32>} : memref<80x128xf32, #tpu.memory_space<vmem>>, vector<1x16xf32>,
        %get3A_462 = arith.index_cast %scan3A_361 : i32 to index
        %get3A_463 = arith.constant 96 : index
        %get3A_464 = tpu.vector_load %arg13[%get3A_462, %get3A_463] {strides = array<i32>} : memref<80x128xf32, #tpu.memory_space<vmem>>, vector<1x16xf32>,
        %get3A_465 = vector.shape_cast %get3A_464 : vector<1x16xf32> to vector<16xf32>
        %get3A_466 = arith.index_cast %scan3A_361 : i32 to index
        %get3A_467 = arith.constant 96 : index
        %get3A_468 = tpu.vector_load %arg11[%get3A_466, %get3A_467] {strides = array<i32>} : memref<80x128xf32, #tpu.memory_space<vmem>>, vector<1x16xf32>,
        %get3A_469 = vector.shape_cast %get3A_468 : vector<1x16xf32> to vector<16xf32>
        %add3A_470 = arith.addf %get3A_465, %get3A_469 : vector<16xf32>
        %max3A_471 = arith.constant 0.000000e+00 : f32
        %max3A_472 = vector.broadcast %max3A_471 : f32 to vector<16xf32>
        %max3A_473 = arith.maximumf %add3A_470, %max3A_472 : vector<16xf32>
        %swap3A_474 = arith.index_cast %scan3A_361 : i32 to index
        %swap3A_475 = arith.constant 96 : index
        %swap3A_476 = tpu.vector_load %arg13[%swap3A_474, %swap3A_475] {strides = array<i32>} : memref<80x128xf32, #tpu.memory_space<vmem>>, vector<1x16xf32>,
        %swap3A_477 = vector.shape_cast %swap3A_476 : vector<1x16xf32> to vector<16xf32>
        %swap3A_478 = vector.shape_cast %max3A_473 : vector<16xf32> to vector<1x16xf32>
        tpu.vector_store %arg13[%swap3A_474, %swap3A_475], %swap3A_478 {strides = array<i32>} : memref<80x128xf32, #tpu.memory_space<vmem>>, vector<1x16xf32>,
        %get3A_479 = arith.index_cast %scan3A_361 : i32 to index
        %get3A_480 = arith.constant 112 : index
        %get3A_481 = tpu.vector_load %arg13[%get3A_479, %get3A_480] {strides = array<i32>} : memref<80x128xf32, #tpu.memory_space<vmem>>, vector<1x16xf32>,
        %get3A_482 = vector.shape_cast %get3A_481 : vector<1x16xf32> to vector<16xf32>
        %get3A_483 = arith.index_cast %scan3A_361 : i32 to index
        %get3A_484 = arith.constant 112 : index
        %get3A_485 = tpu.vector_load %arg11[%get3A_483, %get3A_484] {strides = array<i32>} : memref<80x128xf32, #tpu.memory_space<vmem>>, vector<1x16xf32>,
        %get3A_486 = vector.shape_cast %get3A_485 : vector<1x16xf32> to vector<16xf32>
        %add3A_487 = arith.addf %get3A_482, %get3A_486 : vector<16xf32>
        %max3A_488 = arith.constant 0.000000e+00 : f32
        %max3A_489 = vector.broadcast %max3A_488 : f32 to vector<16xf32>
        %max3A_490 = arith.maximumf %add3A_487, %max3A_489 : vector<16xf32>
        %swap3A_491 = arith.index_cast %scan3A_361 : i32 to index
        %swap3A_492 = arith.constant 112 : index
        %swap3A_493 = tpu.vector_load %arg13[%swap3A_491, %swap3A_492] {strides = array<i32>} : memref<80x128xf32, #tpu.memory_space<vmem>>, vector<1x16xf32>,
        %swap3A_494 = vector.shape_cast %swap3A_493 : vector<1x16xf32> to vector<16xf32>
        %swap3A_495 = vector.shape_cast %max3A_490 : vector<16xf32> to vector<1x16xf32>
        tpu.vector_store %arg13[%swap3A_491, %swap3A_492], %swap3A_495 {strides = array<i32>} : memref<80x128xf32, #tpu.memory_space<vmem>>, vector<1x16xf32>,
        %scan3A_496 = arith.constant 0 : i32
        scf.yield %scan3A_496 : i32
      }
      %scan3A_239 = arith.constant 40 : i32
      %dma_wait3A_240 = arith.constant 0 : i32
      %dma_wait3A_241 = tpu.memref_slice %arg3[%dma_wait3A_240] : memref<160000xi32, #tpu.memory_space<hbm>> -> memref<80xi32, #tpu.memory_space<hbm>>
      %dma_wait3A_242 = arith.constant 0 : i32
      %dma_wait3A_243 = tpu.memref_slice %arg3[%dma_wait3A_242] : memref<160000xi32, #tpu.memory_space<hbm>> -> memref<80xi32, #tpu.memory_space<hbm>>
      tpu.wait_dma2 semaphore(%arg17 : memref<!tpu.dma_semaphore, #tpu.memory_space<semaphore_mem>>) src(%dma_wait3A_243 : memref<80xi32, #tpu.memory_space<hbm>>) dst(%arg8 : memref<80xi32, #tpu.memory_space<vmem>>)
      %dma_wait3A_244 = arith.constant 0 : i32
      %dma_wait3A_245 = tpu.memref_slice %arg4[%dma_wait3A_244] : memref<160000xi32, #tpu.memory_space<hbm>> -> memref<80xi32, #tpu.memory_space<hbm>>
      %dma_wait3A_246 = arith.constant 0 : i32
      %dma_wait3A_247 = tpu.memref_slice %arg4[%dma_wait3A_246] : memref<160000xi32, #tpu.memory_space<hbm>> -> memref<80xi32, #tpu.memory_space<hbm>>
      tpu.wait_dma2 semaphore(%arg17 : memref<!tpu.dma_semaphore, #tpu.memory_space<semaphore_mem>>) src(%dma_wait3A_247 : memref<80xi32, #tpu.memory_space<hbm>>) dst(%arg10 : memref<80xi32, #tpu.memory_space<vmem>>)
      %dma_wait3A_248 = arith.constant 0 : i32
      %dma_wait3A_249 = arith.constant 0 : i32
      %dma_wait3A_250 = tpu.memref_slice %arg5[%arg0, %dma_wait3A_248, %dma_wait3A_249] : memref<2x160000x128xf32, #tpu.memory_space<hbm>> -> memref<1x160000x128xf32, #tpu.memory_space<hbm>>
      %dma_wait3A_251 = tpu.memref_squeeze %dma_wait3A_250 : memref<1x160000x128xf32, #tpu.memory_space<hbm>> -> memref<160000x128xf32, #tpu.memory_space<hbm>>
      %dma_wait3A_252 = arith.constant 0 : i32
      %dma_wait3A_253 = arith.constant 0 : i32
      %dma_wait3A_254 = tpu.memref_slice %dma_wait3A_251[%dma_wait3A_252, %dma_wait3A_253] : memref<160000x128xf32, #tpu.memory_space<hbm>> -> memref<80x128xf32, #tpu.memory_space<hbm>>
      %dma_wait3A_255 = arith.constant 0 : i32
      %dma_wait3A_256 = arith.constant 0 : i32
      %dma_wait3A_257 = tpu.memref_slice %arg5[%arg0, %dma_wait3A_255, %dma_wait3A_256] : memref<2x160000x128xf32, #tpu.memory_space<hbm>> -> memref<1x160000x128xf32, #tpu.memory_space<hbm>>
      %dma_wait3A_258 = tpu.memref_squeeze %dma_wait3A_257 : memref<1x160000x128xf32, #tpu.memory_space<hbm>> -> memref<160000x128xf32, #tpu.memory_space<hbm>>
      %dma_wait3A_259 = arith.constant 0 : i32
      %dma_wait3A_260 = arith.constant 0 : i32
      %dma_wait3A_261 = tpu.memref_slice %dma_wait3A_258[%dma_wait3A_259, %dma_wait3A_260] : memref<160000x128xf32, #tpu.memory_space<hbm>> -> memref<80x128xf32, #tpu.memory_space<hbm>>
      tpu.wait_dma2 semaphore(%arg17 : memref<!tpu.dma_semaphore, #tpu.memory_space<semaphore_mem>>) src(%dma_wait3A_261 : memref<80x128xf32, #tpu.memory_space<hbm>>) dst(%arg14 : memref<80x128xf32, #tpu.memory_space<vmem>>)
      %dma_start3A_262 = arith.constant 0 : i32
      %dma_start3A_263 = arith.constant 0 : i32
      %dma_start3A_264 = tpu.memref_slice %arg2[%arg0, %dma_start3A_262, %dma_start3A_263] : memref<2x10000x128xf32, #tpu.memory_space<hbm>> -> memref<1x10000x128xf32, #tpu.memory_space<hbm>>
      %dma_start3A_265 = tpu.memref_squeeze %dma_start3A_264 : memref<1x10000x128xf32, #tpu.memory_space<hbm>> -> memref<10000x128xf32, #tpu.memory_space<hbm>>
      %dma_start3A_266 = arith.constant 0 : i32
      %dma_start3A_267 = arith.constant 0 : i32
      %dma_start3A_268 = tpu.memref_slice %dma_start3A_265[%dma_start3A_266, %dma_start3A_267] : memref<10000x128xf32, #tpu.memory_space<hbm>> -> memref<10000x128xf32, #tpu.memory_space<hbm>>
      tpu.enqueue_indirect_dma source(%dma_start3A_268 : memref<10000x128xf32, #tpu.memory_space<hbm>>) target(%arg12 : memref<80x128xf32, #tpu.memory_space<vmem>>) offsets(%arg8 : memref<80xi32, #tpu.memory_space<vmem>>) semaphore(%arg19 : memref<!tpu.dma_semaphore, #tpu.memory_space<semaphore_mem>>)
      %scan3A_269 = arith.constant 0 : i32
      %scan3A_270 = arith.constant 40 : i32
      %scan3A_271 = arith.constant 40 : i32
      %scan3A_272 = arith.addi %scan3A_270, %scan3A_271 : i32
      %scan3A_273 = arith.constant 1 : i32
      %scan3A_274 = scf.for %scan3A_361 = %scan3A_270 to %scan3A_272 step %scan3A_273 iter_args(%scan3A_362 = %scan3A_269) -> (i32)  : i32 {
        %get3A = arith.index_cast %scan3A_361 : i32 to index
        %get3A_363 = arith.constant 0 : index
        %get3A_364 = tpu.vector_load %arg13[%get3A, %get3A_363] {strides = array<i32>} : memref<80x128xf32, #tpu.memory_space<vmem>>, vector<1x16xf32>,
        %get3A_365 = vector.shape_cast %get3A_364 : vector<1x16xf32> to vector<16xf32>
        %get3A_366 = arith.index_cast %scan3A_361 : i32 to index
        %get3A_367 = arith.constant 0 : index
        %get3A_368 = tpu.vector_load %arg11[%get3A_366, %get3A_367] {strides = array<i32>} : memref<80x128xf32, #tpu.memory_space<vmem>>, vector<1x16xf32>,
        %get3A_369 = vector.shape_cast %get3A_368 : vector<1x16xf32> to vector<16xf32>
        %add3A_370 = arith.addf %get3A_365, %get3A_369 : vector<16xf32>
        %max3A = arith.constant 0.000000e+00 : f32
        %max3A_371 = vector.broadcast %max3A : f32 to vector<16xf32>
        %max3A_372 = arith.maximumf %add3A_370, %max3A_371 : vector<16xf32>
        %swap3A = arith.index_cast %scan3A_361 : i32 to index
        %swap3A_373 = arith.constant 0 : index
        %swap3A_374 = tpu.vector_load %arg13[%swap3A, %swap3A_373] {strides = array<i32>} : memref<80x128xf32, #tpu.memory_space<vmem>>, vector<1x16xf32>,
        %swap3A_375 = vector.shape_cast %swap3A_374 : vector<1x16xf32> to vector<16xf32>
        %swap3A_376 = vector.shape_cast %max3A_372 : vector<16xf32> to vector<1x16xf32>
        tpu.vector_store %arg13[%swap3A, %swap3A_373], %swap3A_376 {strides = array<i32>} : memref<80x128xf32, #tpu.memory_space<vmem>>, vector<1x16xf32>,
        %get3A_377 = arith.index_cast %scan3A_361 : i32 to index
        %get3A_378 = arith.constant 16 : index
        %get3A_379 = tpu.vector_load %arg13[%get3A_377, %get3A_378] {strides = array<i32>} : memref<80x128xf32, #tpu.memory_space<vmem>>, vector<1x16xf32>,
        %get3A_380 = vector.shape_cast %get3A_379 : vector<1x16xf32> to vector<16xf32>
        %get3A_381 = arith.index_cast %scan3A_361 : i32 to index
        %get3A_382 = arith.constant 16 : index
        %get3A_383 = tpu.vector_load %arg11[%get3A_381, %get3A_382] {strides = array<i32>} : memref<80x128xf32, #tpu.memory_space<vmem>>, vector<1x16xf32>,
        %get3A_384 = vector.shape_cast %get3A_383 : vector<1x16xf32> to vector<16xf32>
        %add3A_385 = arith.addf %get3A_380, %get3A_384 : vector<16xf32>
        %max3A_386 = arith.constant 0.000000e+00 : f32
        %max3A_387 = vector.broadcast %max3A_386 : f32 to vector<16xf32>
        %max3A_388 = arith.maximumf %add3A_385, %max3A_387 : vector<16xf32>
        %swap3A_389 = arith.index_cast %scan3A_361 : i32 to index
        %swap3A_390 = arith.constant 16 : index
        %swap3A_391 = tpu.vector_load %arg13[%swap3A_389, %swap3A_390] {strides = array<i32>} : memref<80x128xf32, #tpu.memory_space<vmem>>, vector<1x16xf32>,
        %swap3A_392 = vector.shape_cast %swap3A_391 : vector<1x16xf32> to vector<16xf32>
        %swap3A_393 = vector.shape_cast %max3A_388 : vector<16xf32> to vector<1x16xf32>
        tpu.vector_store %arg13[%swap3A_389, %swap3A_390], %swap3A_393 {strides = array<i32>} : memref<80x128xf32, #tpu.memory_space<vmem>>, vector<1x16xf32>,
        %get3A_394 = arith.index_cast %scan3A_361 : i32 to index
        %get3A_395 = arith.constant 32 : index
        %get3A_396 = tpu.vector_load %arg13[%get3A_394, %get3A_395] {strides = array<i32>} : memref<80x128xf32, #tpu.memory_space<vmem>>, vector<1x16xf32>,
        %get3A_397 = vector.shape_cast %get3A_396 : vector<1x16xf32> to vector<16xf32>
        %get3A_398 = arith.index_cast %scan3A_361 : i32 to index
        %get3A_399 = arith.constant 32 : index
        %get3A_400 = tpu.vector_load %arg11[%get3A_398, %get3A_399] {strides = array<i32>} : memref<80x128xf32, #tpu.memory_space<vmem>>, vector<1x16xf32>,
        %get3A_401 = vector.shape_cast %get3A_400 : vector<1x16xf32> to vector<16xf32>
        %add3A_402 = arith.addf %get3A_397, %get3A_401 : vector<16xf32>
        %max3A_403 = arith.constant 0.000000e+00 : f32
        %max3A_404 = vector.broadcast %max3A_403 : f32 to vector<16xf32>
        %max3A_405 = arith.maximumf %add3A_402, %max3A_404 : vector<16xf32>
        %swap3A_406 = arith.index_cast %scan3A_361 : i32 to index
        %swap3A_407 = arith.constant 32 : index
        %swap3A_408 = tpu.vector_load %arg13[%swap3A_406, %swap3A_407] {strides = array<i32>} : memref<80x128xf32, #tpu.memory_space<vmem>>, vector<1x16xf32>,
        %swap3A_409 = vector.shape_cast %swap3A_408 : vector<1x16xf32> to vector<16xf32>
        %swap3A_410 = vector.shape_cast %max3A_405 : vector<16xf32> to vector<1x16xf32>
        tpu.vector_store %arg13[%swap3A_406, %swap3A_407], %swap3A_410 {strides = array<i32>} : memref<80x128xf32, #tpu.memory_space<vmem>>, vector<1x16xf32>,
        %get3A_411 = arith.index_cast %scan3A_361 : i32 to index
        %get3A_412 = arith.constant 48 : index
        %get3A_413 = tpu.vector_load %arg13[%get3A_411, %get3A_412] {strides = array<i32>} : memref<80x128xf32, #tpu.memory_space<vmem>>, vector<1x16xf32>,
        %get3A_414 = vector.shape_cast %get3A_413 : vector<1x16xf32> to vector<16xf32>
        %get3A_415 = arith.index_cast %scan3A_361 : i32 to index
        %get3A_416 = arith.constant 48 : index
        %get3A_417 = tpu.vector_load %arg11[%get3A_415, %get3A_416] {strides = array<i32>} : memref<80x128xf32, #tpu.memory_space<vmem>>, vector<1x16xf32>,
        %get3A_418 = vector.shape_cast %get3A_417 : vector<1x16xf32> to vector<16xf32>
        %add3A_419 = arith.addf %get3A_414, %get3A_418 : vector<16xf32>
        %max3A_420 = arith.constant 0.000000e+00 : f32
        %max3A_421 = vector.broadcast %max3A_420 : f32 to vector<16xf32>
        %max3A_422 = arith.maximumf %add3A_419, %max3A_421 : vector<16xf32>
        %swap3A_423 = arith.index_cast %scan3A_361 : i32 to index
        %swap3A_424 = arith.constant 48 : index
        %swap3A_425 = tpu.vector_load %arg13[%swap3A_423, %swap3A_424] {strides = array<i32>} : memref<80x128xf32, #tpu.memory_space<vmem>>, vector<1x16xf32>,
        %swap3A_426 = vector.shape_cast %swap3A_425 : vector<1x16xf32> to vector<16xf32>
        %swap3A_427 = vector.shape_cast %max3A_422 : vector<16xf32> to vector<1x16xf32>
        tpu.vector_store %arg13[%swap3A_423, %swap3A_424], %swap3A_427 {strides = array<i32>} : memref<80x128xf32, #tpu.memory_space<vmem>>, vector<1x16xf32>,
        %get3A_428 = arith.index_cast %scan3A_361 : i32 to index
        %get3A_429 = arith.constant 64 : index
        %get3A_430 = tpu.vector_load %arg13[%get3A_428, %get3A_429] {strides = array<i32>} : memref<80x128xf32, #tpu.memory_space<vmem>>, vector<1x16xf32>,
        %get3A_431 = vector.shape_cast %get3A_430 : vector<1x16xf32> to vector<16xf32>
        %get3A_432 = arith.index_cast %scan3A_361 : i32 to index
        %get3A_433 = arith.constant 64 : index
        %get3A_434 = tpu.vector_load %arg11[%get3A_432, %get3A_433] {strides = array<i32>} : memref<80x128xf32, #tpu.memory_space<vmem>>, vector<1x16xf32>,
        %get3A_435 = vector.shape_cast %get3A_434 : vector<1x16xf32> to vector<16xf32>
        %add3A_436 = arith.addf %get3A_431, %get3A_435 : vector<16xf32>
        %max3A_437 = arith.constant 0.000000e+00 : f32
        %max3A_438 = vector.broadcast %max3A_437 : f32 to vector<16xf32>
        %max3A_439 = arith.maximumf %add3A_436, %max3A_438 : vector<16xf32>
        %swap3A_440 = arith.index_cast %scan3A_361 : i32 to index
        %swap3A_441 = arith.constant 64 : index
        %swap3A_442 = tpu.vector_load %arg13[%swap3A_440, %swap3A_441] {strides = array<i32>} : memref<80x128xf32, #tpu.memory_space<vmem>>, vector<1x16xf32>,
        %swap3A_443 = vector.shape_cast %swap3A_442 : vector<1x16xf32> to vector<16xf32>
        %swap3A_444 = vector.shape_cast %max3A_439 : vector<16xf32> to vector<1x16xf32>
        tpu.vector_store %arg13[%swap3A_440, %swap3A_441], %swap3A_444 {strides = array<i32>} : memref<80x128xf32, #tpu.memory_space<vmem>>, vector<1x16xf32>,
        %get3A_445 = arith.index_cast %scan3A_361 : i32 to index
        %get3A_446 = arith.constant 80 : index
        %get3A_447 = tpu.vector_load %arg13[%get3A_445, %get3A_446] {strides = array<i32>} : memref<80x128xf32, #tpu.memory_space<vmem>>, vector<1x16xf32>,
        %get3A_448 = vector.shape_cast %get3A_447 : vector<1x16xf32> to vector<16xf32>
        %get3A_449 = arith.index_cast %scan3A_361 : i32 to index
        %get3A_450 = arith.constant 80 : index
        %get3A_451 = tpu.vector_load %arg11[%get3A_449, %get3A_450] {strides = array<i32>} : memref<80x128xf32, #tpu.memory_space<vmem>>, vector<1x16xf32>,
        %get3A_452 = vector.shape_cast %get3A_451 : vector<1x16xf32> to vector<16xf32>
        %add3A_453 = arith.addf %get3A_448, %get3A_452 : vector<16xf32>
        %max3A_454 = arith.constant 0.000000e+00 : f32
        %max3A_455 = vector.broadcast %max3A_454 : f32 to vector<16xf32>
        %max3A_456 = arith.maximumf %add3A_453, %max3A_455 : vector<16xf32>
        %swap3A_457 = arith.index_cast %scan3A_361 : i32 to index
        %swap3A_458 = arith.constant 80 : index
        %swap3A_459 = tpu.vector_load %arg13[%swap3A_457, %swap3A_458] {strides = array<i32>} : memref<80x128xf32, #tpu.memory_space<vmem>>, vector<1x16xf32>,
        %swap3A_460 = vector.shape_cast %swap3A_459 : vector<1x16xf32> to vector<16xf32>
        %swap3A_461 = vector.shape_cast %max3A_456 : vector<16xf32> to vector<1x16xf32>
        tpu.vector_store %arg13[%swap3A_457, %swap3A_458], %swap3A_461 {strides = array<i32>} : memref<80x128xf32, #tpu.memory_space<vmem>>, vector<1x16xf32>,
        %get3A_462 = arith.index_cast %scan3A_361 : i32 to index
        %get3A_463 = arith.constant 96 : index
        %get3A_464 = tpu.vector_load %arg13[%get3A_462, %get3A_463] {strides = array<i32>} : memref<80x128xf32, #tpu.memory_space<vmem>>, vector<1x16xf32>,
        %get3A_465 = vector.shape_cast %get3A_464 : vector<1x16xf32> to vector<16xf32>
        %get3A_466 = arith.index_cast %scan3A_361 : i32 to index
        %get3A_467 = arith.constant 96 : index
        %get3A_468 = tpu.vector_load %arg11[%get3A_466, %get3A_467] {strides = array<i32>} : memref<80x128xf32, #tpu.memory_space<vmem>>, vector<1x16xf32>,
        %get3A_469 = vector.shape_cast %get3A_468 : vector<1x16xf32> to vector<16xf32>
        %add3A_470 = arith.addf %get3A_465, %get3A_469 : vector<16xf32>
        %max3A_471 = arith.constant 0.000000e+00 : f32
        %max3A_472 = vector.broadcast %max3A_471 : f32 to vector<16xf32>
        %max3A_473 = arith.maximumf %add3A_470, %max3A_472 : vector<16xf32>
        %swap3A_474 = arith.index_cast %scan3A_361 : i32 to index
        %swap3A_475 = arith.constant 96 : index
        %swap3A_476 = tpu.vector_load %arg13[%swap3A_474, %swap3A_475] {strides = array<i32>} : memref<80x128xf32, #tpu.memory_space<vmem>>, vector<1x16xf32>,
        %swap3A_477 = vector.shape_cast %swap3A_476 : vector<1x16xf32> to vector<16xf32>
        %swap3A_478 = vector.shape_cast %max3A_473 : vector<16xf32> to vector<1x16xf32>
        tpu.vector_store %arg13[%swap3A_474, %swap3A_475], %swap3A_478 {strides = array<i32>} : memref<80x128xf32, #tpu.memory_space<vmem>>, vector<1x16xf32>,
        %get3A_479 = arith.index_cast %scan3A_361 : i32 to index
        %get3A_480 = arith.constant 112 : index
        %get3A_481 = tpu.vector_load %arg13[%get3A_479, %get3A_480] {strides = array<i32>} : memref<80x128xf32, #tpu.memory_space<vmem>>, vector<1x16xf32>,
        %get3A_482 = vector.shape_cast %get3A_481 : vector<1x16xf32> to vector<16xf32>
        %get3A_483 = arith.index_cast %scan3A_361 : i32 to index
        %get3A_484 = arith.constant 112 : index
        %get3A_485 = tpu.vector_load %arg11[%get3A_483, %get3A_484] {strides = array<i32>} : memref<80x128xf32, #tpu.memory_space<vmem>>, vector<1x16xf32>,
        %get3A_486 = vector.shape_cast %get3A_485 : vector<1x16xf32> to vector<16xf32>
        %add3A_487 = arith.addf %get3A_482, %get3A_486 : vector<16xf32>
        %max3A_488 = arith.constant 0.000000e+00 : f32
        %max3A_489 = vector.broadcast %max3A_488 : f32 to vector<16xf32>
        %max3A_490 = arith.maximumf %add3A_487, %max3A_489 : vector<16xf32>
        %swap3A_491 = arith.index_cast %scan3A_361 : i32 to index
        %swap3A_492 = arith.constant 112 : index
        %swap3A_493 = tpu.vector_load %arg13[%swap3A_491, %swap3A_492] {strides = array<i32>} : memref<80x128xf32, #tpu.memory_space<vmem>>, vector<1x16xf32>,
        %swap3A_494 = vector.shape_cast %swap3A_493 : vector<1x16xf32> to vector<16xf32>
        %swap3A_495 = vector.shape_cast %max3A_490 : vector<16xf32> to vector<1x16xf32>
        tpu.vector_store %arg13[%swap3A_491, %swap3A_492], %swap3A_495 {strides = array<i32>} : memref<80x128xf32, #tpu.memory_space<vmem>>, vector<1x16xf32>,
        %scan3A_496 = arith.constant 0 : i32
        scf.yield %scan3A_496 : i32
      }
      %scan3A_275 = arith.constant 40 : i32
      "tpu.region"() ({
        %run_scoped3A = tpu.sem_alloc : memref<!tpu.dma_semaphore, #tpu.memory_space<semaphore_mem>>
        %dma_start3A_361 = arith.constant 0 : i32
        %dma_start3A_362 = arith.constant 0 : i32
        %dma_start3A_363 = tpu.memref_slice %arg15[%dma_start3A_361, %dma_start3A_362] : memref<10000x128xf32, #tpu.memory_space<vmem_shared>> -> memref<10000x128xf32, #tpu.memory_space<vmem_shared>>
        tpu.enqueue_indirect_dma source(%arg13 : memref<80x128xf32, #tpu.memory_space<vmem>>) target(%dma_start3A_363 : memref<10000x128xf32, #tpu.memory_space<vmem_shared>>) offsets(%arg9 : memref<80xi32, #tpu.memory_space<vmem>>) semaphore(%run_scoped3A : memref<!tpu.dma_semaphore, #tpu.memory_space<semaphore_mem>>) {add = true}
        %dma_wait3A_364 = arith.constant 0 : i32
        %dma_wait3A_365 = arith.constant 0 : i32
        %dma_wait3A_366 = tpu.memref_slice %arg15[%dma_wait3A_364, %dma_wait3A_365] : memref<10000x128xf32, #tpu.memory_space<vmem_shared>> -> memref<10000x128xf32, #tpu.memory_space<vmem_shared>>
        tpu.wait_indirect_dma semaphore(%run_scoped3A : memref<!tpu.dma_semaphore, #tpu.memory_space<semaphore_mem>>) src(%arg13 : memref<80x128xf32, #tpu.memory_space<vmem>>) dst(%dma_wait3A_366 : memref<10000x128xf32, #tpu.memory_space<vmem_shared>>)
        tpu.yield
      }) : () -> ()
      %mul3A_276 = arith.constant 2 : i32
      %mul3A_277 = arith.muli %mul3A_276, %scan3A_190 : i32
      %add3A_278 = arith.constant 1 : i32
      %add3A_279 = arith.addi %mul3A_277, %add3A_278 : i32
      %add3A_280 = arith.constant 1 : i32
      %add3A_281 = arith.addi %add3A_279, %add3A_280 : i32
      %mul3A_282 = arith.constant 10000 : i32
      %mul3A_283 = arith.muli %arg1, %mul3A_282 : i32
      %mul3A_284 = arith.constant 80 : i32
      %mul3A_285 = arith.muli %add3A_281, %mul3A_284 : i32
      %add3A_286 = arith.addi %mul3A_283, %mul3A_285 : i32
      %dma_start3A_287 = tpu.memref_slice %arg3[%add3A_286] : memref<160000xi32, #tpu.memory_space<hbm>> -> memref<80xi32, #tpu.memory_space<hbm>>
      %dma_start3A_288 = tpu.memref_slice %arg3[%add3A_286] : memref<160000xi32, #tpu.memory_space<hbm>> -> memref<80xi32, #tpu.memory_space<hbm>>
      tpu.enqueue_dma source(%dma_start3A_288 : memref<80xi32, #tpu.memory_space<hbm>>) target(%arg7 : memref<80xi32, #tpu.memory_space<vmem>>) target_semaphore(%arg16 : memref<!tpu.dma_semaphore, #tpu.memory_space<semaphore_mem>>)
      %dma_start3A_289 = tpu.memref_slice %arg4[%add3A_286] : memref<160000xi32, #tpu.memory_space<hbm>> -> memref<80xi32, #tpu.memory_space<hbm>>
      %dma_start3A_290 = tpu.memref_slice %arg4[%add3A_286] : memref<160000xi32, #tpu.memory_space<hbm>> -> memref<80xi32, #tpu.memory_space<hbm>>
      tpu.enqueue_dma source(%dma_start3A_290 : memref<80xi32, #tpu.memory_space<hbm>>) target(%arg9 : memref<80xi32, #tpu.memory_space<vmem>>) target_semaphore(%arg16 : memref<!tpu.dma_semaphore, #tpu.memory_space<semaphore_mem>>)
      %dma_start3A_291 = arith.constant 0 : i32
      %dma_start3A_292 = arith.constant 0 : i32
      %dma_start3A_293 = tpu.memref_slice %arg5[%arg0, %dma_start3A_291, %dma_start3A_292] : memref<2x160000x128xf32, #tpu.memory_space<hbm>> -> memref<1x160000x128xf32, #tpu.memory_space<hbm>>
      %dma_start3A_294 = tpu.memref_squeeze %dma_start3A_293 : memref<1x160000x128xf32, #tpu.memory_space<hbm>> -> memref<160000x128xf32, #tpu.memory_space<hbm>>
      %dma_start3A_295 = arith.constant 0 : i32
      %dma_start3A_296 = tpu.memref_slice %dma_start3A_294[%add3A_286, %dma_start3A_295] : memref<160000x128xf32, #tpu.memory_space<hbm>> -> memref<80x128xf32, #tpu.memory_space<hbm>>
      %dma_start3A_297 = arith.constant 0 : i32
      %dma_start3A_298 = arith.constant 0 : i32
      %dma_start3A_299 = tpu.memref_slice %arg5[%arg0, %dma_start3A_297, %dma_start3A_298] : memref<2x160000x128xf32, #tpu.memory_space<hbm>> -> memref<1x160000x128xf32, #tpu.memory_space<hbm>>
      %dma_start3A_300 = tpu.memref_squeeze %dma_start3A_299 : memref<1x160000x128xf32, #tpu.memory_space<hbm>> -> memref<160000x128xf32, #tpu.memory_space<hbm>>
      %dma_start3A_301 = arith.constant 0 : i32
      %dma_start3A_302 = tpu.memref_slice %dma_start3A_300[%add3A_286, %dma_start3A_301] : memref<160000x128xf32, #tpu.memory_space<hbm>> -> memref<80x128xf32, #tpu.memory_space<hbm>>
      tpu.enqueue_dma source(%dma_start3A_302 : memref<80x128xf32, #tpu.memory_space<hbm>>) target(%arg13 : memref<80x128xf32, #tpu.memory_space<vmem>>) target_semaphore(%arg16 : memref<!tpu.dma_semaphore, #tpu.memory_space<semaphore_mem>>)
      %dma_wait3A_303 = arith.constant 0 : i32
      %dma_wait3A_304 = arith.constant 0 : i32
      %dma_wait3A_305 = tpu.memref_slice %arg2[%arg0, %dma_wait3A_303, %dma_wait3A_304] : memref<2x10000x128xf32, #tpu.memory_space<hbm>> -> memref<1x10000x128xf32, #tpu.memory_space<hbm>>
      %dma_wait3A_306 = tpu.memref_squeeze %dma_wait3A_305 : memref<1x10000x128xf32, #tpu.memory_space<hbm>> -> memref<10000x128xf32, #tpu.memory_space<hbm>>
      %dma_wait3A_307 = arith.constant 0 : i32
      %dma_wait3A_308 = arith.constant 0 : i32
      %dma_wait3A_309 = tpu.memref_slice %dma_wait3A_306[%dma_wait3A_307, %dma_wait3A_308] : memref<10000x128xf32, #tpu.memory_space<hbm>> -> memref<80x128xf32, #tpu.memory_space<hbm>>
      %dma_wait3A_310 = arith.constant 0 : i32
      %dma_wait3A_311 = arith.constant 0 : i32
      %dma_wait3A_312 = tpu.memref_slice %arg2[%arg0, %dma_wait3A_310, %dma_wait3A_311] : memref<2x10000x128xf32, #tpu.memory_space<hbm>> -> memref<1x10000x128xf32, #tpu.memory_space<hbm>>
      %dma_wait3A_313 = tpu.memref_squeeze %dma_wait3A_312 : memref<1x10000x128xf32, #tpu.memory_space<hbm>> -> memref<10000x128xf32, #tpu.memory_space<hbm>>
      %dma_wait3A_314 = arith.constant 0 : i32
      %dma_wait3A_315 = arith.constant 0 : i32
      %dma_wait3A_316 = tpu.memref_slice %dma_wait3A_313[%dma_wait3A_314, %dma_wait3A_315] : memref<10000x128xf32, #tpu.memory_space<hbm>> -> memref<80x128xf32, #tpu.memory_space<hbm>>
      tpu.wait_dma2 semaphore(%arg19 : memref<!tpu.dma_semaphore, #tpu.memory_space<semaphore_mem>>) src(%dma_wait3A_316 : memref<80x128xf32, #tpu.memory_space<hbm>>) dst(%arg12 : memref<80x128xf32, #tpu.memory_space<vmem>>)
      %scan3A_317 = arith.constant 0 : i32
      %scan3A_318 = arith.constant 0 : i32
      %scan3A_319 = arith.constant 40 : i32
      %scan3A_320 = arith.addi %scan3A_318, %scan3A_319 : i32
      %scan3A_321 = arith.constant 1 : i32
      %scan3A_322 = scf.for %scan3A_361 = %scan3A_318 to %scan3A_320 step %scan3A_321 iter_args(%scan3A_362 = %scan3A_317) -> (i32)  : i32 {
        %get3A = arith.index_cast %scan3A_361 : i32 to index
        %get3A_363 = arith.constant 0 : index
        %get3A_364 = tpu.vector_load %arg14[%get3A, %get3A_363] {strides = array<i32>} : memref<80x128xf32, #tpu.memory_space<vmem>>, vector<1x16xf32>,
        %get3A_365 = vector.shape_cast %get3A_364 : vector<1x16xf32> to vector<16xf32>
        %get3A_366 = arith.index_cast %scan3A_361 : i32 to index
        %get3A_367 = arith.constant 0 : index
        %get3A_368 = tpu.vector_load %arg12[%get3A_366, %get3A_367] {strides = array<i32>} : memref<80x128xf32, #tpu.memory_space<vmem>>, vector<1x16xf32>,
        %get3A_369 = vector.shape_cast %get3A_368 : vector<1x16xf32> to vector<16xf32>
        %add3A_370 = arith.addf %get3A_365, %get3A_369 : vector<16xf32>
        %max3A = arith.constant 0.000000e+00 : f32
        %max3A_371 = vector.broadcast %max3A : f32 to vector<16xf32>
        %max3A_372 = arith.maximumf %add3A_370, %max3A_371 : vector<16xf32>
        %swap3A = arith.index_cast %scan3A_361 : i32 to index
        %swap3A_373 = arith.constant 0 : index
        %swap3A_374 = tpu.vector_load %arg14[%swap3A, %swap3A_373] {strides = array<i32>} : memref<80x128xf32, #tpu.memory_space<vmem>>, vector<1x16xf32>,
        %swap3A_375 = vector.shape_cast %swap3A_374 : vector<1x16xf32> to vector<16xf32>
        %swap3A_376 = vector.shape_cast %max3A_372 : vector<16xf32> to vector<1x16xf32>
        tpu.vector_store %arg14[%swap3A, %swap3A_373], %swap3A_376 {strides = array<i32>} : memref<80x128xf32, #tpu.memory_space<vmem>>, vector<1x16xf32>,
        %get3A_377 = arith.index_cast %scan3A_361 : i32 to index
        %get3A_378 = arith.constant 16 : index
        %get3A_379 = tpu.vector_load %arg14[%get3A_377, %get3A_378] {strides = array<i32>} : memref<80x128xf32, #tpu.memory_space<vmem>>, vector<1x16xf32>,
        %get3A_380 = vector.shape_cast %get3A_379 : vector<1x16xf32> to vector<16xf32>
        %get3A_381 = arith.index_cast %scan3A_361 : i32 to index
        %get3A_382 = arith.constant 16 : index
        %get3A_383 = tpu.vector_load %arg12[%get3A_381, %get3A_382] {strides = array<i32>} : memref<80x128xf32, #tpu.memory_space<vmem>>, vector<1x16xf32>,
        %get3A_384 = vector.shape_cast %get3A_383 : vector<1x16xf32> to vector<16xf32>
        %add3A_385 = arith.addf %get3A_380, %get3A_384 : vector<16xf32>
        %max3A_386 = arith.constant 0.000000e+00 : f32
        %max3A_387 = vector.broadcast %max3A_386 : f32 to vector<16xf32>
        %max3A_388 = arith.maximumf %add3A_385, %max3A_387 : vector<16xf32>
        %swap3A_389 = arith.index_cast %scan3A_361 : i32 to index
        %swap3A_390 = arith.constant 16 : index
        %swap3A_391 = tpu.vector_load %arg14[%swap3A_389, %swap3A_390] {strides = array<i32>} : memref<80x128xf32, #tpu.memory_space<vmem>>, vector<1x16xf32>,
        %swap3A_392 = vector.shape_cast %swap3A_391 : vector<1x16xf32> to vector<16xf32>
        %swap3A_393 = vector.shape_cast %max3A_388 : vector<16xf32> to vector<1x16xf32>
        tpu.vector_store %arg14[%swap3A_389, %swap3A_390], %swap3A_393 {strides = array<i32>} : memref<80x128xf32, #tpu.memory_space<vmem>>, vector<1x16xf32>,
        %get3A_394 = arith.index_cast %scan3A_361 : i32 to index
        %get3A_395 = arith.constant 32 : index
        %get3A_396 = tpu.vector_load %arg14[%get3A_394, %get3A_395] {strides = array<i32>} : memref<80x128xf32, #tpu.memory_space<vmem>>, vector<1x16xf32>,
        %get3A_397 = vector.shape_cast %get3A_396 : vector<1x16xf32> to vector<16xf32>
        %get3A_398 = arith.index_cast %scan3A_361 : i32 to index
        %get3A_399 = arith.constant 32 : index
        %get3A_400 = tpu.vector_load %arg12[%get3A_398, %get3A_399] {strides = array<i32>} : memref<80x128xf32, #tpu.memory_space<vmem>>, vector<1x16xf32>,
        %get3A_401 = vector.shape_cast %get3A_400 : vector<1x16xf32> to vector<16xf32>
        %add3A_402 = arith.addf %get3A_397, %get3A_401 : vector<16xf32>
        %max3A_403 = arith.constant 0.000000e+00 : f32
        %max3A_404 = vector.broadcast %max3A_403 : f32 to vector<16xf32>
        %max3A_405 = arith.maximumf %add3A_402, %max3A_404 : vector<16xf32>
        %swap3A_406 = arith.index_cast %scan3A_361 : i32 to index
        %swap3A_407 = arith.constant 32 : index
        %swap3A_408 = tpu.vector_load %arg14[%swap3A_406, %swap3A_407] {strides = array<i32>} : memref<80x128xf32, #tpu.memory_space<vmem>>, vector<1x16xf32>,
        %swap3A_409 = vector.shape_cast %swap3A_408 : vector<1x16xf32> to vector<16xf32>
        %swap3A_410 = vector.shape_cast %max3A_405 : vector<16xf32> to vector<1x16xf32>
        tpu.vector_store %arg14[%swap3A_406, %swap3A_407], %swap3A_410 {strides = array<i32>} : memref<80x128xf32, #tpu.memory_space<vmem>>, vector<1x16xf32>,
        %get3A_411 = arith.index_cast %scan3A_361 : i32 to index
        %get3A_412 = arith.constant 48 : index
        %get3A_413 = tpu.vector_load %arg14[%get3A_411, %get3A_412] {strides = array<i32>} : memref<80x128xf32, #tpu.memory_space<vmem>>, vector<1x16xf32>,
        %get3A_414 = vector.shape_cast %get3A_413 : vector<1x16xf32> to vector<16xf32>
        %get3A_415 = arith.index_cast %scan3A_361 : i32 to index
        %get3A_416 = arith.constant 48 : index
        %get3A_417 = tpu.vector_load %arg12[%get3A_415, %get3A_416] {strides = array<i32>} : memref<80x128xf32, #tpu.memory_space<vmem>>, vector<1x16xf32>,
        %get3A_418 = vector.shape_cast %get3A_417 : vector<1x16xf32> to vector<16xf32>
        %add3A_419 = arith.addf %get3A_414, %get3A_418 : vector<16xf32>
        %max3A_420 = arith.constant 0.000000e+00 : f32
        %max3A_421 = vector.broadcast %max3A_420 : f32 to vector<16xf32>
        %max3A_422 = arith.maximumf %add3A_419, %max3A_421 : vector<16xf32>
        %swap3A_423 = arith.index_cast %scan3A_361 : i32 to index
        %swap3A_424 = arith.constant 48 : index
        %swap3A_425 = tpu.vector_load %arg14[%swap3A_423, %swap3A_424] {strides = array<i32>} : memref<80x128xf32, #tpu.memory_space<vmem>>, vector<1x16xf32>,
        %swap3A_426 = vector.shape_cast %swap3A_425 : vector<1x16xf32> to vector<16xf32>
        %swap3A_427 = vector.shape_cast %max3A_422 : vector<16xf32> to vector<1x16xf32>
        tpu.vector_store %arg14[%swap3A_423, %swap3A_424], %swap3A_427 {strides = array<i32>} : memref<80x128xf32, #tpu.memory_space<vmem>>, vector<1x16xf32>,
        %get3A_428 = arith.index_cast %scan3A_361 : i32 to index
        %get3A_429 = arith.constant 64 : index
        %get3A_430 = tpu.vector_load %arg14[%get3A_428, %get3A_429] {strides = array<i32>} : memref<80x128xf32, #tpu.memory_space<vmem>>, vector<1x16xf32>,
        %get3A_431 = vector.shape_cast %get3A_430 : vector<1x16xf32> to vector<16xf32>
        %get3A_432 = arith.index_cast %scan3A_361 : i32 to index
        %get3A_433 = arith.constant 64 : index
        %get3A_434 = tpu.vector_load %arg12[%get3A_432, %get3A_433] {strides = array<i32>} : memref<80x128xf32, #tpu.memory_space<vmem>>, vector<1x16xf32>,
        %get3A_435 = vector.shape_cast %get3A_434 : vector<1x16xf32> to vector<16xf32>
        %add3A_436 = arith.addf %get3A_431, %get3A_435 : vector<16xf32>
        %max3A_437 = arith.constant 0.000000e+00 : f32
        %max3A_438 = vector.broadcast %max3A_437 : f32 to vector<16xf32>
        %max3A_439 = arith.maximumf %add3A_436, %max3A_438 : vector<16xf32>
        %swap3A_440 = arith.index_cast %scan3A_361 : i32 to index
        %swap3A_441 = arith.constant 64 : index
        %swap3A_442 = tpu.vector_load %arg14[%swap3A_440, %swap3A_441] {strides = array<i32>} : memref<80x128xf32, #tpu.memory_space<vmem>>, vector<1x16xf32>,
        %swap3A_443 = vector.shape_cast %swap3A_442 : vector<1x16xf32> to vector<16xf32>
        %swap3A_444 = vector.shape_cast %max3A_439 : vector<16xf32> to vector<1x16xf32>
        tpu.vector_store %arg14[%swap3A_440, %swap3A_441], %swap3A_444 {strides = array<i32>} : memref<80x128xf32, #tpu.memory_space<vmem>>, vector<1x16xf32>,
        %get3A_445 = arith.index_cast %scan3A_361 : i32 to index
        %get3A_446 = arith.constant 80 : index
        %get3A_447 = tpu.vector_load %arg14[%get3A_445, %get3A_446] {strides = array<i32>} : memref<80x128xf32, #tpu.memory_space<vmem>>, vector<1x16xf32>,
        %get3A_448 = vector.shape_cast %get3A_447 : vector<1x16xf32> to vector<16xf32>
        %get3A_449 = arith.index_cast %scan3A_361 : i32 to index
        %get3A_450 = arith.constant 80 : index
        %get3A_451 = tpu.vector_load %arg12[%get3A_449, %get3A_450] {strides = array<i32>} : memref<80x128xf32, #tpu.memory_space<vmem>>, vector<1x16xf32>,
        %get3A_452 = vector.shape_cast %get3A_451 : vector<1x16xf32> to vector<16xf32>
        %add3A_453 = arith.addf %get3A_448, %get3A_452 : vector<16xf32>
        %max3A_454 = arith.constant 0.000000e+00 : f32
        %max3A_455 = vector.broadcast %max3A_454 : f32 to vector<16xf32>
        %max3A_456 = arith.maximumf %add3A_453, %max3A_455 : vector<16xf32>
        %swap3A_457 = arith.index_cast %scan3A_361 : i32 to index
        %swap3A_458 = arith.constant 80 : index
        %swap3A_459 = tpu.vector_load %arg14[%swap3A_457, %swap3A_458] {strides = array<i32>} : memref<80x128xf32, #tpu.memory_space<vmem>>, vector<1x16xf32>,
        %swap3A_460 = vector.shape_cast %swap3A_459 : vector<1x16xf32> to vector<16xf32>
        %swap3A_461 = vector.shape_cast %max3A_456 : vector<16xf32> to vector<1x16xf32>
        tpu.vector_store %arg14[%swap3A_457, %swap3A_458], %swap3A_461 {strides = array<i32>} : memref<80x128xf32, #tpu.memory_space<vmem>>, vector<1x16xf32>,
        %get3A_462 = arith.index_cast %scan3A_361 : i32 to index
        %get3A_463 = arith.constant 96 : index
        %get3A_464 = tpu.vector_load %arg14[%get3A_462, %get3A_463] {strides = array<i32>} : memref<80x128xf32, #tpu.memory_space<vmem>>, vector<1x16xf32>,
        %get3A_465 = vector.shape_cast %get3A_464 : vector<1x16xf32> to vector<16xf32>
        %get3A_466 = arith.index_cast %scan3A_361 : i32 to index
        %get3A_467 = arith.constant 96 : index
        %get3A_468 = tpu.vector_load %arg12[%get3A_466, %get3A_467] {strides = array<i32>} : memref<80x128xf32, #tpu.memory_space<vmem>>, vector<1x16xf32>,
        %get3A_469 = vector.shape_cast %get3A_468 : vector<1x16xf32> to vector<16xf32>
        %add3A_470 = arith.addf %get3A_465, %get3A_469 : vector<16xf32>
        %max3A_471 = arith.constant 0.000000e+00 : f32
        %max3A_472 = vector.broadcast %max3A_471 : f32 to vector<16xf32>
        %max3A_473 = arith.maximumf %add3A_470, %max3A_472 : vector<16xf32>
        %swap3A_474 = arith.index_cast %scan3A_361 : i32 to index
        %swap3A_475 = arith.constant 96 : index
        %swap3A_476 = tpu.vector_load %arg14[%swap3A_474, %swap3A_475] {strides = array<i32>} : memref<80x128xf32, #tpu.memory_space<vmem>>, vector<1x16xf32>,
        %swap3A_477 = vector.shape_cast %swap3A_476 : vector<1x16xf32> to vector<16xf32>
        %swap3A_478 = vector.shape_cast %max3A_473 : vector<16xf32> to vector<1x16xf32>
        tpu.vector_store %arg14[%swap3A_474, %swap3A_475], %swap3A_478 {strides = array<i32>} : memref<80x128xf32, #tpu.memory_space<vmem>>, vector<1x16xf32>,
        %get3A_479 = arith.index_cast %scan3A_361 : i32 to index
        %get3A_480 = arith.constant 112 : index
        %get3A_481 = tpu.vector_load %arg14[%get3A_479, %get3A_480] {strides = array<i32>} : memref<80x128xf32, #tpu.memory_space<vmem>>, vector<1x16xf32>,
        %get3A_482 = vector.shape_cast %get3A_481 : vector<1x16xf32> to vector<16xf32>
        %get3A_483 = arith.index_cast %scan3A_361 : i32 to index
        %get3A_484 = arith.constant 112 : index
        %get3A_485 = tpu.vector_load %arg12[%get3A_483, %get3A_484] {strides = array<i32>} : memref<80x128xf32, #tpu.memory_space<vmem>>, vector<1x16xf32>,
        %get3A_486 = vector.shape_cast %get3A_485 : vector<1x16xf32> to vector<16xf32>
        %add3A_487 = arith.addf %get3A_482, %get3A_486 : vector<16xf32>
        %max3A_488 = arith.constant 0.000000e+00 : f32
        %max3A_489 = vector.broadcast %max3A_488 : f32 to vector<16xf32>
        %max3A_490 = arith.maximumf %add3A_487, %max3A_489 : vector<16xf32>
        %swap3A_491 = arith.index_cast %scan3A_361 : i32 to index
        %swap3A_492 = arith.constant 112 : index
        %swap3A_493 = tpu.vector_load %arg14[%swap3A_491, %swap3A_492] {strides = array<i32>} : memref<80x128xf32, #tpu.memory_space<vmem>>, vector<1x16xf32>,
        %swap3A_494 = vector.shape_cast %swap3A_493 : vector<1x16xf32> to vector<16xf32>
        %swap3A_495 = vector.shape_cast %max3A_490 : vector<16xf32> to vector<1x16xf32>
        tpu.vector_store %arg14[%swap3A_491, %swap3A_492], %swap3A_495 {strides = array<i32>} : memref<80x128xf32, #tpu.memory_space<vmem>>, vector<1x16xf32>,
        %scan3A_496 = arith.constant 0 : i32
        scf.yield %scan3A_496 : i32
      }
      %scan3A_323 = arith.constant 40 : i32
      %dma_wait3A_324 = arith.constant 0 : i32
      %dma_wait3A_325 = tpu.memref_slice %arg3[%dma_wait3A_324] : memref<160000xi32, #tpu.memory_space<hbm>> -> memref<80xi32, #tpu.memory_space<hbm>>
      %dma_wait3A_326 = arith.constant 0 : i32
      %dma_wait3A_327 = tpu.memref_slice %arg3[%dma_wait3A_326] : memref<160000xi32, #tpu.memory_space<hbm>> -> memref<80xi32, #tpu.memory_space<hbm>>
      tpu.wait_dma2 semaphore(%arg16 : memref<!tpu.dma_semaphore, #tpu.memory_space<semaphore_mem>>) src(%dma_wait3A_327 : memref<80xi32, #tpu.memory_space<hbm>>) dst(%arg7 : memref<80xi32, #tpu.memory_space<vmem>>)
      %dma_wait3A_328 = arith.constant 0 : i32
      %dma_wait3A_329 = tpu.memref_slice %arg4[%dma_wait3A_328] : memref<160000xi32, #tpu.memory_space<hbm>> -> memref<80xi32, #tpu.memory_space<hbm>>
      %dma_wait3A_330 = arith.constant 0 : i32
      %dma_wait3A_331 = tpu.memref_slice %arg4[%dma_wait3A_330] : memref<160000xi32, #tpu.memory_space<hbm>> -> memref<80xi32, #tpu.memory_space<hbm>>
      tpu.wait_dma2 semaphore(%arg16 : memref<!tpu.dma_semaphore, #tpu.memory_space<semaphore_mem>>) src(%dma_wait3A_331 : memref<80xi32, #tpu.memory_space<hbm>>) dst(%arg9 : memref<80xi32, #tpu.memory_space<vmem>>)
      %dma_wait3A_332 = arith.constant 0 : i32
      %dma_wait3A_333 = arith.constant 0 : i32
      %dma_wait3A_334 = tpu.memref_slice %arg5[%arg0, %dma_wait3A_332, %dma_wait3A_333] : memref<2x160000x128xf32, #tpu.memory_space<hbm>> -> memref<1x160000x128xf32, #tpu.memory_space<hbm>>
      %dma_wait3A_335 = tpu.memref_squeeze %dma_wait3A_334 : memref<1x160000x128xf32, #tpu.memory_space<hbm>> -> memref<160000x128xf32, #tpu.memory_space<hbm>>
      %dma_wait3A_336 = arith.constant 0 : i32
      %dma_wait3A_337 = arith.constant 0 : i32
      %dma_wait3A_338 = tpu.memref_slice %dma_wait3A_335[%dma_wait3A_336, %dma_wait3A_337] : memref<160000x128xf32, #tpu.memory_space<hbm>> -> memref<80x128xf32, #tpu.memory_space<hbm>>
      %dma_wait3A_339 = arith.constant 0 : i32
      %dma_wait3A_340 = arith.constant 0 : i32
      %dma_wait3A_341 = tpu.memref_slice %arg5[%arg0, %dma_wait3A_339, %dma_wait3A_340] : memref<2x160000x128xf32, #tpu.memory_space<hbm>> -> memref<1x160000x128xf32, #tpu.memory_space<hbm>>
      %dma_wait3A_342 = tpu.memref_squeeze %dma_wait3A_341 : memref<1x160000x128xf32, #tpu.memory_space<hbm>> -> memref<160000x128xf32, #tpu.memory_space<hbm>>
      %dma_wait3A_343 = arith.constant 0 : i32
      %dma_wait3A_344 = arith.constant 0 : i32
      %dma_wait3A_345 = tpu.memref_slice %dma_wait3A_342[%dma_wait3A_343, %dma_wait3A_344] : memref<160000x128xf32, #tpu.memory_space<hbm>> -> memref<80x128xf32, #tpu.memory_space<hbm>>
      tpu.wait_dma2 semaphore(%arg16 : memref<!tpu.dma_semaphore, #tpu.memory_space<semaphore_mem>>) src(%dma_wait3A_345 : memref<80x128xf32, #tpu.memory_space<hbm>>) dst(%arg13 : memref<80x128xf32, #tpu.memory_space<vmem>>)
      %dma_start3A_346 = arith.constant 0 : i32
      %dma_start3A_347 = arith.constant 0 : i32
      %dma_start3A_348 = tpu.memref_slice %arg2[%arg0, %dma_start3A_346, %dma_start3A_347] : memref<2x10000x128xf32, #tpu.memory_space<hbm>> -> memref<1x10000x128xf32, #tpu.memory_space<hbm>>
      %dma_start3A_349 = tpu.memref_squeeze %dma_start3A_348 : memref<1x10000x128xf32, #tpu.memory_space<hbm>> -> memref<10000x128xf32, #tpu.memory_space<hbm>>
      %dma_start3A_350 = arith.constant 0 : i32
      %dma_start3A_351 = arith.constant 0 : i32
      %dma_start3A_352 = tpu.memref_slice %dma_start3A_349[%dma_start3A_350, %dma_start3A_351] : memref<10000x128xf32, #tpu.memory_space<hbm>> -> memref<10000x128xf32, #tpu.memory_space<hbm>>
      tpu.enqueue_indirect_dma source(%dma_start3A_352 : memref<10000x128xf32, #tpu.memory_space<hbm>>) target(%arg11 : memref<80x128xf32, #tpu.memory_space<vmem>>) offsets(%arg7 : memref<80xi32, #tpu.memory_space<vmem>>) semaphore(%arg18 : memref<!tpu.dma_semaphore, #tpu.memory_space<semaphore_mem>>)
      %scan3A_353 = arith.constant 0 : i32
      %scan3A_354 = arith.constant 40 : i32
      %scan3A_355 = arith.constant 40 : i32
      %scan3A_356 = arith.addi %scan3A_354, %scan3A_355 : i32
      %scan3A_357 = arith.constant 1 : i32
      %scan3A_358 = scf.for %scan3A_361 = %scan3A_354 to %scan3A_356 step %scan3A_357 iter_args(%scan3A_362 = %scan3A_353) -> (i32)  : i32 {
        %get3A = arith.index_cast %scan3A_361 : i32 to index
        %get3A_363 = arith.constant 0 : index
        %get3A_364 = tpu.vector_load %arg14[%get3A, %get3A_363] {strides = array<i32>} : memref<80x128xf32, #tpu.memory_space<vmem>>, vector<1x16xf32>,
        %get3A_365 = vector.shape_cast %get3A_364 : vector<1x16xf32> to vector<16xf32>
        %get3A_366 = arith.index_cast %scan3A_361 : i32 to index
        %get3A_367 = arith.constant 0 : index
        %get3A_368 = tpu.vector_load %arg12[%get3A_366, %get3A_367] {strides = array<i32>} : memref<80x128xf32, #tpu.memory_space<vmem>>, vector<1x16xf32>,
        %get3A_369 = vector.shape_cast %get3A_368 : vector<1x16xf32> to vector<16xf32>
        %add3A_370 = arith.addf %get3A_365, %get3A_369 : vector<16xf32>
        %max3A = arith.constant 0.000000e+00 : f32
        %max3A_371 = vector.broadcast %max3A : f32 to vector<16xf32>
        %max3A_372 = arith.maximumf %add3A_370, %max3A_371 : vector<16xf32>
        %swap3A = arith.index_cast %scan3A_361 : i32 to index
        %swap3A_373 = arith.constant 0 : index
        %swap3A_374 = tpu.vector_load %arg14[%swap3A, %swap3A_373] {strides = array<i32>} : memref<80x128xf32, #tpu.memory_space<vmem>>, vector<1x16xf32>,
        %swap3A_375 = vector.shape_cast %swap3A_374 : vector<1x16xf32> to vector<16xf32>
        %swap3A_376 = vector.shape_cast %max3A_372 : vector<16xf32> to vector<1x16xf32>
        tpu.vector_store %arg14[%swap3A, %swap3A_373], %swap3A_376 {strides = array<i32>} : memref<80x128xf32, #tpu.memory_space<vmem>>, vector<1x16xf32>,
        %get3A_377 = arith.index_cast %scan3A_361 : i32 to index
        %get3A_378 = arith.constant 16 : index
        %get3A_379 = tpu.vector_load %arg14[%get3A_377, %get3A_378] {strides = array<i32>} : memref<80x128xf32, #tpu.memory_space<vmem>>, vector<1x16xf32>,
        %get3A_380 = vector.shape_cast %get3A_379 : vector<1x16xf32> to vector<16xf32>
        %get3A_381 = arith.index_cast %scan3A_361 : i32 to index
        %get3A_382 = arith.constant 16 : index
        %get3A_383 = tpu.vector_load %arg12[%get3A_381, %get3A_382] {strides = array<i32>} : memref<80x128xf32, #tpu.memory_space<vmem>>, vector<1x16xf32>,
        %get3A_384 = vector.shape_cast %get3A_383 : vector<1x16xf32> to vector<16xf32>
        %add3A_385 = arith.addf %get3A_380, %get3A_384 : vector<16xf32>
        %max3A_386 = arith.constant 0.000000e+00 : f32
        %max3A_387 = vector.broadcast %max3A_386 : f32 to vector<16xf32>
        %max3A_388 = arith.maximumf %add3A_385, %max3A_387 : vector<16xf32>
        %swap3A_389 = arith.index_cast %scan3A_361 : i32 to index
        %swap3A_390 = arith.constant 16 : index
        %swap3A_391 = tpu.vector_load %arg14[%swap3A_389, %swap3A_390] {strides = array<i32>} : memref<80x128xf32, #tpu.memory_space<vmem>>, vector<1x16xf32>,
        %swap3A_392 = vector.shape_cast %swap3A_391 : vector<1x16xf32> to vector<16xf32>
        %swap3A_393 = vector.shape_cast %max3A_388 : vector<16xf32> to vector<1x16xf32>
        tpu.vector_store %arg14[%swap3A_389, %swap3A_390], %swap3A_393 {strides = array<i32>} : memref<80x128xf32, #tpu.memory_space<vmem>>, vector<1x16xf32>,
        %get3A_394 = arith.index_cast %scan3A_361 : i32 to index
        %get3A_395 = arith.constant 32 : index
        %get3A_396 = tpu.vector_load %arg14[%get3A_394, %get3A_395] {strides = array<i32>} : memref<80x128xf32, #tpu.memory_space<vmem>>, vector<1x16xf32>,
        %get3A_397 = vector.shape_cast %get3A_396 : vector<1x16xf32> to vector<16xf32>
        %get3A_398 = arith.index_cast %scan3A_361 : i32 to index
        %get3A_399 = arith.constant 32 : index
        %get3A_400 = tpu.vector_load %arg12[%get3A_398, %get3A_399] {strides = array<i32>} : memref<80x128xf32, #tpu.memory_space<vmem>>, vector<1x16xf32>,
        %get3A_401 = vector.shape_cast %get3A_400 : vector<1x16xf32> to vector<16xf32>
        %add3A_402 = arith.addf %get3A_397, %get3A_401 : vector<16xf32>
        %max3A_403 = arith.constant 0.000000e+00 : f32
        %max3A_404 = vector.broadcast %max3A_403 : f32 to vector<16xf32>
        %max3A_405 = arith.maximumf %add3A_402, %max3A_404 : vector<16xf32>
        %swap3A_406 = arith.index_cast %scan3A_361 : i32 to index
        %swap3A_407 = arith.constant 32 : index
        %swap3A_408 = tpu.vector_load %arg14[%swap3A_406, %swap3A_407] {strides = array<i32>} : memref<80x128xf32, #tpu.memory_space<vmem>>, vector<1x16xf32>,
        %swap3A_409 = vector.shape_cast %swap3A_408 : vector<1x16xf32> to vector<16xf32>
        %swap3A_410 = vector.shape_cast %max3A_405 : vector<16xf32> to vector<1x16xf32>
        tpu.vector_store %arg14[%swap3A_406, %swap3A_407], %swap3A_410 {strides = array<i32>} : memref<80x128xf32, #tpu.memory_space<vmem>>, vector<1x16xf32>,
        %get3A_411 = arith.index_cast %scan3A_361 : i32 to index
        %get3A_412 = arith.constant 48 : index
        %get3A_413 = tpu.vector_load %arg14[%get3A_411, %get3A_412] {strides = array<i32>} : memref<80x128xf32, #tpu.memory_space<vmem>>, vector<1x16xf32>,
        %get3A_414 = vector.shape_cast %get3A_413 : vector<1x16xf32> to vector<16xf32>
        %get3A_415 = arith.index_cast %scan3A_361 : i32 to index
        %get3A_416 = arith.constant 48 : index
        %get3A_417 = tpu.vector_load %arg12[%get3A_415, %get3A_416] {strides = array<i32>} : memref<80x128xf32, #tpu.memory_space<vmem>>, vector<1x16xf32>,
        %get3A_418 = vector.shape_cast %get3A_417 : vector<1x16xf32> to vector<16xf32>
        %add3A_419 = arith.addf %get3A_414, %get3A_418 : vector<16xf32>
        %max3A_420 = arith.constant 0.000000e+00 : f32
        %max3A_421 = vector.broadcast %max3A_420 : f32 to vector<16xf32>
        %max3A_422 = arith.maximumf %add3A_419, %max3A_421 : vector<16xf32>
        %swap3A_423 = arith.index_cast %scan3A_361 : i32 to index
        %swap3A_424 = arith.constant 48 : index
        %swap3A_425 = tpu.vector_load %arg14[%swap3A_423, %swap3A_424] {strides = array<i32>} : memref<80x128xf32, #tpu.memory_space<vmem>>, vector<1x16xf32>,
        %swap3A_426 = vector.shape_cast %swap3A_425 : vector<1x16xf32> to vector<16xf32>
        %swap3A_427 = vector.shape_cast %max3A_422 : vector<16xf32> to vector<1x16xf32>
        tpu.vector_store %arg14[%swap3A_423, %swap3A_424], %swap3A_427 {strides = array<i32>} : memref<80x128xf32, #tpu.memory_space<vmem>>, vector<1x16xf32>,
        %get3A_428 = arith.index_cast %scan3A_361 : i32 to index
        %get3A_429 = arith.constant 64 : index
        %get3A_430 = tpu.vector_load %arg14[%get3A_428, %get3A_429] {strides = array<i32>} : memref<80x128xf32, #tpu.memory_space<vmem>>, vector<1x16xf32>,
        %get3A_431 = vector.shape_cast %get3A_430 : vector<1x16xf32> to vector<16xf32>
        %get3A_432 = arith.index_cast %scan3A_361 : i32 to index
        %get3A_433 = arith.constant 64 : index
        %get3A_434 = tpu.vector_load %arg12[%get3A_432, %get3A_433] {strides = array<i32>} : memref<80x128xf32, #tpu.memory_space<vmem>>, vector<1x16xf32>,
        %get3A_435 = vector.shape_cast %get3A_434 : vector<1x16xf32> to vector<16xf32>
        %add3A_436 = arith.addf %get3A_431, %get3A_435 : vector<16xf32>
        %max3A_437 = arith.constant 0.000000e+00 : f32
        %max3A_438 = vector.broadcast %max3A_437 : f32 to vector<16xf32>
        %max3A_439 = arith.maximumf %add3A_436, %max3A_438 : vector<16xf32>
        %swap3A_440 = arith.index_cast %scan3A_361 : i32 to index
        %swap3A_441 = arith.constant 64 : index
        %swap3A_442 = tpu.vector_load %arg14[%swap3A_440, %swap3A_441] {strides = array<i32>} : memref<80x128xf32, #tpu.memory_space<vmem>>, vector<1x16xf32>,
        %swap3A_443 = vector.shape_cast %swap3A_442 : vector<1x16xf32> to vector<16xf32>
        %swap3A_444 = vector.shape_cast %max3A_439 : vector<16xf32> to vector<1x16xf32>
        tpu.vector_store %arg14[%swap3A_440, %swap3A_441], %swap3A_444 {strides = array<i32>} : memref<80x128xf32, #tpu.memory_space<vmem>>, vector<1x16xf32>,
        %get3A_445 = arith.index_cast %scan3A_361 : i32 to index
        %get3A_446 = arith.constant 80 : index
        %get3A_447 = tpu.vector_load %arg14[%get3A_445, %get3A_446] {strides = array<i32>} : memref<80x128xf32, #tpu.memory_space<vmem>>, vector<1x16xf32>,
        %get3A_448 = vector.shape_cast %get3A_447 : vector<1x16xf32> to vector<16xf32>
        %get3A_449 = arith.index_cast %scan3A_361 : i32 to index
        %get3A_450 = arith.constant 80 : index
        %get3A_451 = tpu.vector_load %arg12[%get3A_449, %get3A_450] {strides = array<i32>} : memref<80x128xf32, #tpu.memory_space<vmem>>, vector<1x16xf32>,
        %get3A_452 = vector.shape_cast %get3A_451 : vector<1x16xf32> to vector<16xf32>
        %add3A_453 = arith.addf %get3A_448, %get3A_452 : vector<16xf32>
        %max3A_454 = arith.constant 0.000000e+00 : f32
        %max3A_455 = vector.broadcast %max3A_454 : f32 to vector<16xf32>
        %max3A_456 = arith.maximumf %add3A_453, %max3A_455 : vector<16xf32>
        %swap3A_457 = arith.index_cast %scan3A_361 : i32 to index
        %swap3A_458 = arith.constant 80 : index
        %swap3A_459 = tpu.vector_load %arg14[%swap3A_457, %swap3A_458] {strides = array<i32>} : memref<80x128xf32, #tpu.memory_space<vmem>>, vector<1x16xf32>,
        %swap3A_460 = vector.shape_cast %swap3A_459 : vector<1x16xf32> to vector<16xf32>
        %swap3A_461 = vector.shape_cast %max3A_456 : vector<16xf32> to vector<1x16xf32>
        tpu.vector_store %arg14[%swap3A_457, %swap3A_458], %swap3A_461 {strides = array<i32>} : memref<80x128xf32, #tpu.memory_space<vmem>>, vector<1x16xf32>,
        %get3A_462 = arith.index_cast %scan3A_361 : i32 to index
        %get3A_463 = arith.constant 96 : index
        %get3A_464 = tpu.vector_load %arg14[%get3A_462, %get3A_463] {strides = array<i32>} : memref<80x128xf32, #tpu.memory_space<vmem>>, vector<1x16xf32>,
        %get3A_465 = vector.shape_cast %get3A_464 : vector<1x16xf32> to vector<16xf32>
        %get3A_466 = arith.index_cast %scan3A_361 : i32 to index
        %get3A_467 = arith.constant 96 : index
        %get3A_468 = tpu.vector_load %arg12[%get3A_466, %get3A_467] {strides = array<i32>} : memref<80x128xf32, #tpu.memory_space<vmem>>, vector<1x16xf32>,
        %get3A_469 = vector.shape_cast %get3A_468 : vector<1x16xf32> to vector<16xf32>
        %add3A_470 = arith.addf %get3A_465, %get3A_469 : vector<16xf32>
        %max3A_471 = arith.constant 0.000000e+00 : f32
        %max3A_472 = vector.broadcast %max3A_471 : f32 to vector<16xf32>
        %max3A_473 = arith.maximumf %add3A_470, %max3A_472 : vector<16xf32>
        %swap3A_474 = arith.index_cast %scan3A_361 : i32 to index
        %swap3A_475 = arith.constant 96 : index
        %swap3A_476 = tpu.vector_load %arg14[%swap3A_474, %swap3A_475] {strides = array<i32>} : memref<80x128xf32, #tpu.memory_space<vmem>>, vector<1x16xf32>,
        %swap3A_477 = vector.shape_cast %swap3A_476 : vector<1x16xf32> to vector<16xf32>
        %swap3A_478 = vector.shape_cast %max3A_473 : vector<16xf32> to vector<1x16xf32>
        tpu.vector_store %arg14[%swap3A_474, %swap3A_475], %swap3A_478 {strides = array<i32>} : memref<80x128xf32, #tpu.memory_space<vmem>>, vector<1x16xf32>,
        %get3A_479 = arith.index_cast %scan3A_361 : i32 to index
        %get3A_480 = arith.constant 112 : index
        %get3A_481 = tpu.vector_load %arg14[%get3A_479, %get3A_480] {strides = array<i32>} : memref<80x128xf32, #tpu.memory_space<vmem>>, vector<1x16xf32>,
        %get3A_482 = vector.shape_cast %get3A_481 : vector<1x16xf32> to vector<16xf32>
        %get3A_483 = arith.index_cast %scan3A_361 : i32 to index
        %get3A_484 = arith.constant 112 : index
        %get3A_485 = tpu.vector_load %arg12[%get3A_483, %get3A_484] {strides = array<i32>} : memref<80x128xf32, #tpu.memory_space<vmem>>, vector<1x16xf32>,
        %get3A_486 = vector.shape_cast %get3A_485 : vector<1x16xf32> to vector<16xf32>
        %add3A_487 = arith.addf %get3A_482, %get3A_486 : vector<16xf32>
        %max3A_488 = arith.constant 0.000000e+00 : f32
        %max3A_489 = vector.broadcast %max3A_488 : f32 to vector<16xf32>
        %max3A_490 = arith.maximumf %add3A_487, %max3A_489 : vector<16xf32>
        %swap3A_491 = arith.index_cast %scan3A_361 : i32 to index
        %swap3A_492 = arith.constant 112 : index
        %swap3A_493 = tpu.vector_load %arg14[%swap3A_491, %swap3A_492] {strides = array<i32>} : memref<80x128xf32, #tpu.memory_space<vmem>>, vector<1x16xf32>,
        %swap3A_494 = vector.shape_cast %swap3A_493 : vector<1x16xf32> to vector<16xf32>
        %swap3A_495 = vector.shape_cast %max3A_490 : vector<16xf32> to vector<1x16xf32>
        tpu.vector_store %arg14[%swap3A_491, %swap3A_492], %swap3A_495 {strides = array<i32>} : memref<80x128xf32, #tpu.memory_space<vmem>>, vector<1x16xf32>,
        %scan3A_496 = arith.constant 0 : i32
        scf.yield %scan3A_496 : i32
      }
      %scan3A_359 = arith.constant 40 : i32
      "tpu.region"() ({
        %run_scoped3A = tpu.sem_alloc : memref<!tpu.dma_semaphore, #tpu.memory_space<semaphore_mem>>
        %dma_start3A_361 = arith.constant 0 : i32
        %dma_start3A_362 = arith.constant 0 : i32
        %dma_start3A_363 = tpu.memref_slice %arg15[%dma_start3A_361, %dma_start3A_362] : memref<10000x128xf32, #tpu.memory_space<vmem_shared>> -> memref<10000x128xf32, #tpu.memory_space<vmem_shared>>
        tpu.enqueue_indirect_dma source(%arg14 : memref<80x128xf32, #tpu.memory_space<vmem>>) target(%dma_start3A_363 : memref<10000x128xf32, #tpu.memory_space<vmem_shared>>) offsets(%arg10 : memref<80xi32, #tpu.memory_space<vmem>>) semaphore(%run_scoped3A : memref<!tpu.dma_semaphore, #tpu.memory_space<semaphore_mem>>) {add = true}
        %dma_wait3A_364 = arith.constant 0 : i32
        %dma_wait3A_365 = arith.constant 0 : i32
        %dma_wait3A_366 = tpu.memref_slice %arg15[%dma_wait3A_364, %dma_wait3A_365] : memref<10000x128xf32, #tpu.memory_space<vmem_shared>> -> memref<10000x128xf32, #tpu.memory_space<vmem_shared>>
        tpu.wait_indirect_dma semaphore(%run_scoped3A : memref<!tpu.dma_semaphore, #tpu.memory_space<semaphore_mem>>) src(%arg14 : memref<80x128xf32, #tpu.memory_space<vmem>>) dst(%dma_wait3A_366 : memref<10000x128xf32, #tpu.memory_space<vmem_shared>>)
        tpu.yield
      }) : () -> ()
      %scan3A_360 = arith.constant 0 : i32
      scf.yield %scan3A_360 : i32
    }
    %scan3A_111 = arith.constant 62 : i32
    %dma_wait3A_112 = arith.constant 0 : i32
    %dma_wait3A_113 = arith.constant 0 : i32
    %dma_wait3A_114 = tpu.memref_slice %arg2[%arg0, %dma_wait3A_112, %dma_wait3A_113] : memref<2x10000x128xf32, #tpu.memory_space<hbm>> -> memref<1x10000x128xf32, #tpu.memory_space<hbm>>
    %dma_wait3A_115 = tpu.memref_squeeze %dma_wait3A_114 : memref<1x10000x128xf32, #tpu.memory_space<hbm>> -> memref<10000x128xf32, #tpu.memory_space<hbm>>
    %dma_wait3A_116 = arith.constant 0 : i32
    %dma_wait3A_117 = arith.constant 0 : i32
    %dma_wait3A_118 = tpu.memref_slice %dma_wait3A_115[%dma_wait3A_116, %dma_wait3A_117] : memref<10000x128xf32, #tpu.memory_space<hbm>> -> memref<80x128xf32, #tpu.memory_space<hbm>>
    %dma_wait3A_119 = arith.constant 0 : i32
    %dma_wait3A_120 = arith.constant 0 : i32
    %dma_wait3A_121 = tpu.memref_slice %arg2[%arg0, %dma_wait3A_119, %dma_wait3A_120] : memref<2x10000x128xf32, #tpu.memory_space<hbm>> -> memref<1x10000x128xf32, #tpu.memory_space<hbm>>
    %dma_wait3A_122 = tpu.memref_squeeze %dma_wait3A_121 : memref<1x10000x128xf32, #tpu.memory_space<hbm>> -> memref<10000x128xf32, #tpu.memory_space<hbm>>
    %dma_wait3A_123 = arith.constant 0 : i32
    %dma_wait3A_124 = arith.constant 0 : i32
    %dma_wait3A_125 = tpu.memref_slice %dma_wait3A_122[%dma_wait3A_123, %dma_wait3A_124] : memref<10000x128xf32, #tpu.memory_space<hbm>> -> memref<80x128xf32, #tpu.memory_space<hbm>>
    tpu.wait_dma2 semaphore(%arg18 : memref<!tpu.dma_semaphore, #tpu.memory_space<semaphore_mem>>) src(%dma_wait3A_125 : memref<80x128xf32, #tpu.memory_space<hbm>>) dst(%arg11 : memref<80x128xf32, #tpu.memory_space<vmem>>)
    %scan3A_126 = arith.constant 0 : i32
    %scan3A_127 = arith.constant 0 : i32
    %scan3A_128 = arith.constant 80 : i32
    %scan3A_129 = arith.addi %scan3A_127, %scan3A_128 : i32
    %scan3A_130 = arith.constant 1 : i32
    %scan3A_131 = scf.for %scan3A_190 = %scan3A_127 to %scan3A_129 step %scan3A_130 iter_args(%scan3A_191 = %scan3A_126) -> (i32)  : i32 {
      %get3A = arith.index_cast %scan3A_190 : i32 to index
      %get3A_192 = arith.constant 0 : index
      %get3A_193 = tpu.vector_load %arg13[%get3A, %get3A_192] {strides = array<i32>} : memref<80x128xf32, #tpu.memory_space<vmem>>, vector<1x16xf32>,
      %get3A_194 = vector.shape_cast %get3A_193 : vector<1x16xf32> to vector<16xf32>
      %get3A_195 = arith.index_cast %scan3A_190 : i32 to index
      %get3A_196 = arith.constant 0 : index
      %get3A_197 = tpu.vector_load %arg11[%get3A_195, %get3A_196] {strides = array<i32>} : memref<80x128xf32, #tpu.memory_space<vmem>>, vector<1x16xf32>,
      %get3A_198 = vector.shape_cast %get3A_197 : vector<1x16xf32> to vector<16xf32>
      %add3A_199 = arith.addf %get3A_194, %get3A_198 : vector<16xf32>
      %max3A = arith.constant 0.000000e+00 : f32
      %max3A_200 = vector.broadcast %max3A : f32 to vector<16xf32>
      %max3A_201 = arith.maximumf %add3A_199, %max3A_200 : vector<16xf32>
      %swap3A = arith.index_cast %scan3A_190 : i32 to index
      %swap3A_202 = arith.constant 0 : index
      %swap3A_203 = tpu.vector_load %arg13[%swap3A, %swap3A_202] {strides = array<i32>} : memref<80x128xf32, #tpu.memory_space<vmem>>, vector<1x16xf32>,
      %swap3A_204 = vector.shape_cast %swap3A_203 : vector<1x16xf32> to vector<16xf32>
      %swap3A_205 = vector.shape_cast %max3A_201 : vector<16xf32> to vector<1x16xf32>
      tpu.vector_store %arg13[%swap3A, %swap3A_202], %swap3A_205 {strides = array<i32>} : memref<80x128xf32, #tpu.memory_space<vmem>>, vector<1x16xf32>,
      %get3A_206 = arith.index_cast %scan3A_190 : i32 to index
      %get3A_207 = arith.constant 16 : index
      %get3A_208 = tpu.vector_load %arg13[%get3A_206, %get3A_207] {strides = array<i32>} : memref<80x128xf32, #tpu.memory_space<vmem>>, vector<1x16xf32>,
      %get3A_209 = vector.shape_cast %get3A_208 : vector<1x16xf32> to vector<16xf32>
      %get3A_210 = arith.index_cast %scan3A_190 : i32 to index
      %get3A_211 = arith.constant 16 : index
      %get3A_212 = tpu.vector_load %arg11[%get3A_210, %get3A_211] {strides = array<i32>} : memref<80x128xf32, #tpu.memory_space<vmem>>, vector<1x16xf32>,
      %get3A_213 = vector.shape_cast %get3A_212 : vector<1x16xf32> to vector<16xf32>
      %add3A_214 = arith.addf %get3A_209, %get3A_213 : vector<16xf32>
      %max3A_215 = arith.constant 0.000000e+00 : f32
      %max3A_216 = vector.broadcast %max3A_215 : f32 to vector<16xf32>
      %max3A_217 = arith.maximumf %add3A_214, %max3A_216 : vector<16xf32>
      %swap3A_218 = arith.index_cast %scan3A_190 : i32 to index
      %swap3A_219 = arith.constant 16 : index
      %swap3A_220 = tpu.vector_load %arg13[%swap3A_218, %swap3A_219] {strides = array<i32>} : memref<80x128xf32, #tpu.memory_space<vmem>>, vector<1x16xf32>,
      %swap3A_221 = vector.shape_cast %swap3A_220 : vector<1x16xf32> to vector<16xf32>
      %swap3A_222 = vector.shape_cast %max3A_217 : vector<16xf32> to vector<1x16xf32>
      tpu.vector_store %arg13[%swap3A_218, %swap3A_219], %swap3A_222 {strides = array<i32>} : memref<80x128xf32, #tpu.memory_space<vmem>>, vector<1x16xf32>,
      %get3A_223 = arith.index_cast %scan3A_190 : i32 to index
      %get3A_224 = arith.constant 32 : index
      %get3A_225 = tpu.vector_load %arg13[%get3A_223, %get3A_224] {strides = array<i32>} : memref<80x128xf32, #tpu.memory_space<vmem>>, vector<1x16xf32>,
      %get3A_226 = vector.shape_cast %get3A_225 : vector<1x16xf32> to vector<16xf32>
      %get3A_227 = arith.index_cast %scan3A_190 : i32 to index
      %get3A_228 = arith.constant 32 : index
      %get3A_229 = tpu.vector_load %arg11[%get3A_227, %get3A_228] {strides = array<i32>} : memref<80x128xf32, #tpu.memory_space<vmem>>, vector<1x16xf32>,
      %get3A_230 = vector.shape_cast %get3A_229 : vector<1x16xf32> to vector<16xf32>
      %add3A_231 = arith.addf %get3A_226, %get3A_230 : vector<16xf32>
      %max3A_232 = arith.constant 0.000000e+00 : f32
      %max3A_233 = vector.broadcast %max3A_232 : f32 to vector<16xf32>
      %max3A_234 = arith.maximumf %add3A_231, %max3A_233 : vector<16xf32>
      %swap3A_235 = arith.index_cast %scan3A_190 : i32 to index
      %swap3A_236 = arith.constant 32 : index
      %swap3A_237 = tpu.vector_load %arg13[%swap3A_235, %swap3A_236] {strides = array<i32>} : memref<80x128xf32, #tpu.memory_space<vmem>>, vector<1x16xf32>,
      %swap3A_238 = vector.shape_cast %swap3A_237 : vector<1x16xf32> to vector<16xf32>
      %swap3A_239 = vector.shape_cast %max3A_234 : vector<16xf32> to vector<1x16xf32>
      tpu.vector_store %arg13[%swap3A_235, %swap3A_236], %swap3A_239 {strides = array<i32>} : memref<80x128xf32, #tpu.memory_space<vmem>>, vector<1x16xf32>,
      %get3A_240 = arith.index_cast %scan3A_190 : i32 to index
      %get3A_241 = arith.constant 48 : index
      %get3A_242 = tpu.vector_load %arg13[%get3A_240, %get3A_241] {strides = array<i32>} : memref<80x128xf32, #tpu.memory_space<vmem>>, vector<1x16xf32>,
      %get3A_243 = vector.shape_cast %get3A_242 : vector<1x16xf32> to vector<16xf32>
      %get3A_244 = arith.index_cast %scan3A_190 : i32 to index
      %get3A_245 = arith.constant 48 : index
      %get3A_246 = tpu.vector_load %arg11[%get3A_244, %get3A_245] {strides = array<i32>} : memref<80x128xf32, #tpu.memory_space<vmem>>, vector<1x16xf32>,
      %get3A_247 = vector.shape_cast %get3A_246 : vector<1x16xf32> to vector<16xf32>
      %add3A_248 = arith.addf %get3A_243, %get3A_247 : vector<16xf32>
      %max3A_249 = arith.constant 0.000000e+00 : f32
      %max3A_250 = vector.broadcast %max3A_249 : f32 to vector<16xf32>
      %max3A_251 = arith.maximumf %add3A_248, %max3A_250 : vector<16xf32>
      %swap3A_252 = arith.index_cast %scan3A_190 : i32 to index
      %swap3A_253 = arith.constant 48 : index
      %swap3A_254 = tpu.vector_load %arg13[%swap3A_252, %swap3A_253] {strides = array<i32>} : memref<80x128xf32, #tpu.memory_space<vmem>>, vector<1x16xf32>,
      %swap3A_255 = vector.shape_cast %swap3A_254 : vector<1x16xf32> to vector<16xf32>
      %swap3A_256 = vector.shape_cast %max3A_251 : vector<16xf32> to vector<1x16xf32>
      tpu.vector_store %arg13[%swap3A_252, %swap3A_253], %swap3A_256 {strides = array<i32>} : memref<80x128xf32, #tpu.memory_space<vmem>>, vector<1x16xf32>,
      %get3A_257 = arith.index_cast %scan3A_190 : i32 to index
      %get3A_258 = arith.constant 64 : index
      %get3A_259 = tpu.vector_load %arg13[%get3A_257, %get3A_258] {strides = array<i32>} : memref<80x128xf32, #tpu.memory_space<vmem>>, vector<1x16xf32>,
      %get3A_260 = vector.shape_cast %get3A_259 : vector<1x16xf32> to vector<16xf32>
      %get3A_261 = arith.index_cast %scan3A_190 : i32 to index
      %get3A_262 = arith.constant 64 : index
      %get3A_263 = tpu.vector_load %arg11[%get3A_261, %get3A_262] {strides = array<i32>} : memref<80x128xf32, #tpu.memory_space<vmem>>, vector<1x16xf32>,
      %get3A_264 = vector.shape_cast %get3A_263 : vector<1x16xf32> to vector<16xf32>
      %add3A_265 = arith.addf %get3A_260, %get3A_264 : vector<16xf32>
      %max3A_266 = arith.constant 0.000000e+00 : f32
      %max3A_267 = vector.broadcast %max3A_266 : f32 to vector<16xf32>
      %max3A_268 = arith.maximumf %add3A_265, %max3A_267 : vector<16xf32>
      %swap3A_269 = arith.index_cast %scan3A_190 : i32 to index
      %swap3A_270 = arith.constant 64 : index
      %swap3A_271 = tpu.vector_load %arg13[%swap3A_269, %swap3A_270] {strides = array<i32>} : memref<80x128xf32, #tpu.memory_space<vmem>>, vector<1x16xf32>,
      %swap3A_272 = vector.shape_cast %swap3A_271 : vector<1x16xf32> to vector<16xf32>
      %swap3A_273 = vector.shape_cast %max3A_268 : vector<16xf32> to vector<1x16xf32>
      tpu.vector_store %arg13[%swap3A_269, %swap3A_270], %swap3A_273 {strides = array<i32>} : memref<80x128xf32, #tpu.memory_space<vmem>>, vector<1x16xf32>,
      %get3A_274 = arith.index_cast %scan3A_190 : i32 to index
      %get3A_275 = arith.constant 80 : index
      %get3A_276 = tpu.vector_load %arg13[%get3A_274, %get3A_275] {strides = array<i32>} : memref<80x128xf32, #tpu.memory_space<vmem>>, vector<1x16xf32>,
      %get3A_277 = vector.shape_cast %get3A_276 : vector<1x16xf32> to vector<16xf32>
      %get3A_278 = arith.index_cast %scan3A_190 : i32 to index
      %get3A_279 = arith.constant 80 : index
      %get3A_280 = tpu.vector_load %arg11[%get3A_278, %get3A_279] {strides = array<i32>} : memref<80x128xf32, #tpu.memory_space<vmem>>, vector<1x16xf32>,
      %get3A_281 = vector.shape_cast %get3A_280 : vector<1x16xf32> to vector<16xf32>
      %add3A_282 = arith.addf %get3A_277, %get3A_281 : vector<16xf32>
      %max3A_283 = arith.constant 0.000000e+00 : f32
      %max3A_284 = vector.broadcast %max3A_283 : f32 to vector<16xf32>
      %max3A_285 = arith.maximumf %add3A_282, %max3A_284 : vector<16xf32>
      %swap3A_286 = arith.index_cast %scan3A_190 : i32 to index
      %swap3A_287 = arith.constant 80 : index
      %swap3A_288 = tpu.vector_load %arg13[%swap3A_286, %swap3A_287] {strides = array<i32>} : memref<80x128xf32, #tpu.memory_space<vmem>>, vector<1x16xf32>,
      %swap3A_289 = vector.shape_cast %swap3A_288 : vector<1x16xf32> to vector<16xf32>
      %swap3A_290 = vector.shape_cast %max3A_285 : vector<16xf32> to vector<1x16xf32>
      tpu.vector_store %arg13[%swap3A_286, %swap3A_287], %swap3A_290 {strides = array<i32>} : memref<80x128xf32, #tpu.memory_space<vmem>>, vector<1x16xf32>,
      %get3A_291 = arith.index_cast %scan3A_190 : i32 to index
      %get3A_292 = arith.constant 96 : index
      %get3A_293 = tpu.vector_load %arg13[%get3A_291, %get3A_292] {strides = array<i32>} : memref<80x128xf32, #tpu.memory_space<vmem>>, vector<1x16xf32>,
      %get3A_294 = vector.shape_cast %get3A_293 : vector<1x16xf32> to vector<16xf32>
      %get3A_295 = arith.index_cast %scan3A_190 : i32 to index
      %get3A_296 = arith.constant 96 : index
      %get3A_297 = tpu.vector_load %arg11[%get3A_295, %get3A_296] {strides = array<i32>} : memref<80x128xf32, #tpu.memory_space<vmem>>, vector<1x16xf32>,
      %get3A_298 = vector.shape_cast %get3A_297 : vector<1x16xf32> to vector<16xf32>
      %add3A_299 = arith.addf %get3A_294, %get3A_298 : vector<16xf32>
      %max3A_300 = arith.constant 0.000000e+00 : f32
      %max3A_301 = vector.broadcast %max3A_300 : f32 to vector<16xf32>
      %max3A_302 = arith.maximumf %add3A_299, %max3A_301 : vector<16xf32>
      %swap3A_303 = arith.index_cast %scan3A_190 : i32 to index
      %swap3A_304 = arith.constant 96 : index
      %swap3A_305 = tpu.vector_load %arg13[%swap3A_303, %swap3A_304] {strides = array<i32>} : memref<80x128xf32, #tpu.memory_space<vmem>>, vector<1x16xf32>,
      %swap3A_306 = vector.shape_cast %swap3A_305 : vector<1x16xf32> to vector<16xf32>
      %swap3A_307 = vector.shape_cast %max3A_302 : vector<16xf32> to vector<1x16xf32>
      tpu.vector_store %arg13[%swap3A_303, %swap3A_304], %swap3A_307 {strides = array<i32>} : memref<80x128xf32, #tpu.memory_space<vmem>>, vector<1x16xf32>,
      %get3A_308 = arith.index_cast %scan3A_190 : i32 to index
      %get3A_309 = arith.constant 112 : index
      %get3A_310 = tpu.vector_load %arg13[%get3A_308, %get3A_309] {strides = array<i32>} : memref<80x128xf32, #tpu.memory_space<vmem>>, vector<1x16xf32>,
      %get3A_311 = vector.shape_cast %get3A_310 : vector<1x16xf32> to vector<16xf32>
      %get3A_312 = arith.index_cast %scan3A_190 : i32 to index
      %get3A_313 = arith.constant 112 : index
      %get3A_314 = tpu.vector_load %arg11[%get3A_312, %get3A_313] {strides = array<i32>} : memref<80x128xf32, #tpu.memory_space<vmem>>, vector<1x16xf32>,
      %get3A_315 = vector.shape_cast %get3A_314 : vector<1x16xf32> to vector<16xf32>
      %add3A_316 = arith.addf %get3A_311, %get3A_315 : vector<16xf32>
      %max3A_317 = arith.constant 0.000000e+00 : f32
      %max3A_318 = vector.broadcast %max3A_317 : f32 to vector<16xf32>
      %max3A_319 = arith.maximumf %add3A_316, %max3A_318 : vector<16xf32>
      %swap3A_320 = arith.index_cast %scan3A_190 : i32 to index
      %swap3A_321 = arith.constant 112 : index
      %swap3A_322 = tpu.vector_load %arg13[%swap3A_320, %swap3A_321] {strides = array<i32>} : memref<80x128xf32, #tpu.memory_space<vmem>>, vector<1x16xf32>,
      %swap3A_323 = vector.shape_cast %swap3A_322 : vector<1x16xf32> to vector<16xf32>
      %swap3A_324 = vector.shape_cast %max3A_319 : vector<16xf32> to vector<1x16xf32>
      tpu.vector_store %arg13[%swap3A_320, %swap3A_321], %swap3A_324 {strides = array<i32>} : memref<80x128xf32, #tpu.memory_space<vmem>>, vector<1x16xf32>,
      %scan3A_325 = arith.constant 0 : i32
      scf.yield %scan3A_325 : i32
    }
    %scan3A_132 = arith.constant 80 : i32
    "tpu.region"() ({
      %run_scoped3A = tpu.sem_alloc : memref<!tpu.dma_semaphore, #tpu.memory_space<semaphore_mem>>
      %dma_start3A_190 = arith.constant 0 : i32
      %dma_start3A_191 = arith.constant 0 : i32
      %dma_start3A_192 = tpu.memref_slice %arg15[%dma_start3A_190, %dma_start3A_191] : memref<10000x128xf32, #tpu.memory_space<vmem_shared>> -> memref<10000x128xf32, #tpu.memory_space<vmem_shared>>
      tpu.enqueue_indirect_dma source(%arg13 : memref<80x128xf32, #tpu.memory_space<vmem>>) target(%dma_start3A_192 : memref<10000x128xf32, #tpu.memory_space<vmem_shared>>) offsets(%arg9 : memref<80xi32, #tpu.memory_space<vmem>>) semaphore(%run_scoped3A : memref<!tpu.dma_semaphore, #tpu.memory_space<semaphore_mem>>) {add = true}
      %dma_wait3A_193 = arith.constant 0 : i32
      %dma_wait3A_194 = arith.constant 0 : i32
      %dma_wait3A_195 = tpu.memref_slice %arg15[%dma_wait3A_193, %dma_wait3A_194] : memref<10000x128xf32, #tpu.memory_space<vmem_shared>> -> memref<10000x128xf32, #tpu.memory_space<vmem_shared>>
      tpu.wait_indirect_dma semaphore(%run_scoped3A : memref<!tpu.dma_semaphore, #tpu.memory_space<semaphore_mem>>) src(%arg13 : memref<80x128xf32, #tpu.memory_space<vmem>>) dst(%dma_wait3A_195 : memref<10000x128xf32, #tpu.memory_space<vmem_shared>>)
      tpu.yield
    }) : () -> ()
    %barrier3A_133 = arith.constant 0 : index
    tpu.barrier barrier_id(%barrier3A_133)
    %add3A_134 = arith.constant 0 : i32
    %add3A_135 = arith.addi %arg1, %add3A_134 : i32
    %lt3A_136 = arith.constant 125 : i32
    %lt3A_137 = arith.cmpi slt, %add3A_135, %lt3A_136 : i32
    %convert_element_type3A_138 = arith.extui %lt3A_137 : i1 to i32
    %cond3A_139 = arith.constant 0 : i32
    %cond3A_140 = arith.cmpi ne, %convert_element_type3A_138, %cond3A_139 : i32
    scf.if %cond3A_140 {
      %mul3A_190 = arith.constant 80 : i32
      %mul3A_191 = arith.muli %add3A_135, %mul3A_190 : i32
      "tpu.region"() ({
        %run_scoped3A = tpu.sem_alloc : memref<!tpu.dma_semaphore, #tpu.memory_space<semaphore_mem>>
        %dma_start3A_194 = arith.constant 0 : i32
        %dma_start3A_195 = tpu.memref_slice %arg15[%mul3A_191, %dma_start3A_194] : memref<10000x128xf32, #tpu.memory_space<vmem_shared>> -> memref<80x128xf32, #tpu.memory_space<vmem_shared>>
        %dma_start3A_196 = arith.constant 0 : i32
        %dma_start3A_197 = tpu.memref_slice %arg15[%mul3A_191, %dma_start3A_196] : memref<10000x128xf32, #tpu.memory_space<vmem_shared>> -> memref<80x128xf32, #tpu.memory_space<vmem_shared>>
        tpu.enqueue_dma source(%dma_start3A_197 : memref<80x128xf32, #tpu.memory_space<vmem_shared>>) target(%arg13 : memref<80x128xf32, #tpu.memory_space<vmem>>) target_semaphore(%run_scoped3A : memref<!tpu.dma_semaphore, #tpu.memory_space<semaphore_mem>>)
        %dma_wait3A_198 = arith.constant 0 : i32
        %dma_wait3A_199 = tpu.memref_slice %arg15[%mul3A_191, %dma_wait3A_198] : memref<10000x128xf32, #tpu.memory_space<vmem_shared>> -> memref<80x128xf32, #tpu.memory_space<vmem_shared>>
        %dma_wait3A_200 = arith.constant 0 : i32
        %dma_wait3A_201 = tpu.memref_slice %arg15[%mul3A_191, %dma_wait3A_200] : memref<10000x128xf32, #tpu.memory_space<vmem_shared>> -> memref<80x128xf32, #tpu.memory_space<vmem_shared>>
        tpu.wait_dma2 semaphore(%run_scoped3A : memref<!tpu.dma_semaphore, #tpu.memory_space<semaphore_mem>>) src(%dma_wait3A_201 : memref<80x128xf32, #tpu.memory_space<vmem_shared>>) dst(%arg13 : memref<80x128xf32, #tpu.memory_space<vmem>>)
        tpu.yield
      }) : () -> ()
      %mul3A_192 = arith.constant 80 : i32
      %mul3A_193 = arith.muli %add3A_135, %mul3A_192 : i32
      "tpu.region"() ({
        %run_scoped3A = tpu.sem_alloc : memref<!tpu.dma_semaphore, #tpu.memory_space<semaphore_mem>>
        %dma_start3A_194 = arith.constant 0 : i32
        %dma_start3A_195 = arith.constant 0 : i32
        %dma_start3A_196 = tpu.memref_slice %arg6[%arg0, %dma_start3A_194, %dma_start3A_195] : memref<2x10000x128xf32, #tpu.memory_space<hbm>> -> memref<1x10000x128xf32, #tpu.memory_space<hbm>>
        %dma_start3A_197 = tpu.memref_squeeze %dma_start3A_196 : memref<1x10000x128xf32, #tpu.memory_space<hbm>> -> memref<10000x128xf32, #tpu.memory_space<hbm>>
        %dma_start3A_198 = arith.constant 0 : i32
        %dma_start3A_199 = tpu.memref_slice %dma_start3A_197[%mul3A_193, %dma_start3A_198] : memref<10000x128xf32, #tpu.memory_space<hbm>> -> memref<80x128xf32, #tpu.memory_space<hbm>>
        %dma_start3A_200 = arith.constant 0 : i32
        %dma_start3A_201 = arith.constant 0 : i32
        %dma_start3A_202 = tpu.memref_slice %arg6[%arg0, %dma_start3A_200, %dma_start3A_201] : memref<2x10000x128xf32, #tpu.memory_space<hbm>> -> memref<1x10000x128xf32, #tpu.memory_space<hbm>>
        %dma_start3A_203 = tpu.memref_squeeze %dma_start3A_202 : memref<1x10000x128xf32, #tpu.memory_space<hbm>> -> memref<10000x128xf32, #tpu.memory_space<hbm>>
        %dma_start3A_204 = arith.constant 0 : i32
        %dma_start3A_205 = tpu.memref_slice %dma_start3A_203[%mul3A_193, %dma_start3A_204] : memref<10000x128xf32, #tpu.memory_space<hbm>> -> memref<80x128xf32, #tpu.memory_space<hbm>>
        tpu.enqueue_dma source(%arg13 : memref<80x128xf32, #tpu.memory_space<vmem>>) target(%dma_start3A_205 : memref<80x128xf32, #tpu.memory_space<hbm>>) target_semaphore(%run_scoped3A : memref<!tpu.dma_semaphore, #tpu.memory_space<semaphore_mem>>)
        %dma_wait3A_206 = arith.constant 0 : i32
        %dma_wait3A_207 = arith.constant 0 : i32
        %dma_wait3A_208 = tpu.memref_slice %arg6[%arg0, %dma_wait3A_206, %dma_wait3A_207] : memref<2x10000x128xf32, #tpu.memory_space<hbm>> -> memref<1x10000x128xf32, #tpu.memory_space<hbm>>
        %dma_wait3A_209 = tpu.memref_squeeze %dma_wait3A_208 : memref<1x10000x128xf32, #tpu.memory_space<hbm>> -> memref<10000x128xf32, #tpu.memory_space<hbm>>
        %dma_wait3A_210 = arith.constant 0 : i32
        %dma_wait3A_211 = tpu.memref_slice %dma_wait3A_209[%mul3A_193, %dma_wait3A_210] : memref<10000x128xf32, #tpu.memory_space<hbm>> -> memref<80x128xf32, #tpu.memory_space<hbm>>
        %dma_wait3A_212 = arith.constant 0 : i32
        %dma_wait3A_213 = arith.constant 0 : i32
        %dma_wait3A_214 = tpu.memref_slice %arg6[%arg0, %dma_wait3A_212, %dma_wait3A_213] : memref<2x10000x128xf32, #tpu.memory_space<hbm>> -> memref<1x10000x128xf32, #tpu.memory_space<hbm>>
        %dma_wait3A_215 = tpu.memref_squeeze %dma_wait3A_214 : memref<1x10000x128xf32, #tpu.memory_space<hbm>> -> memref<10000x128xf32, #tpu.memory_space<hbm>>
        %dma_wait3A_216 = arith.constant 0 : i32
        %dma_wait3A_217 = tpu.memref_slice %dma_wait3A_215[%mul3A_193, %dma_wait3A_216] : memref<10000x128xf32, #tpu.memory_space<hbm>> -> memref<80x128xf32, #tpu.memory_space<hbm>>
        tpu.wait_dma2 semaphore(%run_scoped3A : memref<!tpu.dma_semaphore, #tpu.memory_space<semaphore_mem>>) src(%arg13 : memref<80x128xf32, #tpu.memory_space<vmem>>) dst(%dma_wait3A_217 : memref<80x128xf32, #tpu.memory_space<hbm>>)
        tpu.yield
      }) : () -> ()
    } else {
    }
    %add3A_141 = arith.constant 16 : i32
    %add3A_142 = arith.addi %arg1, %add3A_141 : i32
    %lt3A_143 = arith.constant 125 : i32
    %lt3A_144 = arith.cmpi slt, %add3A_142, %lt3A_143 : i32
    %convert_element_type3A_145 = arith.extui %lt3A_144 : i1 to i32
    %cond3A_146 = arith.constant 0 : i32
    %cond3A_147 = arith.cmpi ne, %convert_element_type3A_145, %cond3A_146 : i32
    scf.if %cond3A_147 {
      %mul3A_190 = arith.constant 80 : i32
      %mul3A_191 = arith.muli %add3A_142, %mul3A_190 : i32
      "tpu.region"() ({
        %run_scoped3A = tpu.sem_alloc : memref<!tpu.dma_semaphore, #tpu.memory_space<semaphore_mem>>
        %dma_start3A_194 = arith.constant 0 : i32
        %dma_start3A_195 = tpu.memref_slice %arg15[%mul3A_191, %dma_start3A_194] : memref<10000x128xf32, #tpu.memory_space<vmem_shared>> -> memref<80x128xf32, #tpu.memory_space<vmem_shared>>
        %dma_start3A_196 = arith.constant 0 : i32
        %dma_start3A_197 = tpu.memref_slice %arg15[%mul3A_191, %dma_start3A_196] : memref<10000x128xf32, #tpu.memory_space<vmem_shared>> -> memref<80x128xf32, #tpu.memory_space<vmem_shared>>
        tpu.enqueue_dma source(%dma_start3A_197 : memref<80x128xf32, #tpu.memory_space<vmem_shared>>) target(%arg13 : memref<80x128xf32, #tpu.memory_space<vmem>>) target_semaphore(%run_scoped3A : memref<!tpu.dma_semaphore, #tpu.memory_space<semaphore_mem>>)
        %dma_wait3A_198 = arith.constant 0 : i32
        %dma_wait3A_199 = tpu.memref_slice %arg15[%mul3A_191, %dma_wait3A_198] : memref<10000x128xf32, #tpu.memory_space<vmem_shared>> -> memref<80x128xf32, #tpu.memory_space<vmem_shared>>
        %dma_wait3A_200 = arith.constant 0 : i32
        %dma_wait3A_201 = tpu.memref_slice %arg15[%mul3A_191, %dma_wait3A_200] : memref<10000x128xf32, #tpu.memory_space<vmem_shared>> -> memref<80x128xf32, #tpu.memory_space<vmem_shared>>
        tpu.wait_dma2 semaphore(%run_scoped3A : memref<!tpu.dma_semaphore, #tpu.memory_space<semaphore_mem>>) src(%dma_wait3A_201 : memref<80x128xf32, #tpu.memory_space<vmem_shared>>) dst(%arg13 : memref<80x128xf32, #tpu.memory_space<vmem>>)
        tpu.yield
      }) : () -> ()
      %mul3A_192 = arith.constant 80 : i32
      %mul3A_193 = arith.muli %add3A_142, %mul3A_192 : i32
      "tpu.region"() ({
        %run_scoped3A = tpu.sem_alloc : memref<!tpu.dma_semaphore, #tpu.memory_space<semaphore_mem>>
        %dma_start3A_194 = arith.constant 0 : i32
        %dma_start3A_195 = arith.constant 0 : i32
        %dma_start3A_196 = tpu.memref_slice %arg6[%arg0, %dma_start3A_194, %dma_start3A_195] : memref<2x10000x128xf32, #tpu.memory_space<hbm>> -> memref<1x10000x128xf32, #tpu.memory_space<hbm>>
        %dma_start3A_197 = tpu.memref_squeeze %dma_start3A_196 : memref<1x10000x128xf32, #tpu.memory_space<hbm>> -> memref<10000x128xf32, #tpu.memory_space<hbm>>
        %dma_start3A_198 = arith.constant 0 : i32
        %dma_start3A_199 = tpu.memref_slice %dma_start3A_197[%mul3A_193, %dma_start3A_198] : memref<10000x128xf32, #tpu.memory_space<hbm>> -> memref<80x128xf32, #tpu.memory_space<hbm>>
        %dma_start3A_200 = arith.constant 0 : i32
        %dma_start3A_201 = arith.constant 0 : i32
        %dma_start3A_202 = tpu.memref_slice %arg6[%arg0, %dma_start3A_200, %dma_start3A_201] : memref<2x10000x128xf32, #tpu.memory_space<hbm>> -> memref<1x10000x128xf32, #tpu.memory_space<hbm>>
        %dma_start3A_203 = tpu.memref_squeeze %dma_start3A_202 : memref<1x10000x128xf32, #tpu.memory_space<hbm>> -> memref<10000x128xf32, #tpu.memory_space<hbm>>
        %dma_start3A_204 = arith.constant 0 : i32
        %dma_start3A_205 = tpu.memref_slice %dma_start3A_203[%mul3A_193, %dma_start3A_204] : memref<10000x128xf32, #tpu.memory_space<hbm>> -> memref<80x128xf32, #tpu.memory_space<hbm>>
        tpu.enqueue_dma source(%arg13 : memref<80x128xf32, #tpu.memory_space<vmem>>) target(%dma_start3A_205 : memref<80x128xf32, #tpu.memory_space<hbm>>) target_semaphore(%run_scoped3A : memref<!tpu.dma_semaphore, #tpu.memory_space<semaphore_mem>>)
        %dma_wait3A_206 = arith.constant 0 : i32
        %dma_wait3A_207 = arith.constant 0 : i32
        %dma_wait3A_208 = tpu.memref_slice %arg6[%arg0, %dma_wait3A_206, %dma_wait3A_207] : memref<2x10000x128xf32, #tpu.memory_space<hbm>> -> memref<1x10000x128xf32, #tpu.memory_space<hbm>>
        %dma_wait3A_209 = tpu.memref_squeeze %dma_wait3A_208 : memref<1x10000x128xf32, #tpu.memory_space<hbm>> -> memref<10000x128xf32, #tpu.memory_space<hbm>>
        %dma_wait3A_210 = arith.constant 0 : i32
        %dma_wait3A_211 = tpu.memref_slice %dma_wait3A_209[%mul3A_193, %dma_wait3A_210] : memref<10000x128xf32, #tpu.memory_space<hbm>> -> memref<80x128xf32, #tpu.memory_space<hbm>>
        %dma_wait3A_212 = arith.constant 0 : i32
        %dma_wait3A_213 = arith.constant 0 : i32
        %dma_wait3A_214 = tpu.memref_slice %arg6[%arg0, %dma_wait3A_212, %dma_wait3A_213] : memref<2x10000x128xf32, #tpu.memory_space<hbm>> -> memref<1x10000x128xf32, #tpu.memory_space<hbm>>
        %dma_wait3A_215 = tpu.memref_squeeze %dma_wait3A_214 : memref<1x10000x128xf32, #tpu.memory_space<hbm>> -> memref<10000x128xf32, #tpu.memory_space<hbm>>
        %dma_wait3A_216 = arith.constant 0 : i32
        %dma_wait3A_217 = tpu.memref_slice %dma_wait3A_215[%mul3A_193, %dma_wait3A_216] : memref<10000x128xf32, #tpu.memory_space<hbm>> -> memref<80x128xf32, #tpu.memory_space<hbm>>
        tpu.wait_dma2 semaphore(%run_scoped3A : memref<!tpu.dma_semaphore, #tpu.memory_space<semaphore_mem>>) src(%arg13 : memref<80x128xf32, #tpu.memory_space<vmem>>) dst(%dma_wait3A_217 : memref<80x128xf32, #tpu.memory_space<hbm>>)
        tpu.yield
      }) : () -> ()
    } else {
    }
    %add3A_148 = arith.constant 32 : i32
    %add3A_149 = arith.addi %arg1, %add3A_148 : i32
    %lt3A_150 = arith.constant 125 : i32
    %lt3A_151 = arith.cmpi slt, %add3A_149, %lt3A_150 : i32
    %convert_element_type3A_152 = arith.extui %lt3A_151 : i1 to i32
    %cond3A_153 = arith.constant 0 : i32
    %cond3A_154 = arith.cmpi ne, %convert_element_type3A_152, %cond3A_153 : i32
    scf.if %cond3A_154 {
      %mul3A_190 = arith.constant 80 : i32
      %mul3A_191 = arith.muli %add3A_149, %mul3A_190 : i32
      "tpu.region"() ({
        %run_scoped3A = tpu.sem_alloc : memref<!tpu.dma_semaphore, #tpu.memory_space<semaphore_mem>>
        %dma_start3A_194 = arith.constant 0 : i32
        %dma_start3A_195 = tpu.memref_slice %arg15[%mul3A_191, %dma_start3A_194] : memref<10000x128xf32, #tpu.memory_space<vmem_shared>> -> memref<80x128xf32, #tpu.memory_space<vmem_shared>>
        %dma_start3A_196 = arith.constant 0 : i32
        %dma_start3A_197 = tpu.memref_slice %arg15[%mul3A_191, %dma_start3A_196] : memref<10000x128xf32, #tpu.memory_space<vmem_shared>> -> memref<80x128xf32, #tpu.memory_space<vmem_shared>>
        tpu.enqueue_dma source(%dma_start3A_197 : memref<80x128xf32, #tpu.memory_space<vmem_shared>>) target(%arg13 : memref<80x128xf32, #tpu.memory_space<vmem>>) target_semaphore(%run_scoped3A : memref<!tpu.dma_semaphore, #tpu.memory_space<semaphore_mem>>)
        %dma_wait3A_198 = arith.constant 0 : i32
        %dma_wait3A_199 = tpu.memref_slice %arg15[%mul3A_191, %dma_wait3A_198] : memref<10000x128xf32, #tpu.memory_space<vmem_shared>> -> memref<80x128xf32, #tpu.memory_space<vmem_shared>>
        %dma_wait3A_200 = arith.constant 0 : i32
        %dma_wait3A_201 = tpu.memref_slice %arg15[%mul3A_191, %dma_wait3A_200] : memref<10000x128xf32, #tpu.memory_space<vmem_shared>> -> memref<80x128xf32, #tpu.memory_space<vmem_shared>>
        tpu.wait_dma2 semaphore(%run_scoped3A : memref<!tpu.dma_semaphore, #tpu.memory_space<semaphore_mem>>) src(%dma_wait3A_201 : memref<80x128xf32, #tpu.memory_space<vmem_shared>>) dst(%arg13 : memref<80x128xf32, #tpu.memory_space<vmem>>)
        tpu.yield
      }) : () -> ()
      %mul3A_192 = arith.constant 80 : i32
      %mul3A_193 = arith.muli %add3A_149, %mul3A_192 : i32
      "tpu.region"() ({
        %run_scoped3A = tpu.sem_alloc : memref<!tpu.dma_semaphore, #tpu.memory_space<semaphore_mem>>
        %dma_start3A_194 = arith.constant 0 : i32
        %dma_start3A_195 = arith.constant 0 : i32
        %dma_start3A_196 = tpu.memref_slice %arg6[%arg0, %dma_start3A_194, %dma_start3A_195] : memref<2x10000x128xf32, #tpu.memory_space<hbm>> -> memref<1x10000x128xf32, #tpu.memory_space<hbm>>
        %dma_start3A_197 = tpu.memref_squeeze %dma_start3A_196 : memref<1x10000x128xf32, #tpu.memory_space<hbm>> -> memref<10000x128xf32, #tpu.memory_space<hbm>>
        %dma_start3A_198 = arith.constant 0 : i32
        %dma_start3A_199 = tpu.memref_slice %dma_start3A_197[%mul3A_193, %dma_start3A_198] : memref<10000x128xf32, #tpu.memory_space<hbm>> -> memref<80x128xf32, #tpu.memory_space<hbm>>
        %dma_start3A_200 = arith.constant 0 : i32
        %dma_start3A_201 = arith.constant 0 : i32
        %dma_start3A_202 = tpu.memref_slice %arg6[%arg0, %dma_start3A_200, %dma_start3A_201] : memref<2x10000x128xf32, #tpu.memory_space<hbm>> -> memref<1x10000x128xf32, #tpu.memory_space<hbm>>
        %dma_start3A_203 = tpu.memref_squeeze %dma_start3A_202 : memref<1x10000x128xf32, #tpu.memory_space<hbm>> -> memref<10000x128xf32, #tpu.memory_space<hbm>>
        %dma_start3A_204 = arith.constant 0 : i32
        %dma_start3A_205 = tpu.memref_slice %dma_start3A_203[%mul3A_193, %dma_start3A_204] : memref<10000x128xf32, #tpu.memory_space<hbm>> -> memref<80x128xf32, #tpu.memory_space<hbm>>
        tpu.enqueue_dma source(%arg13 : memref<80x128xf32, #tpu.memory_space<vmem>>) target(%dma_start3A_205 : memref<80x128xf32, #tpu.memory_space<hbm>>) target_semaphore(%run_scoped3A : memref<!tpu.dma_semaphore, #tpu.memory_space<semaphore_mem>>)
        %dma_wait3A_206 = arith.constant 0 : i32
        %dma_wait3A_207 = arith.constant 0 : i32
        %dma_wait3A_208 = tpu.memref_slice %arg6[%arg0, %dma_wait3A_206, %dma_wait3A_207] : memref<2x10000x128xf32, #tpu.memory_space<hbm>> -> memref<1x10000x128xf32, #tpu.memory_space<hbm>>
        %dma_wait3A_209 = tpu.memref_squeeze %dma_wait3A_208 : memref<1x10000x128xf32, #tpu.memory_space<hbm>> -> memref<10000x128xf32, #tpu.memory_space<hbm>>
        %dma_wait3A_210 = arith.constant 0 : i32
        %dma_wait3A_211 = tpu.memref_slice %dma_wait3A_209[%mul3A_193, %dma_wait3A_210] : memref<10000x128xf32, #tpu.memory_space<hbm>> -> memref<80x128xf32, #tpu.memory_space<hbm>>
        %dma_wait3A_212 = arith.constant 0 : i32
        %dma_wait3A_213 = arith.constant 0 : i32
        %dma_wait3A_214 = tpu.memref_slice %arg6[%arg0, %dma_wait3A_212, %dma_wait3A_213] : memref<2x10000x128xf32, #tpu.memory_space<hbm>> -> memref<1x10000x128xf32, #tpu.memory_space<hbm>>
        %dma_wait3A_215 = tpu.memref_squeeze %dma_wait3A_214 : memref<1x10000x128xf32, #tpu.memory_space<hbm>> -> memref<10000x128xf32, #tpu.memory_space<hbm>>
        %dma_wait3A_216 = arith.constant 0 : i32
        %dma_wait3A_217 = tpu.memref_slice %dma_wait3A_215[%mul3A_193, %dma_wait3A_216] : memref<10000x128xf32, #tpu.memory_space<hbm>> -> memref<80x128xf32, #tpu.memory_space<hbm>>
        tpu.wait_dma2 semaphore(%run_scoped3A : memref<!tpu.dma_semaphore, #tpu.memory_space<semaphore_mem>>) src(%arg13 : memref<80x128xf32, #tpu.memory_space<vmem>>) dst(%dma_wait3A_217 : memref<80x128xf32, #tpu.memory_space<hbm>>)
        tpu.yield
      }) : () -> ()
    } else {
    }
    %add3A_155 = arith.constant 48 : i32
    %add3A_156 = arith.addi %arg1, %add3A_155 : i32
    %lt3A_157 = arith.constant 125 : i32
    %lt3A_158 = arith.cmpi slt, %add3A_156, %lt3A_157 : i32
    %convert_element_type3A_159 = arith.extui %lt3A_158 : i1 to i32
    %cond3A_160 = arith.constant 0 : i32
    %cond3A_161 = arith.cmpi ne, %convert_element_type3A_159, %cond3A_160 : i32
    scf.if %cond3A_161 {
      %mul3A_190 = arith.constant 80 : i32
      %mul3A_191 = arith.muli %add3A_156, %mul3A_190 : i32
      "tpu.region"() ({
        %run_scoped3A = tpu.sem_alloc : memref<!tpu.dma_semaphore, #tpu.memory_space<semaphore_mem>>
        %dma_start3A_194 = arith.constant 0 : i32
        %dma_start3A_195 = tpu.memref_slice %arg15[%mul3A_191, %dma_start3A_194] : memref<10000x128xf32, #tpu.memory_space<vmem_shared>> -> memref<80x128xf32, #tpu.memory_space<vmem_shared>>
        %dma_start3A_196 = arith.constant 0 : i32
        %dma_start3A_197 = tpu.memref_slice %arg15[%mul3A_191, %dma_start3A_196] : memref<10000x128xf32, #tpu.memory_space<vmem_shared>> -> memref<80x128xf32, #tpu.memory_space<vmem_shared>>
        tpu.enqueue_dma source(%dma_start3A_197 : memref<80x128xf32, #tpu.memory_space<vmem_shared>>) target(%arg13 : memref<80x128xf32, #tpu.memory_space<vmem>>) target_semaphore(%run_scoped3A : memref<!tpu.dma_semaphore, #tpu.memory_space<semaphore_mem>>)
        %dma_wait3A_198 = arith.constant 0 : i32
        %dma_wait3A_199 = tpu.memref_slice %arg15[%mul3A_191, %dma_wait3A_198] : memref<10000x128xf32, #tpu.memory_space<vmem_shared>> -> memref<80x128xf32, #tpu.memory_space<vmem_shared>>
        %dma_wait3A_200 = arith.constant 0 : i32
        %dma_wait3A_201 = tpu.memref_slice %arg15[%mul3A_191, %dma_wait3A_200] : memref<10000x128xf32, #tpu.memory_space<vmem_shared>> -> memref<80x128xf32, #tpu.memory_space<vmem_shared>>
        tpu.wait_dma2 semaphore(%run_scoped3A : memref<!tpu.dma_semaphore, #tpu.memory_space<semaphore_mem>>) src(%dma_wait3A_201 : memref<80x128xf32, #tpu.memory_space<vmem_shared>>) dst(%arg13 : memref<80x128xf32, #tpu.memory_space<vmem>>)
        tpu.yield
      }) : () -> ()
      %mul3A_192 = arith.constant 80 : i32
      %mul3A_193 = arith.muli %add3A_156, %mul3A_192 : i32
      "tpu.region"() ({
        %run_scoped3A = tpu.sem_alloc : memref<!tpu.dma_semaphore, #tpu.memory_space<semaphore_mem>>
        %dma_start3A_194 = arith.constant 0 : i32
        %dma_start3A_195 = arith.constant 0 : i32
        %dma_start3A_196 = tpu.memref_slice %arg6[%arg0, %dma_start3A_194, %dma_start3A_195] : memref<2x10000x128xf32, #tpu.memory_space<hbm>> -> memref<1x10000x128xf32, #tpu.memory_space<hbm>>
        %dma_start3A_197 = tpu.memref_squeeze %dma_start3A_196 : memref<1x10000x128xf32, #tpu.memory_space<hbm>> -> memref<10000x128xf32, #tpu.memory_space<hbm>>
        %dma_start3A_198 = arith.constant 0 : i32
        %dma_start3A_199 = tpu.memref_slice %dma_start3A_197[%mul3A_193, %dma_start3A_198] : memref<10000x128xf32, #tpu.memory_space<hbm>> -> memref<80x128xf32, #tpu.memory_space<hbm>>
        %dma_start3A_200 = arith.constant 0 : i32
        %dma_start3A_201 = arith.constant 0 : i32
        %dma_start3A_202 = tpu.memref_slice %arg6[%arg0, %dma_start3A_200, %dma_start3A_201] : memref<2x10000x128xf32, #tpu.memory_space<hbm>> -> memref<1x10000x128xf32, #tpu.memory_space<hbm>>
        %dma_start3A_203 = tpu.memref_squeeze %dma_start3A_202 : memref<1x10000x128xf32, #tpu.memory_space<hbm>> -> memref<10000x128xf32, #tpu.memory_space<hbm>>
        %dma_start3A_204 = arith.constant 0 : i32
        %dma_start3A_205 = tpu.memref_slice %dma_start3A_203[%mul3A_193, %dma_start3A_204] : memref<10000x128xf32, #tpu.memory_space<hbm>> -> memref<80x128xf32, #tpu.memory_space<hbm>>
        tpu.enqueue_dma source(%arg13 : memref<80x128xf32, #tpu.memory_space<vmem>>) target(%dma_start3A_205 : memref<80x128xf32, #tpu.memory_space<hbm>>) target_semaphore(%run_scoped3A : memref<!tpu.dma_semaphore, #tpu.memory_space<semaphore_mem>>)
        %dma_wait3A_206 = arith.constant 0 : i32
        %dma_wait3A_207 = arith.constant 0 : i32
        %dma_wait3A_208 = tpu.memref_slice %arg6[%arg0, %dma_wait3A_206, %dma_wait3A_207] : memref<2x10000x128xf32, #tpu.memory_space<hbm>> -> memref<1x10000x128xf32, #tpu.memory_space<hbm>>
        %dma_wait3A_209 = tpu.memref_squeeze %dma_wait3A_208 : memref<1x10000x128xf32, #tpu.memory_space<hbm>> -> memref<10000x128xf32, #tpu.memory_space<hbm>>
        %dma_wait3A_210 = arith.constant 0 : i32
        %dma_wait3A_211 = tpu.memref_slice %dma_wait3A_209[%mul3A_193, %dma_wait3A_210] : memref<10000x128xf32, #tpu.memory_space<hbm>> -> memref<80x128xf32, #tpu.memory_space<hbm>>
        %dma_wait3A_212 = arith.constant 0 : i32
        %dma_wait3A_213 = arith.constant 0 : i32
        %dma_wait3A_214 = tpu.memref_slice %arg6[%arg0, %dma_wait3A_212, %dma_wait3A_213] : memref<2x10000x128xf32, #tpu.memory_space<hbm>> -> memref<1x10000x128xf32, #tpu.memory_space<hbm>>
        %dma_wait3A_215 = tpu.memref_squeeze %dma_wait3A_214 : memref<1x10000x128xf32, #tpu.memory_space<hbm>> -> memref<10000x128xf32, #tpu.memory_space<hbm>>
        %dma_wait3A_216 = arith.constant 0 : i32
        %dma_wait3A_217 = tpu.memref_slice %dma_wait3A_215[%mul3A_193, %dma_wait3A_216] : memref<10000x128xf32, #tpu.memory_space<hbm>> -> memref<80x128xf32, #tpu.memory_space<hbm>>
        tpu.wait_dma2 semaphore(%run_scoped3A : memref<!tpu.dma_semaphore, #tpu.memory_space<semaphore_mem>>) src(%arg13 : memref<80x128xf32, #tpu.memory_space<vmem>>) dst(%dma_wait3A_217 : memref<80x128xf32, #tpu.memory_space<hbm>>)
        tpu.yield
      }) : () -> ()
    } else {
    }
    %add3A_162 = arith.constant 64 : i32
    %add3A_163 = arith.addi %arg1, %add3A_162 : i32
    %lt3A_164 = arith.constant 125 : i32
    %lt3A_165 = arith.cmpi slt, %add3A_163, %lt3A_164 : i32
    %convert_element_type3A_166 = arith.extui %lt3A_165 : i1 to i32
    %cond3A_167 = arith.constant 0 : i32
    %cond3A_168 = arith.cmpi ne, %convert_element_type3A_166, %cond3A_167 : i32
    scf.if %cond3A_168 {
      %mul3A_190 = arith.constant 80 : i32
      %mul3A_191 = arith.muli %add3A_163, %mul3A_190 : i32
      "tpu.region"() ({
        %run_scoped3A = tpu.sem_alloc : memref<!tpu.dma_semaphore, #tpu.memory_space<semaphore_mem>>
        %dma_start3A_194 = arith.constant 0 : i32
        %dma_start3A_195 = tpu.memref_slice %arg15[%mul3A_191, %dma_start3A_194] : memref<10000x128xf32, #tpu.memory_space<vmem_shared>> -> memref<80x128xf32, #tpu.memory_space<vmem_shared>>
        %dma_start3A_196 = arith.constant 0 : i32
        %dma_start3A_197 = tpu.memref_slice %arg15[%mul3A_191, %dma_start3A_196] : memref<10000x128xf32, #tpu.memory_space<vmem_shared>> -> memref<80x128xf32, #tpu.memory_space<vmem_shared>>
        tpu.enqueue_dma source(%dma_start3A_197 : memref<80x128xf32, #tpu.memory_space<vmem_shared>>) target(%arg13 : memref<80x128xf32, #tpu.memory_space<vmem>>) target_semaphore(%run_scoped3A : memref<!tpu.dma_semaphore, #tpu.memory_space<semaphore_mem>>)
        %dma_wait3A_198 = arith.constant 0 : i32
        %dma_wait3A_199 = tpu.memref_slice %arg15[%mul3A_191, %dma_wait3A_198] : memref<10000x128xf32, #tpu.memory_space<vmem_shared>> -> memref<80x128xf32, #tpu.memory_space<vmem_shared>>
        %dma_wait3A_200 = arith.constant 0 : i32
        %dma_wait3A_201 = tpu.memref_slice %arg15[%mul3A_191, %dma_wait3A_200] : memref<10000x128xf32, #tpu.memory_space<vmem_shared>> -> memref<80x128xf32, #tpu.memory_space<vmem_shared>>
        tpu.wait_dma2 semaphore(%run_scoped3A : memref<!tpu.dma_semaphore, #tpu.memory_space<semaphore_mem>>) src(%dma_wait3A_201 : memref<80x128xf32, #tpu.memory_space<vmem_shared>>) dst(%arg13 : memref<80x128xf32, #tpu.memory_space<vmem>>)
        tpu.yield
      }) : () -> ()
      %mul3A_192 = arith.constant 80 : i32
      %mul3A_193 = arith.muli %add3A_163, %mul3A_192 : i32
      "tpu.region"() ({
        %run_scoped3A = tpu.sem_alloc : memref<!tpu.dma_semaphore, #tpu.memory_space<semaphore_mem>>
        %dma_start3A_194 = arith.constant 0 : i32
        %dma_start3A_195 = arith.constant 0 : i32
        %dma_start3A_196 = tpu.memref_slice %arg6[%arg0, %dma_start3A_194, %dma_start3A_195] : memref<2x10000x128xf32, #tpu.memory_space<hbm>> -> memref<1x10000x128xf32, #tpu.memory_space<hbm>>
        %dma_start3A_197 = tpu.memref_squeeze %dma_start3A_196 : memref<1x10000x128xf32, #tpu.memory_space<hbm>> -> memref<10000x128xf32, #tpu.memory_space<hbm>>
        %dma_start3A_198 = arith.constant 0 : i32
        %dma_start3A_199 = tpu.memref_slice %dma_start3A_197[%mul3A_193, %dma_start3A_198] : memref<10000x128xf32, #tpu.memory_space<hbm>> -> memref<80x128xf32, #tpu.memory_space<hbm>>
        %dma_start3A_200 = arith.constant 0 : i32
        %dma_start3A_201 = arith.constant 0 : i32
        %dma_start3A_202 = tpu.memref_slice %arg6[%arg0, %dma_start3A_200, %dma_start3A_201] : memref<2x10000x128xf32, #tpu.memory_space<hbm>> -> memref<1x10000x128xf32, #tpu.memory_space<hbm>>
        %dma_start3A_203 = tpu.memref_squeeze %dma_start3A_202 : memref<1x10000x128xf32, #tpu.memory_space<hbm>> -> memref<10000x128xf32, #tpu.memory_space<hbm>>
        %dma_start3A_204 = arith.constant 0 : i32
        %dma_start3A_205 = tpu.memref_slice %dma_start3A_203[%mul3A_193, %dma_start3A_204] : memref<10000x128xf32, #tpu.memory_space<hbm>> -> memref<80x128xf32, #tpu.memory_space<hbm>>
        tpu.enqueue_dma source(%arg13 : memref<80x128xf32, #tpu.memory_space<vmem>>) target(%dma_start3A_205 : memref<80x128xf32, #tpu.memory_space<hbm>>) target_semaphore(%run_scoped3A : memref<!tpu.dma_semaphore, #tpu.memory_space<semaphore_mem>>)
        %dma_wait3A_206 = arith.constant 0 : i32
        %dma_wait3A_207 = arith.constant 0 : i32
        %dma_wait3A_208 = tpu.memref_slice %arg6[%arg0, %dma_wait3A_206, %dma_wait3A_207] : memref<2x10000x128xf32, #tpu.memory_space<hbm>> -> memref<1x10000x128xf32, #tpu.memory_space<hbm>>
        %dma_wait3A_209 = tpu.memref_squeeze %dma_wait3A_208 : memref<1x10000x128xf32, #tpu.memory_space<hbm>> -> memref<10000x128xf32, #tpu.memory_space<hbm>>
        %dma_wait3A_210 = arith.constant 0 : i32
        %dma_wait3A_211 = tpu.memref_slice %dma_wait3A_209[%mul3A_193, %dma_wait3A_210] : memref<10000x128xf32, #tpu.memory_space<hbm>> -> memref<80x128xf32, #tpu.memory_space<hbm>>
        %dma_wait3A_212 = arith.constant 0 : i32
        %dma_wait3A_213 = arith.constant 0 : i32
        %dma_wait3A_214 = tpu.memref_slice %arg6[%arg0, %dma_wait3A_212, %dma_wait3A_213] : memref<2x10000x128xf32, #tpu.memory_space<hbm>> -> memref<1x10000x128xf32, #tpu.memory_space<hbm>>
        %dma_wait3A_215 = tpu.memref_squeeze %dma_wait3A_214 : memref<1x10000x128xf32, #tpu.memory_space<hbm>> -> memref<10000x128xf32, #tpu.memory_space<hbm>>
        %dma_wait3A_216 = arith.constant 0 : i32
        %dma_wait3A_217 = tpu.memref_slice %dma_wait3A_215[%mul3A_193, %dma_wait3A_216] : memref<10000x128xf32, #tpu.memory_space<hbm>> -> memref<80x128xf32, #tpu.memory_space<hbm>>
        tpu.wait_dma2 semaphore(%run_scoped3A : memref<!tpu.dma_semaphore, #tpu.memory_space<semaphore_mem>>) src(%arg13 : memref<80x128xf32, #tpu.memory_space<vmem>>) dst(%dma_wait3A_217 : memref<80x128xf32, #tpu.memory_space<hbm>>)
        tpu.yield
      }) : () -> ()
    } else {
    }
    %add3A_169 = arith.constant 80 : i32
    %add3A_170 = arith.addi %arg1, %add3A_169 : i32
    %lt3A_171 = arith.constant 125 : i32
    %lt3A_172 = arith.cmpi slt, %add3A_170, %lt3A_171 : i32
    %convert_element_type3A_173 = arith.extui %lt3A_172 : i1 to i32
    %cond3A_174 = arith.constant 0 : i32
    %cond3A_175 = arith.cmpi ne, %convert_element_type3A_173, %cond3A_174 : i32
    scf.if %cond3A_175 {
      %mul3A_190 = arith.constant 80 : i32
      %mul3A_191 = arith.muli %add3A_170, %mul3A_190 : i32
      "tpu.region"() ({
        %run_scoped3A = tpu.sem_alloc : memref<!tpu.dma_semaphore, #tpu.memory_space<semaphore_mem>>
        %dma_start3A_194 = arith.constant 0 : i32
        %dma_start3A_195 = tpu.memref_slice %arg15[%mul3A_191, %dma_start3A_194] : memref<10000x128xf32, #tpu.memory_space<vmem_shared>> -> memref<80x128xf32, #tpu.memory_space<vmem_shared>>
        %dma_start3A_196 = arith.constant 0 : i32
        %dma_start3A_197 = tpu.memref_slice %arg15[%mul3A_191, %dma_start3A_196] : memref<10000x128xf32, #tpu.memory_space<vmem_shared>> -> memref<80x128xf32, #tpu.memory_space<vmem_shared>>
        tpu.enqueue_dma source(%dma_start3A_197 : memref<80x128xf32, #tpu.memory_space<vmem_shared>>) target(%arg13 : memref<80x128xf32, #tpu.memory_space<vmem>>) target_semaphore(%run_scoped3A : memref<!tpu.dma_semaphore, #tpu.memory_space<semaphore_mem>>)
        %dma_wait3A_198 = arith.constant 0 : i32
        %dma_wait3A_199 = tpu.memref_slice %arg15[%mul3A_191, %dma_wait3A_198] : memref<10000x128xf32, #tpu.memory_space<vmem_shared>> -> memref<80x128xf32, #tpu.memory_space<vmem_shared>>
        %dma_wait3A_200 = arith.constant 0 : i32
        %dma_wait3A_201 = tpu.memref_slice %arg15[%mul3A_191, %dma_wait3A_200] : memref<10000x128xf32, #tpu.memory_space<vmem_shared>> -> memref<80x128xf32, #tpu.memory_space<vmem_shared>>
        tpu.wait_dma2 semaphore(%run_scoped3A : memref<!tpu.dma_semaphore, #tpu.memory_space<semaphore_mem>>) src(%dma_wait3A_201 : memref<80x128xf32, #tpu.memory_space<vmem_shared>>) dst(%arg13 : memref<80x128xf32, #tpu.memory_space<vmem>>)
        tpu.yield
      }) : () -> ()
      %mul3A_192 = arith.constant 80 : i32
      %mul3A_193 = arith.muli %add3A_170, %mul3A_192 : i32
      "tpu.region"() ({
        %run_scoped3A = tpu.sem_alloc : memref<!tpu.dma_semaphore, #tpu.memory_space<semaphore_mem>>
        %dma_start3A_194 = arith.constant 0 : i32
        %dma_start3A_195 = arith.constant 0 : i32
        %dma_start3A_196 = tpu.memref_slice %arg6[%arg0, %dma_start3A_194, %dma_start3A_195] : memref<2x10000x128xf32, #tpu.memory_space<hbm>> -> memref<1x10000x128xf32, #tpu.memory_space<hbm>>
        %dma_start3A_197 = tpu.memref_squeeze %dma_start3A_196 : memref<1x10000x128xf32, #tpu.memory_space<hbm>> -> memref<10000x128xf32, #tpu.memory_space<hbm>>
        %dma_start3A_198 = arith.constant 0 : i32
        %dma_start3A_199 = tpu.memref_slice %dma_start3A_197[%mul3A_193, %dma_start3A_198] : memref<10000x128xf32, #tpu.memory_space<hbm>> -> memref<80x128xf32, #tpu.memory_space<hbm>>
        %dma_start3A_200 = arith.constant 0 : i32
        %dma_start3A_201 = arith.constant 0 : i32
        %dma_start3A_202 = tpu.memref_slice %arg6[%arg0, %dma_start3A_200, %dma_start3A_201] : memref<2x10000x128xf32, #tpu.memory_space<hbm>> -> memref<1x10000x128xf32, #tpu.memory_space<hbm>>
        %dma_start3A_203 = tpu.memref_squeeze %dma_start3A_202 : memref<1x10000x128xf32, #tpu.memory_space<hbm>> -> memref<10000x128xf32, #tpu.memory_space<hbm>>
        %dma_start3A_204 = arith.constant 0 : i32
        %dma_start3A_205 = tpu.memref_slice %dma_start3A_203[%mul3A_193, %dma_start3A_204] : memref<10000x128xf32, #tpu.memory_space<hbm>> -> memref<80x128xf32, #tpu.memory_space<hbm>>
        tpu.enqueue_dma source(%arg13 : memref<80x128xf32, #tpu.memory_space<vmem>>) target(%dma_start3A_205 : memref<80x128xf32, #tpu.memory_space<hbm>>) target_semaphore(%run_scoped3A : memref<!tpu.dma_semaphore, #tpu.memory_space<semaphore_mem>>)
        %dma_wait3A_206 = arith.constant 0 : i32
        %dma_wait3A_207 = arith.constant 0 : i32
        %dma_wait3A_208 = tpu.memref_slice %arg6[%arg0, %dma_wait3A_206, %dma_wait3A_207] : memref<2x10000x128xf32, #tpu.memory_space<hbm>> -> memref<1x10000x128xf32, #tpu.memory_space<hbm>>
        %dma_wait3A_209 = tpu.memref_squeeze %dma_wait3A_208 : memref<1x10000x128xf32, #tpu.memory_space<hbm>> -> memref<10000x128xf32, #tpu.memory_space<hbm>>
        %dma_wait3A_210 = arith.constant 0 : i32
        %dma_wait3A_211 = tpu.memref_slice %dma_wait3A_209[%mul3A_193, %dma_wait3A_210] : memref<10000x128xf32, #tpu.memory_space<hbm>> -> memref<80x128xf32, #tpu.memory_space<hbm>>
        %dma_wait3A_212 = arith.constant 0 : i32
        %dma_wait3A_213 = arith.constant 0 : i32
        %dma_wait3A_214 = tpu.memref_slice %arg6[%arg0, %dma_wait3A_212, %dma_wait3A_213] : memref<2x10000x128xf32, #tpu.memory_space<hbm>> -> memref<1x10000x128xf32, #tpu.memory_space<hbm>>
        %dma_wait3A_215 = tpu.memref_squeeze %dma_wait3A_214 : memref<1x10000x128xf32, #tpu.memory_space<hbm>> -> memref<10000x128xf32, #tpu.memory_space<hbm>>
        %dma_wait3A_216 = arith.constant 0 : i32
        %dma_wait3A_217 = tpu.memref_slice %dma_wait3A_215[%mul3A_193, %dma_wait3A_216] : memref<10000x128xf32, #tpu.memory_space<hbm>> -> memref<80x128xf32, #tpu.memory_space<hbm>>
        tpu.wait_dma2 semaphore(%run_scoped3A : memref<!tpu.dma_semaphore, #tpu.memory_space<semaphore_mem>>) src(%arg13 : memref<80x128xf32, #tpu.memory_space<vmem>>) dst(%dma_wait3A_217 : memref<80x128xf32, #tpu.memory_space<hbm>>)
        tpu.yield
      }) : () -> ()
    } else {
    }
    %add3A_176 = arith.constant 96 : i32
    %add3A_177 = arith.addi %arg1, %add3A_176 : i32
    %lt3A_178 = arith.constant 125 : i32
    %lt3A_179 = arith.cmpi slt, %add3A_177, %lt3A_178 : i32
    %convert_element_type3A_180 = arith.extui %lt3A_179 : i1 to i32
    %cond3A_181 = arith.constant 0 : i32
    %cond3A_182 = arith.cmpi ne, %convert_element_type3A_180, %cond3A_181 : i32
    scf.if %cond3A_182 {
      %mul3A_190 = arith.constant 80 : i32
      %mul3A_191 = arith.muli %add3A_177, %mul3A_190 : i32
      "tpu.region"() ({
        %run_scoped3A = tpu.sem_alloc : memref<!tpu.dma_semaphore, #tpu.memory_space<semaphore_mem>>
        %dma_start3A_194 = arith.constant 0 : i32
        %dma_start3A_195 = tpu.memref_slice %arg15[%mul3A_191, %dma_start3A_194] : memref<10000x128xf32, #tpu.memory_space<vmem_shared>> -> memref<80x128xf32, #tpu.memory_space<vmem_shared>>
        %dma_start3A_196 = arith.constant 0 : i32
        %dma_start3A_197 = tpu.memref_slice %arg15[%mul3A_191, %dma_start3A_196] : memref<10000x128xf32, #tpu.memory_space<vmem_shared>> -> memref<80x128xf32, #tpu.memory_space<vmem_shared>>
        tpu.enqueue_dma source(%dma_start3A_197 : memref<80x128xf32, #tpu.memory_space<vmem_shared>>) target(%arg13 : memref<80x128xf32, #tpu.memory_space<vmem>>) target_semaphore(%run_scoped3A : memref<!tpu.dma_semaphore, #tpu.memory_space<semaphore_mem>>)
        %dma_wait3A_198 = arith.constant 0 : i32
        %dma_wait3A_199 = tpu.memref_slice %arg15[%mul3A_191, %dma_wait3A_198] : memref<10000x128xf32, #tpu.memory_space<vmem_shared>> -> memref<80x128xf32, #tpu.memory_space<vmem_shared>>
        %dma_wait3A_200 = arith.constant 0 : i32
        %dma_wait3A_201 = tpu.memref_slice %arg15[%mul3A_191, %dma_wait3A_200] : memref<10000x128xf32, #tpu.memory_space<vmem_shared>> -> memref<80x128xf32, #tpu.memory_space<vmem_shared>>
        tpu.wait_dma2 semaphore(%run_scoped3A : memref<!tpu.dma_semaphore, #tpu.memory_space<semaphore_mem>>) src(%dma_wait3A_201 : memref<80x128xf32, #tpu.memory_space<vmem_shared>>) dst(%arg13 : memref<80x128xf32, #tpu.memory_space<vmem>>)
        tpu.yield
      }) : () -> ()
      %mul3A_192 = arith.constant 80 : i32
      %mul3A_193 = arith.muli %add3A_177, %mul3A_192 : i32
      "tpu.region"() ({
        %run_scoped3A = tpu.sem_alloc : memref<!tpu.dma_semaphore, #tpu.memory_space<semaphore_mem>>
        %dma_start3A_194 = arith.constant 0 : i32
        %dma_start3A_195 = arith.constant 0 : i32
        %dma_start3A_196 = tpu.memref_slice %arg6[%arg0, %dma_start3A_194, %dma_start3A_195] : memref<2x10000x128xf32, #tpu.memory_space<hbm>> -> memref<1x10000x128xf32, #tpu.memory_space<hbm>>
        %dma_start3A_197 = tpu.memref_squeeze %dma_start3A_196 : memref<1x10000x128xf32, #tpu.memory_space<hbm>> -> memref<10000x128xf32, #tpu.memory_space<hbm>>
        %dma_start3A_198 = arith.constant 0 : i32
        %dma_start3A_199 = tpu.memref_slice %dma_start3A_197[%mul3A_193, %dma_start3A_198] : memref<10000x128xf32, #tpu.memory_space<hbm>> -> memref<80x128xf32, #tpu.memory_space<hbm>>
        %dma_start3A_200 = arith.constant 0 : i32
        %dma_start3A_201 = arith.constant 0 : i32
        %dma_start3A_202 = tpu.memref_slice %arg6[%arg0, %dma_start3A_200, %dma_start3A_201] : memref<2x10000x128xf32, #tpu.memory_space<hbm>> -> memref<1x10000x128xf32, #tpu.memory_space<hbm>>
        %dma_start3A_203 = tpu.memref_squeeze %dma_start3A_202 : memref<1x10000x128xf32, #tpu.memory_space<hbm>> -> memref<10000x128xf32, #tpu.memory_space<hbm>>
        %dma_start3A_204 = arith.constant 0 : i32
        %dma_start3A_205 = tpu.memref_slice %dma_start3A_203[%mul3A_193, %dma_start3A_204] : memref<10000x128xf32, #tpu.memory_space<hbm>> -> memref<80x128xf32, #tpu.memory_space<hbm>>
        tpu.enqueue_dma source(%arg13 : memref<80x128xf32, #tpu.memory_space<vmem>>) target(%dma_start3A_205 : memref<80x128xf32, #tpu.memory_space<hbm>>) target_semaphore(%run_scoped3A : memref<!tpu.dma_semaphore, #tpu.memory_space<semaphore_mem>>)
        %dma_wait3A_206 = arith.constant 0 : i32
        %dma_wait3A_207 = arith.constant 0 : i32
        %dma_wait3A_208 = tpu.memref_slice %arg6[%arg0, %dma_wait3A_206, %dma_wait3A_207] : memref<2x10000x128xf32, #tpu.memory_space<hbm>> -> memref<1x10000x128xf32, #tpu.memory_space<hbm>>
        %dma_wait3A_209 = tpu.memref_squeeze %dma_wait3A_208 : memref<1x10000x128xf32, #tpu.memory_space<hbm>> -> memref<10000x128xf32, #tpu.memory_space<hbm>>
        %dma_wait3A_210 = arith.constant 0 : i32
        %dma_wait3A_211 = tpu.memref_slice %dma_wait3A_209[%mul3A_193, %dma_wait3A_210] : memref<10000x128xf32, #tpu.memory_space<hbm>> -> memref<80x128xf32, #tpu.memory_space<hbm>>
        %dma_wait3A_212 = arith.constant 0 : i32
        %dma_wait3A_213 = arith.constant 0 : i32
        %dma_wait3A_214 = tpu.memref_slice %arg6[%arg0, %dma_wait3A_212, %dma_wait3A_213] : memref<2x10000x128xf32, #tpu.memory_space<hbm>> -> memref<1x10000x128xf32, #tpu.memory_space<hbm>>
        %dma_wait3A_215 = tpu.memref_squeeze %dma_wait3A_214 : memref<1x10000x128xf32, #tpu.memory_space<hbm>> -> memref<10000x128xf32, #tpu.memory_space<hbm>>
        %dma_wait3A_216 = arith.constant 0 : i32
        %dma_wait3A_217 = tpu.memref_slice %dma_wait3A_215[%mul3A_193, %dma_wait3A_216] : memref<10000x128xf32, #tpu.memory_space<hbm>> -> memref<80x128xf32, #tpu.memory_space<hbm>>
        tpu.wait_dma2 semaphore(%run_scoped3A : memref<!tpu.dma_semaphore, #tpu.memory_space<semaphore_mem>>) src(%arg13 : memref<80x128xf32, #tpu.memory_space<vmem>>) dst(%dma_wait3A_217 : memref<80x128xf32, #tpu.memory_space<hbm>>)
        tpu.yield
      }) : () -> ()
    } else {
    }
    %add3A_183 = arith.constant 112 : i32
    %add3A_184 = arith.addi %arg1, %add3A_183 : i32
    %lt3A_185 = arith.constant 125 : i32
    %lt3A_186 = arith.cmpi slt, %add3A_184, %lt3A_185 : i32
    %convert_element_type3A_187 = arith.extui %lt3A_186 : i1 to i32
    %cond3A_188 = arith.constant 0 : i32
    %cond3A_189 = arith.cmpi ne, %convert_element_type3A_187, %cond3A_188 : i32
    scf.if %cond3A_189 {
      %mul3A_190 = arith.constant 80 : i32
      %mul3A_191 = arith.muli %add3A_184, %mul3A_190 : i32
      "tpu.region"() ({
        %run_scoped3A = tpu.sem_alloc : memref<!tpu.dma_semaphore, #tpu.memory_space<semaphore_mem>>
        %dma_start3A_194 = arith.constant 0 : i32
        %dma_start3A_195 = tpu.memref_slice %arg15[%mul3A_191, %dma_start3A_194] : memref<10000x128xf32, #tpu.memory_space<vmem_shared>> -> memref<80x128xf32, #tpu.memory_space<vmem_shared>>
        %dma_start3A_196 = arith.constant 0 : i32
        %dma_start3A_197 = tpu.memref_slice %arg15[%mul3A_191, %dma_start3A_196] : memref<10000x128xf32, #tpu.memory_space<vmem_shared>> -> memref<80x128xf32, #tpu.memory_space<vmem_shared>>
        tpu.enqueue_dma source(%dma_start3A_197 : memref<80x128xf32, #tpu.memory_space<vmem_shared>>) target(%arg13 : memref<80x128xf32, #tpu.memory_space<vmem>>) target_semaphore(%run_scoped3A : memref<!tpu.dma_semaphore, #tpu.memory_space<semaphore_mem>>)
        %dma_wait3A_198 = arith.constant 0 : i32
        %dma_wait3A_199 = tpu.memref_slice %arg15[%mul3A_191, %dma_wait3A_198] : memref<10000x128xf32, #tpu.memory_space<vmem_shared>> -> memref<80x128xf32, #tpu.memory_space<vmem_shared>>
        %dma_wait3A_200 = arith.constant 0 : i32
        %dma_wait3A_201 = tpu.memref_slice %arg15[%mul3A_191, %dma_wait3A_200] : memref<10000x128xf32, #tpu.memory_space<vmem_shared>> -> memref<80x128xf32, #tpu.memory_space<vmem_shared>>
        tpu.wait_dma2 semaphore(%run_scoped3A : memref<!tpu.dma_semaphore, #tpu.memory_space<semaphore_mem>>) src(%dma_wait3A_201 : memref<80x128xf32, #tpu.memory_space<vmem_shared>>) dst(%arg13 : memref<80x128xf32, #tpu.memory_space<vmem>>)
        tpu.yield
      }) : () -> ()
      %mul3A_192 = arith.constant 80 : i32
      %mul3A_193 = arith.muli %add3A_184, %mul3A_192 : i32
      "tpu.region"() ({
        %run_scoped3A = tpu.sem_alloc : memref<!tpu.dma_semaphore, #tpu.memory_space<semaphore_mem>>
        %dma_start3A_194 = arith.constant 0 : i32
        %dma_start3A_195 = arith.constant 0 : i32
        %dma_start3A_196 = tpu.memref_slice %arg6[%arg0, %dma_start3A_194, %dma_start3A_195] : memref<2x10000x128xf32, #tpu.memory_space<hbm>> -> memref<1x10000x128xf32, #tpu.memory_space<hbm>>
        %dma_start3A_197 = tpu.memref_squeeze %dma_start3A_196 : memref<1x10000x128xf32, #tpu.memory_space<hbm>> -> memref<10000x128xf32, #tpu.memory_space<hbm>>
        %dma_start3A_198 = arith.constant 0 : i32
        %dma_start3A_199 = tpu.memref_slice %dma_start3A_197[%mul3A_193, %dma_start3A_198] : memref<10000x128xf32, #tpu.memory_space<hbm>> -> memref<80x128xf32, #tpu.memory_space<hbm>>
        %dma_start3A_200 = arith.constant 0 : i32
        %dma_start3A_201 = arith.constant 0 : i32
        %dma_start3A_202 = tpu.memref_slice %arg6[%arg0, %dma_start3A_200, %dma_start3A_201] : memref<2x10000x128xf32, #tpu.memory_space<hbm>> -> memref<1x10000x128xf32, #tpu.memory_space<hbm>>
        %dma_start3A_203 = tpu.memref_squeeze %dma_start3A_202 : memref<1x10000x128xf32, #tpu.memory_space<hbm>> -> memref<10000x128xf32, #tpu.memory_space<hbm>>
        %dma_start3A_204 = arith.constant 0 : i32
        %dma_start3A_205 = tpu.memref_slice %dma_start3A_203[%mul3A_193, %dma_start3A_204] : memref<10000x128xf32, #tpu.memory_space<hbm>> -> memref<80x128xf32, #tpu.memory_space<hbm>>
        tpu.enqueue_dma source(%arg13 : memref<80x128xf32, #tpu.memory_space<vmem>>) target(%dma_start3A_205 : memref<80x128xf32, #tpu.memory_space<hbm>>) target_semaphore(%run_scoped3A : memref<!tpu.dma_semaphore, #tpu.memory_space<semaphore_mem>>)
        %dma_wait3A_206 = arith.constant 0 : i32
        %dma_wait3A_207 = arith.constant 0 : i32
        %dma_wait3A_208 = tpu.memref_slice %arg6[%arg0, %dma_wait3A_206, %dma_wait3A_207] : memref<2x10000x128xf32, #tpu.memory_space<hbm>> -> memref<1x10000x128xf32, #tpu.memory_space<hbm>>
        %dma_wait3A_209 = tpu.memref_squeeze %dma_wait3A_208 : memref<1x10000x128xf32, #tpu.memory_space<hbm>> -> memref<10000x128xf32, #tpu.memory_space<hbm>>
        %dma_wait3A_210 = arith.constant 0 : i32
        %dma_wait3A_211 = tpu.memref_slice %dma_wait3A_209[%mul3A_193, %dma_wait3A_210] : memref<10000x128xf32, #tpu.memory_space<hbm>> -> memref<80x128xf32, #tpu.memory_space<hbm>>
        %dma_wait3A_212 = arith.constant 0 : i32
        %dma_wait3A_213 = arith.constant 0 : i32
        %dma_wait3A_214 = tpu.memref_slice %arg6[%arg0, %dma_wait3A_212, %dma_wait3A_213] : memref<2x10000x128xf32, #tpu.memory_space<hbm>> -> memref<1x10000x128xf32, #tpu.memory_space<hbm>>
        %dma_wait3A_215 = tpu.memref_squeeze %dma_wait3A_214 : memref<1x10000x128xf32, #tpu.memory_space<hbm>> -> memref<10000x128xf32, #tpu.memory_space<hbm>>
        %dma_wait3A_216 = arith.constant 0 : i32
        %dma_wait3A_217 = tpu.memref_slice %dma_wait3A_215[%mul3A_193, %dma_wait3A_216] : memref<10000x128xf32, #tpu.memory_space<hbm>> -> memref<80x128xf32, #tpu.memory_space<hbm>>
        tpu.wait_dma2 semaphore(%run_scoped3A : memref<!tpu.dma_semaphore, #tpu.memory_space<semaphore_mem>>) src(%arg13 : memref<80x128xf32, #tpu.memory_space<vmem>>) dst(%dma_wait3A_217 : memref<80x128xf32, #tpu.memory_space<hbm>>)
        tpu.yield
      }) : () -> ()
    } else {
    }
    return
  }
}

module attributes {stable_mosaic.version = 14 : i64} {
  func.func @_emb_kernel(%arg0: i32, %arg1: memref<3200x16xf32, #tpu.memory_space<vmem>>, %arg2: memref<16x256xf32, #tpu.memory_space<vmem>>, %arg3: memref<1x256xf32, #tpu.memory_space<vmem>>, %arg4: memref<2x3200x128xf32, #tpu.memory_space<vmem>>) attributes {dimension_semantics = [#tpu.dimension_semantics<arbitrary>], iteration_bounds = array<i64: 50>, scalar_prefetch = 0 : i64, scratch_operands = 0 : i64, tpu.core_type = #tpu.core_type<tc>, window_params = [{transform_indices = @transform_0, window_bounds = array<i64: 3200, 16>}, {pipeline_mode = #tpu.pipeline_mode<synchronous>, transform_indices = @transform_1, window_bounds = array<i64: 16, 256>}, {pipeline_mode = #tpu.pipeline_mode<synchronous>, transform_indices = @transform_2, window_bounds = array<i64: 1, 256>}, {transform_indices = @transform_3, window_bounds = array<i64: 2, 3200, 128>}]} {
    %get3A = arith.constant 0 : index
    %get3A_0 = arith.constant 0 : index
    %get3A_1 = vector.load %arg1[%get3A, %get3A_0] : memref<3200x16xf32, #tpu.memory_space<vmem>>, vector<3200x16xf32>
    %get3A_2 = arith.constant 0 : index
    %get3A_3 = arith.constant 0 : index
    %get3A_4 = vector.load %arg2[%get3A_2, %get3A_3] : memref<16x256xf32, #tpu.memory_space<vmem>>, vector<16x256xf32>
    %dot_general3A = arith.constant dense<0.000000e+00> : vector<3200x256xf32>
    %dot_general3A_5 = tpu.matmul %get3A_1, %get3A_4, %dot_general3A {dimension_numbers = #tpu.dot_dimension_numbers<[1], [0], [0], [1], [0, 0, 1, 1], [], []>, transpose_lhs_hint = false} : vector<3200x16xf32>, vector<16x256xf32>, vector<3200x256xf32> -> vector<3200x256xf32>
    %get3A_6 = arith.constant 0 : index
    %get3A_7 = arith.constant 0 : index
    %get3A_8 = vector.load %arg3[%get3A_6, %get3A_7] : memref<1x256xf32, #tpu.memory_space<vmem>>, vector<1x256xf32>
    %add3A = vector.broadcast %get3A_8 : vector<1x256xf32> to vector<3200x256xf32>
    %add3A_9 = arith.addf %dot_general3A_5, %add3A : vector<3200x256xf32>
    %slice3A = vector.extract_strided_slice %add3A_9 {offsets = [0, 0], sizes = [3200, 128], strides = [1, 1]} : vector<3200x256xf32> to vector<3200x128xf32>
    %swap3A = arith.constant 0 : index
    %swap3A_10 = arith.constant 0 : index
    %swap3A_11 = arith.constant 0 : index
    %swap3A_12 = vector.load %arg4[%swap3A, %swap3A_10, %swap3A_11] : memref<2x3200x128xf32, #tpu.memory_space<vmem>>, vector<1x3200x128xf32>
    %swap3A_13 = vector.shape_cast %swap3A_12 : vector<1x3200x128xf32> to vector<3200x128xf32>
    %swap3A_14 = vector.shape_cast %slice3A : vector<3200x128xf32> to vector<1x3200x128xf32>
    tpu.vector_store %arg4[%swap3A, %swap3A_10, %swap3A_11], %swap3A_14 {strides = array<i32>} : memref<2x3200x128xf32, #tpu.memory_space<vmem>>, vector<1x3200x128xf32>,
    %slice3A_15 = vector.extract_strided_slice %add3A_9 {offsets = [0, 128], sizes = [3200, 128], strides = [1, 1]} : vector<3200x256xf32> to vector<3200x128xf32>
    %swap3A_16 = arith.constant 1 : index
    %swap3A_17 = arith.constant 0 : index
    %swap3A_18 = arith.constant 0 : index
    %swap3A_19 = vector.load %arg4[%swap3A_16, %swap3A_17, %swap3A_18] : memref<2x3200x128xf32, #tpu.memory_space<vmem>>, vector<1x3200x128xf32>
    %swap3A_20 = vector.shape_cast %swap3A_19 : vector<1x3200x128xf32> to vector<3200x128xf32>
    %swap3A_21 = vector.shape_cast %slice3A_15 : vector<3200x128xf32> to vector<1x3200x128xf32>
    tpu.vector_store %arg4[%swap3A_16, %swap3A_17, %swap3A_18], %swap3A_21 {strides = array<i32>} : memref<2x3200x128xf32, #tpu.memory_space<vmem>>, vector<1x3200x128xf32>,
    return
  }
  func.func @transform_0(%arg0: i32) -> (i32, i32) {
    %c0_i32 = arith.constant 0 : i32
    %c0_i32_0 = arith.constant 0 : i32
    return %arg0, %c0_i32 : i32, i32
  }
  func.func @transform_1(%arg0: i32) -> (i32, i32) {
    %c0_i32 = arith.constant 0 : i32
    %c0_i32_0 = arith.constant 0 : i32
    %c0_i32_1 = arith.constant 0 : i32
    return %c0_i32, %c0_i32_0 : i32, i32
  }
  func.func @transform_2(%arg0: i32) -> (i32, i32) {
    %c0_i32 = arith.constant 0 : i32
    %c0_i32_0 = arith.constant 0 : i32
    %c0_i32_1 = arith.constant 0 : i32
    return %c0_i32, %c0_i32_0 : i32, i32
  }
  func.func @transform_3(%arg0: i32) -> (i32, i32, i32) {
    %c0_i32 = arith.constant 0 : i32
    %c0_i32_0 = arith.constant 0 : i32
    %c0_i32_1 = arith.constant 0 : i32
    return %c0_i32, %arg0, %c0_i32_0 : i32, i32, i32
  }
}

module attributes {stable_mosaic.version = 14 : i64} {
  func.func @_mlp_kernel(%arg0: i32, %arg1: memref<1000x256xf32, #tpu.memory_space<vmem>>, %arg2: memref<2x1000x128xf32, #tpu.memory_space<vmem>>, %arg3: memref<256x256xf32, #tpu.memory_space<vmem>>, %arg4: memref<1x256xf32, #tpu.memory_space<vmem>>, %arg5: memref<256x256xf32, #tpu.memory_space<vmem>>, %arg6: memref<1x256xf32, #tpu.memory_space<vmem>>, %arg7: memref<1xf32, #tpu.memory_space<smem>>, %arg8: memref<1000x256xf32, #tpu.memory_space<vmem>>) attributes {dimension_semantics = [#tpu.dimension_semantics<arbitrary>], iteration_bounds = array<i64: 10>, scalar_prefetch = 0 : i64, scratch_operands = 0 : i64, tpu.core_type = #tpu.core_type<tc>, window_params = [{transform_indices = @transform_0, window_bounds = array<i64: 1000, 256>}, {transform_indices = @transform_1, window_bounds = array<i64: 2, 1000, 128>}, {pipeline_mode = #tpu.pipeline_mode<synchronous>, transform_indices = @transform_2, window_bounds = array<i64: 256, 256>}, {pipeline_mode = #tpu.pipeline_mode<synchronous>, transform_indices = @transform_3, window_bounds = array<i64: 1, 256>}, {pipeline_mode = #tpu.pipeline_mode<synchronous>, transform_indices = @transform_4, window_bounds = array<i64: 256, 256>}, {pipeline_mode = #tpu.pipeline_mode<synchronous>, transform_indices = @transform_5, window_bounds = array<i64: 1, 256>}, {transform_indices = @transform_6, window_bounds = array<i64: 1>}, {transform_indices = @transform_7, window_bounds = array<i64: 1000, 256>}]} {
    %get3A = arith.constant 0 : index
    %get3A_0 = arith.constant 0 : index
    %get3A_1 = arith.constant 0 : index
    %get3A_2 = vector.load %arg2[%get3A, %get3A_0, %get3A_1] : memref<2x1000x128xf32, #tpu.memory_space<vmem>>, vector<1x1000x128xf32>
    %get3A_3 = vector.shape_cast %get3A_2 : vector<1x1000x128xf32> to vector<1000x128xf32>
    %get3A_4 = arith.constant 1 : index
    %get3A_5 = arith.constant 0 : index
    %get3A_6 = arith.constant 0 : index
    %get3A_7 = vector.load %arg2[%get3A_4, %get3A_5, %get3A_6] : memref<2x1000x128xf32, #tpu.memory_space<vmem>>, vector<1x1000x128xf32>
    %get3A_8 = vector.shape_cast %get3A_7 : vector<1x1000x128xf32> to vector<1000x128xf32>
    %concatenate3A = tpu.concatenate %get3A_3, %get3A_8 in 1 : vector<1000x128xf32>, vector<1000x128xf32> -> vector<1000x256xf32>
    %get3A_9 = arith.constant 0 : index
    %get3A_10 = memref.load %arg7[%get3A_9] : memref<1xf32, #tpu.memory_space<smem>>
    %add3A = arith.constant 1.000000e+00 : f32
    %add3A_11 = arith.addf %add3A, %get3A_10 : f32
    %get3A_12 = arith.constant 0 : index
    %get3A_13 = arith.constant 0 : index
    %get3A_14 = vector.load %arg1[%get3A_12, %get3A_13] : memref<1000x256xf32, #tpu.memory_space<vmem>>, vector<1000x256xf32>
    %mul3A = vector.broadcast %add3A_11 : f32 to vector<1000x256xf32>
    %mul3A_15 = arith.mulf %mul3A, %get3A_14 : vector<1000x256xf32>
    %add3A_16 = arith.addf %mul3A_15, %concatenate3A : vector<1000x256xf32>
    %get3A_17 = arith.constant 0 : index
    %get3A_18 = arith.constant 0 : index
    %get3A_19 = vector.load %arg3[%get3A_17, %get3A_18] : memref<256x256xf32, #tpu.memory_space<vmem>>, vector<256x256xf32>
    %dot_general3A = arith.constant dense<0.000000e+00> : vector<1000x256xf32>
    %dot_general3A_20 = tpu.matmul %add3A_16, %get3A_19, %dot_general3A {dimension_numbers = #tpu.dot_dimension_numbers<[1], [0], [0], [1], [0, 0, 1, 1], [], []>, transpose_lhs_hint = false} : vector<1000x256xf32>, vector<256x256xf32>, vector<1000x256xf32> -> vector<1000x256xf32>
    %get3A_21 = arith.constant 0 : index
    %get3A_22 = arith.constant 0 : index
    %get3A_23 = vector.load %arg4[%get3A_21, %get3A_22] : memref<1x256xf32, #tpu.memory_space<vmem>>, vector<1x256xf32>
    %add3A_24 = vector.broadcast %get3A_23 : vector<1x256xf32> to vector<1000x256xf32>
    %add3A_25 = arith.addf %dot_general3A_20, %add3A_24 : vector<1000x256xf32>
    %max3A = arith.constant 0.000000e+00 : f32
    %max3A_26 = vector.broadcast %max3A : f32 to vector<1000x256xf32>
    %max3A_27 = arith.maximumf %add3A_25, %max3A_26 : vector<1000x256xf32>
    %get3A_28 = arith.constant 0 : index
    %get3A_29 = arith.constant 0 : index
    %get3A_30 = vector.load %arg5[%get3A_28, %get3A_29] : memref<256x256xf32, #tpu.memory_space<vmem>>, vector<256x256xf32>
    %dot_general3A_31 = arith.constant dense<0.000000e+00> : vector<1000x256xf32>
    %dot_general3A_32 = tpu.matmul %max3A_27, %get3A_30, %dot_general3A_31 {dimension_numbers = #tpu.dot_dimension_numbers<[1], [0], [0], [1], [0, 0, 1, 1], [], []>, transpose_lhs_hint = false} : vector<1000x256xf32>, vector<256x256xf32>, vector<1000x256xf32> -> vector<1000x256xf32>
    %get3A_33 = arith.constant 0 : index
    %get3A_34 = arith.constant 0 : index
    %get3A_35 = vector.load %arg6[%get3A_33, %get3A_34] : memref<1x256xf32, #tpu.memory_space<vmem>>, vector<1x256xf32>
    %add3A_36 = vector.broadcast %get3A_35 : vector<1x256xf32> to vector<1000x256xf32>
    %add3A_37 = arith.addf %dot_general3A_32, %add3A_36 : vector<1000x256xf32>
    %swap3A = arith.constant 0 : index
    %swap3A_38 = arith.constant 0 : index
    %swap3A_39 = vector.load %arg8[%swap3A, %swap3A_38] : memref<1000x256xf32, #tpu.memory_space<vmem>>, vector<1000x256xf32>
    tpu.vector_store %arg8[%swap3A, %swap3A_38], %add3A_37 {strides = array<i32>} : memref<1000x256xf32, #tpu.memory_space<vmem>>, vector<1000x256xf32>,
    return
  }
  func.func @transform_0(%arg0: i32) -> (i32, i32) {
    %c0_i32 = arith.constant 0 : i32
    %c0_i32_0 = arith.constant 0 : i32
    return %arg0, %c0_i32 : i32, i32
  }
  func.func @transform_1(%arg0: i32) -> (i32, i32, i32) {
    %c0_i32 = arith.constant 0 : i32
    %c0_i32_0 = arith.constant 0 : i32
    %c0_i32_1 = arith.constant 0 : i32
    return %c0_i32, %arg0, %c0_i32_0 : i32, i32, i32
  }
  func.func @transform_2(%arg0: i32) -> (i32, i32) {
    %c0_i32 = arith.constant 0 : i32
    %c0_i32_0 = arith.constant 0 : i32
    %c0_i32_1 = arith.constant 0 : i32
    return %c0_i32, %c0_i32_0 : i32, i32
  }
  func.func @transform_3(%arg0: i32) -> (i32, i32) {
    %c0_i32 = arith.constant 0 : i32
    %c0_i32_0 = arith.constant 0 : i32
    %c0_i32_1 = arith.constant 0 : i32
    return %c0_i32, %c0_i32_0 : i32, i32
  }
  func.func @transform_4(%arg0: i32) -> (i32, i32) {
    %c0_i32 = arith.constant 0 : i32
    %c0_i32_0 = arith.constant 0 : i32
    %c0_i32_1 = arith.constant 0 : i32
    return %c0_i32, %c0_i32_0 : i32, i32
  }
  func.func @transform_5(%arg0: i32) -> (i32, i32) {
    %c0_i32 = arith.constant 0 : i32
    %c0_i32_0 = arith.constant 0 : i32
    %c0_i32_1 = arith.constant 0 : i32
    return %c0_i32, %c0_i32_0 : i32, i32
  }
  func.func @transform_6(%arg0: i32) -> i32 {
    %c0_i32 = arith.constant 0 : i32
    %c0_i32_0 = arith.constant 0 : i32
    return %c0_i32 : i32
  }
  func.func @transform_7(%arg0: i32) -> (i32, i32) {
    %c0_i32 = arith.constant 0 : i32
    %c0_i32_0 = arith.constant 0 : i32
    return %arg0, %c0_i32 : i32, i32
  }
}

</mosaic_0001>

<sc_bundles>
// kernel: kernel.11.cloned.1.call-start
scs
__scs_entry_jumppad:
0x0: {  	(pc) =	sbr.rel $0x88, $3  }
0x1: {  	(tag) =	ssettag $0x0;
	lr =	simm.s32 $0x1  }
0x2: {  	[smem:$0x3F8D] =	sst lr;
	_ =	strace $0xD0000000  }
0x3: {  	_ = 	snop  }
0x4: {  	_ = 	snop  }
0x5: {  	_ = 	snop  }
0x6: {  	_ = 	snop  }
0x7: {  	_ = 	snop  }
__scs_overlays_trampoline_lowered:
0x8: {  	[smem:$0x3F9C] =	sst s0  }
0x9: {  	[smem:$0x3F9D] =	sst s1  }
0xa: {  	[smem:$0x3F9E] =	sst s2  }
0xb: {  	[smem:$0x3F9F] =	sst s3  }
0xc: {  	[smem:$0x3FA0] =	sst s4  }
0xd: {  	[smem:$0x3FA1] =	sst s5  }
0xe: {  	[smem:$0x3FA2] =	sst s6  }
0xf: {  	[smem:$0x3FA3] =	sst s7  }
0x10: {  	[smem:$0x3FA4] =	sst s8  }
0x11: {  	[smem:$0x3FA5] =	sst s9;
	s0 =	simm.s32 @!p0 $0x0  }
0x12: {  	s1 =	sld [smem:$0x3F8B];
	s0 =	simm.s32 @p0 $0x1  }
0x13: {  	[smem:$0x3FA6] =	sst s0;
	s0 =	simm.s32 @!p1 $0x0  }
0x14: {  	s2 =	sld [smem:$0x3F8A];
	s0 =	simm.s32 @p1 $0x1  }
0x15: {  	[smem:$0x3FA7] =	sst s0;
	s0 =	simm.s32 @!p2 $0x0  }
0x16: {  	s3 =	sld [smem:$0x3FDB];
	s0 =	simm.s32 @p2 $0x1  }
0x17: {  	s4 =	simm.s32 $0x1BF5;
	[smem:$0x3FA9] =	sst s0  }
0x18: {  	s0 =	sld [smem:$0x3F8C];
	_ =	swait.ge [sflag:s4], $0x0  }
0x19: {  	s7 =	sld [smem:$0x3F8D]  }
0x1a: {  	s8 =	sadd.s32 $0xFFFFE003, lr  }
0x1b: {  	s9 =	sadd.s32 $0xFFFFFEF7, lr;
	s5 =	simm.s32 $0xFFFFFFFF;
	p2 =	slt.u32 s8, $0xFFFFF086  }
0x1c: {  	p1 =	slt.u32 s9, $0xF7A;
	s5 =	simm.s32 @!p2 $0x0  }
0x1d: {  	s5 =	simm.s32 @p1 $0x1;
	p0 =	seq.s32 s7, s2  }
0x1e: {  	s7 =	smul.u32 @!p0 $0xF7A, s2;
	p2 =	seq.s32 @!p0 s5, $0x0  }
0x1f: {  	s9 =	smul.u32 $0xF7A, s1;
	s8 =	simm.s32 @!p0 $0x1BF5;
	p2 =	por !p2, p0  }
0x20: {  	[sflag:s8] =	ssyncset.s32 @!p0 $0xFFFFF086;
	s6 =	sadd.s32 @!p0 s3, s7;
	s7 =	simm.s32 @!p0 $0x108  }
0x21: {  	s3 =	sadd.s32 s3, s9;
	s6 =	sadd.s32 @!p0 $0x88, s6;
	s7 =	simm.s32 @p2 $0x1082  }
0x22: {  	[simem:s7], [sflag:s8] =	dma.local @!p0 [hbm:s6], $0xF7A  }
0x23: {  	s9 =	sor.u32 $0xD0000000, s2;
	s6 =	simm.s32 $0x108;
	_ =	swait.ge @!p0 [sflag:s8], $0x0  }
0x24: {  	s3 =	sadd.s32 $0x88, s3;
	s6 =	simm.s32 @!p1 $0x1082;
	[sflag:s4] =	ssyncset.s32 $0xFFFFF086  }
0x25: {  	[simem:s6], [sflag:s4] =	dma.local [hbm:s3], $0xF7A  }
0x26: {  	[smem:$0x3F8D] =	sst s1;
	(tag) =	ssettag s2;
	_ =	strace s9  }
0x27: {  	s1 =	sld [smem:$0x3F9D]  }
0x28: {  	s2 =	sld [smem:$0x3F9E]  }
0x29: {  	s4 =	sld [smem:$0x3FA0]  }
0x2a: {  	p0 =	seq.s32 s5, $0x0;
	s5 =	sld [smem:$0x3FA1]  }
0x2b: {  	s6 =	sld [smem:$0x3FA2]  }
0x2c: {  	s7 =	sld [smem:$0x3FA3]  }
0x2d: {  	s3 =	simm.s32 $0x108;
	s8 =	sld [smem:$0x3FA4]  }
0x2e: {  	s3 =	simm.s32 @!p0 $0x1082;
	s9 =	sld [smem:$0x3FA5]  }
0x2f: {  	lr =	sadd.s32 s0, s3;
	s0 =	sld [smem:$0x3F9C]  }
0x30: {  	s3 =	sld [smem:$0x3F9F]  }
0x31: {  	[smem:$0x3FA8] =	sst s10  }
0x32: {  	s10 =	sld [smem:$0x3FA6];
	_ =	sdelay $0x3  }
0x33: {  	p0 =	seq.s32 s10, $0x1;
	s10 =	sld [smem:$0x3FA8];
	_ =	sdelay $0x3  }
0x34: {  	[smem:$0x3FA8] =	sst s10  }
0x35: {  	s10 =	sld [smem:$0x3FA7];
	_ =	sdelay $0x3  }
0x36: {  	p1 =	seq.s32 s10, $0x1;
	s10 =	sld [smem:$0x3FA8];
	_ =	sdelay $0x3  }
0x37: {  	[smem:$0x3FA8] =	sst s10  }
0x38: {  	s10 =	sld [smem:$0x3FA9]  }
0x39: {  	_ = 	snop;
	(pc) =	sbr.ind lr, $3  }
0x3a: {  	_ = 	snop  }
0x3b: {  	_ = 	snop  }
0x3c: {  	p2 =	seq.s32 s10, $0x1;
	s10 =	sld [smem:$0x3FA8]  }
0x3d: {  	_ =	shalt  }
0x3e: {  	_ =	shalt  }
0x3f: {  	_ =	shalt  }
0x40: {  	_ =	shalt  }
0x41: {  	_ =	shalt  }
0x42: {  	_ =	shalt  }
0x43: {  	_ =	shalt  }
0x44: {  	_ =	shalt  }
0x45: {  	_ =	shalt  }
0x46: {  	_ =	shalt  }
0x47: {  	_ =	shalt  }
0x48: {  	_ =	shalt  }
0x49: {  	_ =	shalt  }
0x4a: {  	_ =	shalt  }
0x4b: {  	_ =	shalt  }
0x4c: {  	_ =	shalt  }
0x4d: {  	_ =	shalt  }
0x4e: {  	_ =	shalt  }
0x4f: {  	_ =	shalt  }
0x50: {  	_ =	shalt  }
0x51: {  	_ =	shalt  }
0x52: {  	_ =	shalt  }
0x53: {  	_ =	shalt  }
0x54: {  	_ =	shalt  }
0x55: {  	_ =	shalt  }
0x56: {  	_ =	shalt  }
0x57: {  	_ =	shalt  }
0x58: {  	_ =	shalt  }
0x59: {  	_ =	shalt  }
0x5a: {  	_ =	shalt  }
0x5b: {  	_ =	shalt  }
0x5c: {  	_ =	shalt  }
0x5d: {  	_ =	shalt  }
0x5e: {  	_ =	shalt  }
0x5f: {  	_ =	shalt  }
0x60: {  	_ =	shalt  }
0x61: {  	_ =	shalt  }
0x62: {  	_ =	shalt  }
0x63: {  	_ =	shalt  }
0x64: {  	_ =	shalt  }
0x65: {  	_ =	shalt  }
0x66: {  	_ =	shalt  }
0x67: {  	_ =	shalt  }
0x68: {  	_ =	shalt  }
0x69: {  	_ =	shalt  }
0x6a: {  	_ =	shalt  }
0x6b: {  	_ =	shalt  }
0x6c: {  	_ =	shalt  }
0x6d: {  	_ =	shalt  }
0x6e: {  	_ =	shalt  }
0x6f: {  	_ =	shalt  }
0x70: {  	_ =	shalt  }
0x71: {  	_ =	shalt  }
0x72: {  	_ =	shalt  }
0x73: {  	_ =	shalt  }
0x74: {  	_ =	shalt  }
0x75: {  	_ =	shalt  }
0x76: {  	_ =	shalt  }
0x77: {  	_ =	shalt  }
0x78: {  	_ =	shalt  }
0x79: {  	_ =	shalt  }
0x7a: {  	_ =	shalt  }
0x7b: {  	_ =	shalt  }
0x7c: {  	_ =	shalt  }
0x7d: {  	_ =	shalt  }
0x7e: {  	_ =	shalt  }
0x7f: {  	_ =	shalt  }
0x80: {  	_ =	shalt  }
0x81: {  	_ =	shalt  }
0x82: {  	_ =	shalt  }
0x83: {  	_ =	shalt  }
0x84: {  	_ =	shalt  }
0x85: {  	_ =	shalt  }
0x86: {  	_ =	shalt  }
0x87: {  	_ =	shalt  }
.Lfunc_end0:
.L_simem_size_0:
called_computation.1_lowered:
.L_overlay_start_0:
0x88: {  	s2 =	sld [smem:$0x3FD9]  }
0x89: {  	s3 =	sld [smem:$0x3FFE];
	_ =	sdelay $0x1  }
0x8a: {  	s1 =	srdreg.scid  }
0x8b: {  	s0 =	sand.u32 $0x1, s1  }
0x8c: {  	s15 =	sshll.u32 s0, $0xA;
	s2 =	sadd.s32 s3, s2  }
0x8d: {  	s2 =	sadd.s32 s2, s15  }
0x8e: {  	[smem:$0x3FB4] =	sst s2  }
0x8f: {  	_ = 	snop  }
0x90: {  	s2 =	sld [smem:$0x3FD0];
	_ =	sdelay $0x2  }
0x91: {  	s16 =	simm.s32 $0xB;
	s4 =	simm.s32 $0x10  }
0x92: {  	[smem:s4], [sflag:s16] =	dma.local [hbm:s2], $0x1  }
0x93: {  	_ =	swait.eq [sflag:s16], $0x1  }
0x94: {  	[sflag:s16] =	ssyncset.done $0x0  }
0x95: {  	[sflag:s16] =	ssyncadd.s32 $0xFFFFFFFF  }
0x96: {  	s17 =	sld [smem:$0x10];
	(tm) =	ssettm $0x1  }
0x97: {  	s18 =	sld [smem:$0x3FFB];
	_ =	sdelay $0x3  }
0x98: {  	_ =	strace s18  }
0x99: {  	s2 =	sld [smem:$0x3FFC];
	_ =	sdelay $0x3  }
0x9a: {  	_ =	strace s2  }
0x9b: {  	s2 =	sld [smem:$0x3FFD];
	_ =	sdelay $0x3  }
0x9c: {  	_ =	strace s2  }
0x9d: {  	_ =	strace $0x8FFFFFFF  }
0x9e: {  	s19 =	sld [smem:$0x3FDB];
	_ =	sdelay $0x1  }
0x9f: {  	s20 =	simm.s32 $_scs_section_size  }
0xa0: {  	s5 =	simm.s32 $_size__tile_overlayer_lowered;
	s6 =	simm.s32 $_tile_overlayer_lowered  }
0xa1: {  	s7 =	simm.s32 $0x1BFF;
	s21 =	sshll.u32 s6, $0x1;
	s4 =	sadd.s32 s20, s19  }
0xa2: {  	s22 =	simm.s32 $0x0;
	s5 =	sshll.u32 s5, $0x1;
	s6 =	sadd.s32 s21, s4  }
0xa3: {  	[timem:s22], [sflag:s7] =	dma.local [hbm:s6], s5  }
0xa4: {  	_ =	swait.ge [sflag:s7], s5  }
0xa5: {  	s5 =	ssub.s32 $0x0, s5;
	[sflag:s7] =	ssyncset.done $0x0  }
0xa6: {  	[sflag:s7] =	ssyncadd.s32 s5;
	_ =	sdelay $0x1  }
0xa7: {  	s23 =	simm.s32 $0x1B8B  }
0xa8: {  	_ =	swait.ge [sflag:s23], $0x1  }
0xa9: {  	[sflag:s23] =	ssyncset.done $0x0  }
0xaa: {  	[sflag:s23] =	ssyncadd.s32 $0xFFFFFFFF  }
0xab: {  	s5 =	sld [smem:$0x0]  }
0xac: {  	s6 =	sand.u32 $0xFFFFFFFE, s1  }
0xad: {  	p0 =	sne.s32 s1, s6  }
0xae: {  	s6 =	sshll.u32 @p0 s6, $0xE  }
0xaf: {  	s6 =	sadd.s32 @p0 $0x11B8D, s6;
	s7 =	sshll.u32 @p0 s5, $0x11  }
0xb0: {  	s6 =	sor.u32 @p0 s7, s6  }
0xb1: {  	[sflag:s6] =	ssyncadd.remote.s32 @p0 $0x1;
	_ =	sdelay $0x1  }
0xb2: {  	s6 =	simm.s32 @p0 $0x1B8D  }
0xb3: {  	_ =	swait.eq @p0 [sflag:s6], $0x1  }
0xb4: {  	[sflag:s6] =	ssyncadd.s32 @p0 $0xFFFFFFFF  }
0xb5: {  	s7 =	sshll.u32 @!p0 s1, $0xE  }
0xb6: {  	s7 =	sor.u32 @!p0 $0x4000, s7;
	s6 =	simm.s32 @!p0 $0x1B8D  }
0xb7: {  	s5 =	sshll.u32 @!p0 s5, $0x11;
	s7 =	sadd.s32 @!p0 $0x11B8D, s7;
	_ =	swait.eq @!p0 [sflag:s6], $0x1  }
0xb8: {  	s5 =	sor.u32 @!p0 s5, s7;
	[sflag:s6] =	ssyncadd.s32 @!p0 $0xFFFFFFFF  }
0xb9: {  	s25 =	simm.s32 $0x1B8E;
	s24 =	sld [smem:$0x3FFE];
	[sflag:s5] =	ssyncadd.remote.s32 @!p0 $0x1  }
0xba: {  	s26 =	simm.s32 $execute0_lowered;
	[smem:$0x3FD2] =	sst s25  }
0xbb: {  	s6 =	sshll.u32 s26, $0x1;
	_ =	strace $0x80000049;
	[dreg:$0x1] =	wrdreg $0xFFFFFFFF  }
0xbc: {  	s28 =	simm.s32 $_size_execute0_lowered;
	s4 =	sadd.s32 s4, s6;
	[dreg:$0x0] =	wrdreg $0x0  }
0xbd: {  	s6 =	sshll.u32 s28, $0x1;
	[dreg:$0x2] =	wrdreg s4  }
0xbe: {  	[dreg:$0x3] =	wrdreg s6  }
0xbf: {  	[dreg:$0x4] =	wrdreg $0xC0  }
0xc0: {  	_ =	task [dreg:s22], $0x5FFFF  }
0xc1: {  	[dreg:$0x1] =	wrdreg $0xFFFFFFFF  }
0xc2: {  	[dreg:$0x0] =	wrdreg $0x60  }
0xc3: {  	[dreg:$0x2] =	wrdreg s17  }
0xc4: {  	[dreg:$0x3] =	wrdreg s24  }
0xc5: {  	[dreg:$0x4] =	wrdreg $0xA2000  }
0xc6: {  	[dreg:$0x5] =	wrdreg $0xA  }
0xc7: {  	_ =	task.clear_ibuf [dreg:s22], $0x6FFFF;
	_ =	strace $0x90000049  }
0xc8: {  	s29 =	simm.s32 $0xA;
	_ =	strace $0x8000004B  }
0xc9: {  	_ =	swait.ge [sflag:s29], $0x1  }
0xca: {  	[sflag:s29] =	ssyncadd.s32 $0xFFFFFFFF  }
0xcb: {  	_ =	strace $0x9000004B  }
0xcc: {  	_ =	sfence  }
0xcd: {  	s30 =	sld [smem:$0x0];
	_ =	sdelay $0x2  }
0xce: {  	s31 =	sshll.u32 s1, $0xD;
	s1 =	sshrl.u32 s1, $0x2  }
0xcf: {  	s4 =	sand.u32 $0x4000, s31;
	s1 =	sadd.s32 s1, s30  }
0xd0: {  	s0 =	sor.u32 s4, s0;
	s1 =	sshll.u32 s1, $0x11  }
0xd1: {  	s0 =	sor.u32 s1, s0  }
0xd2: {  	s0 =	sadd.s32 $0x8F2B, s0  }
0xd3: {  	[sflag:s0] =	ssyncadd.remote.s32 $0x1  }
0xd4: {  	_ =	sfence.sel $0xFFFF  }
0xd5: {  	[dreg:$0x0] =	wrdreg $0xFFFFFFFF;
	(pc) =	sbr.abs _section_cstart, $3  }
0xd6: {  	[dreg:$0x1] =	wrdreg $0xFFFFFFFF  }
0xd7: {  	_ =	task.clear_ibuf [dreg:s22], $0x2FFFF;
	_ =	strace $0x9FFFFFFF  }
0xd8: {  	(tm) =	ssettm $0x7FFFFFFF  }
0xd9: {  	_ =	shalt  }
tec
execute0_lowered:
.L_overlay_start_1:
0x0: {  	(tag) =	ssettag $0x1  }
0x1: {  	s0 =	srdreg.scid;
	s26 =	stileid.u32  }
0x2: {  	s0 =	sand.u32 $0x1, s0;
	s8 =	smul.u32 $0xA000, s26  }
0x3: {  	s5 =	smul.u32 $0x271000, s0  }
0x4: {  	s9 =	sor.u32 $0x10, s26;
	s6 =	smul.u32 $0x27100, s0  }
0x5: {  	s1 =	rddreg [dreg:$0x0];
	s11 =	sor.u32 $0x20, s26;
	s10 =	smul.u32 $0xA000, s9  }
0x6: {  	s7 =	rddreg [dreg:$0x1];
	s13 =	sor.u32 $0x30, s26;
	s12 =	smul.u32 $0xA000, s11  }
0x7: {  	s2 =	rddreg [dreg:$0x2];
	s15 =	sor.u32 $0x40, s26;
	s14 =	smul.u32 $0xA000, s13  }
0x8: {  	s3 =	simm.s32 $0x0;
	s17 =	sor.u32 $0x50, s26;
	s16 =	smul.u32 $0xA000, s15  }
0x9: {  	s31 =	simm.s32 $0x5200;
	s19 =	sor.u32 $0x60, s26;
	s18 =	smul.u32 $0xA000, s17  }
0xa: {  	s29 =	simm.s32 $0x0;
	s20 =	sor.u32 $0x70, s26;
	s21 =	smul.u32 $0xA000, s19  }
0xb: {  	[smem:$0x7FF] =	sst s3;
	s4 =	sadd.s32 $0x60000, s7;
	s23 =	smul.u32 $0xA000, s20  }
0xc: {  	p0 =	sgt.u32 s26, $0xC;
	s0 =	ssub.s32 $0x2, s0;
	s9 =	smul.u32 $0x500, s9  }
0xd: {  	_ =	strace $0x8000004A;
	s19 =	smul.u32 $0x500, s19;
	s22 =	sshrl.u32 s0, $0x1  }
0xe: {  	s25 =	sshrl.u32 s8, $0x2;
	s8 =	smul.u32 $0x500, s11;
	s24 =	sadd.s32 s5, s7  }
0xf: {  	s0 =	ssub.s32 s0, s22;
	s22 =	smul.u32 $0x500, s26;
	s5 =	sadd.s32 s1, s6  }
0x10: {  	s1 =	sadd.s32 s6, s7;
	s30 =	sadd.s32 s25, s2;
	s25 =	smul.u32 $0x500, s13  }
0x11: {  	s6 =	sadd.s32 $0x5B000, s7;
	s11 =	sshrl.u32 s10, $0x2;
	s13 =	smul.u32 $0x500, s17  }
0x12: {  	s18 =	sshrl.u32 s18, $0x2;
	s7 =	sadd.s32 s11, s2;
	s11 =	sshrl.u32 s12, $0x2  }
0x13: {  	s12 =	smul.u32 $0x500, s15;
	s15 =	sadd.s32 s18, s2;
	[dreg:$0x4] =	wrdreg s7  }
0x14: {  	s17 =	sshrl.u32 s23, $0x2;
	s0 =	smax.u32 s0, $0x1;
	[dreg:$0x10] =	wrdreg s15  }
0x15: {  	s1 =	sadd.s32 $0x65000, s1;
	s7 =	sadd.s32 s11, s2;
	[dreg:$0x13] =	wrdreg s0  }
0x16: {  	s23 =	smul.u32 $0x27100, s26;
	s22 =	sadd.s32 s22, s1;
	[dreg:$0x5] =	wrdreg s7  }
0x17: {  	s9 =	sadd.s32 s9, s1;
	s8 =	sadd.s32 s8, s1;
	[dreg:$0x6] =	wrdreg s22  }
0x18: {  	s25 =	sadd.s32 s25, s1;
	s10 =	sadd.s32 s13, s1;
	[dreg:$0x7] =	wrdreg s9  }
0x19: {  	s11 =	sadd.s32 s19, s1;
	s0 =	simm.s32 $0x100;
	[dreg:$0x8] =	wrdreg s8  }
0x1a: {  	s15 =	simm.s32 $0x7A00;
	s7 =	sshrl.u32 s14, $0x2;
	[dreg:$0x9] =	wrdreg s25  }
0x1b: {  	s14 =	sshrl.u32 s16, $0x2;
	s16 =	smul.u32 $0x500, s20;
	[dreg:$0xb] =	wrdreg s10  }
0x1c: {  	s9 =	sadd.s32 s12, s1;
	[dreg:$0xc] =	wrdreg s11;
	s12 =	smul.u32 $0x2710, s26  }
0x1d: {  	s22 =	sadd.s32 s17, s2;
	s25 =	sadd.s32 $0x9D0E00, s24;
	s10 =	simm.s32 $0x1  }
0x1e: {  	s11 =	simm.s32 $0x50;
	s17 =	simm.s32 $0x2;
	[dreg:$0xa] =	wrdreg s9  }
0x1f: {  	s7 =	sadd.s32 s7, s2;
	s13 =	sadd.s32 s14, s2;
	s24 =	sadd.s32 s23, s25  }
0x20: {  	s14 =	simm.s32 $0x180;
	s23 =	simm.s32 $0x2A00;
	[dreg:$0xe] =	wrdreg s7  }
0x21: {  	s1 =	sadd.s32 @!p0 s16, s1;
	[dreg:$0xf] =	wrdreg s13;
	s16 =	sshrl.u32 s21, $0x2  }
0x22: {  	s18 =	sshrl.u32 s12, $0x3;
	s26 =	sadd.s32 $0x50, s12;
	s28 =	sadd.s32 $0xA0, s12  }
0x23: {  	[dreg:$0x14] =	wrdreg s24;
	s12 =	simm.s32 $0x200;
	s13 =	simm.s32 $0x80  }
0x24: {  	s24 =	simm.s32 $0x4;
	[dreg:$0xd] =	wrdreg s1;
	s19 =	sadd.s32 s4, s18  }
0x25: {  	s21 =	sadd.s32 s16, s2;
	s20 =	sadd.s32 s6, s18;
	[dreg:$0x11] =	wrdreg s19  }
0x26: {  	v0 =	vimm.f32 $0.0e+00;
	s1 =	simm.s32 $0x5;
	s16 =	simm.s32 $0x3;
	[dreg:$0x12] =	wrdreg s20  }
.LBB2_1:
0x27: {  	s7 =	simm.s32 $0x0;
	s8 =	simm.s32 $0x200  }
.LBB2_2:
0x28: {  	p1 =	sne.s32 s8, $0x9E00;
	[tilespmem:s7+$0x5270] =	vst v0  }
0x29: {  	[tilespmem:s7+$0x5200] =	vst v0  }
0x2a: {  	[tilespmem:s7+$0x5210] =	vst v0  }
.Ltmp0:
0x2b: {  	[tilespmem:s7+$0x5220] =	vst v0;
	(pc) =	sbr.rel @p1 .LBB2_2-.Ltmp0, $4  }
0x2c: {  	[tilespmem:s7+$0x5230] =	vst v0  }
0x2d: {  	[tilespmem:s7+$0x5240] =	vst v0  }
0x2e: {  	[tilespmem:s7+$0x5250] =	vst v0  }
0x2f: {  	[tilespmem:s7+$0x5260] =	vst v0;
	s7 =	sshra.s32 s8, $0x2;
	s8 =	sadd.s32 $0x200, s8  }
0x30: {  	[tilespmem:s7+$0x5270] =	vst v0  }
0x31: {  	[tilespmem:s7+$0x5200] =	vst v0  }
0x32: {  	[tilespmem:s7+$0x5210] =	vst v0  }
0x33: {  	[tilespmem:s7+$0x5220] =	vst v0  }
0x34: {  	[tilespmem:s7+$0x5230] =	vst v0  }
0x35: {  	[tilespmem:s7+$0x5240] =	vst v0  }
0x36: {  	[tilespmem:s7+$0x5250] =	vst v0  }
0x37: {  	[tilespmem:s7+$0x5260] =	vst v0  }
0x38: {  	[spmem:s30] =	stream.linear.scatter [tilespmem:s31], [sflag:$0x5], $0x2800, $0x38;
	[tilespmem:$0x1DA80] =	vst v63  }
0x39: {  	_ =	swait.ge [sflag:s1], $0x2800  }
0x3a: {  	[sflag:s1] =	ssyncset.done $0x0  }
0x3b: {  	s8 =	rddreg [dreg:$0x4];
	[sflag:s1] =	ssyncadd.s32 $0xFFFFD800  }
0x3c: {  	[spmem:s8] =	stream.linear.scatter [tilespmem:s31], [sflag:$0x5], $0x2800, $0x38;
	[tilespmem:$0x1DA80] =	vst v63  }
0x3d: {  	_ =	swait.ge [sflag:s1], $0x2800  }
0x3e: {  	[sflag:s1] =	ssyncset.done $0x0  }
0x3f: {  	s9 =	rddreg [dreg:$0x5];
	[sflag:s1] =	ssyncadd.s32 $0xFFFFD800  }
0x40: {  	[spmem:s9] =	stream.linear.scatter [tilespmem:s31], [sflag:$0x5], $0x2800, $0x38;
	[tilespmem:$0x1DA80] =	vst v63  }
0x41: {  	_ =	swait.ge [sflag:s1], $0x2800  }
0x42: {  	[sflag:s1] =	ssyncset.done $0x0  }
0x43: {  	s18 =	rddreg [dreg:$0xe];
	[sflag:s1] =	ssyncadd.s32 $0xFFFFD800  }
0x44: {  	[spmem:s18] =	stream.linear.scatter [tilespmem:s31], [sflag:$0x5], $0x2800, $0x38;
	[tilespmem:$0x1DA80] =	vst v63  }
0x45: {  	_ =	swait.ge [sflag:s1], $0x2800  }
0x46: {  	[sflag:s1] =	ssyncset.done $0x0  }
0x47: {  	s19 =	rddreg [dreg:$0xf];
	[sflag:s1] =	ssyncadd.s32 $0xFFFFD800  }
0x48: {  	[spmem:s19] =	stream.linear.scatter [tilespmem:s31], [sflag:$0x5], $0x2800, $0x38;
	[tilespmem:$0x1DA80] =	vst v63  }
0x49: {  	_ =	swait.ge [sflag:s1], $0x2800  }
0x4a: {  	[sflag:s1] =	ssyncset.done $0x0  }
0x4b: {  	s8 =	rddreg [dreg:$0x10];
	[sflag:s1] =	ssyncadd.s32 $0xFFFFD800  }
0x4c: {  	[spmem:s8] =	stream.linear.scatter [tilespmem:s31], [sflag:$0x5], $0x2800, $0x38;
	[tilespmem:$0x1DA80] =	vst v63  }
0x4d: {  	_ =	swait.ge [sflag:s1], $0x2800  }
0x4e: {  	[sflag:s1] =	ssyncset.done $0x0  }
0x4f: {  	[sflag:s1] =	ssyncadd.s32 $0xFFFFD800  }
0x50: {  	[spmem:s21] =	stream.linear.scatter [tilespmem:s31], [sflag:$0x5], $0x2800, $0x38;
	[tilespmem:$0x1DA80] =	vst v63  }
0x51: {  	_ =	swait.ge [sflag:s1], $0x2800  }
0x52: {  	[sflag:s1] =	ssyncset.done $0x0  }
0x53: {  	s7 =	simm.s32 @!p0 $0x5200;
	[sflag:s1] =	ssyncadd.s32 $0xFFFFD800  }
0x54: {  	[spmem:s22] =	stream.linear.scatter @!p0 [tilespmem:s7], [sflag:$0x5], $0x2800, $0x38;
	[tilespmem:$0x1DA80] =	vst v63  }
0x55: {  	s7 =	simm.s32 @!p0 $0x5  }
0x56: {  	_ =	swait.ge @!p0 [sflag:s7], $0x2800  }
0x57: {  	[sflag:s7] =	ssyncset.done @!p0 $0x0  }
0x58: {  	[sflag:s7] =	ssyncadd.s32 @!p0 $0xFFFFD800  }
0x59: {  	[bflag:$0x0] =	sbarrier.arrive $0xFFFF  }
0x5a: {  	s20 =	smov.u32 s30;
	s30 =	simm.s32 $0x0;
	s9 =	rddreg [dreg:$0x11]  }
0x5b: {  	[tilespmem:s30], [sflag:$0x1] =	stream.linear.gather [hbm4b:s9+s30], $0x50, $0x38;
	[tilespmem:$0x1DA80] =	vst v63  }
0x5c: {  	s18 =	rddreg [dreg:$0x12]  }
0x5d: {  	[tilespmem:s0], [sflag:$0x1] =	stream.linear.gather [hbm4b:s18+s30], $0x50, $0x38;
	[tilespmem:$0x1DA80] =	vst v63  }
0x5e: {  	s19 =	rddreg [dreg:$0x14]  }
0x5f: {  	[tilespmem:s31], [sflag:$0x1] =	stream.linear.gather [hbm4b:s19+s30], $0x2800, $0x38;
	[tilespmem:$0x1DA80] =	vst v63  }
0x60: {  	_ =	swait.ge [sflag:s10], $0x50  }
0x61: {  	[sflag:s10] =	ssyncset.done $0x0  }
0x62: {  	[sflag:s10] =	ssyncadd.s32 $0xFFFFFFB0  }
0x63: {  	_ =	swait.ge [sflag:s10], $0x50  }
0x64: {  	[sflag:s10] =	ssyncset.done $0x0  }
0x65: {  	[sflag:s10] =	ssyncadd.s32 $0xFFFFFFB0  }
0x66: {  	_ =	swait.ge [sflag:s10], $0x2800  }
0x67: {  	[sflag:s10] =	ssyncset.done $0x0  }
0x68: {  	s7 =	simm.s32 $0x0;
	[sflag:s10] =	ssyncadd.s32 $0xFFFFD800  }
0x69: {  	[tilespmem:s12], [sflag:$0x3] =	stream.indirect.gather [hbm4b:s5+s11], $0x80, s30, s11, $0xb8;
	[tilespmem:$0x1DA80] =	vst v63  }
.LBB2_4:
0x6a: {  	s8 =	smul.u32 $0xA0, s7;
	_ =	sdelay $0x1  }
0x6b: {  	s9 =	sadd.s32 s8, s26  }
0x6c: {  	s18 =	sshrl.u32 s9, $0x3  }
0x6d: {  	s19 =	sadd.s32 s4, s18  }
0x6e: {  	[tilespmem:s13], [sflag:$0x2] =	stream.linear.gather [hbm4b:s19+s30], $0x50, $0x38;
	[tilespmem:$0x1DA80] =	vst v63  }
0x6f: {  	s9 =	sshll.u32 s9, $0x4;
	s18 =	sadd.s32 s6, s18  }
0x70: {  	[tilespmem:s14], [sflag:$0x2] =	stream.linear.gather [hbm4b:s18+s30], $0x50, $0x38;
	[tilespmem:$0x1DA80] =	vst v63  }
0x71: {  	s9 =	sadd.s32 s25, s9  }
0x72: {  	[tilespmem:s15], [sflag:$0x2] =	stream.linear.gather [hbm4b:s9+s30], $0x2800, $0x38;
	[tilespmem:$0x1DA80] =	vst v63  }
0x73: {  	_ =	swait.ge [sflag:s16], $0x2800  }
0x74: {  	[sflag:s16] =	ssyncset.done $0x0  }
0x75: {  	s9 =	simm.s32 $0x0;
	[sflag:s16] =	ssyncadd.s32 $0xFFFFD800  }
0x76: {  	v7 =	vld [tilespmem:s9+$0x200]  }
0x77: {  	v12 =	vld [tilespmem:s9+$0x210]  }
0x78: {  	v6 =	vld [tilespmem:s9+$0x220]  }
0x79: {  	v5 =	vld [tilespmem:s9+$0x230]  }
0x7a: {  	v4 =	vld [tilespmem:s9+$0x240]  }
0x7b: {  	v3 =	vld [tilespmem:s9+$0x250]  }
0x7c: {  	v2 =	vld [tilespmem:s9+$0x260]  }
0x7d: {  	v1 =	vld [tilespmem:s9+$0x270]  }
0x7e: {  	v13 =	vld [tilespmem:s9+$0x5200]  }
0x7f: {  	v14 =	vld [tilespmem:s9+$0x5210]  }
0x80: {  	v11 =	vld [tilespmem:s9+$0x5220]  }
0x81: {  	v10 =	vld [tilespmem:s9+$0x5230]  }
0x82: {  	v9 =	vld [tilespmem:s9+$0x5240]  }
0x83: {  	v8 =	vld [tilespmem:s9+$0x5250];
	v13 =	vadd.f32 v7, v13  }
0x84: {  	s18 =	simm.s32 $0x200;
	v12 =	vadd.f32 v12, v14;
	v7 =	vld [tilespmem:s9+$0x5260]  }
.LBB2_5:
0x85: {  	s19 =	sshra.s32 s18, $0x2;
	p1 =	sne.s32 s18, $0x4E00;
	v13 =	vmax.f32 v13, $0.0e+00;
	v6 =	vadd.f32 v6, v11;
	v11 =	vld [tilespmem:s9+$0x5270]  }
0x86: {  	v14 =	vld [tilespmem:s19+$0x200];
	[tilespmem:s9+$0x5200] =	vst v13;
	v12 =	vmax.f32 v12, $0.0e+00;
	v5 =	vadd.f32 v5, v10  }
0x87: {  	v15 =	vld [tilespmem:s19+$0x210];
	[tilespmem:s9+$0x5210] =	vst v12;
	v10 =	vmax.f32 v6, $0.0e+00;
	v4 =	vadd.f32 v4, v9  }
0x88: {  	v6 =	vld [tilespmem:s19+$0x220];
	[tilespmem:s9+$0x5220] =	vst v10;
	v9 =	vmax.f32 v5, $0.0e+00;
	v3 =	vadd.f32 v3, v8  }
0x89: {  	v5 =	vld [tilespmem:s19+$0x230];
	[tilespmem:s9+$0x5230] =	vst v9;
	v8 =	vmax.f32 v4, $0.0e+00;
	v2 =	vadd.f32 v2, v7  }
0x8a: {  	v4 =	vld [tilespmem:s19+$0x240];
	[tilespmem:s9+$0x5240] =	vst v8;
	v7 =	vmax.f32 v3, $0.0e+00;
	v1 =	vadd.f32 v1, v11  }
0x8b: {  	v3 =	vld [tilespmem:s19+$0x250];
	[tilespmem:s9+$0x5250] =	vst v7;
	v7 =	vmax.f32 v2, $0.0e+00  }
0x8c: {  	v2 =	vld [tilespmem:s19+$0x260];
	[tilespmem:s9+$0x5260] =	vst v7;
	v7 =	vmax.f32 v1, $0.0e+00  }
0x8d: {  	v1 =	vld [tilespmem:s19+$0x270];
	[tilespmem:s9+$0x5270] =	vst v7;
	s9 =	smov.u32 s19  }
0x8e: {  	v7 =	vld [tilespmem:s9+$0x5200]  }
0x8f: {  	v12 =	vld [tilespmem:s9+$0x5210]  }
.Ltmp1:
0x90: {  	v11 =	vld [tilespmem:s9+$0x5220];
	(pc) =	sbr.rel @p1 .LBB2_5-.Ltmp1, $4  }
0x91: {  	v10 =	vld [tilespmem:s9+$0x5230]  }
0x92: {  	v9 =	vld [tilespmem:s9+$0x5240]  }
0x93: {  	v13 =	vadd.f32 v14, v7;
	v8 =	vld [tilespmem:s9+$0x5250]  }
0x94: {  	s18 =	sadd.s32 $0x200, s18;
	v12 =	vadd.f32 v15, v12;
	v7 =	vld [tilespmem:s9+$0x5260]  }
0x95: {  	v13 =	vmax.f32 v13, $0.0e+00;
	v6 =	vadd.f32 v6, v11;
	v11 =	vld [tilespmem:s9+$0x5270]  }
0x96: {  	[tilespmem:s9+$0x5200] =	vst v13;
	v12 =	vmax.f32 v12, $0.0e+00;
	v5 =	vadd.f32 v5, v10  }
0x97: {  	[tilespmem:s9+$0x5210] =	vst v12;
	v6 =	vmax.f32 v6, $0.0e+00;
	v4 =	vadd.f32 v4, v9  }
0x98: {  	[tilespmem:s9+$0x5220] =	vst v6;
	v5 =	vmax.f32 v5, $0.0e+00;
	v3 =	vadd.f32 v3, v8  }
0x99: {  	[tilespmem:s9+$0x5230] =	vst v5;
	v4 =	vmax.f32 v4, $0.0e+00;
	v2 =	vadd.f32 v2, v7  }
0x9a: {  	[tilespmem:s9+$0x5240] =	vst v4;
	v3 =	vmax.f32 v3, $0.0e+00;
	v1 =	vadd.f32 v1, v11  }
0x9b: {  	[tilespmem:s9+$0x5250] =	vst v3;
	v2 =	vmax.f32 v2, $0.0e+00  }
0x9c: {  	[tilespmem:s9+$0x5260] =	vst v2;
	v1 =	vmax.f32 v1, $0.0e+00  }
0x9d: {  	[tilespmem:s9+$0x5270] =	vst v1  }
0x9e: {  	_ =	swait.ge [sflag:s17], $0x50  }
0x9f: {  	[sflag:s17] =	ssyncset.done $0x0  }
0xa0: {  	[sflag:s17] =	ssyncadd.s32 $0xFFFFFFB0  }
0xa1: {  	_ =	swait.ge [sflag:s17], $0x50  }
0xa2: {  	[sflag:s17] =	ssyncset.done $0x0  }
0xa3: {  	[sflag:s17] =	ssyncadd.s32 $0xFFFFFFB0  }
0xa4: {  	_ =	swait.ge [sflag:s17], $0x2800  }
0xa5: {  	[sflag:s17] =	ssyncset.done $0x0  }
0xa6: {  	s9 =	simm.s32 $0x0;
	[sflag:s17] =	ssyncadd.s32 $0xFFFFD800  }
0xa7: {  	[tilespmem:s23], [sflag:$0x4] =	stream.indirect.gather [hbm4b:s5+s11], $0x80, s13, s11, $0xb8;
	[tilespmem:$0x1DA80] =	vst v63  }
0xa8: {  	v7 =	vld [tilespmem:s9+$0x1600]  }
0xa9: {  	v12 =	vld [tilespmem:s9+$0x1610]  }
0xaa: {  	v6 =	vld [tilespmem:s9+$0x1620]  }
0xab: {  	v5 =	vld [tilespmem:s9+$0x1630]  }
0xac: {  	v4 =	vld [tilespmem:s9+$0x1640]  }
0xad: {  	v3 =	vld [tilespmem:s9+$0x1650]  }
0xae: {  	v2 =	vld [tilespmem:s9+$0x1660]  }
0xaf: {  	v1 =	vld [tilespmem:s9+$0x1670]  }
0xb0: {  	v13 =	vld [tilespmem:s9+$0x6600]  }
0xb1: {  	v14 =	vld [tilespmem:s9+$0x6610]  }
0xb2: {  	v11 =	vld [tilespmem:s9+$0x6620]  }
0xb3: {  	v10 =	vld [tilespmem:s9+$0x6630]  }
0xb4: {  	v9 =	vld [tilespmem:s9+$0x6640]  }
0xb5: {  	v8 =	vld [tilespmem:s9+$0x6650];
	v13 =	vadd.f32 v7, v13  }
0xb6: {  	s18 =	simm.s32 $0x200;
	v12 =	vadd.f32 v12, v14;
	v7 =	vld [tilespmem:s9+$0x6660]  }
.LBB2_7:
0xb7: {  	s19 =	sshra.s32 s18, $0x2;
	p1 =	sne.s32 s18, $0x4E00;
	v13 =	vmax.f32 v13, $0.0e+00;
	v6 =	vadd.f32 v6, v11;
	v11 =	vld [tilespmem:s9+$0x6670]  }
0xb8: {  	v14 =	vld [tilespmem:s19+$0x1600];
	[tilespmem:s9+$0x6600] =	vst v13;
	v12 =	vmax.f32 v12, $0.0e+00;
	v5 =	vadd.f32 v5, v10  }
0xb9: {  	v15 =	vld [tilespmem:s19+$0x1610];
	[tilespmem:s9+$0x6610] =	vst v12;
	v10 =	vmax.f32 v6, $0.0e+00;
	v4 =	vadd.f32 v4, v9  }
0xba: {  	v6 =	vld [tilespmem:s19+$0x1620];
	[tilespmem:s9+$0x6620] =	vst v10;
	v9 =	vmax.f32 v5, $0.0e+00;
	v3 =	vadd.f32 v3, v8  }
0xbb: {  	v5 =	vld [tilespmem:s19+$0x1630];
	[tilespmem:s9+$0x6630] =	vst v9;
	v8 =	vmax.f32 v4, $0.0e+00;
	v2 =	vadd.f32 v2, v7  }
0xbc: {  	v4 =	vld [tilespmem:s19+$0x1640];
	[tilespmem:s9+$0x6640] =	vst v8;
	v7 =	vmax.f32 v3, $0.0e+00;
	v1 =	vadd.f32 v1, v11  }
0xbd: {  	v3 =	vld [tilespmem:s19+$0x1650];
	[tilespmem:s9+$0x6650] =	vst v7;
	v7 =	vmax.f32 v2, $0.0e+00  }
0xbe: {  	v2 =	vld [tilespmem:s19+$0x1660];
	[tilespmem:s9+$0x6660] =	vst v7;
	v7 =	vmax.f32 v1, $0.0e+00  }
0xbf: {  	v1 =	vld [tilespmem:s19+$0x1670];
	[tilespmem:s9+$0x6670] =	vst v7;
	s9 =	smov.u32 s19  }
0xc0: {  	v7 =	vld [tilespmem:s9+$0x6600]  }
0xc1: {  	v12 =	vld [tilespmem:s9+$0x6610]  }
.Ltmp2:
0xc2: {  	v11 =	vld [tilespmem:s9+$0x6620];
	(pc) =	sbr.rel @p1 .LBB2_7-.Ltmp2, $4  }
0xc3: {  	v10 =	vld [tilespmem:s9+$0x6630]  }
0xc4: {  	v9 =	vld [tilespmem:s9+$0x6640]  }
0xc5: {  	v13 =	vadd.f32 v14, v7;
	v8 =	vld [tilespmem:s9+$0x6650]  }
0xc6: {  	s18 =	sadd.s32 $0x200, s18;
	v12 =	vadd.f32 v15, v12;
	v7 =	vld [tilespmem:s9+$0x6660]  }
0xc7: {  	v13 =	vmax.f32 v13, $0.0e+00;
	v6 =	vadd.f32 v6, v11;
	v11 =	vld [tilespmem:s9+$0x6670]  }
0xc8: {  	[tilespmem:s9+$0x6600] =	vst v13;
	v12 =	vmax.f32 v12, $0.0e+00;
	v5 =	vadd.f32 v5, v10  }
0xc9: {  	[tilespmem:s9+$0x6610] =	vst v12;
	v6 =	vmax.f32 v6, $0.0e+00;
	v4 =	vadd.f32 v4, v9  }
0xca: {  	[tilespmem:s9+$0x6620] =	vst v6;
	v5 =	vmax.f32 v5, $0.0e+00;
	v3 =	vadd.f32 v3, v8  }
0xcb: {  	[tilespmem:s9+$0x6630] =	vst v5;
	v4 =	vmax.f32 v4, $0.0e+00;
	v2 =	vadd.f32 v2, v7  }
0xcc: {  	[tilespmem:s9+$0x6640] =	vst v4;
	v3 =	vmax.f32 v3, $0.0e+00;
	v1 =	vadd.f32 v1, v11  }
0xcd: {  	[tilespmem:s9+$0x6650] =	vst v3;
	v2 =	vmax.f32 v2, $0.0e+00  }
0xce: {  	[tilespmem:s9+$0x6660] =	vst v2;
	v1 =	vmax.f32 v1, $0.0e+00  }
0xcf: {  	[tilespmem:s9+$0x6670] =	vst v1  }
0xd0: {  	[spmem:s2] =	stream.indirect.scatter.add.f32 [tilespmem:s31], [sflag:$0x5], $0x80, s0, s11, $0xb8;
	[tilespmem:$0x1DA80] =	vst v63  }
0xd1: {  	s8 =	sadd.s32 s8, s28;
	_ =	swait.ge [sflag:s1], $0x2800  }
0xd2: {  	s9 =	sshrl.u32 s8, $0x3;
	[sflag:s1] =	ssyncset.done $0x0  }
0xd3: {  	s19 =	simm.s32 $0x0;
	s18 =	sadd.s32 s4, s9;
	[sflag:s1] =	ssyncadd.s32 $0xFFFFD800  }
0xd4: {  	[tilespmem:s19], [sflag:$0x1] =	stream.linear.gather [hbm4b:s18+s19], $0x50, $0x38;
	[tilespmem:$0x1DA80] =	vst v63  }
0xd5: {  	s8 =	sshll.u32 s8, $0x4;
	s9 =	sadd.s32 s6, s9  }
0xd6: {  	[tilespmem:s0], [sflag:$0x1] =	stream.linear.gather [hbm4b:s9+s19], $0x50, $0x38;
	[tilespmem:$0x1DA80] =	vst v63  }
0xd7: {  	s8 =	sadd.s32 s25, s8  }
0xd8: {  	[tilespmem:s31], [sflag:$0x1] =	stream.linear.gather [hbm4b:s8+s19], $0x2800, $0x38;
	[tilespmem:$0x1DA80] =	vst v63  }
0xd9: {  	_ =	swait.ge [sflag:s24], $0x2800  }
0xda: {  	[sflag:s24] =	ssyncset.done $0x0  }
0xdb: {  	s8 =	simm.s32 $0x0;
	[sflag:s24] =	ssyncadd.s32 $0xFFFFD800  }
0xdc: {  	v7 =	vld [tilespmem:s8+$0x2A00]  }
0xdd: {  	v12 =	vld [tilespmem:s8+$0x2A10]  }
0xde: {  	v6 =	vld [tilespmem:s8+$0x2A20]  }
0xdf: {  	v5 =	vld [tilespmem:s8+$0x2A30]  }
0xe0: {  	v4 =	vld [tilespmem:s8+$0x2A40]  }
0xe1: {  	v3 =	vld [tilespmem:s8+$0x2A50]  }
0xe2: {  	v2 =	vld [tilespmem:s8+$0x2A60]  }
0xe3: {  	v1 =	vld [tilespmem:s8+$0x2A70]  }
0xe4: {  	v13 =	vld [tilespmem:s8+$0x7A00]  }
0xe5: {  	v14 =	vld [tilespmem:s8+$0x7A10]  }
0xe6: {  	v11 =	vld [tilespmem:s8+$0x7A20]  }
0xe7: {  	v10 =	vld [tilespmem:s8+$0x7A30]  }
0xe8: {  	v9 =	vld [tilespmem:s8+$0x7A40]  }
0xe9: {  	v8 =	vld [tilespmem:s8+$0x7A50];
	v13 =	vadd.f32 v7, v13  }
0xea: {  	s9 =	simm.s32 $0x200;
	v12 =	vadd.f32 v12, v14;
	v7 =	vld [tilespmem:s8+$0x7A60]  }
.LBB2_9:
0xeb: {  	s18 =	sshra.s32 s9, $0x2;
	p1 =	sne.s32 s9, $0x4E00;
	v13 =	vmax.f32 v13, $0.0e+00;
	v6 =	vadd.f32 v6, v11;
	v11 =	vld [tilespmem:s8+$0x7A70]  }
0xec: {  	v14 =	vld [tilespmem:s18+$0x2A00];
	[tilespmem:s8+$0x7A00] =	vst v13;
	v12 =	vmax.f32 v12, $0.0e+00;
	v5 =	vadd.f32 v5, v10  }
0xed: {  	v15 =	vld [tilespmem:s18+$0x2A10];
	[tilespmem:s8+$0x7A10] =	vst v12;
	v10 =	vmax.f32 v6, $0.0e+00;
	v4 =	vadd.f32 v4, v9  }
0xee: {  	v6 =	vld [tilespmem:s18+$0x2A20];
	[tilespmem:s8+$0x7A20] =	vst v10;
	v9 =	vmax.f32 v5, $0.0e+00;
	v3 =	vadd.f32 v3, v8  }
0xef: {  	v5 =	vld [tilespmem:s18+$0x2A30];
	[tilespmem:s8+$0x7A30] =	vst v9;
	v8 =	vmax.f32 v4, $0.0e+00;
	v2 =	vadd.f32 v2, v7  }
0xf0: {  	v4 =	vld [tilespmem:s18+$0x2A40];
	[tilespmem:s8+$0x7A40] =	vst v8;
	v7 =	vmax.f32 v3, $0.0e+00;
	v1 =	vadd.f32 v1, v11  }
0xf1: {  	v3 =	vld [tilespmem:s18+$0x2A50];
	[tilespmem:s8+$0x7A50] =	vst v7;
	v7 =	vmax.f32 v2, $0.0e+00  }
0xf2: {  	v2 =	vld [tilespmem:s18+$0x2A60];
	[tilespmem:s8+$0x7A60] =	vst v7;
	v7 =	vmax.f32 v1, $0.0e+00  }
0xf3: {  	v1 =	vld [tilespmem:s18+$0x2A70];
	[tilespmem:s8+$0x7A70] =	vst v7;
	s8 =	smov.u32 s18  }
0xf4: {  	v7 =	vld [tilespmem:s8+$0x7A00]  }
0xf5: {  	v12 =	vld [tilespmem:s8+$0x7A10]  }
.Ltmp3:
0xf6: {  	v11 =	vld [tilespmem:s8+$0x7A20];
	(pc) =	sbr.rel @p1 .LBB2_9-.Ltmp3, $4  }
0xf7: {  	v10 =	vld [tilespmem:s8+$0x7A30]  }
0xf8: {  	v9 =	vld [tilespmem:s8+$0x7A40]  }
0xf9: {  	v13 =	vadd.f32 v14, v7;
	v8 =	vld [tilespmem:s8+$0x7A50]  }
0xfa: {  	s9 =	sadd.s32 $0x200, s9;
	v12 =	vadd.f32 v15, v12;
	v7 =	vld [tilespmem:s8+$0x7A60]  }
0xfb: {  	v13 =	vmax.f32 v13, $0.0e+00;
	v6 =	vadd.f32 v6, v11;
	v11 =	vld [tilespmem:s8+$0x7A70]  }
0xfc: {  	[tilespmem:s8+$0x7A00] =	vst v13;
	v12 =	vmax.f32 v12, $0.0e+00;
	v5 =	vadd.f32 v5, v10  }
0xfd: {  	[tilespmem:s8+$0x7A10] =	vst v12;
	v6 =	vmax.f32 v6, $0.0e+00;
	v4 =	vadd.f32 v4, v9  }
0xfe: {  	[tilespmem:s8+$0x7A20] =	vst v6;
	v5 =	vmax.f32 v5, $0.0e+00;
	v3 =	vadd.f32 v3, v8  }
0xff: {  	[tilespmem:s8+$0x7A30] =	vst v5;
	v4 =	vmax.f32 v4, $0.0e+00;
	v2 =	vadd.f32 v2, v7  }
0x100: {  	[tilespmem:s8+$0x7A40] =	vst v4;
	v3 =	vmax.f32 v3, $0.0e+00;
	v1 =	vadd.f32 v1, v11  }
0x101: {  	[tilespmem:s8+$0x7A50] =	vst v3;
	v2 =	vmax.f32 v2, $0.0e+00  }
0x102: {  	[tilespmem:s8+$0x7A60] =	vst v2;
	v1 =	vmax.f32 v1, $0.0e+00  }
0x103: {  	[tilespmem:s8+$0x7A70] =	vst v1  }
0x104: {  	_ =	swait.ge [sflag:s10], $0x50  }
0x105: {  	[sflag:s10] =	ssyncset.done $0x0  }
0x106: {  	[sflag:s10] =	ssyncadd.s32 $0xFFFFFFB0  }
0x107: {  	_ =	swait.ge [sflag:s10], $0x50  }
0x108: {  	[sflag:s10] =	ssyncset.done $0x0  }
0x109: {  	[sflag:s10] =	ssyncadd.s32 $0xFFFFFFB0  }
0x10a: {  	_ =	swait.ge [sflag:s10], $0x2800  }
0x10b: {  	[sflag:s10] =	ssyncset.done $0x0  }
0x10c: {  	s19 =	simm.s32 $0x0;
	s8 =	simm.s32 $0x0;
	[sflag:s10] =	ssyncadd.s32 $0xFFFFD800  }
0x10d: {  	[tilespmem:s12], [sflag:$0x3] =	stream.indirect.gather [hbm4b:s5+s11], $0x80, s19, s11, $0xb8;
	[tilespmem:$0x1DA80] =	vst v63  }
0x10e: {  	v7 =	vld [tilespmem:s8+$0x3E00]  }
0x10f: {  	v12 =	vld [tilespmem:s8+$0x3E10]  }
0x110: {  	v6 =	vld [tilespmem:s8+$0x3E20]  }
0x111: {  	v5 =	vld [tilespmem:s8+$0x3E30]  }
0x112: {  	v4 =	vld [tilespmem:s8+$0x3E40]  }
0x113: {  	v3 =	vld [tilespmem:s8+$0x3E50]  }
0x114: {  	v2 =	vld [tilespmem:s8+$0x3E60]  }
0x115: {  	v1 =	vld [tilespmem:s8+$0x3E70]  }
0x116: {  	v13 =	vld [tilespmem:s8+$0x8E00]  }
0x117: {  	v14 =	vld [tilespmem:s8+$0x8E10]  }
0x118: {  	v11 =	vld [tilespmem:s8+$0x8E20]  }
0x119: {  	v10 =	vld [tilespmem:s8+$0x8E30]  }
0x11a: {  	v9 =	vld [tilespmem:s8+$0x8E40]  }
0x11b: {  	v8 =	vld [tilespmem:s8+$0x8E50];
	v13 =	vadd.f32 v7, v13  }
0x11c: {  	s9 =	simm.s32 $0x200;
	v12 =	vadd.f32 v12, v14;
	v7 =	vld [tilespmem:s8+$0x8E60]  }
.LBB2_11:
0x11d: {  	s18 =	sshra.s32 s9, $0x2;
	p1 =	sne.s32 s9, $0x4E00;
	v13 =	vmax.f32 v13, $0.0e+00;
	v6 =	vadd.f32 v6, v11;
	v11 =	vld [tilespmem:s8+$0x8E70]  }
0x11e: {  	v14 =	vld [tilespmem:s18+$0x3E00];
	[tilespmem:s8+$0x8E00] =	vst v13;
	v12 =	vmax.f32 v12, $0.0e+00;
	v5 =	vadd.f32 v5, v10  }
0x11f: {  	v15 =	vld [tilespmem:s18+$0x3E10];
	[tilespmem:s8+$0x8E10] =	vst v12;
	v10 =	vmax.f32 v6, $0.0e+00;
	v4 =	vadd.f32 v4, v9  }
0x120: {  	v6 =	vld [tilespmem:s18+$0x3E20];
	[tilespmem:s8+$0x8E20] =	vst v10;
	v9 =	vmax.f32 v5, $0.0e+00;
	v3 =	vadd.f32 v3, v8  }
0x121: {  	v5 =	vld [tilespmem:s18+$0x3E30];
	[tilespmem:s8+$0x8E30] =	vst v9;
	v8 =	vmax.f32 v4, $0.0e+00;
	v2 =	vadd.f32 v2, v7  }
0x122: {  	v4 =	vld [tilespmem:s18+$0x3E40];
	[tilespmem:s8+$0x8E40] =	vst v8;
	v7 =	vmax.f32 v3, $0.0e+00;
	v1 =	vadd.f32 v1, v11  }
0x123: {  	v3 =	vld [tilespmem:s18+$0x3E50];
	[tilespmem:s8+$0x8E50] =	vst v7;
	v7 =	vmax.f32 v2, $0.0e+00  }
0x124: {  	v2 =	vld [tilespmem:s18+$0x3E60];
	[tilespmem:s8+$0x8E60] =	vst v7;
	v7 =	vmax.f32 v1, $0.0e+00  }
0x125: {  	v1 =	vld [tilespmem:s18+$0x3E70];
	[tilespmem:s8+$0x8E70] =	vst v7;
	s8 =	smov.u32 s18  }
0x126: {  	v7 =	vld [tilespmem:s8+$0x8E00]  }
0x127: {  	v12 =	vld [tilespmem:s8+$0x8E10]  }
.Ltmp4:
0x128: {  	v11 =	vld [tilespmem:s8+$0x8E20];
	(pc) =	sbr.rel @p1 .LBB2_11-.Ltmp4, $4  }
0x129: {  	v10 =	vld [tilespmem:s8+$0x8E30]  }
0x12a: {  	v9 =	vld [tilespmem:s8+$0x8E40]  }
0x12b: {  	v13 =	vadd.f32 v14, v7;
	v8 =	vld [tilespmem:s8+$0x8E50]  }
0x12c: {  	s9 =	sadd.s32 $0x200, s9;
	v12 =	vadd.f32 v15, v12;
	v7 =	vld [tilespmem:s8+$0x8E60]  }
0x12d: {  	v13 =	vmax.f32 v13, $0.0e+00;
	v6 =	vadd.f32 v6, v11;
	v63 =	vld [tilespmem:s8+$0x8E70]  }
0x12e: {  	[tilespmem:s8+$0x8E00] =	vst v13;
	v12 =	vmax.f32 v12, $0.0e+00;
	v5 =	vadd.f32 v5, v10  }
0x12f: {  	[tilespmem:s8+$0x8E10] =	vst v12;
	v6 =	vmax.f32 v6, $0.0e+00;
	v4 =	vadd.f32 v4, v9  }
0x130: {  	[tilespmem:s8+$0x8E20] =	vst v6;
	v5 =	vmax.f32 v5, $0.0e+00;
	v3 =	vadd.f32 v3, v8  }
0x131: {  	[tilespmem:s8+$0x8E30] =	vst v5;
	v4 =	vmax.f32 v4, $0.0e+00;
	v2 =	vadd.f32 v2, v7  }
0x132: {  	[tilespmem:s8+$0x8E40] =	vst v4;
	v3 =	vmax.f32 v3, $0.0e+00;
	v1 =	vadd.f32 v1, v63  }
0x133: {  	s7 =	sadd.s32 $0x1, s7;
	[tilespmem:s8+$0x8E50] =	vst v3;
	v2 =	vmax.f32 v2, $0.0e+00  }
0x134: {  	p1 =	sne.s32 s7, $0x3E;
	[tilespmem:s8+$0x8E60] =	vst v2;
	v1 =	vmax.f32 v1, $0.0e+00  }
.Ltmp5:
0x135: {  	[tilespmem:s8+$0x8E70] =	vst v1;
	(pc) =	sbr.rel @p1 .LBB2_4-.Ltmp5, $4  }
0x136: {  	[spmem:s2] =	stream.indirect.scatter.add.f32 [tilespmem:s15], [sflag:$0x5], $0x80, s14, s11, $0xb8;
	[tilespmem:$0x1DA80] =	vst v63  }
0x137: {  	_ =	swait.ge [sflag:s1], $0x2800  }
0x138: {  	[sflag:s1] =	ssyncset.done $0x0  }
0x139: {  	[sflag:s1] =	ssyncadd.s32 $0xFFFFD800  }
0x13a: {  	_ =	swait.ge [sflag:s16], $0x2800  }
0x13b: {  	[sflag:s16] =	ssyncset.done $0x0  }
0x13c: {  	s7 =	simm.s32 $0x0;
	[sflag:s16] =	ssyncadd.s32 $0xFFFFD800  }
0x13d: {  	v7 =	vld [tilespmem:s7+$0x200]  }
0x13e: {  	v12 =	vld [tilespmem:s7+$0x210]  }
0x13f: {  	v6 =	vld [tilespmem:s7+$0x220]  }
0x140: {  	v5 =	vld [tilespmem:s7+$0x230]  }
0x141: {  	v4 =	vld [tilespmem:s7+$0x240]  }
0x142: {  	v3 =	vld [tilespmem:s7+$0x250]  }
0x143: {  	v2 =	vld [tilespmem:s7+$0x260]  }
0x144: {  	v1 =	vld [tilespmem:s7+$0x270]  }
0x145: {  	v13 =	vld [tilespmem:s7+$0x5200]  }
0x146: {  	v14 =	vld [tilespmem:s7+$0x5210]  }
0x147: {  	v11 =	vld [tilespmem:s7+$0x5220]  }
0x148: {  	v10 =	vld [tilespmem:s7+$0x5230]  }
0x149: {  	v9 =	vld [tilespmem:s7+$0x5240]  }
0x14a: {  	v8 =	vld [tilespmem:s7+$0x5250];
	v13 =	vadd.f32 v7, v13  }
0x14b: {  	s8 =	simm.s32 $0x200;
	v12 =	vadd.f32 v12, v14;
	v7 =	vld [tilespmem:s7+$0x5260]  }
.LBB2_14:
0x14c: {  	s9 =	sshra.s32 s8, $0x2;
	p1 =	sne.s32 s8, $0x9E00;
	v13 =	vmax.f32 v13, $0.0e+00;
	v6 =	vadd.f32 v6, v11;
	v11 =	vld [tilespmem:s7+$0x5270]  }
0x14d: {  	v14 =	vld [tilespmem:s9+$0x200];
	[tilespmem:s7+$0x5200] =	vst v13;
	v12 =	vmax.f32 v12, $0.0e+00;
	v5 =	vadd.f32 v5, v10  }
0x14e: {  	v15 =	vld [tilespmem:s9+$0x210];
	[tilespmem:s7+$0x5210] =	vst v12;
	v10 =	vmax.f32 v6, $0.0e+00;
	v4 =	vadd.f32 v4, v9  }
0x14f: {  	v6 =	vld [tilespmem:s9+$0x220];
	[tilespmem:s7+$0x5220] =	vst v10;
	v9 =	vmax.f32 v5, $0.0e+00;
	v3 =	vadd.f32 v3, v8  }
0x150: {  	v5 =	vld [tilespmem:s9+$0x230];
	[tilespmem:s7+$0x5230] =	vst v9;
	v8 =	vmax.f32 v4, $0.0e+00;
	v2 =	vadd.f32 v2, v7  }
0x151: {  	v4 =	vld [tilespmem:s9+$0x240];
	[tilespmem:s7+$0x5240] =	vst v8;
	v7 =	vmax.f32 v3, $0.0e+00;
	v1 =	vadd.f32 v1, v11  }
0x152: {  	v3 =	vld [tilespmem:s9+$0x250];
	[tilespmem:s7+$0x5250] =	vst v7;
	v7 =	vmax.f32 v2, $0.0e+00  }
0x153: {  	v2 =	vld [tilespmem:s9+$0x260];
	[tilespmem:s7+$0x5260] =	vst v7;
	v7 =	vmax.f32 v1, $0.0e+00  }
0x154: {  	v1 =	vld [tilespmem:s9+$0x270];
	[tilespmem:s7+$0x5270] =	vst v7;
	s7 =	smov.u32 s9  }
0x155: {  	v7 =	vld [tilespmem:s7+$0x5200]  }
0x156: {  	v12 =	vld [tilespmem:s7+$0x5210]  }
.Ltmp6:
0x157: {  	v11 =	vld [tilespmem:s7+$0x5220];
	(pc) =	sbr.rel @p1 .LBB2_14-.Ltmp6, $4  }
0x158: {  	v10 =	vld [tilespmem:s7+$0x5230]  }
0x159: {  	v9 =	vld [tilespmem:s7+$0x5240]  }
0x15a: {  	v13 =	vadd.f32 v14, v7;
	v8 =	vld [tilespmem:s7+$0x5250]  }
0x15b: {  	s8 =	sadd.s32 $0x200, s8;
	v12 =	vadd.f32 v15, v12;
	v7 =	vld [tilespmem:s7+$0x5260]  }
0x15c: {  	v13 =	vmax.f32 v13, $0.0e+00;
	v6 =	vadd.f32 v6, v11;
	v63 =	vld [tilespmem:s7+$0x5270]  }
0x15d: {  	[tilespmem:s7+$0x5200] =	vst v13;
	v12 =	vmax.f32 v12, $0.0e+00;
	v5 =	vadd.f32 v5, v10  }
0x15e: {  	[tilespmem:s7+$0x5210] =	vst v12;
	v6 =	vmax.f32 v6, $0.0e+00;
	v4 =	vadd.f32 v4, v9  }
0x15f: {  	[tilespmem:s7+$0x5220] =	vst v6;
	v5 =	vmax.f32 v5, $0.0e+00;
	v3 =	vadd.f32 v3, v8  }
0x160: {  	[tilespmem:s7+$0x5230] =	vst v5;
	v4 =	vmax.f32 v4, $0.0e+00;
	v2 =	vadd.f32 v2, v7  }
0x161: {  	[tilespmem:s7+$0x5240] =	vst v4;
	v3 =	vmax.f32 v3, $0.0e+00;
	v1 =	vadd.f32 v1, v63  }
0x162: {  	[tilespmem:s7+$0x5250] =	vst v3;
	v2 =	vmax.f32 v2, $0.0e+00  }
0x163: {  	[tilespmem:s7+$0x5260] =	vst v2;
	v1 =	vmax.f32 v1, $0.0e+00  }
0x164: {  	[tilespmem:s7+$0x5270] =	vst v1  }
0x165: {  	[spmem:s2] =	stream.indirect.scatter.add.f32 [tilespmem:s31], [sflag:$0x5], $0x80, s0, s11, $0xb8;
	[tilespmem:$0x1DA80] =	vst v63  }
0x166: {  	_ =	swait.ge [sflag:s1], $0x2800  }
0x167: {  	[sflag:s1] =	ssyncset.done $0x0  }
0x168: {  	[sflag:s1] =	ssyncadd.s32 $0xFFFFD800  }
0x169: {  	[bflag:$0x0] =	sbarrier.arrive $0xFFFF  }
0x16a: {  	[tilespmem:s31], [sflag:$0x5] =	stream.linear.gather [spmem:s20], $0x2800, $0x38;
	[tilespmem:$0x1DA80] =	vst v63  }
0x16b: {  	_ =	swait.ge [sflag:s1], $0x2800  }
0x16c: {  	[sflag:s1] =	ssyncset.done $0x0  }
0x16d: {  	s18 =	rddreg [dreg:$0x6];
	[sflag:s1] =	ssyncadd.s32 $0xFFFFD800  }
0x16e: {  	[hbm4b:s18+s3] =	stream.linear.scatter [tilespmem:s31], [sflag:$0x5], $0x2800, $0x38;
	[tilespmem:$0x1DA80] =	vst v63  }
0x16f: {  	_ =	swait.ge [sflag:s1], $0x2800  }
0x170: {  	[sflag:s1] =	ssyncset.done $0x0  }
0x171: {  	s19 =	rddreg [dreg:$0x4];
	[sflag:s1] =	ssyncadd.s32 $0xFFFFD800  }
0x172: {  	[tilespmem:s31], [sflag:$0x5] =	stream.linear.gather [spmem:s19], $0x2800, $0x38;
	[tilespmem:$0x1DA80] =	vst v63  }
0x173: {  	_ =	swait.ge [sflag:s1], $0x2800  }
0x174: {  	[sflag:s1] =	ssyncset.done $0x0  }
0x175: {  	s30 =	smov.u32 s20;
	s20 =	rddreg [dreg:$0x7];
	[sflag:s1] =	ssyncadd.s32 $0xFFFFD800  }
0x176: {  	[hbm4b:s20+s3] =	stream.linear.scatter [tilespmem:s31], [sflag:$0x5], $0x2800, $0x38;
	[tilespmem:$0x1DA80] =	vst v63  }
0x177: {  	_ =	swait.ge [sflag:s1], $0x2800  }
0x178: {  	[sflag:s1] =	ssyncset.done $0x0  }
0x179: {  	s8 =	rddreg [dreg:$0x5];
	[sflag:s1] =	ssyncadd.s32 $0xFFFFD800  }
0x17a: {  	[tilespmem:s31], [sflag:$0x5] =	stream.linear.gather [spmem:s8], $0x2800, $0x38;
	[tilespmem:$0x1DA80] =	vst v63  }
0x17b: {  	_ =	swait.ge [sflag:s1], $0x2800  }
0x17c: {  	[sflag:s1] =	ssyncset.done $0x0  }
0x17d: {  	s9 =	rddreg [dreg:$0x8];
	[sflag:s1] =	ssyncadd.s32 $0xFFFFD800  }
0x17e: {  	[hbm4b:s9+s3] =	stream.linear.scatter [tilespmem:s31], [sflag:$0x5], $0x2800, $0x38;
	[tilespmem:$0x1DA80] =	vst v63  }
0x17f: {  	_ =	swait.ge [sflag:s1], $0x2800  }
0x180: {  	[sflag:s1] =	ssyncset.done $0x0  }
0x181: {  	s18 =	rddreg [dreg:$0xe];
	[sflag:s1] =	ssyncadd.s32 $0xFFFFD800  }
0x182: {  	[tilespmem:s31], [sflag:$0x5] =	stream.linear.gather [spmem:s18], $0x2800, $0x38;
	[tilespmem:$0x1DA80] =	vst v63  }
0x183: {  	_ =	swait.ge [sflag:s1], $0x2800  }
0x184: {  	[sflag:s1] =	ssyncset.done $0x0  }
0x185: {  	s19 =	rddreg [dreg:$0x9];
	[sflag:s1] =	ssyncadd.s32 $0xFFFFD800  }
0x186: {  	[hbm4b:s19+s3] =	stream.linear.scatter [tilespmem:s31], [sflag:$0x5], $0x2800, $0x38;
	[tilespmem:$0x1DA80] =	vst v63  }
0x187: {  	_ =	swait.ge [sflag:s1], $0x2800  }
0x188: {  	[sflag:s1] =	ssyncset.done $0x0  }
0x189: {  	s20 =	rddreg [dreg:$0xf];
	[sflag:s1] =	ssyncadd.s32 $0xFFFFD800  }
0x18a: {  	[tilespmem:s31], [sflag:$0x5] =	stream.linear.gather [spmem:s20], $0x2800, $0x38;
	[tilespmem:$0x1DA80] =	vst v63  }
0x18b: {  	_ =	swait.ge [sflag:s1], $0x2800  }
0x18c: {  	[sflag:s1] =	ssyncset.done $0x0  }
0x18d: {  	s8 =	rddreg [dreg:$0xa];
	[sflag:s1] =	ssyncadd.s32 $0xFFFFD800  }
0x18e: {  	[hbm4b:s8+s3] =	stream.linear.scatter [tilespmem:s31], [sflag:$0x5], $0x2800, $0x38;
	[tilespmem:$0x1DA80] =	vst v63  }
0x18f: {  	_ =	swait.ge [sflag:s1], $0x2800  }
0x190: {  	[sflag:s1] =	ssyncset.done $0x0  }
0x191: {  	s9 =	rddreg [dreg:$0x10];
	[sflag:s1] =	ssyncadd.s32 $0xFFFFD800  }
0x192: {  	[tilespmem:s31], [sflag:$0x5] =	stream.linear.gather [spmem:s9], $0x2800, $0x38;
	[tilespmem:$0x1DA80] =	vst v63  }
0x193: {  	_ =	swait.ge [sflag:s1], $0x2800  }
0x194: {  	[sflag:s1] =	ssyncset.done $0x0  }
0x195: {  	s18 =	rddreg [dreg:$0xb];
	[sflag:s1] =	ssyncadd.s32 $0xFFFFD800  }
0x196: {  	[hbm4b:s18+s3] =	stream.linear.scatter [tilespmem:s31], [sflag:$0x5], $0x2800, $0x38;
	[tilespmem:$0x1DA80] =	vst v63  }
0x197: {  	_ =	swait.ge [sflag:s1], $0x2800  }
0x198: {  	[sflag:s1] =	ssyncset.done $0x0  }
0x199: {  	[sflag:s1] =	ssyncadd.s32 $0xFFFFD800  }
0x19a: {  	[tilespmem:s31], [sflag:$0x5] =	stream.linear.gather [spmem:s21], $0x2800, $0x38;
	[tilespmem:$0x1DA80] =	vst v63  }
0x19b: {  	_ =	swait.ge [sflag:s1], $0x2800  }
0x19c: {  	[sflag:s1] =	ssyncset.done $0x0  }
0x19d: {  	s19 =	rddreg [dreg:$0xc];
	[sflag:s1] =	ssyncadd.s32 $0xFFFFD800  }
0x19e: {  	[hbm4b:s19+s3] =	stream.linear.scatter [tilespmem:s31], [sflag:$0x5], $0x2800, $0x38;
	[tilespmem:$0x1DA80] =	vst v63  }
0x19f: {  	_ =	swait.ge [sflag:s1], $0x2800  }
0x1a0: {  	[sflag:s1] =	ssyncset.done $0x0  }
0x1a1: {  	s7 =	simm.s32 @!p0 $0x5200;
	s8 =	simm.s32 @!p0 $0x5;
	[sflag:s1] =	ssyncadd.s32 $0xFFFFD800  }
0x1a2: {  	[tilespmem:s7], [sflag:$0x5] =	stream.linear.gather @!p0 [spmem:s22], $0x2800, $0x38;
	[tilespmem:$0x1DA80] =	vst v63  }
0x1a3: {  	_ =	swait.ge @!p0 [sflag:s8], $0x2800  }
0x1a4: {  	[sflag:s8] =	ssyncset.done @!p0 $0x0  }
0x1a5: {  	s9 =	simm.s32 @!p0 $0x0;
	s18 =	rddreg [dreg:$0xd];
	[sflag:s8] =	ssyncadd.s32 @!p0 $0xFFFFD800  }
0x1a6: {  	[hbm4b:s18+s9] =	stream.linear.scatter @!p0 [tilespmem:s7], [sflag:$0x5], $0x2800, $0x38;
	[tilespmem:$0x1DA80] =	vst v63  }
0x1a7: {  	_ =	swait.ge @!p0 [sflag:s8], $0x2800  }
0x1a8: {  	s29 =	sadd.s32 $0x1, s29;
	s20 =	rddreg [dreg:$0x13]  }
0x1a9: {  	p1 =	sne.s32 s29, s20  }
.Ltmp7:
0x1aa: {  	_ = 	snop;
	(pc) =	sbr.rel @p1 .LBB2_1-.Ltmp7, $3  }
0x1ab: {  	_ =	sdelay $0x1  }
0x1ac: {  	[sflag:s8] =	ssyncset.done @!p0 $0x0  }
0x1ad: {  	[sflag:s8] =	ssyncadd.s32 @!p0 $0xFFFFD800  }
0x1ae: {  	_ =	sfence.sel $0x180000  }
0x1af: {  	[bflag:$0x0] =	sbarrier.arrive $0xFFFF  }
0x1b0: {  	_ =	strace $0x9000004A  }
0x1b1: {  	s0 =	stileid.u32;
	[bflag:$0x2] =	sbarrier.arrive $0xFFFF  }
0x1b2: {  	p0 =	sne.s32 s0, $0x0;
	s0 =	rddreg [dreg:$0x3]  }
0x1b3: {  	s0 =	sadd.s32 @!p0 $0x100000, s0  }
0x1b4: {  	[sflag:s0] =	ssyncadd.tile.s32 @!p0 $0x1;
	_ =	shalt  }
.Lfunc_end2:
_tile_overlayer_lowered:
.L_overlay_start_2:
0x1b5: {  	(tag) =	ssettag $0x2  }
0x1b6: {  	s0 =	rddreg [dreg:$0x0];
	s2 =	stileid.u32  }
0x1b7: {  	s1 =	rddreg [dreg:$0x1];
	p0 =	sne.s32 s2, $0x0  }
0x1b8: {  	s3 =	rddreg [dreg:$0x2];
	[bflag:$0x3] =	sbarrier.arrive $0xFFFF;
	s2 =	simm.s32 @!p0 $0x1C05  }
0x1b9: {  	[timem:s3], [sflag:s2] =	dma.local @!p0 [hbm:s0], s1  }
0x1ba: {  	s0 =	simm.s32 @!p0 $0x5  }
0x1bb: {  	_ =	swait.ge @!p0 [sflag:s0], s1  }
0x1bc: {  	s1 =	ssub.s32 @!p0 $0x0, s1;
	[sflag:s0] =	ssyncset.done @!p0 $0x0  }
0x1bd: {  	[sflag:s0] =	ssyncadd.s32 @!p0 s1  }
0x1be: {  	[bflag:$0x3] =	sbarrier.arrive $0xFFFF  }
0x1bf: {  	_ =	shalt  }

// kernel: kernel.8.cloned.1.call-start
scs
__scs_entry_jumppad:
0x0: {  	(pc) =	sbr.rel $0x88, $3  }
0x1: {  	(tag) =	ssettag $0x0;
	lr =	simm.s32 $0x1  }
0x2: {  	[smem:$0x3F8D] =	sst lr;
	_ =	strace $0xD0000000  }
0x3: {  	_ = 	snop  }
0x4: {  	_ = 	snop  }
0x5: {  	_ = 	snop  }
0x6: {  	_ = 	snop  }
0x7: {  	_ = 	snop  }
__scs_overlays_trampoline_lowered:
0x8: {  	[smem:$0x3F9C] =	sst s0  }
0x9: {  	[smem:$0x3F9D] =	sst s1  }
0xa: {  	[smem:$0x3F9E] =	sst s2  }
0xb: {  	[smem:$0x3F9F] =	sst s3  }
0xc: {  	[smem:$0x3FA0] =	sst s4  }
0xd: {  	[smem:$0x3FA1] =	sst s5  }
0xe: {  	[smem:$0x3FA2] =	sst s6  }
0xf: {  	[smem:$0x3FA3] =	sst s7  }
0x10: {  	[smem:$0x3FA4] =	sst s8  }
0x11: {  	[smem:$0x3FA5] =	sst s9;
	s0 =	simm.s32 @!p0 $0x0  }
0x12: {  	s1 =	sld [smem:$0x3F8B];
	s0 =	simm.s32 @p0 $0x1  }
0x13: {  	[smem:$0x3FA6] =	sst s0;
	s0 =	simm.s32 @!p1 $0x0  }
0x14: {  	s2 =	sld [smem:$0x3F8A];
	s0 =	simm.s32 @p1 $0x1  }
0x15: {  	[smem:$0x3FA7] =	sst s0;
	s0 =	simm.s32 @!p2 $0x0  }
0x16: {  	s3 =	sld [smem:$0x3FDB];
	s0 =	simm.s32 @p2 $0x1  }
0x17: {  	s4 =	simm.s32 $0x1BF5;
	[smem:$0x3FA9] =	sst s0  }
0x18: {  	s0 =	sld [smem:$0x3F8C];
	_ =	swait.ge [sflag:s4], $0x0  }
0x19: {  	s7 =	sld [smem:$0x3F8D]  }
0x1a: {  	s8 =	sadd.s32 $0xFFFFE003, lr  }
0x1b: {  	s9 =	sadd.s32 $0xFFFFFEF7, lr;
	s5 =	simm.s32 $0xFFFFFFFF;
	p2 =	slt.u32 s8, $0xFFFFF086  }
0x1c: {  	p1 =	slt.u32 s9, $0xF7A;
	s5 =	simm.s32 @!p2 $0x0  }
0x1d: {  	s5 =	simm.s32 @p1 $0x1;
	p0 =	seq.s32 s7, s2  }
0x1e: {  	s7 =	smul.u32 @!p0 $0xF7A, s2;
	p2 =	seq.s32 @!p0 s5, $0x0  }
0x1f: {  	s9 =	smul.u32 $0xF7A, s1;
	s8 =	simm.s32 @!p0 $0x1BF5;
	p2 =	por !p2, p0  }
0x20: {  	[sflag:s8] =	ssyncset.s32 @!p0 $0xFFFFF086;
	s6 =	sadd.s32 @!p0 s3, s7;
	s7 =	simm.s32 @!p0 $0x108  }
0x21: {  	s3 =	sadd.s32 s3, s9;
	s6 =	sadd.s32 @!p0 $0x88, s6;
	s7 =	simm.s32 @p2 $0x1082  }
0x22: {  	[simem:s7], [sflag:s8] =	dma.local @!p0 [hbm:s6], $0xF7A  }
0x23: {  	s9 =	sor.u32 $0xD0000000, s2;
	s6 =	simm.s32 $0x108;
	_ =	swait.ge @!p0 [sflag:s8], $0x0  }
0x24: {  	s3 =	sadd.s32 $0x88, s3;
	s6 =	simm.s32 @!p1 $0x1082;
	[sflag:s4] =	ssyncset.s32 $0xFFFFF086  }
0x25: {  	[simem:s6], [sflag:s4] =	dma.local [hbm:s3], $0xF7A  }
0x26: {  	[smem:$0x3F8D] =	sst s1;
	(tag) =	ssettag s2;
	_ =	strace s9  }
0x27: {  	s1 =	sld [smem:$0x3F9D]  }
0x28: {  	s2 =	sld [smem:$0x3F9E]  }
0x29: {  	s4 =	sld [smem:$0x3FA0]  }
0x2a: {  	p0 =	seq.s32 s5, $0x0;
	s5 =	sld [smem:$0x3FA1]  }
0x2b: {  	s6 =	sld [smem:$0x3FA2]  }
0x2c: {  	s7 =	sld [smem:$0x3FA3]  }
0x2d: {  	s3 =	simm.s32 $0x108;
	s8 =	sld [smem:$0x3FA4]  }
0x2e: {  	s3 =	simm.s32 @!p0 $0x1082;
	s9 =	sld [smem:$0x3FA5]  }
0x2f: {  	lr =	sadd.s32 s0, s3;
	s0 =	sld [smem:$0x3F9C]  }
0x30: {  	s3 =	sld [smem:$0x3F9F]  }
0x31: {  	[smem:$0x3FA8] =	sst s10  }
0x32: {  	s10 =	sld [smem:$0x3FA6];
	_ =	sdelay $0x3  }
0x33: {  	p0 =	seq.s32 s10, $0x1;
	s10 =	sld [smem:$0x3FA8];
	_ =	sdelay $0x3  }
0x34: {  	[smem:$0x3FA8] =	sst s10  }
0x35: {  	s10 =	sld [smem:$0x3FA7];
	_ =	sdelay $0x3  }
0x36: {  	p1 =	seq.s32 s10, $0x1;
	s10 =	sld [smem:$0x3FA8];
	_ =	sdelay $0x3  }
0x37: {  	[smem:$0x3FA8] =	sst s10  }
0x38: {  	s10 =	sld [smem:$0x3FA9]  }
0x39: {  	_ = 	snop;
	(pc) =	sbr.ind lr, $3  }
0x3a: {  	_ = 	snop  }
0x3b: {  	_ = 	snop  }
0x3c: {  	p2 =	seq.s32 s10, $0x1;
	s10 =	sld [smem:$0x3FA8]  }
0x3d: {  	_ =	shalt  }
0x3e: {  	_ =	shalt  }
0x3f: {  	_ =	shalt  }
0x40: {  	_ =	shalt  }
0x41: {  	_ =	shalt  }
0x42: {  	_ =	shalt  }
0x43: {  	_ =	shalt  }
0x44: {  	_ =	shalt  }
0x45: {  	_ =	shalt  }
0x46: {  	_ =	shalt  }
0x47: {  	_ =	shalt  }
0x48: {  	_ =	shalt  }
0x49: {  	_ =	shalt  }
0x4a: {  	_ =	shalt  }
0x4b: {  	_ =	shalt  }
0x4c: {  	_ =	shalt  }
0x4d: {  	_ =	shalt  }
0x4e: {  	_ =	shalt  }
0x4f: {  	_ =	shalt  }
0x50: {  	_ =	shalt  }
0x51: {  	_ =	shalt  }
0x52: {  	_ =	shalt  }
0x53: {  	_ =	shalt  }
0x54: {  	_ =	shalt  }
0x55: {  	_ =	shalt  }
0x56: {  	_ =	shalt  }
0x57: {  	_ =	shalt  }
0x58: {  	_ =	shalt  }
0x59: {  	_ =	shalt  }
0x5a: {  	_ =	shalt  }
0x5b: {  	_ =	shalt  }
0x5c: {  	_ =	shalt  }
0x5d: {  	_ =	shalt  }
0x5e: {  	_ =	shalt  }
0x5f: {  	_ =	shalt  }
0x60: {  	_ =	shalt  }
0x61: {  	_ =	shalt  }
0x62: {  	_ =	shalt  }
0x63: {  	_ =	shalt  }
0x64: {  	_ =	shalt  }
0x65: {  	_ =	shalt  }
0x66: {  	_ =	shalt  }
0x67: {  	_ =	shalt  }
0x68: {  	_ =	shalt  }
0x69: {  	_ =	shalt  }
0x6a: {  	_ =	shalt  }
0x6b: {  	_ =	shalt  }
0x6c: {  	_ =	shalt  }
0x6d: {  	_ =	shalt  }
0x6e: {  	_ =	shalt  }
0x6f: {  	_ =	shalt  }
0x70: {  	_ =	shalt  }
0x71: {  	_ =	shalt  }
0x72: {  	_ =	shalt  }
0x73: {  	_ =	shalt  }
0x74: {  	_ =	shalt  }
0x75: {  	_ =	shalt  }
0x76: {  	_ =	shalt  }
0x77: {  	_ =	shalt  }
0x78: {  	_ =	shalt  }
0x79: {  	_ =	shalt  }
0x7a: {  	_ =	shalt  }
0x7b: {  	_ =	shalt  }
0x7c: {  	_ =	shalt  }
0x7d: {  	_ =	shalt  }
0x7e: {  	_ =	shalt  }
0x7f: {  	_ =	shalt  }
0x80: {  	_ =	shalt  }
0x81: {  	_ =	shalt  }
0x82: {  	_ =	shalt  }
0x83: {  	_ =	shalt  }
0x84: {  	_ =	shalt  }
0x85: {  	_ =	shalt  }
0x86: {  	_ =	shalt  }
0x87: {  	_ =	shalt  }
.Lfunc_end0:
.L_simem_size_0:
called_computation_lowered:
.L_overlay_start_0:
0x88: {  	s2 =	sld [smem:$0x3FD9]  }
0x89: {  	s3 =	sld [smem:$0x3FFE];
	_ =	sdelay $0x1  }
0x8a: {  	s1 =	srdreg.scid  }
0x8b: {  	s0 =	sand.u32 $0x1, s1  }
0x8c: {  	s14 =	sshll.u32 s0, $0xA;
	s2 =	sadd.s32 s3, s2  }
0x8d: {  	s2 =	sadd.s32 s2, s14  }
0x8e: {  	[smem:$0x3FB4] =	sst s2  }
0x8f: {  	_ = 	snop  }
0x90: {  	s2 =	sld [smem:$0x3FD0];
	_ =	sdelay $0x2  }
0x91: {  	s15 =	simm.s32 $0xB;
	s4 =	simm.s32 $0x10  }
0x92: {  	[smem:s4], [sflag:s15] =	dma.local [hbm:s2], $0x1  }
0x93: {  	_ =	swait.eq [sflag:s15], $0x1  }
0x94: {  	[sflag:s15] =	ssyncset.done $0x0  }
0x95: {  	[sflag:s15] =	ssyncadd.s32 $0xFFFFFFFF  }
0x96: {  	s16 =	sld [smem:$0x11];
	(tm) =	ssettm $0x1  }
0x97: {  	s17 =	sld [smem:$0x3FFB];
	_ =	sdelay $0x3  }
0x98: {  	_ =	strace s17  }
0x99: {  	s3 =	sld [smem:$0x3FFC];
	_ =	sdelay $0x3  }
0x9a: {  	_ =	strace s3  }
0x9b: {  	s3 =	sld [smem:$0x3FFD];
	_ =	sdelay $0x3  }
0x9c: {  	_ =	strace s3  }
0x9d: {  	_ =	strace $0x8FFFFFFF  }
0x9e: {  	s18 =	sld [smem:$0x3FDB];
	_ =	sdelay $0x1  }
0x9f: {  	s19 =	simm.s32 $_scs_section_size  }
0xa0: {  	s5 =	simm.s32 $_size__tile_overlayer_lowered;
	s6 =	simm.s32 $_tile_overlayer_lowered  }
0xa1: {  	s22 =	simm.s32 $0x1BFF;
	s21 =	sshll.u32 s6, $0x1;
	s3 =	sadd.s32 s19, s18  }
0xa2: {  	s7 =	simm.s32 $0x0;
	s20 =	sshll.u32 s5, $0x1;
	s5 =	sadd.s32 s21, s3  }
0xa3: {  	[timem:s7], [sflag:s22] =	dma.local [hbm:s5], s20  }
0xa4: {  	_ =	swait.ge [sflag:s22], s20  }
0xa5: {  	s4 =	ssub.s32 $0x0, s20;
	[sflag:s22] =	ssyncset.done $0x0  }
0xa6: {  	[sflag:s22] =	ssyncadd.s32 s4;
	_ =	sdelay $0x1  }
0xa7: {  	s23 =	simm.s32 $0x1B8B  }
0xa8: {  	_ =	swait.ge [sflag:s23], $0x1  }
0xa9: {  	[sflag:s23] =	ssyncset.done $0x0  }
0xaa: {  	s25 =	simm.s32 $0x1B8E;
	s24 =	sld [smem:$0x3FFE];
	[sflag:s23] =	ssyncadd.s32 $0xFFFFFFFF  }
0xab: {  	s26 =	simm.s32 $execute0_lowered;
	[smem:$0x3FD2] =	sst s25  }
0xac: {  	s5 =	sshll.u32 s26, $0x1;
	_ =	strace $0x80000046;
	[dreg:$0x1] =	wrdreg $0xFFFFFFFF  }
0xad: {  	s28 =	simm.s32 $_size_execute0_lowered;
	s3 =	sadd.s32 s3, s5;
	[dreg:$0x0] =	wrdreg $0x0  }
0xae: {  	s5 =	sshll.u32 s28, $0x1;
	[dreg:$0x2] =	wrdreg s3  }
0xaf: {  	[dreg:$0x3] =	wrdreg s5  }
0xb0: {  	[dreg:$0x4] =	wrdreg $0xC0  }
0xb1: {  	_ =	task [dreg:s7], $0x5FFFF  }
0xb2: {  	[dreg:$0x1] =	wrdreg $0xFFFFFFFF  }
0xb3: {  	[dreg:$0x0] =	wrdreg $0x60  }
0xb4: {  	[dreg:$0x2] =	wrdreg s16  }
0xb5: {  	[dreg:$0x3] =	wrdreg s24  }
0xb6: {  	[dreg:$0x4] =	wrdreg $0xA2000  }
0xb7: {  	[dreg:$0x5] =	wrdreg $0x9  }
0xb8: {  	_ =	task.clear_ibuf [dreg:s7], $0x6FFFF;
	_ =	strace $0x90000046  }
0xb9: {  	s29 =	simm.s32 $0x9;
	_ =	strace $0x80000048  }
0xba: {  	_ =	swait.ge [sflag:s29], $0x1  }
0xbb: {  	[sflag:s29] =	ssyncadd.s32 $0xFFFFFFFF  }
0xbc: {  	_ =	strace $0x90000048  }
0xbd: {  	_ =	sfence  }
0xbe: {  	s30 =	sld [smem:$0x0];
	_ =	sdelay $0x2  }
0xbf: {  	s31 =	sshll.u32 s1, $0xD;
	s1 =	sshrl.u32 s1, $0x2  }
0xc0: {  	s3 =	sand.u32 $0x4000, s31;
	s1 =	sadd.s32 s1, s30  }
0xc1: {  	s0 =	sor.u32 s3, s0;
	s1 =	sshll.u32 s1, $0x11  }
0xc2: {  	s0 =	sor.u32 s1, s0  }
0xc3: {  	s0 =	sadd.s32 $0x8F2B, s0  }
0xc4: {  	[sflag:s0] =	ssyncadd.remote.s32 $0x1  }
0xc5: {  	_ =	sfence.sel $0xFFFF  }
0xc6: {  	[dreg:$0x0] =	wrdreg $0xFFFFFFFF;
	(pc) =	sbr.abs _section_cstart, $3  }
0xc7: {  	[dreg:$0x1] =	wrdreg $0xFFFFFFFF  }
0xc8: {  	_ =	task.clear_ibuf [dreg:s7], $0x2FFFF;
	_ =	strace $0x9FFFFFFF  }
0xc9: {  	(tm) =	ssettm $0x7FFFFFFF  }
tec
execute0_lowered:
.L_overlay_start_1:
0x0: {  	(tag) =	ssettag $0x1  }
0x1: {  	s0 =	srdreg.scid;
	s26 =	stileid.u32  }
0x2: {  	s0 =	sand.u32 $0x1, s0;
	s8 =	smul.u32 $0xA000, s26  }
0x3: {  	s5 =	smul.u32 $0x271000, s0  }
0x4: {  	s9 =	sor.u32 $0x10, s26;
	s6 =	smul.u32 $0x27100, s0  }
0x5: {  	s1 =	rddreg [dreg:$0x0];
	s11 =	sor.u32 $0x20, s26;
	s10 =	smul.u32 $0xA000, s9  }
0x6: {  	s7 =	rddreg [dreg:$0x1];
	s13 =	sor.u32 $0x30, s26;
	s12 =	smul.u32 $0xA000, s11  }
0x7: {  	s2 =	rddreg [dreg:$0x2];
	s15 =	sor.u32 $0x40, s26;
	s14 =	smul.u32 $0xA000, s13  }
0x8: {  	s3 =	simm.s32 $0x0;
	s17 =	sor.u32 $0x50, s26;
	s16 =	smul.u32 $0xA000, s15  }
0x9: {  	s31 =	simm.s32 $0x5200;
	s19 =	sor.u32 $0x60, s26;
	s18 =	smul.u32 $0xA000, s17  }
0xa: {  	s29 =	simm.s32 $0x0;
	s20 =	sor.u32 $0x70, s26;
	s21 =	smul.u32 $0xA000, s19  }
0xb: {  	[smem:$0x7FF] =	sst s3;
	s4 =	sadd.s32 $0x7E00, s7;
	s23 =	smul.u32 $0xA000, s20  }
0xc: {  	p0 =	sgt.u32 s26, $0xC;
	s0 =	ssub.s32 $0x2, s0;
	s9 =	smul.u32 $0x500, s9  }
0xd: {  	_ =	strace $0x80000047;
	s19 =	smul.u32 $0x500, s19;
	s22 =	sshrl.u32 s0, $0x1  }
0xe: {  	s25 =	sshrl.u32 s8, $0x2;
	s8 =	smul.u32 $0x500, s11;
	s24 =	sadd.s32 s5, s7  }
0xf: {  	s0 =	ssub.s32 s0, s22;
	s22 =	smul.u32 $0x500, s26;
	s5 =	sadd.s32 s1, s6  }
0x10: {  	s1 =	sadd.s32 s6, s7;
	s30 =	sadd.s32 s25, s2;
	s25 =	smul.u32 $0x500, s13  }
0x11: {  	s6 =	sadd.s32 $0x2E00, s7;
	s11 =	sshrl.u32 s10, $0x2;
	s13 =	smul.u32 $0x500, s17  }
0x12: {  	s18 =	sshrl.u32 s18, $0x2;
	s7 =	sadd.s32 s11, s2;
	s11 =	sshrl.u32 s12, $0x2  }
0x13: {  	s12 =	smul.u32 $0x500, s15;
	s15 =	sadd.s32 s18, s2;
	[dreg:$0x4] =	wrdreg s7  }
0x14: {  	s17 =	sshrl.u32 s23, $0x2;
	s0 =	smax.u32 s0, $0x1;
	[dreg:$0x10] =	wrdreg s15  }
0x15: {  	s1 =	sadd.s32 $0xCE00, s1;
	s7 =	sadd.s32 s11, s2;
	[dreg:$0x13] =	wrdreg s0  }
0x16: {  	s23 =	smul.u32 $0x27100, s26;
	s22 =	sadd.s32 s22, s1;
	[dreg:$0x5] =	wrdreg s7  }
0x17: {  	s9 =	sadd.s32 s9, s1;
	s8 =	sadd.s32 s8, s1;
	[dreg:$0x6] =	wrdreg s22  }
0x18: {  	s25 =	sadd.s32 s25, s1;
	s10 =	sadd.s32 s13, s1;
	[dreg:$0x7] =	wrdreg s9  }
0x19: {  	s11 =	sadd.s32 s19, s1;
	s0 =	simm.s32 $0x100;
	[dreg:$0x8] =	wrdreg s8  }
0x1a: {  	s15 =	simm.s32 $0x7A00;
	s7 =	sshrl.u32 s14, $0x2;
	[dreg:$0x9] =	wrdreg s25  }
0x1b: {  	s14 =	sshrl.u32 s16, $0x2;
	s16 =	smul.u32 $0x500, s20;
	[dreg:$0xb] =	wrdreg s10  }
0x1c: {  	s9 =	sadd.s32 s12, s1;
	[dreg:$0xc] =	wrdreg s11;
	s12 =	smul.u32 $0x2710, s26  }
0x1d: {  	s22 =	sadd.s32 s17, s2;
	s25 =	sadd.s32 $0x27DE00, s24;
	s10 =	simm.s32 $0x1  }
0x1e: {  	s11 =	simm.s32 $0x50;
	s17 =	simm.s32 $0x2;
	[dreg:$0xa] =	wrdreg s9  }
0x1f: {  	s7 =	sadd.s32 s7, s2;
	s13 =	sadd.s32 s14, s2;
	s24 =	sadd.s32 s23, s25  }
0x20: {  	s14 =	simm.s32 $0x180;
	s23 =	simm.s32 $0x2A00;
	[dreg:$0xe] =	wrdreg s7  }
0x21: {  	s1 =	sadd.s32 @!p0 s16, s1;
	[dreg:$0xf] =	wrdreg s13;
	s16 =	sshrl.u32 s21, $0x2  }
0x22: {  	s18 =	sshrl.u32 s12, $0x3;
	s26 =	sadd.s32 $0x50, s12;
	s28 =	sadd.s32 $0xA0, s12  }
0x23: {  	[dreg:$0x14] =	wrdreg s24;
	s12 =	simm.s32 $0x200;
	s13 =	simm.s32 $0x80  }
0x24: {  	s24 =	simm.s32 $0x4;
	[dreg:$0xd] =	wrdreg s1;
	s19 =	sadd.s32 s4, s18  }
0x25: {  	s21 =	sadd.s32 s16, s2;
	s20 =	sadd.s32 s6, s18;
	[dreg:$0x11] =	wrdreg s19  }
0x26: {  	v0 =	vimm.f32 $0.0e+00;
	s1 =	simm.s32 $0x5;
	s16 =	simm.s32 $0x3;
	[dreg:$0x12] =	wrdreg s20  }
.LBB2_1:
0x27: {  	s7 =	simm.s32 $0x0;
	s8 =	simm.s32 $0x200  }
.LBB2_2:
0x28: {  	p1 =	sne.s32 s8, $0x9E00;
	[tilespmem:s7+$0x5270] =	vst v0  }
0x29: {  	[tilespmem:s7+$0x5200] =	vst v0  }
0x2a: {  	[tilespmem:s7+$0x5210] =	vst v0  }
.Ltmp0:
0x2b: {  	[tilespmem:s7+$0x5220] =	vst v0;
	(pc) =	sbr.rel @p1 .LBB2_2-.Ltmp0, $4  }
0x2c: {  	[tilespmem:s7+$0x5230] =	vst v0  }
0x2d: {  	[tilespmem:s7+$0x5240] =	vst v0  }
0x2e: {  	[tilespmem:s7+$0x5250] =	vst v0  }
0x2f: {  	[tilespmem:s7+$0x5260] =	vst v0;
	s7 =	sshra.s32 s8, $0x2;
	s8 =	sadd.s32 $0x200, s8  }
0x30: {  	[tilespmem:s7+$0x5270] =	vst v0  }
0x31: {  	[tilespmem:s7+$0x5200] =	vst v0  }
0x32: {  	[tilespmem:s7+$0x5210] =	vst v0  }
0x33: {  	[tilespmem:s7+$0x5220] =	vst v0  }
0x34: {  	[tilespmem:s7+$0x5230] =	vst v0  }
0x35: {  	[tilespmem:s7+$0x5240] =	vst v0  }
0x36: {  	[tilespmem:s7+$0x5250] =	vst v0  }
0x37: {  	[tilespmem:s7+$0x5260] =	vst v0  }
0x38: {  	[spmem:s30] =	stream.linear.scatter [tilespmem:s31], [sflag:$0x5], $0x2800, $0x38;
	[tilespmem:$0x1DA80] =	vst v63  }
0x39: {  	_ =	swait.ge [sflag:s1], $0x2800  }
0x3a: {  	[sflag:s1] =	ssyncset.done $0x0  }
0x3b: {  	s8 =	rddreg [dreg:$0x4];
	[sflag:s1] =	ssyncadd.s32 $0xFFFFD800  }
0x3c: {  	[spmem:s8] =	stream.linear.scatter [tilespmem:s31], [sflag:$0x5], $0x2800, $0x38;
	[tilespmem:$0x1DA80] =	vst v63  }
0x3d: {  	_ =	swait.ge [sflag:s1], $0x2800  }
0x3e: {  	[sflag:s1] =	ssyncset.done $0x0  }
0x3f: {  	s9 =	rddreg [dreg:$0x5];
	[sflag:s1] =	ssyncadd.s32 $0xFFFFD800  }
0x40: {  	[spmem:s9] =	stream.linear.scatter [tilespmem:s31], [sflag:$0x5], $0x2800, $0x38;
	[tilespmem:$0x1DA80] =	vst v63  }
0x41: {  	_ =	swait.ge [sflag:s1], $0x2800  }
0x42: {  	[sflag:s1] =	ssyncset.done $0x0  }
0x43: {  	s18 =	rddreg [dreg:$0xe];
	[sflag:s1] =	ssyncadd.s32 $0xFFFFD800  }
0x44: {  	[spmem:s18] =	stream.linear.scatter [tilespmem:s31], [sflag:$0x5], $0x2800, $0x38;
	[tilespmem:$0x1DA80] =	vst v63  }
0x45: {  	_ =	swait.ge [sflag:s1], $0x2800  }
0x46: {  	[sflag:s1] =	ssyncset.done $0x0  }
0x47: {  	s19 =	rddreg [dreg:$0xf];
	[sflag:s1] =	ssyncadd.s32 $0xFFFFD800  }
0x48: {  	[spmem:s19] =	stream.linear.scatter [tilespmem:s31], [sflag:$0x5], $0x2800, $0x38;
	[tilespmem:$0x1DA80] =	vst v63  }
0x49: {  	_ =	swait.ge [sflag:s1], $0x2800  }
0x4a: {  	[sflag:s1] =	ssyncset.done $0x0  }
0x4b: {  	s8 =	rddreg [dreg:$0x10];
	[sflag:s1] =	ssyncadd.s32 $0xFFFFD800  }
0x4c: {  	[spmem:s8] =	stream.linear.scatter [tilespmem:s31], [sflag:$0x5], $0x2800, $0x38;
	[tilespmem:$0x1DA80] =	vst v63  }
0x4d: {  	_ =	swait.ge [sflag:s1], $0x2800  }
0x4e: {  	[sflag:s1] =	ssyncset.done $0x0  }
0x4f: {  	[sflag:s1] =	ssyncadd.s32 $0xFFFFD800  }
0x50: {  	[spmem:s21] =	stream.linear.scatter [tilespmem:s31], [sflag:$0x5], $0x2800, $0x38;
	[tilespmem:$0x1DA80] =	vst v63  }
0x51: {  	_ =	swait.ge [sflag:s1], $0x2800  }
0x52: {  	[sflag:s1] =	ssyncset.done $0x0  }
0x53: {  	s7 =	simm.s32 @!p0 $0x5200;
	[sflag:s1] =	ssyncadd.s32 $0xFFFFD800  }
0x54: {  	[spmem:s22] =	stream.linear.scatter @!p0 [tilespmem:s7], [sflag:$0x5], $0x2800, $0x38;
	[tilespmem:$0x1DA80] =	vst v63  }
0x55: {  	s7 =	simm.s32 @!p0 $0x5  }
0x56: {  	_ =	swait.ge @!p0 [sflag:s7], $0x2800  }
0x57: {  	[sflag:s7] =	ssyncset.done @!p0 $0x0  }
0x58: {  	[sflag:s7] =	ssyncadd.s32 @!p0 $0xFFFFD800  }
0x59: {  	[bflag:$0x0] =	sbarrier.arrive $0xFFFF  }
0x5a: {  	s20 =	smov.u32 s30;
	s30 =	simm.s32 $0x0;
	s9 =	rddreg [dreg:$0x11]  }
0x5b: {  	[tilespmem:s30], [sflag:$0x1] =	stream.linear.gather [hbm4b:s9+s30], $0x50, $0x38;
	[tilespmem:$0x1DA80] =	vst v63  }
0x5c: {  	s18 =	rddreg [dreg:$0x12]  }
0x5d: {  	[tilespmem:s0], [sflag:$0x1] =	stream.linear.gather [hbm4b:s18+s30], $0x50, $0x38;
	[tilespmem:$0x1DA80] =	vst v63  }
0x5e: {  	s19 =	rddreg [dreg:$0x14]  }
0x5f: {  	[tilespmem:s31], [sflag:$0x1] =	stream.linear.gather [hbm4b:s19+s30], $0x2800, $0x38;
	[tilespmem:$0x1DA80] =	vst v63  }
0x60: {  	_ =	swait.ge [sflag:s10], $0x50  }
0x61: {  	[sflag:s10] =	ssyncset.done $0x0  }
0x62: {  	[sflag:s10] =	ssyncadd.s32 $0xFFFFFFB0  }
0x63: {  	_ =	swait.ge [sflag:s10], $0x50  }
0x64: {  	[sflag:s10] =	ssyncset.done $0x0  }
0x65: {  	[sflag:s10] =	ssyncadd.s32 $0xFFFFFFB0  }
0x66: {  	_ =	swait.ge [sflag:s10], $0x2800  }
0x67: {  	[sflag:s10] =	ssyncset.done $0x0  }
0x68: {  	s7 =	simm.s32 $0x0;
	[sflag:s10] =	ssyncadd.s32 $0xFFFFD800  }
0x69: {  	[tilespmem:s12], [sflag:$0x3] =	stream.indirect.gather [hbm4b:s5+s11], $0x80, s30, s11, $0xb8;
	[tilespmem:$0x1DA80] =	vst v63  }
.LBB2_4:
0x6a: {  	s8 =	smul.u32 $0xA0, s7;
	_ =	sdelay $0x1  }
0x6b: {  	s9 =	sadd.s32 s8, s26  }
0x6c: {  	s18 =	sshrl.u32 s9, $0x3  }
0x6d: {  	s19 =	sadd.s32 s4, s18  }
0x6e: {  	[tilespmem:s13], [sflag:$0x2] =	stream.linear.gather [hbm4b:s19+s30], $0x50, $0x38;
	[tilespmem:$0x1DA80] =	vst v63  }
0x6f: {  	s9 =	sshll.u32 s9, $0x4;
	s18 =	sadd.s32 s6, s18  }
0x70: {  	[tilespmem:s14], [sflag:$0x2] =	stream.linear.gather [hbm4b:s18+s30], $0x50, $0x38;
	[tilespmem:$0x1DA80] =	vst v63  }
0x71: {  	s9 =	sadd.s32 s25, s9  }
0x72: {  	[tilespmem:s15], [sflag:$0x2] =	stream.linear.gather [hbm4b:s9+s30], $0x2800, $0x38;
	[tilespmem:$0x1DA80] =	vst v63  }
0x73: {  	_ =	swait.ge [sflag:s16], $0x2800  }
0x74: {  	[sflag:s16] =	ssyncset.done $0x0  }
0x75: {  	s9 =	simm.s32 $0x0;
	[sflag:s16] =	ssyncadd.s32 $0xFFFFD800  }
0x76: {  	v7 =	vld [tilespmem:s9+$0x200]  }
0x77: {  	v12 =	vld [tilespmem:s9+$0x210]  }
0x78: {  	v6 =	vld [tilespmem:s9+$0x220]  }
0x79: {  	v5 =	vld [tilespmem:s9+$0x230]  }
0x7a: {  	v4 =	vld [tilespmem:s9+$0x240]  }
0x7b: {  	v3 =	vld [tilespmem:s9+$0x250]  }
0x7c: {  	v2 =	vld [tilespmem:s9+$0x260]  }
0x7d: {  	v1 =	vld [tilespmem:s9+$0x270]  }
0x7e: {  	v13 =	vld [tilespmem:s9+$0x5200]  }
0x7f: {  	v14 =	vld [tilespmem:s9+$0x5210]  }
0x80: {  	v11 =	vld [tilespmem:s9+$0x5220]  }
0x81: {  	v10 =	vld [tilespmem:s9+$0x5230]  }
0x82: {  	v9 =	vld [tilespmem:s9+$0x5240]  }
0x83: {  	v8 =	vld [tilespmem:s9+$0x5250];
	v13 =	vadd.f32 v7, v13  }
0x84: {  	s18 =	simm.s32 $0x200;
	v12 =	vadd.f32 v12, v14;
	v7 =	vld [tilespmem:s9+$0x5260]  }
.LBB2_5:
0x85: {  	s19 =	sshra.s32 s18, $0x2;
	p1 =	sne.s32 s18, $0x4E00;
	v13 =	vmax.f32 v13, $0.0e+00;
	v6 =	vadd.f32 v6, v11;
	v11 =	vld [tilespmem:s9+$0x5270]  }
0x86: {  	v14 =	vld [tilespmem:s19+$0x200];
	[tilespmem:s9+$0x5200] =	vst v13;
	v12 =	vmax.f32 v12, $0.0e+00;
	v5 =	vadd.f32 v5, v10  }
0x87: {  	v15 =	vld [tilespmem:s19+$0x210];
	[tilespmem:s9+$0x5210] =	vst v12;
	v10 =	vmax.f32 v6, $0.0e+00;
	v4 =	vadd.f32 v4, v9  }
0x88: {  	v6 =	vld [tilespmem:s19+$0x220];
	[tilespmem:s9+$0x5220] =	vst v10;
	v9 =	vmax.f32 v5, $0.0e+00;
	v3 =	vadd.f32 v3, v8  }
0x89: {  	v5 =	vld [tilespmem:s19+$0x230];
	[tilespmem:s9+$0x5230] =	vst v9;
	v8 =	vmax.f32 v4, $0.0e+00;
	v2 =	vadd.f32 v2, v7  }
0x8a: {  	v4 =	vld [tilespmem:s19+$0x240];
	[tilespmem:s9+$0x5240] =	vst v8;
	v7 =	vmax.f32 v3, $0.0e+00;
	v1 =	vadd.f32 v1, v11  }
0x8b: {  	v3 =	vld [tilespmem:s19+$0x250];
	[tilespmem:s9+$0x5250] =	vst v7;
	v7 =	vmax.f32 v2, $0.0e+00  }
0x8c: {  	v2 =	vld [tilespmem:s19+$0x260];
	[tilespmem:s9+$0x5260] =	vst v7;
	v7 =	vmax.f32 v1, $0.0e+00  }
0x8d: {  	v1 =	vld [tilespmem:s19+$0x270];
	[tilespmem:s9+$0x5270] =	vst v7;
	s9 =	smov.u32 s19  }
0x8e: {  	v7 =	vld [tilespmem:s9+$0x5200]  }
0x8f: {  	v12 =	vld [tilespmem:s9+$0x5210]  }
.Ltmp1:
0x90: {  	v11 =	vld [tilespmem:s9+$0x5220];
	(pc) =	sbr.rel @p1 .LBB2_5-.Ltmp1, $4  }
0x91: {  	v10 =	vld [tilespmem:s9+$0x5230]  }
0x92: {  	v9 =	vld [tilespmem:s9+$0x5240]  }
0x93: {  	v13 =	vadd.f32 v14, v7;
	v8 =	vld [tilespmem:s9+$0x5250]  }
0x94: {  	s18 =	sadd.s32 $0x200, s18;
	v12 =	vadd.f32 v15, v12;
	v7 =	vld [tilespmem:s9+$0x5260]  }
0x95: {  	v13 =	vmax.f32 v13, $0.0e+00;
	v6 =	vadd.f32 v6, v11;
	v11 =	vld [tilespmem:s9+$0x5270]  }
0x96: {  	[tilespmem:s9+$0x5200] =	vst v13;
	v12 =	vmax.f32 v12, $0.0e+00;
	v5 =	vadd.f32 v5, v10  }
0x97: {  	[tilespmem:s9+$0x5210] =	vst v12;
	v6 =	vmax.f32 v6, $0.0e+00;
	v4 =	vadd.f32 v4, v9  }
0x98: {  	[tilespmem:s9+$0x5220] =	vst v6;
	v5 =	vmax.f32 v5, $0.0e+00;
	v3 =	vadd.f32 v3, v8  }
0x99: {  	[tilespmem:s9+$0x5230] =	vst v5;
	v4 =	vmax.f32 v4, $0.0e+00;
	v2 =	vadd.f32 v2, v7  }
0x9a: {  	[tilespmem:s9+$0x5240] =	vst v4;
	v3 =	vmax.f32 v3, $0.0e+00;
	v1 =	vadd.f32 v1, v11  }
0x9b: {  	[tilespmem:s9+$0x5250] =	vst v3;
	v2 =	vmax.f32 v2, $0.0e+00  }
0x9c: {  	[tilespmem:s9+$0x5260] =	vst v2;
	v1 =	vmax.f32 v1, $0.0e+00  }
0x9d: {  	[tilespmem:s9+$0x5270] =	vst v1  }
0x9e: {  	_ =	swait.ge [sflag:s17], $0x50  }
0x9f: {  	[sflag:s17] =	ssyncset.done $0x0  }
0xa0: {  	[sflag:s17] =	ssyncadd.s32 $0xFFFFFFB0  }
0xa1: {  	_ =	swait.ge [sflag:s17], $0x50  }
0xa2: {  	[sflag:s17] =	ssyncset.done $0x0  }
0xa3: {  	[sflag:s17] =	ssyncadd.s32 $0xFFFFFFB0  }
0xa4: {  	_ =	swait.ge [sflag:s17], $0x2800  }
0xa5: {  	[sflag:s17] =	ssyncset.done $0x0  }
0xa6: {  	s9 =	simm.s32 $0x0;
	[sflag:s17] =	ssyncadd.s32 $0xFFFFD800  }
0xa7: {  	[tilespmem:s23], [sflag:$0x4] =	stream.indirect.gather [hbm4b:s5+s11], $0x80, s13, s11, $0xb8;
	[tilespmem:$0x1DA80] =	vst v63  }
0xa8: {  	v7 =	vld [tilespmem:s9+$0x1600]  }
0xa9: {  	v12 =	vld [tilespmem:s9+$0x1610]  }
0xaa: {  	v6 =	vld [tilespmem:s9+$0x1620]  }
0xab: {  	v5 =	vld [tilespmem:s9+$0x1630]  }
0xac: {  	v4 =	vld [tilespmem:s9+$0x1640]  }
0xad: {  	v3 =	vld [tilespmem:s9+$0x1650]  }
0xae: {  	v2 =	vld [tilespmem:s9+$0x1660]  }
0xaf: {  	v1 =	vld [tilespmem:s9+$0x1670]  }
0xb0: {  	v13 =	vld [tilespmem:s9+$0x6600]  }
0xb1: {  	v14 =	vld [tilespmem:s9+$0x6610]  }
0xb2: {  	v11 =	vld [tilespmem:s9+$0x6620]  }
0xb3: {  	v10 =	vld [tilespmem:s9+$0x6630]  }
0xb4: {  	v9 =	vld [tilespmem:s9+$0x6640]  }
0xb5: {  	v8 =	vld [tilespmem:s9+$0x6650];
	v13 =	vadd.f32 v7, v13  }
0xb6: {  	s18 =	simm.s32 $0x200;
	v12 =	vadd.f32 v12, v14;
	v7 =	vld [tilespmem:s9+$0x6660]  }
.LBB2_7:
0xb7: {  	s19 =	sshra.s32 s18, $0x2;
	p1 =	sne.s32 s18, $0x4E00;
	v13 =	vmax.f32 v13, $0.0e+00;
	v6 =	vadd.f32 v6, v11;
	v11 =	vld [tilespmem:s9+$0x6670]  }
0xb8: {  	v14 =	vld [tilespmem:s19+$0x1600];
	[tilespmem:s9+$0x6600] =	vst v13;
	v12 =	vmax.f32 v12, $0.0e+00;
	v5 =	vadd.f32 v5, v10  }
0xb9: {  	v15 =	vld [tilespmem:s19+$0x1610];
	[tilespmem:s9+$0x6610] =	vst v12;
	v10 =	vmax.f32 v6, $0.0e+00;
	v4 =	vadd.f32 v4, v9  }
0xba: {  	v6 =	vld [tilespmem:s19+$0x1620];
	[tilespmem:s9+$0x6620] =	vst v10;
	v9 =	vmax.f32 v5, $0.0e+00;
	v3 =	vadd.f32 v3, v8  }
0xbb: {  	v5 =	vld [tilespmem:s19+$0x1630];
	[tilespmem:s9+$0x6630] =	vst v9;
	v8 =	vmax.f32 v4, $0.0e+00;
	v2 =	vadd.f32 v2, v7  }
0xbc: {  	v4 =	vld [tilespmem:s19+$0x1640];
	[tilespmem:s9+$0x6640] =	vst v8;
	v7 =	vmax.f32 v3, $0.0e+00;
	v1 =	vadd.f32 v1, v11  }
0xbd: {  	v3 =	vld [tilespmem:s19+$0x1650];
	[tilespmem:s9+$0x6650] =	vst v7;
	v7 =	vmax.f32 v2, $0.0e+00  }
0xbe: {  	v2 =	vld [tilespmem:s19+$0x1660];
	[tilespmem:s9+$0x6660] =	vst v7;
	v7 =	vmax.f32 v1, $0.0e+00  }
0xbf: {  	v1 =	vld [tilespmem:s19+$0x1670];
	[tilespmem:s9+$0x6670] =	vst v7;
	s9 =	smov.u32 s19  }
0xc0: {  	v7 =	vld [tilespmem:s9+$0x6600]  }
0xc1: {  	v12 =	vld [tilespmem:s9+$0x6610]  }
.Ltmp2:
0xc2: {  	v11 =	vld [tilespmem:s9+$0x6620];
	(pc) =	sbr.rel @p1 .LBB2_7-.Ltmp2, $4  }
0xc3: {  	v10 =	vld [tilespmem:s9+$0x6630]  }
0xc4: {  	v9 =	vld [tilespmem:s9+$0x6640]  }
0xc5: {  	v13 =	vadd.f32 v14, v7;
	v8 =	vld [tilespmem:s9+$0x6650]  }
0xc6: {  	s18 =	sadd.s32 $0x200, s18;
	v12 =	vadd.f32 v15, v12;
	v7 =	vld [tilespmem:s9+$0x6660]  }
0xc7: {  	v13 =	vmax.f32 v13, $0.0e+00;
	v6 =	vadd.f32 v6, v11;
	v11 =	vld [tilespmem:s9+$0x6670]  }
0xc8: {  	[tilespmem:s9+$0x6600] =	vst v13;
	v12 =	vmax.f32 v12, $0.0e+00;
	v5 =	vadd.f32 v5, v10  }
0xc9: {  	[tilespmem:s9+$0x6610] =	vst v12;
	v6 =	vmax.f32 v6, $0.0e+00;
	v4 =	vadd.f32 v4, v9  }
0xca: {  	[tilespmem:s9+$0x6620] =	vst v6;
	v5 =	vmax.f32 v5, $0.0e+00;
	v3 =	vadd.f32 v3, v8  }
0xcb: {  	[tilespmem:s9+$0x6630] =	vst v5;
	v4 =	vmax.f32 v4, $0.0e+00;
	v2 =	vadd.f32 v2, v7  }
0xcc: {  	[tilespmem:s9+$0x6640] =	vst v4;
	v3 =	vmax.f32 v3, $0.0e+00;
	v1 =	vadd.f32 v1, v11  }
0xcd: {  	[tilespmem:s9+$0x6650] =	vst v3;
	v2 =	vmax.f32 v2, $0.0e+00  }
0xce: {  	[tilespmem:s9+$0x6660] =	vst v2;
	v1 =	vmax.f32 v1, $0.0e+00  }
0xcf: {  	[tilespmem:s9+$0x6670] =	vst v1  }
0xd0: {  	[spmem:s2] =	stream.indirect.scatter.add.f32 [tilespmem:s31], [sflag:$0x5], $0x80, s0, s11, $0xb8;
	[tilespmem:$0x1DA80] =	vst v63  }
0xd1: {  	s8 =	sadd.s32 s8, s28;
	_ =	swait.ge [sflag:s1], $0x2800  }
0xd2: {  	s9 =	sshrl.u32 s8, $0x3;
	[sflag:s1] =	ssyncset.done $0x0  }
0xd3: {  	s19 =	simm.s32 $0x0;
	s18 =	sadd.s32 s4, s9;
	[sflag:s1] =	ssyncadd.s32 $0xFFFFD800  }
0xd4: {  	[tilespmem:s19], [sflag:$0x1] =	stream.linear.gather [hbm4b:s18+s19], $0x50, $0x38;
	[tilespmem:$0x1DA80] =	vst v63  }
0xd5: {  	s8 =	sshll.u32 s8, $0x4;
	s9 =	sadd.s32 s6, s9  }
0xd6: {  	[tilespmem:s0], [sflag:$0x1] =	stream.linear.gather [hbm4b:s9+s19], $0x50, $0x38;
	[tilespmem:$0x1DA80] =	vst v63  }
0xd7: {  	s8 =	sadd.s32 s25, s8  }
0xd8: {  	[tilespmem:s31], [sflag:$0x1] =	stream.linear.gather [hbm4b:s8+s19], $0x2800, $0x38;
	[tilespmem:$0x1DA80] =	vst v63  }
0xd9: {  	_ =	swait.ge [sflag:s24], $0x2800  }
0xda: {  	[sflag:s24] =	ssyncset.done $0x0  }
0xdb: {  	s8 =	simm.s32 $0x0;
	[sflag:s24] =	ssyncadd.s32 $0xFFFFD800  }
0xdc: {  	v7 =	vld [tilespmem:s8+$0x2A00]  }
0xdd: {  	v12 =	vld [tilespmem:s8+$0x2A10]  }
0xde: {  	v6 =	vld [tilespmem:s8+$0x2A20]  }
0xdf: {  	v5 =	vld [tilespmem:s8+$0x2A30]  }
0xe0: {  	v4 =	vld [tilespmem:s8+$0x2A40]  }
0xe1: {  	v3 =	vld [tilespmem:s8+$0x2A50]  }
0xe2: {  	v2 =	vld [tilespmem:s8+$0x2A60]  }
0xe3: {  	v1 =	vld [tilespmem:s8+$0x2A70]  }
0xe4: {  	v13 =	vld [tilespmem:s8+$0x7A00]  }
0xe5: {  	v14 =	vld [tilespmem:s8+$0x7A10]  }
0xe6: {  	v11 =	vld [tilespmem:s8+$0x7A20]  }
0xe7: {  	v10 =	vld [tilespmem:s8+$0x7A30]  }
0xe8: {  	v9 =	vld [tilespmem:s8+$0x7A40]  }
0xe9: {  	v8 =	vld [tilespmem:s8+$0x7A50];
	v13 =	vadd.f32 v7, v13  }
0xea: {  	s9 =	simm.s32 $0x200;
	v12 =	vadd.f32 v12, v14;
	v7 =	vld [tilespmem:s8+$0x7A60]  }
.LBB2_9:
0xeb: {  	s18 =	sshra.s32 s9, $0x2;
	p1 =	sne.s32 s9, $0x4E00;
	v13 =	vmax.f32 v13, $0.0e+00;
	v6 =	vadd.f32 v6, v11;
	v11 =	vld [tilespmem:s8+$0x7A70]  }
0xec: {  	v14 =	vld [tilespmem:s18+$0x2A00];
	[tilespmem:s8+$0x7A00] =	vst v13;
	v12 =	vmax.f32 v12, $0.0e+00;
	v5 =	vadd.f32 v5, v10  }
0xed: {  	v15 =	vld [tilespmem:s18+$0x2A10];
	[tilespmem:s8+$0x7A10] =	vst v12;
	v10 =	vmax.f32 v6, $0.0e+00;
	v4 =	vadd.f32 v4, v9  }
0xee: {  	v6 =	vld [tilespmem:s18+$0x2A20];
	[tilespmem:s8+$0x7A20] =	vst v10;
	v9 =	vmax.f32 v5, $0.0e+00;
	v3 =	vadd.f32 v3, v8  }
0xef: {  	v5 =	vld [tilespmem:s18+$0x2A30];
	[tilespmem:s8+$0x7A30] =	vst v9;
	v8 =	vmax.f32 v4, $0.0e+00;
	v2 =	vadd.f32 v2, v7  }
0xf0: {  	v4 =	vld [tilespmem:s18+$0x2A40];
	[tilespmem:s8+$0x7A40] =	vst v8;
	v7 =	vmax.f32 v3, $0.0e+00;
	v1 =	vadd.f32 v1, v11  }
0xf1: {  	v3 =	vld [tilespmem:s18+$0x2A50];
	[tilespmem:s8+$0x7A50] =	vst v7;
	v7 =	vmax.f32 v2, $0.0e+00  }
0xf2: {  	v2 =	vld [tilespmem:s18+$0x2A60];
	[tilespmem:s8+$0x7A60] =	vst v7;
	v7 =	vmax.f32 v1, $0.0e+00  }
0xf3: {  	v1 =	vld [tilespmem:s18+$0x2A70];
	[tilespmem:s8+$0x7A70] =	vst v7;
	s8 =	smov.u32 s18  }
0xf4: {  	v7 =	vld [tilespmem:s8+$0x7A00]  }
0xf5: {  	v12 =	vld [tilespmem:s8+$0x7A10]  }
.Ltmp3:
0xf6: {  	v11 =	vld [tilespmem:s8+$0x7A20];
	(pc) =	sbr.rel @p1 .LBB2_9-.Ltmp3, $4  }
0xf7: {  	v10 =	vld [tilespmem:s8+$0x7A30]  }
0xf8: {  	v9 =	vld [tilespmem:s8+$0x7A40]  }
0xf9: {  	v13 =	vadd.f32 v14, v7;
	v8 =	vld [tilespmem:s8+$0x7A50]  }
0xfa: {  	s9 =	sadd.s32 $0x200, s9;
	v12 =	vadd.f32 v15, v12;
	v7 =	vld [tilespmem:s8+$0x7A60]  }
0xfb: {  	v13 =	vmax.f32 v13, $0.0e+00;
	v6 =	vadd.f32 v6, v11;
	v11 =	vld [tilespmem:s8+$0x7A70]  }
0xfc: {  	[tilespmem:s8+$0x7A00] =	vst v13;
	v12 =	vmax.f32 v12, $0.0e+00;
	v5 =	vadd.f32 v5, v10  }
0xfd: {  	[tilespmem:s8+$0x7A10] =	vst v12;
	v6 =	vmax.f32 v6, $0.0e+00;
	v4 =	vadd.f32 v4, v9  }
0xfe: {  	[tilespmem:s8+$0x7A20] =	vst v6;
	v5 =	vmax.f32 v5, $0.0e+00;
	v3 =	vadd.f32 v3, v8  }
0xff: {  	[tilespmem:s8+$0x7A30] =	vst v5;
	v4 =	vmax.f32 v4, $0.0e+00;
	v2 =	vadd.f32 v2, v7  }
0x100: {  	[tilespmem:s8+$0x7A40] =	vst v4;
	v3 =	vmax.f32 v3, $0.0e+00;
	v1 =	vadd.f32 v1, v11  }
0x101: {  	[tilespmem:s8+$0x7A50] =	vst v3;
	v2 =	vmax.f32 v2, $0.0e+00  }
0x102: {  	[tilespmem:s8+$0x7A60] =	vst v2;
	v1 =	vmax.f32 v1, $0.0e+00  }
0x103: {  	[tilespmem:s8+$0x7A70] =	vst v1  }
0x104: {  	_ =	swait.ge [sflag:s10], $0x50  }
0x105: {  	[sflag:s10] =	ssyncset.done $0x0  }
0x106: {  	[sflag:s10] =	ssyncadd.s32 $0xFFFFFFB0  }
0x107: {  	_ =	swait.ge [sflag:s10], $0x50  }
0x108: {  	[sflag:s10] =	ssyncset.done $0x0  }
0x109: {  	[sflag:s10] =	ssyncadd.s32 $0xFFFFFFB0  }
0x10a: {  	_ =	swait.ge [sflag:s10], $0x2800  }
0x10b: {  	[sflag:s10] =	ssyncset.done $0x0  }
0x10c: {  	s19 =	simm.s32 $0x0;
	s8 =	simm.s32 $0x0;
	[sflag:s10] =	ssyncadd.s32 $0xFFFFD800  }
0x10d: {  	[tilespmem:s12], [sflag:$0x3] =	stream.indirect.gather [hbm4b:s5+s11], $0x80, s19, s11, $0xb8;
	[tilespmem:$0x1DA80] =	vst v63  }
0x10e: {  	v7 =	vld [tilespmem:s8+$0x3E00]  }
0x10f: {  	v12 =	vld [tilespmem:s8+$0x3E10]  }
0x110: {  	v6 =	vld [tilespmem:s8+$0x3E20]  }
0x111: {  	v5 =	vld [tilespmem:s8+$0x3E30]  }
0x112: {  	v4 =	vld [tilespmem:s8+$0x3E40]  }
0x113: {  	v3 =	vld [tilespmem:s8+$0x3E50]  }
0x114: {  	v2 =	vld [tilespmem:s8+$0x3E60]  }
0x115: {  	v1 =	vld [tilespmem:s8+$0x3E70]  }
0x116: {  	v13 =	vld [tilespmem:s8+$0x8E00]  }
0x117: {  	v14 =	vld [tilespmem:s8+$0x8E10]  }
0x118: {  	v11 =	vld [tilespmem:s8+$0x8E20]  }
0x119: {  	v10 =	vld [tilespmem:s8+$0x8E30]  }
0x11a: {  	v9 =	vld [tilespmem:s8+$0x8E40]  }
0x11b: {  	v8 =	vld [tilespmem:s8+$0x8E50];
	v13 =	vadd.f32 v7, v13  }
0x11c: {  	s9 =	simm.s32 $0x200;
	v12 =	vadd.f32 v12, v14;
	v7 =	vld [tilespmem:s8+$0x8E60]  }
.LBB2_11:
0x11d: {  	s18 =	sshra.s32 s9, $0x2;
	p1 =	sne.s32 s9, $0x4E00;
	v13 =	vmax.f32 v13, $0.0e+00;
	v6 =	vadd.f32 v6, v11;
	v11 =	vld [tilespmem:s8+$0x8E70]  }
0x11e: {  	v14 =	vld [tilespmem:s18+$0x3E00];
	[tilespmem:s8+$0x8E00] =	vst v13;
	v12 =	vmax.f32 v12, $0.0e+00;
	v5 =	vadd.f32 v5, v10  }
0x11f: {  	v15 =	vld [tilespmem:s18+$0x3E10];
	[tilespmem:s8+$0x8E10] =	vst v12;
	v10 =	vmax.f32 v6, $0.0e+00;
	v4 =	vadd.f32 v4, v9  }
0x120: {  	v6 =	vld [tilespmem:s18+$0x3E20];
	[tilespmem:s8+$0x8E20] =	vst v10;
	v9 =	vmax.f32 v5, $0.0e+00;
	v3 =	vadd.f32 v3, v8  }
0x121: {  	v5 =	vld [tilespmem:s18+$0x3E30];
	[tilespmem:s8+$0x8E30] =	vst v9;
	v8 =	vmax.f32 v4, $0.0e+00;
	v2 =	vadd.f32 v2, v7  }
0x122: {  	v4 =	vld [tilespmem:s18+$0x3E40];
	[tilespmem:s8+$0x8E40] =	vst v8;
	v7 =	vmax.f32 v3, $0.0e+00;
	v1 =	vadd.f32 v1, v11  }
0x123: {  	v3 =	vld [tilespmem:s18+$0x3E50];
	[tilespmem:s8+$0x8E50] =	vst v7;
	v7 =	vmax.f32 v2, $0.0e+00  }
0x124: {  	v2 =	vld [tilespmem:s18+$0x3E60];
	[tilespmem:s8+$0x8E60] =	vst v7;
	v7 =	vmax.f32 v1, $0.0e+00  }
0x125: {  	v1 =	vld [tilespmem:s18+$0x3E70];
	[tilespmem:s8+$0x8E70] =	vst v7;
	s8 =	smov.u32 s18  }
0x126: {  	v7 =	vld [tilespmem:s8+$0x8E00]  }
0x127: {  	v12 =	vld [tilespmem:s8+$0x8E10]  }
.Ltmp4:
0x128: {  	v11 =	vld [tilespmem:s8+$0x8E20];
	(pc) =	sbr.rel @p1 .LBB2_11-.Ltmp4, $4  }
0x129: {  	v10 =	vld [tilespmem:s8+$0x8E30]  }
0x12a: {  	v9 =	vld [tilespmem:s8+$0x8E40]  }
0x12b: {  	v13 =	vadd.f32 v14, v7;
	v8 =	vld [tilespmem:s8+$0x8E50]  }
0x12c: {  	s9 =	sadd.s32 $0x200, s9;
	v12 =	vadd.f32 v15, v12;
	v7 =	vld [tilespmem:s8+$0x8E60]  }
0x12d: {  	v13 =	vmax.f32 v13, $0.0e+00;
	v6 =	vadd.f32 v6, v11;
	v63 =	vld [tilespmem:s8+$0x8E70]  }
0x12e: {  	[tilespmem:s8+$0x8E00] =	vst v13;
	v12 =	vmax.f32 v12, $0.0e+00;
	v5 =	vadd.f32 v5, v10  }
0x12f: {  	[tilespmem:s8+$0x8E10] =	vst v12;
	v6 =	vmax.f32 v6, $0.0e+00;
	v4 =	vadd.f32 v4, v9  }
0x130: {  	[tilespmem:s8+$0x8E20] =	vst v6;
	v5 =	vmax.f32 v5, $0.0e+00;
	v3 =	vadd.f32 v3, v8  }
0x131: {  	[tilespmem:s8+$0x8E30] =	vst v5;
	v4 =	vmax.f32 v4, $0.0e+00;
	v2 =	vadd.f32 v2, v7  }
0x132: {  	[tilespmem:s8+$0x8E40] =	vst v4;
	v3 =	vmax.f32 v3, $0.0e+00;
	v1 =	vadd.f32 v1, v63  }
0x133: {  	s7 =	sadd.s32 $0x1, s7;
	[tilespmem:s8+$0x8E50] =	vst v3;
	v2 =	vmax.f32 v2, $0.0e+00  }
0x134: {  	p1 =	sne.s32 s7, $0x3E;
	[tilespmem:s8+$0x8E60] =	vst v2;
	v1 =	vmax.f32 v1, $0.0e+00  }
.Ltmp5:
0x135: {  	[tilespmem:s8+$0x8E70] =	vst v1;
	(pc) =	sbr.rel @p1 .LBB2_4-.Ltmp5, $4  }
0x136: {  	[spmem:s2] =	stream.indirect.scatter.add.f32 [tilespmem:s15], [sflag:$0x5], $0x80, s14, s11, $0xb8;
	[tilespmem:$0x1DA80] =	vst v63  }
0x137: {  	_ =	swait.ge [sflag:s1], $0x2800  }
0x138: {  	[sflag:s1] =	ssyncset.done $0x0  }
0x139: {  	[sflag:s1] =	ssyncadd.s32 $0xFFFFD800  }
0x13a: {  	_ =	swait.ge [sflag:s16], $0x2800  }
0x13b: {  	[sflag:s16] =	ssyncset.done $0x0  }
0x13c: {  	s7 =	simm.s32 $0x0;
	[sflag:s16] =	ssyncadd.s32 $0xFFFFD800  }
0x13d: {  	v7 =	vld [tilespmem:s7+$0x200]  }
0x13e: {  	v12 =	vld [tilespmem:s7+$0x210]  }
0x13f: {  	v6 =	vld [tilespmem:s7+$0x220]  }
0x140: {  	v5 =	vld [tilespmem:s7+$0x230]  }
0x141: {  	v4 =	vld [tilespmem:s7+$0x240]  }
0x142: {  	v3 =	vld [tilespmem:s7+$0x250]  }
0x143: {  	v2 =	vld [tilespmem:s7+$0x260]  }
0x144: {  	v1 =	vld [tilespmem:s7+$0x270]  }
0x145: {  	v13 =	vld [tilespmem:s7+$0x5200]  }
0x146: {  	v14 =	vld [tilespmem:s7+$0x5210]  }
0x147: {  	v11 =	vld [tilespmem:s7+$0x5220]  }
0x148: {  	v10 =	vld [tilespmem:s7+$0x5230]  }
0x149: {  	v9 =	vld [tilespmem:s7+$0x5240]  }
0x14a: {  	v8 =	vld [tilespmem:s7+$0x5250];
	v13 =	vadd.f32 v7, v13  }
0x14b: {  	s8 =	simm.s32 $0x200;
	v12 =	vadd.f32 v12, v14;
	v7 =	vld [tilespmem:s7+$0x5260]  }
.LBB2_14:
0x14c: {  	s9 =	sshra.s32 s8, $0x2;
	p1 =	sne.s32 s8, $0x9E00;
	v13 =	vmax.f32 v13, $0.0e+00;
	v6 =	vadd.f32 v6, v11;
	v11 =	vld [tilespmem:s7+$0x5270]  }
0x14d: {  	v14 =	vld [tilespmem:s9+$0x200];
	[tilespmem:s7+$0x5200] =	vst v13;
	v12 =	vmax.f32 v12, $0.0e+00;
	v5 =	vadd.f32 v5, v10  }
0x14e: {  	v15 =	vld [tilespmem:s9+$0x210];
	[tilespmem:s7+$0x5210] =	vst v12;
	v10 =	vmax.f32 v6, $0.0e+00;
	v4 =	vadd.f32 v4, v9  }
0x14f: {  	v6 =	vld [tilespmem:s9+$0x220];
	[tilespmem:s7+$0x5220] =	vst v10;
	v9 =	vmax.f32 v5, $0.0e+00;
	v3 =	vadd.f32 v3, v8  }
0x150: {  	v5 =	vld [tilespmem:s9+$0x230];
	[tilespmem:s7+$0x5230] =	vst v9;
	v8 =	vmax.f32 v4, $0.0e+00;
	v2 =	vadd.f32 v2, v7  }
0x151: {  	v4 =	vld [tilespmem:s9+$0x240];
	[tilespmem:s7+$0x5240] =	vst v8;
	v7 =	vmax.f32 v3, $0.0e+00;
	v1 =	vadd.f32 v1, v11  }
0x152: {  	v3 =	vld [tilespmem:s9+$0x250];
	[tilespmem:s7+$0x5250] =	vst v7;
	v7 =	vmax.f32 v2, $0.0e+00  }
0x153: {  	v2 =	vld [tilespmem:s9+$0x260];
	[tilespmem:s7+$0x5260] =	vst v7;
	v7 =	vmax.f32 v1, $0.0e+00  }
0x154: {  	v1 =	vld [tilespmem:s9+$0x270];
	[tilespmem:s7+$0x5270] =	vst v7;
	s7 =	smov.u32 s9  }
0x155: {  	v7 =	vld [tilespmem:s7+$0x5200]  }
0x156: {  	v12 =	vld [tilespmem:s7+$0x5210]  }
.Ltmp6:
0x157: {  	v11 =	vld [tilespmem:s7+$0x5220];
	(pc) =	sbr.rel @p1 .LBB2_14-.Ltmp6, $4  }
0x158: {  	v10 =	vld [tilespmem:s7+$0x5230]  }
0x159: {  	v9 =	vld [tilespmem:s7+$0x5240]  }
0x15a: {  	v13 =	vadd.f32 v14, v7;
	v8 =	vld [tilespmem:s7+$0x5250]  }
0x15b: {  	s8 =	sadd.s32 $0x200, s8;
	v12 =	vadd.f32 v15, v12;
	v7 =	vld [tilespmem:s7+$0x5260]  }
0x15c: {  	v13 =	vmax.f32 v13, $0.0e+00;
	v6 =	vadd.f32 v6, v11;
	v63 =	vld [tilespmem:s7+$0x5270]  }
0x15d: {  	[tilespmem:s7+$0x5200] =	vst v13;
	v12 =	vmax.f32 v12, $0.0e+00;
	v5 =	vadd.f32 v5, v10  }
0x15e: {  	[tilespmem:s7+$0x5210] =	vst v12;
	v6 =	vmax.f32 v6, $0.0e+00;
	v4 =	vadd.f32 v4, v9  }
0x15f: {  	[tilespmem:s7+$0x5220] =	vst v6;
	v5 =	vmax.f32 v5, $0.0e+00;
	v3 =	vadd.f32 v3, v8  }
0x160: {  	[tilespmem:s7+$0x5230] =	vst v5;
	v4 =	vmax.f32 v4, $0.0e+00;
	v2 =	vadd.f32 v2, v7  }
0x161: {  	[tilespmem:s7+$0x5240] =	vst v4;
	v3 =	vmax.f32 v3, $0.0e+00;
	v1 =	vadd.f32 v1, v63  }
0x162: {  	[tilespmem:s7+$0x5250] =	vst v3;
	v2 =	vmax.f32 v2, $0.0e+00  }
0x163: {  	[tilespmem:s7+$0x5260] =	vst v2;
	v1 =	vmax.f32 v1, $0.0e+00  }
0x164: {  	[tilespmem:s7+$0x5270] =	vst v1  }
0x165: {  	[spmem:s2] =	stream.indirect.scatter.add.f32 [tilespmem:s31], [sflag:$0x5], $0x80, s0, s11, $0xb8;
	[tilespmem:$0x1DA80] =	vst v63  }
0x166: {  	_ =	swait.ge [sflag:s1], $0x2800  }
0x167: {  	[sflag:s1] =	ssyncset.done $0x0  }
0x168: {  	[sflag:s1] =	ssyncadd.s32 $0xFFFFD800  }
0x169: {  	[bflag:$0x0] =	sbarrier.arrive $0xFFFF  }
0x16a: {  	[tilespmem:s31], [sflag:$0x5] =	stream.linear.gather [spmem:s20], $0x2800, $0x38;
	[tilespmem:$0x1DA80] =	vst v63  }
0x16b: {  	_ =	swait.ge [sflag:s1], $0x2800  }
0x16c: {  	[sflag:s1] =	ssyncset.done $0x0  }
0x16d: {  	s18 =	rddreg [dreg:$0x6];
	[sflag:s1] =	ssyncadd.s32 $0xFFFFD800  }
0x16e: {  	[hbm4b:s18+s3] =	stream.linear.scatter [tilespmem:s31], [sflag:$0x5], $0x2800, $0x38;
	[tilespmem:$0x1DA80] =	vst v63  }
0x16f: {  	_ =	swait.ge [sflag:s1], $0x2800  }
0x170: {  	[sflag:s1] =	ssyncset.done $0x0  }
0x171: {  	s19 =	rddreg [dreg:$0x4];
	[sflag:s1] =	ssyncadd.s32 $0xFFFFD800  }
0x172: {  	[tilespmem:s31], [sflag:$0x5] =	stream.linear.gather [spmem:s19], $0x2800, $0x38;
	[tilespmem:$0x1DA80] =	vst v63  }
0x173: {  	_ =	swait.ge [sflag:s1], $0x2800  }
0x174: {  	[sflag:s1] =	ssyncset.done $0x0  }
0x175: {  	s30 =	smov.u32 s20;
	s20 =	rddreg [dreg:$0x7];
	[sflag:s1] =	ssyncadd.s32 $0xFFFFD800  }
0x176: {  	[hbm4b:s20+s3] =	stream.linear.scatter [tilespmem:s31], [sflag:$0x5], $0x2800, $0x38;
	[tilespmem:$0x1DA80] =	vst v63  }
0x177: {  	_ =	swait.ge [sflag:s1], $0x2800  }
0x178: {  	[sflag:s1] =	ssyncset.done $0x0  }
0x179: {  	s8 =	rddreg [dreg:$0x5];
	[sflag:s1] =	ssyncadd.s32 $0xFFFFD800  }
0x17a: {  	[tilespmem:s31], [sflag:$0x5] =	stream.linear.gather [spmem:s8], $0x2800, $0x38;
	[tilespmem:$0x1DA80] =	vst v63  }
0x17b: {  	_ =	swait.ge [sflag:s1], $0x2800  }
0x17c: {  	[sflag:s1] =	ssyncset.done $0x0  }
0x17d: {  	s9 =	rddreg [dreg:$0x8];
	[sflag:s1] =	ssyncadd.s32 $0xFFFFD800  }
0x17e: {  	[hbm4b:s9+s3] =	stream.linear.scatter [tilespmem:s31], [sflag:$0x5], $0x2800, $0x38;
	[tilespmem:$0x1DA80] =	vst v63  }
0x17f: {  	_ =	swait.ge [sflag:s1], $0x2800  }
0x180: {  	[sflag:s1] =	ssyncset.done $0x0  }
0x181: {  	s18 =	rddreg [dreg:$0xe];
	[sflag:s1] =	ssyncadd.s32 $0xFFFFD800  }
0x182: {  	[tilespmem:s31], [sflag:$0x5] =	stream.linear.gather [spmem:s18], $0x2800, $0x38;
	[tilespmem:$0x1DA80] =	vst v63  }
0x183: {  	_ =	swait.ge [sflag:s1], $0x2800  }
0x184: {  	[sflag:s1] =	ssyncset.done $0x0  }
0x185: {  	s19 =	rddreg [dreg:$0x9];
	[sflag:s1] =	ssyncadd.s32 $0xFFFFD800  }
0x186: {  	[hbm4b:s19+s3] =	stream.linear.scatter [tilespmem:s31], [sflag:$0x5], $0x2800, $0x38;
	[tilespmem:$0x1DA80] =	vst v63  }
0x187: {  	_ =	swait.ge [sflag:s1], $0x2800  }
0x188: {  	[sflag:s1] =	ssyncset.done $0x0  }
0x189: {  	s20 =	rddreg [dreg:$0xf];
	[sflag:s1] =	ssyncadd.s32 $0xFFFFD800  }
0x18a: {  	[tilespmem:s31], [sflag:$0x5] =	stream.linear.gather [spmem:s20], $0x2800, $0x38;
	[tilespmem:$0x1DA80] =	vst v63  }
0x18b: {  	_ =	swait.ge [sflag:s1], $0x2800  }
0x18c: {  	[sflag:s1] =	ssyncset.done $0x0  }
0x18d: {  	s8 =	rddreg [dreg:$0xa];
	[sflag:s1] =	ssyncadd.s32 $0xFFFFD800  }
0x18e: {  	[hbm4b:s8+s3] =	stream.linear.scatter [tilespmem:s31], [sflag:$0x5], $0x2800, $0x38;
	[tilespmem:$0x1DA80] =	vst v63  }
0x18f: {  	_ =	swait.ge [sflag:s1], $0x2800  }
0x190: {  	[sflag:s1] =	ssyncset.done $0x0  }
0x191: {  	s9 =	rddreg [dreg:$0x10];
	[sflag:s1] =	ssyncadd.s32 $0xFFFFD800  }
0x192: {  	[tilespmem:s31], [sflag:$0x5] =	stream.linear.gather [spmem:s9], $0x2800, $0x38;
	[tilespmem:$0x1DA80] =	vst v63  }
0x193: {  	_ =	swait.ge [sflag:s1], $0x2800  }
0x194: {  	[sflag:s1] =	ssyncset.done $0x0  }
0x195: {  	s18 =	rddreg [dreg:$0xb];
	[sflag:s1] =	ssyncadd.s32 $0xFFFFD800  }
0x196: {  	[hbm4b:s18+s3] =	stream.linear.scatter [tilespmem:s31], [sflag:$0x5], $0x2800, $0x38;
	[tilespmem:$0x1DA80] =	vst v63  }
0x197: {  	_ =	swait.ge [sflag:s1], $0x2800  }
0x198: {  	[sflag:s1] =	ssyncset.done $0x0  }
0x199: {  	[sflag:s1] =	ssyncadd.s32 $0xFFFFD800  }
0x19a: {  	[tilespmem:s31], [sflag:$0x5] =	stream.linear.gather [spmem:s21], $0x2800, $0x38;
	[tilespmem:$0x1DA80] =	vst v63  }
0x19b: {  	_ =	swait.ge [sflag:s1], $0x2800  }
0x19c: {  	[sflag:s1] =	ssyncset.done $0x0  }
0x19d: {  	s19 =	rddreg [dreg:$0xc];
	[sflag:s1] =	ssyncadd.s32 $0xFFFFD800  }
0x19e: {  	[hbm4b:s19+s3] =	stream.linear.scatter [tilespmem:s31], [sflag:$0x5], $0x2800, $0x38;
	[tilespmem:$0x1DA80] =	vst v63  }
0x19f: {  	_ =	swait.ge [sflag:s1], $0x2800  }
0x1a0: {  	[sflag:s1] =	ssyncset.done $0x0  }
0x1a1: {  	s7 =	simm.s32 @!p0 $0x5200;
	s8 =	simm.s32 @!p0 $0x5;
	[sflag:s1] =	ssyncadd.s32 $0xFFFFD800  }
0x1a2: {  	[tilespmem:s7], [sflag:$0x5] =	stream.linear.gather @!p0 [spmem:s22], $0x2800, $0x38;
	[tilespmem:$0x1DA80] =	vst v63  }
0x1a3: {  	_ =	swait.ge @!p0 [sflag:s8], $0x2800  }
0x1a4: {  	[sflag:s8] =	ssyncset.done @!p0 $0x0  }
0x1a5: {  	s9 =	simm.s32 @!p0 $0x0;
	s18 =	rddreg [dreg:$0xd];
	[sflag:s8] =	ssyncadd.s32 @!p0 $0xFFFFD800  }
0x1a6: {  	[hbm4b:s18+s9] =	stream.linear.scatter @!p0 [tilespmem:s7], [sflag:$0x5], $0x2800, $0x38;
	[tilespmem:$0x1DA80] =	vst v63  }
0x1a7: {  	_ =	swait.ge @!p0 [sflag:s8], $0x2800  }
0x1a8: {  	s29 =	sadd.s32 $0x1, s29;
	s20 =	rddreg [dreg:$0x13]  }
0x1a9: {  	p1 =	sne.s32 s29, s20  }
.Ltmp7:
0x1aa: {  	_ = 	snop;
	(pc) =	sbr.rel @p1 .LBB2_1-.Ltmp7, $3  }
0x1ab: {  	_ =	sdelay $0x1  }
0x1ac: {  	[sflag:s8] =	ssyncset.done @!p0 $0x0  }
0x1ad: {  	[sflag:s8] =	ssyncadd.s32 @!p0 $0xFFFFD800  }
0x1ae: {  	_ =	sfence.sel $0x180000  }
0x1af: {  	[bflag:$0x0] =	sbarrier.arrive $0xFFFF  }
0x1b0: {  	_ =	strace $0x90000047  }
0x1b1: {  	s0 =	stileid.u32;
	[bflag:$0x2] =	sbarrier.arrive $0xFFFF  }
0x1b2: {  	p0 =	sne.s32 s0, $0x0;
	s0 =	rddreg [dreg:$0x3]  }
0x1b3: {  	s0 =	sadd.s32 @!p0 $0x100000, s0  }
0x1b4: {  	[sflag:s0] =	ssyncadd.tile.s32 @!p0 $0x1;
	_ =	shalt  }
.Lfunc_end2:
_tile_overlayer_lowered:
.L_overlay_start_2:
0x1b5: {  	(tag) =	ssettag $0x2  }
0x1b6: {  	s0 =	rddreg [dreg:$0x0];
	s2 =	stileid.u32  }
0x1b7: {  	s1 =	rddreg [dreg:$0x1];
	p0 =	sne.s32 s2, $0x0  }
0x1b8: {  	s3 =	rddreg [dreg:$0x2];
	[bflag:$0x3] =	sbarrier.arrive $0xFFFF;
	s2 =	simm.s32 @!p0 $0x1C05  }
0x1b9: {  	[timem:s3], [sflag:s2] =	dma.local @!p0 [hbm:s0], s1  }
0x1ba: {  	s0 =	simm.s32 @!p0 $0x5  }
0x1bb: {  	_ =	swait.ge @!p0 [sflag:s0], s1  }
0x1bc: {  	s1 =	ssub.s32 @!p0 $0x0, s1;
	[sflag:s0] =	ssyncset.done @!p0 $0x0  }
0x1bd: {  	[sflag:s0] =	ssyncadd.s32 @!p0 s1  }
0x1be: {  	[bflag:$0x3] =	sbarrier.arrive $0xFFFF  }
0x1bf: {  	_ =	shalt  }

</sc_bundles>
